<compile_context>
chip_gen: v7x
topology: tpu7x:2x2x1
jax: 0.10.2.dev20260603
libtpu: 0.0.44.dev20260713+nightly
codegen_flags: <defaults>
</compile_context>

<pallas_src>
import functools

import jax
import jax.numpy as jnp
import numpy as np
from jax import lax
from jax.experimental import pallas as pl
from jax.experimental.pallas import tpu as pltpu
from jax.experimental.pallas import tpu_sc as plsc

NUM_EXPERTS = 16
ROWS = 16384
COLS = 2048
LANES = 16
VECS_PER_ROW = COLS // LANES

_PI = np.float32(np.pi)
_TWO_PI = np.float32(2.0) * _PI
_HALF_PI = _PI / np.float32(2.0)
_SIN_PI = np.float32(np.sin(np.float32(np.pi)))
_INV_C = np.float32(1.0) / np.float32(COLS)

NW = 32
ROWS_PER_W = ROWS // NW
CH = 8
NCH = ROWS_PER_W // CH


def _row_negcount(buf, rr):
    U = 16
    def body(t, accs4):
        a0, a1, a2, a3 = accs4
        base = t * (U * LANES)
        vs = [plsc.bitcast(buf[rr, pl.ds(base + k * LANES, LANES)], jnp.int32)
              for k in range(U)]
        for k in range(0, U, 4):
            a0 = a0 + lax.shift_right_logical(vs[k], 31)
            a1 = a1 + lax.shift_right_logical(vs[k + 1], 31)
            a2 = a2 + lax.shift_right_logical(vs[k + 2], 31)
            a3 = a3 + lax.shift_right_logical(vs[k + 3], 31)
        return a0, a1, a2, a3

    z = jnp.zeros((LANES,), jnp.int32)
    a0, a1, a2, a3 = lax.fori_loop(0, VECS_PER_ROW // U // 4, body, (z, z, z, z))
    return (a0 + a1) + (a2 + a3)


def _phase_router_kernel(x_hbm, probs_hbm, idx_hbm, buf, accs, probs_s, idx_s,
                         sem0, sem1):
    ci = lax.axis_index("c")
    si = lax.axis_index("s")
    wid = si * 2 + ci
    base_row = wid * ROWS_PER_W

    lane = lax.broadcasted_iota(jnp.int32, (LANES,), 0)
    ones = jnp.ones((LANES,), jnp.float32)

    def dma_in(c, b, sem):
        return pltpu.make_async_copy(
            x_hbm.at[pl.ds(base_row + c * CH, CH)], buf.at[b], sem)

    dma_in(0, 0, sem0).start()
    dma_in(1, 1, sem1).start()

    def process_chunk(c, b, sem):
        dma_in(c, b, sem).wait()
        for rr in range(CH):
            accs[rr, :] = _row_negcount(buf.at[b], rr)
        counts = jnp.zeros((LANES,), jnp.int32)
        for j in range(LANES):
            col = jnp.full((LANES,), j, jnp.int32)
            counts = counts + plsc.load_gather(accs, [lane, col])

        nf = counts.astype(jnp.float32)
        d = jnp.float32(COLS) - jnp.float32(2.0) * nf
        mc = d * _INV_C
        ms = (nf * _SIN_PI) * _INV_C
        ratio = ms / mc
        tp = jnp.where(d > 0, ratio,
                       jnp.where(d < 0, ratio - _PI, -_HALF_PI))
        norm = (tp + _PI) / _TWO_PI
        idx = (norm * jnp.float32(NUM_EXPERTS)).astype(jnp.int32)
        idx = jnp.clip(idx, 0, NUM_EXPERTS - 1)

        row0 = c * CH
        live = lane < CH
        plsc.store_scatter(idx_s, [row0 + lane], idx, mask=live)
        for rr in range(CH):
            probs_s[row0 + rr, :] = jnp.zeros((LANES,), jnp.float32)
        plsc.store_scatter(probs_s, [row0 + lane, idx], ones, mask=live)

    def outer(t, _):
        c0 = 2 * t
        process_chunk(c0, 0, sem0)

        @pl.when(c0 + 2 < NCH)
        def _():
            dma_in(c0 + 2, 0, sem0).start()

        process_chunk(c0 + 1, 1, sem1)

        @pl.when(c0 + 3 < NCH)
        def _():
            dma_in(c0 + 3, 1, sem1).start()

        return 0

    lax.fori_loop(0, NCH // 2, outer, 0)

    pltpu.sync_copy(probs_s, probs_hbm.at[pl.ds(base_row, ROWS_PER_W)])
    pltpu.sync_copy(idx_s, idx_hbm.at[pl.ds(base_row, ROWS_PER_W)])


@jax.jit
def kernel(x):
    mesh = plsc.VectorSubcoreMesh(core_axis_name="c", subcore_axis_name="s")
    f = pl.kernel(
        _phase_router_kernel,
        mesh=mesh,
        compiler_params=pltpu.CompilerParams(needs_layout_passes=False),
        out_type=(
            jax.ShapeDtypeStruct((ROWS, NUM_EXPERTS), jnp.float32),
            jax.ShapeDtypeStruct((ROWS,), jnp.int32),
        ),
        scratch_types=[
            pltpu.VMEM((2, CH, COLS), jnp.float32),
            pltpu.VMEM((LANES, LANES), jnp.int32),
            pltpu.VMEM((ROWS_PER_W, NUM_EXPERTS), jnp.float32),
            pltpu.VMEM((ROWS_PER_W,), jnp.int32),
            pltpu.SemaphoreType.DMA,
            pltpu.SemaphoreType.DMA,
        ],
    )
    probs, idx = f(x)
    return probs, idx

# --- scband reference (transcript-rebuilt; emitter-appended) ---
"""Pipeline reference for scband-phase-router-3539053051937 (READ-ONLY COPY).

The authoritative reference and input builder live on the scoring server;
editing this copy changes nothing except your own understanding.
"""

import jax, jax.numpy as jnp
import numpy as np

NUM_EXPERTS = 16


def setup_inputs(seed: int = 0) -> dict:
    key = jax.random.key(seed)
    x = jax.random.normal(key, (16384, 2048), dtype=jnp.float32)
    return {"x": x}


def reference(x):
    # Phase-routed MoE gating: route tokens by complex phase angle.
    phase = jnp.angle(x)
    mean_cos = jnp.mean(jnp.cos(phase), axis=-1)
    mean_sin = jnp.mean(jnp.sin(phase), axis=-1)
    token_phase = jnp.arctan2(mean_sin, mean_cos)
    normalized_phase = (token_phase + jnp.pi) / (2 * jnp.pi)
    expert_indices = jnp.floor(normalized_phase * NUM_EXPERTS).astype(jnp.int32)
    expert_indices = jnp.clip(expert_indices, 0, NUM_EXPERTS - 1)
    probs = jax.nn.one_hot(expert_indices, NUM_EXPERTS)
    return (probs, expert_indices)

if __name__ == "__main__":
    import jax
    _d = setup_inputs()
    print(jax.jit(kernel)(*tuple(_d.values())))

</pallas_src>

<mosaic_0001>
#map = affine_map<(d0, d1) -> (0, 0)>
#map1 = affine_map<(d0, d1) -> (0)>
module attributes {stable_mosaic.version = 14 : i64} {
  func.func @_phase_router_kernel(%arg0: i32, %arg1: i32, %arg2: memref<16384x2048xf32, #tpu.memory_space<hbm>>, %arg3: memref<16384x16xf32, #tpu.memory_space<hbm>>, %arg4: memref<16384xi32, #tpu.memory_space<hbm>>, %arg5: memref<2x8x2048xf32, #tpu.memory_space<vmem>>, %arg6: memref<16x16xi32, #tpu.memory_space<vmem>>, %arg7: memref<512x16xf32, #tpu.memory_space<vmem>>, %arg8: memref<512xi32, #tpu.memory_space<vmem>>, %arg9: memref<!tpu.dma_semaphore, #tpu.memory_space<semaphore_mem>>, %arg10: memref<!tpu.dma_semaphore, #tpu.memory_space<semaphore_mem>>) attributes {dimension_semantics = [#tpu.dimension_semantics<core_parallel>, #tpu.dimension_semantics<subcore_parallel>], iteration_bounds = array<i64: 2, 16>, scalar_prefetch = 0 : i64, scratch_operands = 6 : i64, tpu.core_type = #tpu.core_type<sc_vector_subcore>, window_params = [{transform_indices = #map}, {transform_indices = #map}, {transform_indices = #map1}]} {
    %mul3A = arith.constant 2 : i32
    %mul3A_0 = arith.muli %arg1, %mul3A : i32
    %add3A = arith.addi %mul3A_0, %arg0 : i32
    %mul3A_1 = arith.constant 512 : i32
    %mul3A_2 = arith.muli %add3A, %mul3A_1 : i32
    %iota3A = tpu.iota {dimensions = array<i32: 0>} : vector<16xi32>
    %broadcast_in_dim3A = arith.constant 1.000000e+00 : f32
    %broadcast_in_dim3A_3 = vector.broadcast %broadcast_in_dim3A : f32 to vector<16xf32>
    %add3A_4 = arith.constant 0 : i32
    %add3A_5 = arith.addi %mul3A_2, %add3A_4 : i32
    %dma_start3A = arith.constant 0 : i32
    %dma_start3A_6 = arith.constant 0 : i32
    %dma_start3A_7 = arith.constant 0 : i32
    %dma_start3A_8 = tpu.memref_slice %arg5[%dma_start3A, %dma_start3A_6, %dma_start3A_7] : memref<2x8x2048xf32, #tpu.memory_space<vmem>> -> memref<1x8x2048xf32, #tpu.memory_space<vmem>>
    %dma_start3A_9 = tpu.memref_squeeze %dma_start3A_8 : memref<1x8x2048xf32, #tpu.memory_space<vmem>> -> memref<8x2048xf32, #tpu.memory_space<vmem>>
    %dma_start3A_10 = arith.constant 0 : i32
    %dma_start3A_11 = tpu.memref_slice %arg2[%add3A_5, %dma_start3A_10] : memref<16384x2048xf32, #tpu.memory_space<hbm>> -> memref<8x2048xf32, #tpu.memory_space<hbm>>
    %dma_start3A_12 = arith.constant 0 : i32
    %dma_start3A_13 = arith.constant 0 : i32
    %dma_start3A_14 = tpu.memref_slice %arg5[%dma_start3A, %dma_start3A_12, %dma_start3A_13] : memref<2x8x2048xf32, #tpu.memory_space<vmem>> -> memref<1x8x2048xf32, #tpu.memory_space<vmem>>
    %dma_start3A_15 = tpu.memref_squeeze %dma_start3A_14 : memref<1x8x2048xf32, #tpu.memory_space<vmem>> -> memref<8x2048xf32, #tpu.memory_space<vmem>>
    %dma_start3A_16 = arith.constant 0 : i32
    %dma_start3A_17 = tpu.memref_slice %arg2[%add3A_5, %dma_start3A_16] : memref<16384x2048xf32, #tpu.memory_space<hbm>> -> memref<8x2048xf32, #tpu.memory_space<hbm>>
    tpu.enqueue_dma source(%dma_start3A_17 : memref<8x2048xf32, #tpu.memory_space<hbm>>) target(%dma_start3A_15 : memref<8x2048xf32, #tpu.memory_space<vmem>>) target_semaphore(%arg9 : memref<!tpu.dma_semaphore, #tpu.memory_space<semaphore_mem>>)
    %add3A_18 = arith.constant 8 : i32
    %add3A_19 = arith.addi %mul3A_2, %add3A_18 : i32
    %dma_start3A_20 = arith.constant 1 : i32
    %dma_start3A_21 = arith.constant 0 : i32
    %dma_start3A_22 = arith.constant 0 : i32
    %dma_start3A_23 = tpu.memref_slice %arg5[%dma_start3A_20, %dma_start3A_21, %dma_start3A_22] : memref<2x8x2048xf32, #tpu.memory_space<vmem>> -> memref<1x8x2048xf32, #tpu.memory_space<vmem>>
    %dma_start3A_24 = tpu.memref_squeeze %dma_start3A_23 : memref<1x8x2048xf32, #tpu.memory_space<vmem>> -> memref<8x2048xf32, #tpu.memory_space<vmem>>
    %dma_start3A_25 = arith.constant 0 : i32
    %dma_start3A_26 = tpu.memref_slice %arg2[%add3A_19, %dma_start3A_25] : memref<16384x2048xf32, #tpu.memory_space<hbm>> -> memref<8x2048xf32, #tpu.memory_space<hbm>>
    %dma_start3A_27 = arith.constant 0 : i32
    %dma_start3A_28 = arith.constant 0 : i32
    %dma_start3A_29 = tpu.memref_slice %arg5[%dma_start3A_20, %dma_start3A_27, %dma_start3A_28] : memref<2x8x2048xf32, #tpu.memory_space<vmem>> -> memref<1x8x2048xf32, #tpu.memory_space<vmem>>
    %dma_start3A_30 = tpu.memref_squeeze %dma_start3A_29 : memref<1x8x2048xf32, #tpu.memory_space<vmem>> -> memref<8x2048xf32, #tpu.memory_space<vmem>>
    %dma_start3A_31 = arith.constant 0 : i32
    %dma_start3A_32 = tpu.memref_slice %arg2[%add3A_19, %dma_start3A_31] : memref<16384x2048xf32, #tpu.memory_space<hbm>> -> memref<8x2048xf32, #tpu.memory_space<hbm>>
    tpu.enqueue_dma source(%dma_start3A_32 : memref<8x2048xf32, #tpu.memory_space<hbm>>) target(%dma_start3A_30 : memref<8x2048xf32, #tpu.memory_space<vmem>>) target_semaphore(%arg10 : memref<!tpu.dma_semaphore, #tpu.memory_space<semaphore_mem>>)
    %scan3A = arith.constant 0 : i32
    %scan3A_33 = arith.constant 0 : i32
    %scan3A_34 = arith.constant 32 : i32
    %scan3A_35 = arith.addi %scan3A_33, %scan3A_34 : i32
    %scan3A_36 = arith.constant 1 : i32
    %scan3A_37 = scf.for %scan3A_39 = %scan3A_33 to %scan3A_35 step %scan3A_36 iter_args(%scan3A_40 = %scan3A) -> (i32)  : i32 {
      %mul3A_41 = arith.constant 2 : i32
      %mul3A_42 = arith.muli %mul3A_41, %scan3A_39 : i32
      %mul3A_43 = arith.constant 8 : i32
      %mul3A_44 = arith.muli %mul3A_42, %mul3A_43 : i32
      %add3A_45 = arith.addi %mul3A_2, %mul3A_44 : i32
      %dma_wait3A = arith.constant 0 : i32
      %dma_wait3A_46 = arith.constant 0 : i32
      %dma_wait3A_47 = arith.constant 0 : i32
      %dma_wait3A_48 = tpu.memref_slice %arg5[%dma_wait3A, %dma_wait3A_46, %dma_wait3A_47] : memref<2x8x2048xf32, #tpu.memory_space<vmem>> -> memref<1x8x2048xf32, #tpu.memory_space<vmem>>
      %dma_wait3A_49 = tpu.memref_squeeze %dma_wait3A_48 : memref<1x8x2048xf32, #tpu.memory_space<vmem>> -> memref<8x2048xf32, #tpu.memory_space<vmem>>
      %dma_wait3A_50 = arith.constant 0 : i32
      %dma_wait3A_51 = tpu.memref_slice %arg2[%add3A_45, %dma_wait3A_50] : memref<16384x2048xf32, #tpu.memory_space<hbm>> -> memref<8x2048xf32, #tpu.memory_space<hbm>>
      %dma_wait3A_52 = arith.constant 0 : i32
      %dma_wait3A_53 = arith.constant 0 : i32
      %dma_wait3A_54 = tpu.memref_slice %arg5[%dma_wait3A, %dma_wait3A_52, %dma_wait3A_53] : memref<2x8x2048xf32, #tpu.memory_space<vmem>> -> memref<1x8x2048xf32, #tpu.memory_space<vmem>>
      %dma_wait3A_55 = tpu.memref_squeeze %dma_wait3A_54 : memref<1x8x2048xf32, #tpu.memory_space<vmem>> -> memref<8x2048xf32, #tpu.memory_space<vmem>>
      %dma_wait3A_56 = arith.constant 0 : i32
      %dma_wait3A_57 = tpu.memref_slice %arg2[%add3A_45, %dma_wait3A_56] : memref<16384x2048xf32, #tpu.memory_space<hbm>> -> memref<8x2048xf32, #tpu.memory_space<hbm>>
      tpu.wait_dma2 semaphore(%arg9 : memref<!tpu.dma_semaphore, #tpu.memory_space<semaphore_mem>>) src(%dma_wait3A_57 : memref<8x2048xf32, #tpu.memory_space<hbm>>) dst(%dma_wait3A_55 : memref<8x2048xf32, #tpu.memory_space<vmem>>)
      %broadcast_in_dim3A_58 = arith.constant 0 : i32
      %broadcast_in_dim3A_59 = vector.broadcast %broadcast_in_dim3A_58 : i32 to vector<16xi32>
      %scan3A_60 = arith.constant 0 : i32
      %scan3A_61 = arith.constant 0 : i32
      %scan3A_62 = arith.constant 2 : i32
      %scan3A_63 = arith.addi %scan3A_61, %scan3A_62 : i32
      %scan3A_64 = arith.constant 1 : i32
      %scan3A_65:4 = scf.for %scan3A_689 = %scan3A_61 to %scan3A_63 step %scan3A_64 iter_args(%scan3A_690 = %broadcast_in_dim3A_59, %scan3A_691 = %broadcast_in_dim3A_59, %scan3A_692 = %broadcast_in_dim3A_59, %scan3A_693 = %broadcast_in_dim3A_59) -> (vector<16xi32>, vector<16xi32>, vector<16xi32>, vector<16xi32>)  : i32 {
        %mul3A_694 = arith.constant 256 : i32
        %mul3A_695 = arith.muli %scan3A_689, %mul3A_694 : i32
        %add3A_696 = arith.constant 0 : i32
        %add3A_697 = arith.addi %mul3A_695, %add3A_696 : i32
        %get3A = arith.constant 0 : i32
        %get3A_698 = arith.constant 0 : i32
        %get3A_699 = arith.constant 0 : i32
        %get3A_700 = tpu.memref_slice %arg5[%scan3A_60, %get3A_698, %get3A_699] : memref<2x8x2048xf32, #tpu.memory_space<vmem>> -> memref<1x8x2048xf32, #tpu.memory_space<vmem>>
        %get3A_701 = tpu.memref_squeeze %get3A_700 : memref<1x8x2048xf32, #tpu.memory_space<vmem>> -> memref<8x2048xf32, #tpu.memory_space<vmem>>
        %get3A_702 = arith.index_cast %get3A : i32 to index
        %get3A_703 = arith.index_cast %add3A_697 : i32 to index
        %get3A_704 = tpu.vector_load %get3A_701[%get3A_702, %get3A_703] {strides = array<i32>} : memref<8x2048xf32, #tpu.memory_space<vmem>>, vector<16xf32>,
        %bitcast3A = vector.bitcast %get3A_704 : vector<16xf32> to vector<16xi32>
        %add3A_705 = arith.constant 16 : i32
        %add3A_706 = arith.addi %mul3A_695, %add3A_705 : i32
        %get3A_707 = arith.constant 0 : i32
        %get3A_708 = arith.constant 0 : i32
        %get3A_709 = arith.constant 0 : i32
        %get3A_710 = tpu.memref_slice %arg5[%scan3A_60, %get3A_708, %get3A_709] : memref<2x8x2048xf32, #tpu.memory_space<vmem>> -> memref<1x8x2048xf32, #tpu.memory_space<vmem>>
        %get3A_711 = tpu.memref_squeeze %get3A_710 : memref<1x8x2048xf32, #tpu.memory_space<vmem>> -> memref<8x2048xf32, #tpu.memory_space<vmem>>
        %get3A_712 = arith.index_cast %get3A_707 : i32 to index
        %get3A_713 = arith.index_cast %add3A_706 : i32 to index
        %get3A_714 = tpu.vector_load %get3A_711[%get3A_712, %get3A_713] {strides = array<i32>} : memref<8x2048xf32, #tpu.memory_space<vmem>>, vector<16xf32>,
        %bitcast3A_715 = vector.bitcast %get3A_714 : vector<16xf32> to vector<16xi32>
        %add3A_716 = arith.constant 32 : i32
        %add3A_717 = arith.addi %mul3A_695, %add3A_716 : i32
        %get3A_718 = arith.constant 0 : i32
        %get3A_719 = arith.constant 0 : i32
        %get3A_720 = arith.constant 0 : i32
        %get3A_721 = tpu.memref_slice %arg5[%scan3A_60, %get3A_719, %get3A_720] : memref<2x8x2048xf32, #tpu.memory_space<vmem>> -> memref<1x8x2048xf32, #tpu.memory_space<vmem>>
        %get3A_722 = tpu.memref_squeeze %get3A_721 : memref<1x8x2048xf32, #tpu.memory_space<vmem>> -> memref<8x2048xf32, #tpu.memory_space<vmem>>
        %get3A_723 = arith.index_cast %get3A_718 : i32 to index
        %get3A_724 = arith.index_cast %add3A_717 : i32 to index
        %get3A_725 = tpu.vector_load %get3A_722[%get3A_723, %get3A_724] {strides = array<i32>} : memref<8x2048xf32, #tpu.memory_space<vmem>>, vector<16xf32>,
        %bitcast3A_726 = vector.bitcast %get3A_725 : vector<16xf32> to vector<16xi32>
        %add3A_727 = arith.constant 48 : i32
        %add3A_728 = arith.addi %mul3A_695, %add3A_727 : i32
        %get3A_729 = arith.constant 0 : i32
        %get3A_730 = arith.constant 0 : i32
        %get3A_731 = arith.constant 0 : i32
        %get3A_732 = tpu.memref_slice %arg5[%scan3A_60, %get3A_730, %get3A_731] : memref<2x8x2048xf32, #tpu.memory_space<vmem>> -> memref<1x8x2048xf32, #tpu.memory_space<vmem>>
        %get3A_733 = tpu.memref_squeeze %get3A_732 : memref<1x8x2048xf32, #tpu.memory_space<vmem>> -> memref<8x2048xf32, #tpu.memory_space<vmem>>
        %get3A_734 = arith.index_cast %get3A_729 : i32 to index
        %get3A_735 = arith.index_cast %add3A_728 : i32 to index
        %get3A_736 = tpu.vector_load %get3A_733[%get3A_734, %get3A_735] {strides = array<i32>} : memref<8x2048xf32, #tpu.memory_space<vmem>>, vector<16xf32>,
        %bitcast3A_737 = vector.bitcast %get3A_736 : vector<16xf32> to vector<16xi32>
        %add3A_738 = arith.constant 64 : i32
        %add3A_739 = arith.addi %mul3A_695, %add3A_738 : i32
        %get3A_740 = arith.constant 0 : i32
        %get3A_741 = arith.constant 0 : i32
        %get3A_742 = arith.constant 0 : i32
        %get3A_743 = tpu.memref_slice %arg5[%scan3A_60, %get3A_741, %get3A_742] : memref<2x8x2048xf32, #tpu.memory_space<vmem>> -> memref<1x8x2048xf32, #tpu.memory_space<vmem>>
        %get3A_744 = tpu.memref_squeeze %get3A_743 : memref<1x8x2048xf32, #tpu.memory_space<vmem>> -> memref<8x2048xf32, #tpu.memory_space<vmem>>
        %get3A_745 = arith.index_cast %get3A_740 : i32 to index
        %get3A_746 = arith.index_cast %add3A_739 : i32 to index
        %get3A_747 = tpu.vector_load %get3A_744[%get3A_745, %get3A_746] {strides = array<i32>} : memref<8x2048xf32, #tpu.memory_space<vmem>>, vector<16xf32>,
        %bitcast3A_748 = vector.bitcast %get3A_747 : vector<16xf32> to vector<16xi32>
        %add3A_749 = arith.constant 80 : i32
        %add3A_750 = arith.addi %mul3A_695, %add3A_749 : i32
        %get3A_751 = arith.constant 0 : i32
        %get3A_752 = arith.constant 0 : i32
        %get3A_753 = arith.constant 0 : i32
        %get3A_754 = tpu.memref_slice %arg5[%scan3A_60, %get3A_752, %get3A_753] : memref<2x8x2048xf32, #tpu.memory_space<vmem>> -> memref<1x8x2048xf32, #tpu.memory_space<vmem>>
        %get3A_755 = tpu.memref_squeeze %get3A_754 : memref<1x8x2048xf32, #tpu.memory_space<vmem>> -> memref<8x2048xf32, #tpu.memory_space<vmem>>
        %get3A_756 = arith.index_cast %get3A_751 : i32 to index
        %get3A_757 = arith.index_cast %add3A_750 : i32 to index
        %get3A_758 = tpu.vector_load %get3A_755[%get3A_756, %get3A_757] {strides = array<i32>} : memref<8x2048xf32, #tpu.memory_space<vmem>>, vector<16xf32>,
        %bitcast3A_759 = vector.bitcast %get3A_758 : vector<16xf32> to vector<16xi32>
        %add3A_760 = arith.constant 96 : i32
        %add3A_761 = arith.addi %mul3A_695, %add3A_760 : i32
        %get3A_762 = arith.constant 0 : i32
        %get3A_763 = arith.constant 0 : i32
        %get3A_764 = arith.constant 0 : i32
        %get3A_765 = tpu.memref_slice %arg5[%scan3A_60, %get3A_763, %get3A_764] : memref<2x8x2048xf32, #tpu.memory_space<vmem>> -> memref<1x8x2048xf32, #tpu.memory_space<vmem>>
        %get3A_766 = tpu.memref_squeeze %get3A_765 : memref<1x8x2048xf32, #tpu.memory_space<vmem>> -> memref<8x2048xf32, #tpu.memory_space<vmem>>
        %get3A_767 = arith.index_cast %get3A_762 : i32 to index
        %get3A_768 = arith.index_cast %add3A_761 : i32 to index
        %get3A_769 = tpu.vector_load %get3A_766[%get3A_767, %get3A_768] {strides = array<i32>} : memref<8x2048xf32, #tpu.memory_space<vmem>>, vector<16xf32>,
        %bitcast3A_770 = vector.bitcast %get3A_769 : vector<16xf32> to vector<16xi32>
        %add3A_771 = arith.constant 112 : i32
        %add3A_772 = arith.addi %mul3A_695, %add3A_771 : i32
        %get3A_773 = arith.constant 0 : i32
        %get3A_774 = arith.constant 0 : i32
        %get3A_775 = arith.constant 0 : i32
        %get3A_776 = tpu.memref_slice %arg5[%scan3A_60, %get3A_774, %get3A_775] : memref<2x8x2048xf32, #tpu.memory_space<vmem>> -> memref<1x8x2048xf32, #tpu.memory_space<vmem>>
        %get3A_777 = tpu.memref_squeeze %get3A_776 : memref<1x8x2048xf32, #tpu.memory_space<vmem>> -> memref<8x2048xf32, #tpu.memory_space<vmem>>
        %get3A_778 = arith.index_cast %get3A_773 : i32 to index
        %get3A_779 = arith.index_cast %add3A_772 : i32 to index
        %get3A_780 = tpu.vector_load %get3A_777[%get3A_778, %get3A_779] {strides = array<i32>} : memref<8x2048xf32, #tpu.memory_space<vmem>>, vector<16xf32>,
        %bitcast3A_781 = vector.bitcast %get3A_780 : vector<16xf32> to vector<16xi32>
        %add3A_782 = arith.constant 128 : i32
        %add3A_783 = arith.addi %mul3A_695, %add3A_782 : i32
        %get3A_784 = arith.constant 0 : i32
        %get3A_785 = arith.constant 0 : i32
        %get3A_786 = arith.constant 0 : i32
        %get3A_787 = tpu.memref_slice %arg5[%scan3A_60, %get3A_785, %get3A_786] : memref<2x8x2048xf32, #tpu.memory_space<vmem>> -> memref<1x8x2048xf32, #tpu.memory_space<vmem>>
        %get3A_788 = tpu.memref_squeeze %get3A_787 : memref<1x8x2048xf32, #tpu.memory_space<vmem>> -> memref<8x2048xf32, #tpu.memory_space<vmem>>
        %get3A_789 = arith.index_cast %get3A_784 : i32 to index
        %get3A_790 = arith.index_cast %add3A_783 : i32 to index
        %get3A_791 = tpu.vector_load %get3A_788[%get3A_789, %get3A_790] {strides = array<i32>} : memref<8x2048xf32, #tpu.memory_space<vmem>>, vector<16xf32>,
        %bitcast3A_792 = vector.bitcast %get3A_791 : vector<16xf32> to vector<16xi32>
        %add3A_793 = arith.constant 144 : i32
        %add3A_794 = arith.addi %mul3A_695, %add3A_793 : i32
        %get3A_795 = arith.constant 0 : i32
        %get3A_796 = arith.constant 0 : i32
        %get3A_797 = arith.constant 0 : i32
        %get3A_798 = tpu.memref_slice %arg5[%scan3A_60, %get3A_796, %get3A_797] : memref<2x8x2048xf32, #tpu.memory_space<vmem>> -> memref<1x8x2048xf32, #tpu.memory_space<vmem>>
        %get3A_799 = tpu.memref_squeeze %get3A_798 : memref<1x8x2048xf32, #tpu.memory_space<vmem>> -> memref<8x2048xf32, #tpu.memory_space<vmem>>
        %get3A_800 = arith.index_cast %get3A_795 : i32 to index
        %get3A_801 = arith.index_cast %add3A_794 : i32 to index
        %get3A_802 = tpu.vector_load %get3A_799[%get3A_800, %get3A_801] {strides = array<i32>} : memref<8x2048xf32, #tpu.memory_space<vmem>>, vector<16xf32>,
        %bitcast3A_803 = vector.bitcast %get3A_802 : vector<16xf32> to vector<16xi32>
        %add3A_804 = arith.constant 160 : i32
        %add3A_805 = arith.addi %mul3A_695, %add3A_804 : i32
        %get3A_806 = arith.constant 0 : i32
        %get3A_807 = arith.constant 0 : i32
        %get3A_808 = arith.constant 0 : i32
        %get3A_809 = tpu.memref_slice %arg5[%scan3A_60, %get3A_807, %get3A_808] : memref<2x8x2048xf32, #tpu.memory_space<vmem>> -> memref<1x8x2048xf32, #tpu.memory_space<vmem>>
        %get3A_810 = tpu.memref_squeeze %get3A_809 : memref<1x8x2048xf32, #tpu.memory_space<vmem>> -> memref<8x2048xf32, #tpu.memory_space<vmem>>
        %get3A_811 = arith.index_cast %get3A_806 : i32 to index
        %get3A_812 = arith.index_cast %add3A_805 : i32 to index
        %get3A_813 = tpu.vector_load %get3A_810[%get3A_811, %get3A_812] {strides = array<i32>} : memref<8x2048xf32, #tpu.memory_space<vmem>>, vector<16xf32>,
        %bitcast3A_814 = vector.bitcast %get3A_813 : vector<16xf32> to vector<16xi32>
        %add3A_815 = arith.constant 176 : i32
        %add3A_816 = arith.addi %mul3A_695, %add3A_815 : i32
        %get3A_817 = arith.constant 0 : i32
        %get3A_818 = arith.constant 0 : i32
        %get3A_819 = arith.constant 0 : i32
        %get3A_820 = tpu.memref_slice %arg5[%scan3A_60, %get3A_818, %get3A_819] : memref<2x8x2048xf32, #tpu.memory_space<vmem>> -> memref<1x8x2048xf32, #tpu.memory_space<vmem>>
        %get3A_821 = tpu.memref_squeeze %get3A_820 : memref<1x8x2048xf32, #tpu.memory_space<vmem>> -> memref<8x2048xf32, #tpu.memory_space<vmem>>
        %get3A_822 = arith.index_cast %get3A_817 : i32 to index
        %get3A_823 = arith.index_cast %add3A_816 : i32 to index
        %get3A_824 = tpu.vector_load %get3A_821[%get3A_822, %get3A_823] {strides = array<i32>} : memref<8x2048xf32, #tpu.memory_space<vmem>>, vector<16xf32>,
        %bitcast3A_825 = vector.bitcast %get3A_824 : vector<16xf32> to vector<16xi32>
        %add3A_826 = arith.constant 192 : i32
        %add3A_827 = arith.addi %mul3A_695, %add3A_826 : i32
        %get3A_828 = arith.constant 0 : i32
        %get3A_829 = arith.constant 0 : i32
        %get3A_830 = arith.constant 0 : i32
        %get3A_831 = tpu.memref_slice %arg5[%scan3A_60, %get3A_829, %get3A_830] : memref<2x8x2048xf32, #tpu.memory_space<vmem>> -> memref<1x8x2048xf32, #tpu.memory_space<vmem>>
        %get3A_832 = tpu.memref_squeeze %get3A_831 : memref<1x8x2048xf32, #tpu.memory_space<vmem>> -> memref<8x2048xf32, #tpu.memory_space<vmem>>
        %get3A_833 = arith.index_cast %get3A_828 : i32 to index
        %get3A_834 = arith.index_cast %add3A_827 : i32 to index
        %get3A_835 = tpu.vector_load %get3A_832[%get3A_833, %get3A_834] {strides = array<i32>} : memref<8x2048xf32, #tpu.memory_space<vmem>>, vector<16xf32>,
        %bitcast3A_836 = vector.bitcast %get3A_835 : vector<16xf32> to vector<16xi32>
        %add3A_837 = arith.constant 208 : i32
        %add3A_838 = arith.addi %mul3A_695, %add3A_837 : i32
        %get3A_839 = arith.constant 0 : i32
        %get3A_840 = arith.constant 0 : i32
        %get3A_841 = arith.constant 0 : i32
        %get3A_842 = tpu.memref_slice %arg5[%scan3A_60, %get3A_840, %get3A_841] : memref<2x8x2048xf32, #tpu.memory_space<vmem>> -> memref<1x8x2048xf32, #tpu.memory_space<vmem>>
        %get3A_843 = tpu.memref_squeeze %get3A_842 : memref<1x8x2048xf32, #tpu.memory_space<vmem>> -> memref<8x2048xf32, #tpu.memory_space<vmem>>
        %get3A_844 = arith.index_cast %get3A_839 : i32 to index
        %get3A_845 = arith.index_cast %add3A_838 : i32 to index
        %get3A_846 = tpu.vector_load %get3A_843[%get3A_844, %get3A_845] {strides = array<i32>} : memref<8x2048xf32, #tpu.memory_space<vmem>>, vector<16xf32>,
        %bitcast3A_847 = vector.bitcast %get3A_846 : vector<16xf32> to vector<16xi32>
        %add3A_848 = arith.constant 224 : i32
        %add3A_849 = arith.addi %mul3A_695, %add3A_848 : i32
        %get3A_850 = arith.constant 0 : i32
        %get3A_851 = arith.constant 0 : i32
        %get3A_852 = arith.constant 0 : i32
        %get3A_853 = tpu.memref_slice %arg5[%scan3A_60, %get3A_851, %get3A_852] : memref<2x8x2048xf32, #tpu.memory_space<vmem>> -> memref<1x8x2048xf32, #tpu.memory_space<vmem>>
        %get3A_854 = tpu.memref_squeeze %get3A_853 : memref<1x8x2048xf32, #tpu.memory_space<vmem>> -> memref<8x2048xf32, #tpu.memory_space<vmem>>
        %get3A_855 = arith.index_cast %get3A_850 : i32 to index
        %get3A_856 = arith.index_cast %add3A_849 : i32 to index
        %get3A_857 = tpu.vector_load %get3A_854[%get3A_855, %get3A_856] {strides = array<i32>} : memref<8x2048xf32, #tpu.memory_space<vmem>>, vector<16xf32>,
        %bitcast3A_858 = vector.bitcast %get3A_857 : vector<16xf32> to vector<16xi32>
        %add3A_859 = arith.constant 240 : i32
        %add3A_860 = arith.addi %mul3A_695, %add3A_859 : i32
        %get3A_861 = arith.constant 0 : i32
        %get3A_862 = arith.constant 0 : i32
        %get3A_863 = arith.constant 0 : i32
        %get3A_864 = tpu.memref_slice %arg5[%scan3A_60, %get3A_862, %get3A_863] : memref<2x8x2048xf32, #tpu.memory_space<vmem>> -> memref<1x8x2048xf32, #tpu.memory_space<vmem>>
        %get3A_865 = tpu.memref_squeeze %get3A_864 : memref<1x8x2048xf32, #tpu.memory_space<vmem>> -> memref<8x2048xf32, #tpu.memory_space<vmem>>
        %get3A_866 = arith.index_cast %get3A_861 : i32 to index
        %get3A_867 = arith.index_cast %add3A_860 : i32 to index
        %get3A_868 = tpu.vector_load %get3A_865[%get3A_866, %get3A_867] {strides = array<i32>} : memref<8x2048xf32, #tpu.memory_space<vmem>>, vector<16xf32>,
        %bitcast3A_869 = vector.bitcast %get3A_868 : vector<16xf32> to vector<16xi32>
        %shift_right_logical3A = arith.constant 31 : i32
        %shift_right_logical3A_870 = vector.broadcast %shift_right_logical3A : i32 to vector<16xi32>
        %shift_right_logical3A_871 = arith.shrui %bitcast3A, %shift_right_logical3A_870 : vector<16xi32>
        %add3A_872 = arith.addi %scan3A_690, %shift_right_logical3A_871 : vector<16xi32>
        %shift_right_logical3A_873 = arith.constant 31 : i32
        %shift_right_logical3A_874 = vector.broadcast %shift_right_logical3A_873 : i32 to vector<16xi32>
        %shift_right_logical3A_875 = arith.shrui %bitcast3A_715, %shift_right_logical3A_874 : vector<16xi32>
        %add3A_876 = arith.addi %scan3A_691, %shift_right_logical3A_875 : vector<16xi32>
        %shift_right_logical3A_877 = arith.constant 31 : i32
        %shift_right_logical3A_878 = vector.broadcast %shift_right_logical3A_877 : i32 to vector<16xi32>
        %shift_right_logical3A_879 = arith.shrui %bitcast3A_726, %shift_right_logical3A_878 : vector<16xi32>
        %add3A_880 = arith.addi %scan3A_692, %shift_right_logical3A_879 : vector<16xi32>
        %shift_right_logical3A_881 = arith.constant 31 : i32
        %shift_right_logical3A_882 = vector.broadcast %shift_right_logical3A_881 : i32 to vector<16xi32>
        %shift_right_logical3A_883 = arith.shrui %bitcast3A_737, %shift_right_logical3A_882 : vector<16xi32>
        %add3A_884 = arith.addi %scan3A_693, %shift_right_logical3A_883 : vector<16xi32>
        %shift_right_logical3A_885 = arith.constant 31 : i32
        %shift_right_logical3A_886 = vector.broadcast %shift_right_logical3A_885 : i32 to vector<16xi32>
        %shift_right_logical3A_887 = arith.shrui %bitcast3A_748, %shift_right_logical3A_886 : vector<16xi32>
        %add3A_888 = arith.addi %add3A_872, %shift_right_logical3A_887 : vector<16xi32>
        %shift_right_logical3A_889 = arith.constant 31 : i32
        %shift_right_logical3A_890 = vector.broadcast %shift_right_logical3A_889 : i32 to vector<16xi32>
        %shift_right_logical3A_891 = arith.shrui %bitcast3A_759, %shift_right_logical3A_890 : vector<16xi32>
        %add3A_892 = arith.addi %add3A_876, %shift_right_logical3A_891 : vector<16xi32>
        %shift_right_logical3A_893 = arith.constant 31 : i32
        %shift_right_logical3A_894 = vector.broadcast %shift_right_logical3A_893 : i32 to vector<16xi32>
        %shift_right_logical3A_895 = arith.shrui %bitcast3A_770, %shift_right_logical3A_894 : vector<16xi32>
        %add3A_896 = arith.addi %add3A_880, %shift_right_logical3A_895 : vector<16xi32>
        %shift_right_logical3A_897 = arith.constant 31 : i32
        %shift_right_logical3A_898 = vector.broadcast %shift_right_logical3A_897 : i32 to vector<16xi32>
        %shift_right_logical3A_899 = arith.shrui %bitcast3A_781, %shift_right_logical3A_898 : vector<16xi32>
        %add3A_900 = arith.addi %add3A_884, %shift_right_logical3A_899 : vector<16xi32>
        %shift_right_logical3A_901 = arith.constant 31 : i32
        %shift_right_logical3A_902 = vector.broadcast %shift_right_logical3A_901 : i32 to vector<16xi32>
        %shift_right_logical3A_903 = arith.shrui %bitcast3A_792, %shift_right_logical3A_902 : vector<16xi32>
        %add3A_904 = arith.addi %add3A_888, %shift_right_logical3A_903 : vector<16xi32>
        %shift_right_logical3A_905 = arith.constant 31 : i32
        %shift_right_logical3A_906 = vector.broadcast %shift_right_logical3A_905 : i32 to vector<16xi32>
        %shift_right_logical3A_907 = arith.shrui %bitcast3A_803, %shift_right_logical3A_906 : vector<16xi32>
        %add3A_908 = arith.addi %add3A_892, %shift_right_logical3A_907 : vector<16xi32>
        %shift_right_logical3A_909 = arith.constant 31 : i32
        %shift_right_logical3A_910 = vector.broadcast %shift_right_logical3A_909 : i32 to vector<16xi32>
        %shift_right_logical3A_911 = arith.shrui %bitcast3A_814, %shift_right_logical3A_910 : vector<16xi32>
        %add3A_912 = arith.addi %add3A_896, %shift_right_logical3A_911 : vector<16xi32>
        %shift_right_logical3A_913 = arith.constant 31 : i32
        %shift_right_logical3A_914 = vector.broadcast %shift_right_logical3A_913 : i32 to vector<16xi32>
        %shift_right_logical3A_915 = arith.shrui %bitcast3A_825, %shift_right_logical3A_914 : vector<16xi32>
        %add3A_916 = arith.addi %add3A_900, %shift_right_logical3A_915 : vector<16xi32>
        %shift_right_logical3A_917 = arith.constant 31 : i32
        %shift_right_logical3A_918 = vector.broadcast %shift_right_logical3A_917 : i32 to vector<16xi32>
        %shift_right_logical3A_919 = arith.shrui %bitcast3A_836, %shift_right_logical3A_918 : vector<16xi32>
        %add3A_920 = arith.addi %add3A_904, %shift_right_logical3A_919 : vector<16xi32>
        %shift_right_logical3A_921 = arith.constant 31 : i32
        %shift_right_logical3A_922 = vector.broadcast %shift_right_logical3A_921 : i32 to vector<16xi32>
        %shift_right_logical3A_923 = arith.shrui %bitcast3A_847, %shift_right_logical3A_922 : vector<16xi32>
        %add3A_924 = arith.addi %add3A_908, %shift_right_logical3A_923 : vector<16xi32>
        %shift_right_logical3A_925 = arith.constant 31 : i32
        %shift_right_logical3A_926 = vector.broadcast %shift_right_logical3A_925 : i32 to vector<16xi32>
        %shift_right_logical3A_927 = arith.shrui %bitcast3A_858, %shift_right_logical3A_926 : vector<16xi32>
        %add3A_928 = arith.addi %add3A_912, %shift_right_logical3A_927 : vector<16xi32>
        %shift_right_logical3A_929 = arith.constant 31 : i32
        %shift_right_logical3A_930 = vector.broadcast %shift_right_logical3A_929 : i32 to vector<16xi32>
        %shift_right_logical3A_931 = arith.shrui %bitcast3A_869, %shift_right_logical3A_930 : vector<16xi32>
        %add3A_932 = arith.addi %add3A_916, %shift_right_logical3A_931 : vector<16xi32>
        scf.yield %add3A_920, %add3A_924, %add3A_928, %add3A_932 : vector<16xi32>, vector<16xi32>, vector<16xi32>, vector<16xi32>
      }
      %scan3A_66 = arith.constant 2 : i32
      %add3A_67 = arith.addi %scan3A_65#0, %scan3A_65#1 : vector<16xi32>
      %add3A_68 = arith.addi %scan3A_65#2, %scan3A_65#3 : vector<16xi32>
      %add3A_69 = arith.addi %add3A_67, %add3A_68 : vector<16xi32>
      %swap3A = arith.constant 0 : i32
      %swap3A_70 = arith.index_cast %swap3A : i32 to index
      %swap3A_71 = arith.constant 0 : index
      %swap3A_72 = tpu.vector_load %arg6[%swap3A_70, %swap3A_71] {strides = array<i32>} : memref<16x16xi32, #tpu.memory_space<vmem>>, vector<16xi32>,
      tpu.vector_store %arg6[%swap3A_70, %swap3A_71], %add3A_69 {strides = array<i32>} : memref<16x16xi32, #tpu.memory_space<vmem>>, vector<16xi32>,
      %broadcast_in_dim3A_73 = arith.constant 0 : i32
      %broadcast_in_dim3A_74 = vector.broadcast %broadcast_in_dim3A_73 : i32 to vector<16xi32>
      %scan3A_75 = arith.constant 0 : i32
      %scan3A_76 = arith.constant 0 : i32
      %scan3A_77 = arith.constant 2 : i32
      %scan3A_78 = arith.addi %scan3A_76, %scan3A_77 : i32
      %scan3A_79 = arith.constant 1 : i32
      %scan3A_80:4 = scf.for %scan3A_689 = %scan3A_76 to %scan3A_78 step %scan3A_79 iter_args(%scan3A_690 = %broadcast_in_dim3A_74, %scan3A_691 = %broadcast_in_dim3A_74, %scan3A_692 = %broadcast_in_dim3A_74, %scan3A_693 = %broadcast_in_dim3A_74) -> (vector<16xi32>, vector<16xi32>, vector<16xi32>, vector<16xi32>)  : i32 {
        %mul3A_694 = arith.constant 256 : i32
        %mul3A_695 = arith.muli %scan3A_689, %mul3A_694 : i32
        %add3A_696 = arith.constant 0 : i32
        %add3A_697 = arith.addi %mul3A_695, %add3A_696 : i32
        %get3A = arith.constant 1 : i32
        %get3A_698 = arith.constant 0 : i32
        %get3A_699 = arith.constant 0 : i32
        %get3A_700 = tpu.memref_slice %arg5[%scan3A_75, %get3A_698, %get3A_699] : memref<2x8x2048xf32, #tpu.memory_space<vmem>> -> memref<1x8x2048xf32, #tpu.memory_space<vmem>>
        %get3A_701 = tpu.memref_squeeze %get3A_700 : memref<1x8x2048xf32, #tpu.memory_space<vmem>> -> memref<8x2048xf32, #tpu.memory_space<vmem>>
        %get3A_702 = arith.index_cast %get3A : i32 to index
        %get3A_703 = arith.index_cast %add3A_697 : i32 to index
        %get3A_704 = tpu.vector_load %get3A_701[%get3A_702, %get3A_703] {strides = array<i32>} : memref<8x2048xf32, #tpu.memory_space<vmem>>, vector<16xf32>,
        %bitcast3A = vector.bitcast %get3A_704 : vector<16xf32> to vector<16xi32>
        %add3A_705 = arith.constant 16 : i32
        %add3A_706 = arith.addi %mul3A_695, %add3A_705 : i32
        %get3A_707 = arith.constant 1 : i32
        %get3A_708 = arith.constant 0 : i32
        %get3A_709 = arith.constant 0 : i32
        %get3A_710 = tpu.memref_slice %arg5[%scan3A_75, %get3A_708, %get3A_709] : memref<2x8x2048xf32, #tpu.memory_space<vmem>> -> memref<1x8x2048xf32, #tpu.memory_space<vmem>>
        %get3A_711 = tpu.memref_squeeze %get3A_710 : memref<1x8x2048xf32, #tpu.memory_space<vmem>> -> memref<8x2048xf32, #tpu.memory_space<vmem>>
        %get3A_712 = arith.index_cast %get3A_707 : i32 to index
        %get3A_713 = arith.index_cast %add3A_706 : i32 to index
        %get3A_714 = tpu.vector_load %get3A_711[%get3A_712, %get3A_713] {strides = array<i32>} : memref<8x2048xf32, #tpu.memory_space<vmem>>, vector<16xf32>,
        %bitcast3A_715 = vector.bitcast %get3A_714 : vector<16xf32> to vector<16xi32>
        %add3A_716 = arith.constant 32 : i32
        %add3A_717 = arith.addi %mul3A_695, %add3A_716 : i32
        %get3A_718 = arith.constant 1 : i32
        %get3A_719 = arith.constant 0 : i32
        %get3A_720 = arith.constant 0 : i32
        %get3A_721 = tpu.memref_slice %arg5[%scan3A_75, %get3A_719, %get3A_720] : memref<2x8x2048xf32, #tpu.memory_space<vmem>> -> memref<1x8x2048xf32, #tpu.memory_space<vmem>>
        %get3A_722 = tpu.memref_squeeze %get3A_721 : memref<1x8x2048xf32, #tpu.memory_space<vmem>> -> memref<8x2048xf32, #tpu.memory_space<vmem>>
        %get3A_723 = arith.index_cast %get3A_718 : i32 to index
        %get3A_724 = arith.index_cast %add3A_717 : i32 to index
        %get3A_725 = tpu.vector_load %get3A_722[%get3A_723, %get3A_724] {strides = array<i32>} : memref<8x2048xf32, #tpu.memory_space<vmem>>, vector<16xf32>,
        %bitcast3A_726 = vector.bitcast %get3A_725 : vector<16xf32> to vector<16xi32>
        %add3A_727 = arith.constant 48 : i32
        %add3A_728 = arith.addi %mul3A_695, %add3A_727 : i32
        %get3A_729 = arith.constant 1 : i32
        %get3A_730 = arith.constant 0 : i32
        %get3A_731 = arith.constant 0 : i32
        %get3A_732 = tpu.memref_slice %arg5[%scan3A_75, %get3A_730, %get3A_731] : memref<2x8x2048xf32, #tpu.memory_space<vmem>> -> memref<1x8x2048xf32, #tpu.memory_space<vmem>>
        %get3A_733 = tpu.memref_squeeze %get3A_732 : memref<1x8x2048xf32, #tpu.memory_space<vmem>> -> memref<8x2048xf32, #tpu.memory_space<vmem>>
        %get3A_734 = arith.index_cast %get3A_729 : i32 to index
        %get3A_735 = arith.index_cast %add3A_728 : i32 to index
        %get3A_736 = tpu.vector_load %get3A_733[%get3A_734, %get3A_735] {strides = array<i32>} : memref<8x2048xf32, #tpu.memory_space<vmem>>, vector<16xf32>,
        %bitcast3A_737 = vector.bitcast %get3A_736 : vector<16xf32> to vector<16xi32>
        %add3A_738 = arith.constant 64 : i32
        %add3A_739 = arith.addi %mul3A_695, %add3A_738 : i32
        %get3A_740 = arith.constant 1 : i32
        %get3A_741 = arith.constant 0 : i32
        %get3A_742 = arith.constant 0 : i32
        %get3A_743 = tpu.memref_slice %arg5[%scan3A_75, %get3A_741, %get3A_742] : memref<2x8x2048xf32, #tpu.memory_space<vmem>> -> memref<1x8x2048xf32, #tpu.memory_space<vmem>>
        %get3A_744 = tpu.memref_squeeze %get3A_743 : memref<1x8x2048xf32, #tpu.memory_space<vmem>> -> memref<8x2048xf32, #tpu.memory_space<vmem>>
        %get3A_745 = arith.index_cast %get3A_740 : i32 to index
        %get3A_746 = arith.index_cast %add3A_739 : i32 to index
        %get3A_747 = tpu.vector_load %get3A_744[%get3A_745, %get3A_746] {strides = array<i32>} : memref<8x2048xf32, #tpu.memory_space<vmem>>, vector<16xf32>,
        %bitcast3A_748 = vector.bitcast %get3A_747 : vector<16xf32> to vector<16xi32>
        %add3A_749 = arith.constant 80 : i32
        %add3A_750 = arith.addi %mul3A_695, %add3A_749 : i32
        %get3A_751 = arith.constant 1 : i32
        %get3A_752 = arith.constant 0 : i32
        %get3A_753 = arith.constant 0 : i32
        %get3A_754 = tpu.memref_slice %arg5[%scan3A_75, %get3A_752, %get3A_753] : memref<2x8x2048xf32, #tpu.memory_space<vmem>> -> memref<1x8x2048xf32, #tpu.memory_space<vmem>>
        %get3A_755 = tpu.memref_squeeze %get3A_754 : memref<1x8x2048xf32, #tpu.memory_space<vmem>> -> memref<8x2048xf32, #tpu.memory_space<vmem>>
        %get3A_756 = arith.index_cast %get3A_751 : i32 to index
        %get3A_757 = arith.index_cast %add3A_750 : i32 to index
        %get3A_758 = tpu.vector_load %get3A_755[%get3A_756, %get3A_757] {strides = array<i32>} : memref<8x2048xf32, #tpu.memory_space<vmem>>, vector<16xf32>,
        %bitcast3A_759 = vector.bitcast %get3A_758 : vector<16xf32> to vector<16xi32>
        %add3A_760 = arith.constant 96 : i32
        %add3A_761 = arith.addi %mul3A_695, %add3A_760 : i32
        %get3A_762 = arith.constant 1 : i32
        %get3A_763 = arith.constant 0 : i32
        %get3A_764 = arith.constant 0 : i32
        %get3A_765 = tpu.memref_slice %arg5[%scan3A_75, %get3A_763, %get3A_764] : memref<2x8x2048xf32, #tpu.memory_space<vmem>> -> memref<1x8x2048xf32, #tpu.memory_space<vmem>>
        %get3A_766 = tpu.memref_squeeze %get3A_765 : memref<1x8x2048xf32, #tpu.memory_space<vmem>> -> memref<8x2048xf32, #tpu.memory_space<vmem>>
        %get3A_767 = arith.index_cast %get3A_762 : i32 to index
        %get3A_768 = arith.index_cast %add3A_761 : i32 to index
        %get3A_769 = tpu.vector_load %get3A_766[%get3A_767, %get3A_768] {strides = array<i32>} : memref<8x2048xf32, #tpu.memory_space<vmem>>, vector<16xf32>,
        %bitcast3A_770 = vector.bitcast %get3A_769 : vector<16xf32> to vector<16xi32>
        %add3A_771 = arith.constant 112 : i32
        %add3A_772 = arith.addi %mul3A_695, %add3A_771 : i32
        %get3A_773 = arith.constant 1 : i32
        %get3A_774 = arith.constant 0 : i32
        %get3A_775 = arith.constant 0 : i32
        %get3A_776 = tpu.memref_slice %arg5[%scan3A_75, %get3A_774, %get3A_775] : memref<2x8x2048xf32, #tpu.memory_space<vmem>> -> memref<1x8x2048xf32, #tpu.memory_space<vmem>>
        %get3A_777 = tpu.memref_squeeze %get3A_776 : memref<1x8x2048xf32, #tpu.memory_space<vmem>> -> memref<8x2048xf32, #tpu.memory_space<vmem>>
        %get3A_778 = arith.index_cast %get3A_773 : i32 to index
        %get3A_779 = arith.index_cast %add3A_772 : i32 to index
        %get3A_780 = tpu.vector_load %get3A_777[%get3A_778, %get3A_779] {strides = array<i32>} : memref<8x2048xf32, #tpu.memory_space<vmem>>, vector<16xf32>,
        %bitcast3A_781 = vector.bitcast %get3A_780 : vector<16xf32> to vector<16xi32>
        %add3A_782 = arith.constant 128 : i32
        %add3A_783 = arith.addi %mul3A_695, %add3A_782 : i32
        %get3A_784 = arith.constant 1 : i32
        %get3A_785 = arith.constant 0 : i32
        %get3A_786 = arith.constant 0 : i32
        %get3A_787 = tpu.memref_slice %arg5[%scan3A_75, %get3A_785, %get3A_786] : memref<2x8x2048xf32, #tpu.memory_space<vmem>> -> memref<1x8x2048xf32, #tpu.memory_space<vmem>>
        %get3A_788 = tpu.memref_squeeze %get3A_787 : memref<1x8x2048xf32, #tpu.memory_space<vmem>> -> memref<8x2048xf32, #tpu.memory_space<vmem>>
        %get3A_789 = arith.index_cast %get3A_784 : i32 to index
        %get3A_790 = arith.index_cast %add3A_783 : i32 to index
        %get3A_791 = tpu.vector_load %get3A_788[%get3A_789, %get3A_790] {strides = array<i32>} : memref<8x2048xf32, #tpu.memory_space<vmem>>, vector<16xf32>,
        %bitcast3A_792 = vector.bitcast %get3A_791 : vector<16xf32> to vector<16xi32>
        %add3A_793 = arith.constant 144 : i32
        %add3A_794 = arith.addi %mul3A_695, %add3A_793 : i32
        %get3A_795 = arith.constant 1 : i32
        %get3A_796 = arith.constant 0 : i32
        %get3A_797 = arith.constant 0 : i32
        %get3A_798 = tpu.memref_slice %arg5[%scan3A_75, %get3A_796, %get3A_797] : memref<2x8x2048xf32, #tpu.memory_space<vmem>> -> memref<1x8x2048xf32, #tpu.memory_space<vmem>>
        %get3A_799 = tpu.memref_squeeze %get3A_798 : memref<1x8x2048xf32, #tpu.memory_space<vmem>> -> memref<8x2048xf32, #tpu.memory_space<vmem>>
        %get3A_800 = arith.index_cast %get3A_795 : i32 to index
        %get3A_801 = arith.index_cast %add3A_794 : i32 to index
        %get3A_802 = tpu.vector_load %get3A_799[%get3A_800, %get3A_801] {strides = array<i32>} : memref<8x2048xf32, #tpu.memory_space<vmem>>, vector<16xf32>,
        %bitcast3A_803 = vector.bitcast %get3A_802 : vector<16xf32> to vector<16xi32>
        %add3A_804 = arith.constant 160 : i32
        %add3A_805 = arith.addi %mul3A_695, %add3A_804 : i32
        %get3A_806 = arith.constant 1 : i32
        %get3A_807 = arith.constant 0 : i32
        %get3A_808 = arith.constant 0 : i32
        %get3A_809 = tpu.memref_slice %arg5[%scan3A_75, %get3A_807, %get3A_808] : memref<2x8x2048xf32, #tpu.memory_space<vmem>> -> memref<1x8x2048xf32, #tpu.memory_space<vmem>>
        %get3A_810 = tpu.memref_squeeze %get3A_809 : memref<1x8x2048xf32, #tpu.memory_space<vmem>> -> memref<8x2048xf32, #tpu.memory_space<vmem>>
        %get3A_811 = arith.index_cast %get3A_806 : i32 to index
        %get3A_812 = arith.index_cast %add3A_805 : i32 to index
        %get3A_813 = tpu.vector_load %get3A_810[%get3A_811, %get3A_812] {strides = array<i32>} : memref<8x2048xf32, #tpu.memory_space<vmem>>, vector<16xf32>,
        %bitcast3A_814 = vector.bitcast %get3A_813 : vector<16xf32> to vector<16xi32>
        %add3A_815 = arith.constant 176 : i32
        %add3A_816 = arith.addi %mul3A_695, %add3A_815 : i32
        %get3A_817 = arith.constant 1 : i32
        %get3A_818 = arith.constant 0 : i32
        %get3A_819 = arith.constant 0 : i32
        %get3A_820 = tpu.memref_slice %arg5[%scan3A_75, %get3A_818, %get3A_819] : memref<2x8x2048xf32, #tpu.memory_space<vmem>> -> memref<1x8x2048xf32, #tpu.memory_space<vmem>>
        %get3A_821 = tpu.memref_squeeze %get3A_820 : memref<1x8x2048xf32, #tpu.memory_space<vmem>> -> memref<8x2048xf32, #tpu.memory_space<vmem>>
        %get3A_822 = arith.index_cast %get3A_817 : i32 to index
        %get3A_823 = arith.index_cast %add3A_816 : i32 to index
        %get3A_824 = tpu.vector_load %get3A_821[%get3A_822, %get3A_823] {strides = array<i32>} : memref<8x2048xf32, #tpu.memory_space<vmem>>, vector<16xf32>,
        %bitcast3A_825 = vector.bitcast %get3A_824 : vector<16xf32> to vector<16xi32>
        %add3A_826 = arith.constant 192 : i32
        %add3A_827 = arith.addi %mul3A_695, %add3A_826 : i32
        %get3A_828 = arith.constant 1 : i32
        %get3A_829 = arith.constant 0 : i32
        %get3A_830 = arith.constant 0 : i32
        %get3A_831 = tpu.memref_slice %arg5[%scan3A_75, %get3A_829, %get3A_830] : memref<2x8x2048xf32, #tpu.memory_space<vmem>> -> memref<1x8x2048xf32, #tpu.memory_space<vmem>>
        %get3A_832 = tpu.memref_squeeze %get3A_831 : memref<1x8x2048xf32, #tpu.memory_space<vmem>> -> memref<8x2048xf32, #tpu.memory_space<vmem>>
        %get3A_833 = arith.index_cast %get3A_828 : i32 to index
        %get3A_834 = arith.index_cast %add3A_827 : i32 to index
        %get3A_835 = tpu.vector_load %get3A_832[%get3A_833, %get3A_834] {strides = array<i32>} : memref<8x2048xf32, #tpu.memory_space<vmem>>, vector<16xf32>,
        %bitcast3A_836 = vector.bitcast %get3A_835 : vector<16xf32> to vector<16xi32>
        %add3A_837 = arith.constant 208 : i32
        %add3A_838 = arith.addi %mul3A_695, %add3A_837 : i32
        %get3A_839 = arith.constant 1 : i32
        %get3A_840 = arith.constant 0 : i32
        %get3A_841 = arith.constant 0 : i32
        %get3A_842 = tpu.memref_slice %arg5[%scan3A_75, %get3A_840, %get3A_841] : memref<2x8x2048xf32, #tpu.memory_space<vmem>> -> memref<1x8x2048xf32, #tpu.memory_space<vmem>>
        %get3A_843 = tpu.memref_squeeze %get3A_842 : memref<1x8x2048xf32, #tpu.memory_space<vmem>> -> memref<8x2048xf32, #tpu.memory_space<vmem>>
        %get3A_844 = arith.index_cast %get3A_839 : i32 to index
        %get3A_845 = arith.index_cast %add3A_838 : i32 to index
        %get3A_846 = tpu.vector_load %get3A_843[%get3A_844, %get3A_845] {strides = array<i32>} : memref<8x2048xf32, #tpu.memory_space<vmem>>, vector<16xf32>,
        %bitcast3A_847 = vector.bitcast %get3A_846 : vector<16xf32> to vector<16xi32>
        %add3A_848 = arith.constant 224 : i32
        %add3A_849 = arith.addi %mul3A_695, %add3A_848 : i32
        %get3A_850 = arith.constant 1 : i32
        %get3A_851 = arith.constant 0 : i32
        %get3A_852 = arith.constant 0 : i32
        %get3A_853 = tpu.memref_slice %arg5[%scan3A_75, %get3A_851, %get3A_852] : memref<2x8x2048xf32, #tpu.memory_space<vmem>> -> memref<1x8x2048xf32, #tpu.memory_space<vmem>>
        %get3A_854 = tpu.memref_squeeze %get3A_853 : memref<1x8x2048xf32, #tpu.memory_space<vmem>> -> memref<8x2048xf32, #tpu.memory_space<vmem>>
        %get3A_855 = arith.index_cast %get3A_850 : i32 to index
        %get3A_856 = arith.index_cast %add3A_849 : i32 to index
        %get3A_857 = tpu.vector_load %get3A_854[%get3A_855, %get3A_856] {strides = array<i32>} : memref<8x2048xf32, #tpu.memory_space<vmem>>, vector<16xf32>,
        %bitcast3A_858 = vector.bitcast %get3A_857 : vector<16xf32> to vector<16xi32>
        %add3A_859 = arith.constant 240 : i32
        %add3A_860 = arith.addi %mul3A_695, %add3A_859 : i32
        %get3A_861 = arith.constant 1 : i32
        %get3A_862 = arith.constant 0 : i32
        %get3A_863 = arith.constant 0 : i32
        %get3A_864 = tpu.memref_slice %arg5[%scan3A_75, %get3A_862, %get3A_863] : memref<2x8x2048xf32, #tpu.memory_space<vmem>> -> memref<1x8x2048xf32, #tpu.memory_space<vmem>>
        %get3A_865 = tpu.memref_squeeze %get3A_864 : memref<1x8x2048xf32, #tpu.memory_space<vmem>> -> memref<8x2048xf32, #tpu.memory_space<vmem>>
        %get3A_866 = arith.index_cast %get3A_861 : i32 to index
        %get3A_867 = arith.index_cast %add3A_860 : i32 to index
        %get3A_868 = tpu.vector_load %get3A_865[%get3A_866, %get3A_867] {strides = array<i32>} : memref<8x2048xf32, #tpu.memory_space<vmem>>, vector<16xf32>,
        %bitcast3A_869 = vector.bitcast %get3A_868 : vector<16xf32> to vector<16xi32>
        %shift_right_logical3A = arith.constant 31 : i32
        %shift_right_logical3A_870 = vector.broadcast %shift_right_logical3A : i32 to vector<16xi32>
        %shift_right_logical3A_871 = arith.shrui %bitcast3A, %shift_right_logical3A_870 : vector<16xi32>
        %add3A_872 = arith.addi %scan3A_690, %shift_right_logical3A_871 : vector<16xi32>
        %shift_right_logical3A_873 = arith.constant 31 : i32
        %shift_right_logical3A_874 = vector.broadcast %shift_right_logical3A_873 : i32 to vector<16xi32>
        %shift_right_logical3A_875 = arith.shrui %bitcast3A_715, %shift_right_logical3A_874 : vector<16xi32>
        %add3A_876 = arith.addi %scan3A_691, %shift_right_logical3A_875 : vector<16xi32>
        %shift_right_logical3A_877 = arith.constant 31 : i32
        %shift_right_logical3A_878 = vector.broadcast %shift_right_logical3A_877 : i32 to vector<16xi32>
        %shift_right_logical3A_879 = arith.shrui %bitcast3A_726, %shift_right_logical3A_878 : vector<16xi32>
        %add3A_880 = arith.addi %scan3A_692, %shift_right_logical3A_879 : vector<16xi32>
        %shift_right_logical3A_881 = arith.constant 31 : i32
        %shift_right_logical3A_882 = vector.broadcast %shift_right_logical3A_881 : i32 to vector<16xi32>
        %shift_right_logical3A_883 = arith.shrui %bitcast3A_737, %shift_right_logical3A_882 : vector<16xi32>
        %add3A_884 = arith.addi %scan3A_693, %shift_right_logical3A_883 : vector<16xi32>
        %shift_right_logical3A_885 = arith.constant 31 : i32
        %shift_right_logical3A_886 = vector.broadcast %shift_right_logical3A_885 : i32 to vector<16xi32>
        %shift_right_logical3A_887 = arith.shrui %bitcast3A_748, %shift_right_logical3A_886 : vector<16xi32>
        %add3A_888 = arith.addi %add3A_872, %shift_right_logical3A_887 : vector<16xi32>
        %shift_right_logical3A_889 = arith.constant 31 : i32
        %shift_right_logical3A_890 = vector.broadcast %shift_right_logical3A_889 : i32 to vector<16xi32>
        %shift_right_logical3A_891 = arith.shrui %bitcast3A_759, %shift_right_logical3A_890 : vector<16xi32>
        %add3A_892 = arith.addi %add3A_876, %shift_right_logical3A_891 : vector<16xi32>
        %shift_right_logical3A_893 = arith.constant 31 : i32
        %shift_right_logical3A_894 = vector.broadcast %shift_right_logical3A_893 : i32 to vector<16xi32>
        %shift_right_logical3A_895 = arith.shrui %bitcast3A_770, %shift_right_logical3A_894 : vector<16xi32>
        %add3A_896 = arith.addi %add3A_880, %shift_right_logical3A_895 : vector<16xi32>
        %shift_right_logical3A_897 = arith.constant 31 : i32
        %shift_right_logical3A_898 = vector.broadcast %shift_right_logical3A_897 : i32 to vector<16xi32>
        %shift_right_logical3A_899 = arith.shrui %bitcast3A_781, %shift_right_logical3A_898 : vector<16xi32>
        %add3A_900 = arith.addi %add3A_884, %shift_right_logical3A_899 : vector<16xi32>
        %shift_right_logical3A_901 = arith.constant 31 : i32
        %shift_right_logical3A_902 = vector.broadcast %shift_right_logical3A_901 : i32 to vector<16xi32>
        %shift_right_logical3A_903 = arith.shrui %bitcast3A_792, %shift_right_logical3A_902 : vector<16xi32>
        %add3A_904 = arith.addi %add3A_888, %shift_right_logical3A_903 : vector<16xi32>
        %shift_right_logical3A_905 = arith.constant 31 : i32
        %shift_right_logical3A_906 = vector.broadcast %shift_right_logical3A_905 : i32 to vector<16xi32>
        %shift_right_logical3A_907 = arith.shrui %bitcast3A_803, %shift_right_logical3A_906 : vector<16xi32>
        %add3A_908 = arith.addi %add3A_892, %shift_right_logical3A_907 : vector<16xi32>
        %shift_right_logical3A_909 = arith.constant 31 : i32
        %shift_right_logical3A_910 = vector.broadcast %shift_right_logical3A_909 : i32 to vector<16xi32>
        %shift_right_logical3A_911 = arith.shrui %bitcast3A_814, %shift_right_logical3A_910 : vector<16xi32>
        %add3A_912 = arith.addi %add3A_896, %shift_right_logical3A_911 : vector<16xi32>
        %shift_right_logical3A_913 = arith.constant 31 : i32
        %shift_right_logical3A_914 = vector.broadcast %shift_right_logical3A_913 : i32 to vector<16xi32>
        %shift_right_logical3A_915 = arith.shrui %bitcast3A_825, %shift_right_logical3A_914 : vector<16xi32>
        %add3A_916 = arith.addi %add3A_900, %shift_right_logical3A_915 : vector<16xi32>
        %shift_right_logical3A_917 = arith.constant 31 : i32
        %shift_right_logical3A_918 = vector.broadcast %shift_right_logical3A_917 : i32 to vector<16xi32>
        %shift_right_logical3A_919 = arith.shrui %bitcast3A_836, %shift_right_logical3A_918 : vector<16xi32>
        %add3A_920 = arith.addi %add3A_904, %shift_right_logical3A_919 : vector<16xi32>
        %shift_right_logical3A_921 = arith.constant 31 : i32
        %shift_right_logical3A_922 = vector.broadcast %shift_right_logical3A_921 : i32 to vector<16xi32>
        %shift_right_logical3A_923 = arith.shrui %bitcast3A_847, %shift_right_logical3A_922 : vector<16xi32>
        %add3A_924 = arith.addi %add3A_908, %shift_right_logical3A_923 : vector<16xi32>
        %shift_right_logical3A_925 = arith.constant 31 : i32
        %shift_right_logical3A_926 = vector.broadcast %shift_right_logical3A_925 : i32 to vector<16xi32>
        %shift_right_logical3A_927 = arith.shrui %bitcast3A_858, %shift_right_logical3A_926 : vector<16xi32>
        %add3A_928 = arith.addi %add3A_912, %shift_right_logical3A_927 : vector<16xi32>
        %shift_right_logical3A_929 = arith.constant 31 : i32
        %shift_right_logical3A_930 = vector.broadcast %shift_right_logical3A_929 : i32 to vector<16xi32>
        %shift_right_logical3A_931 = arith.shrui %bitcast3A_869, %shift_right_logical3A_930 : vector<16xi32>
        %add3A_932 = arith.addi %add3A_916, %shift_right_logical3A_931 : vector<16xi32>
        scf.yield %add3A_920, %add3A_924, %add3A_928, %add3A_932 : vector<16xi32>, vector<16xi32>, vector<16xi32>, vector<16xi32>
      }
      %scan3A_81 = arith.constant 2 : i32
      %add3A_82 = arith.addi %scan3A_80#0, %scan3A_80#1 : vector<16xi32>
      %add3A_83 = arith.addi %scan3A_80#2, %scan3A_80#3 : vector<16xi32>
      %add3A_84 = arith.addi %add3A_82, %add3A_83 : vector<16xi32>
      %swap3A_85 = arith.constant 1 : i32
      %swap3A_86 = arith.index_cast %swap3A_85 : i32 to index
      %swap3A_87 = arith.constant 0 : index
      %swap3A_88 = tpu.vector_load %arg6[%swap3A_86, %swap3A_87] {strides = array<i32>} : memref<16x16xi32, #tpu.memory_space<vmem>>, vector<16xi32>,
      tpu.vector_store %arg6[%swap3A_86, %swap3A_87], %add3A_84 {strides = array<i32>} : memref<16x16xi32, #tpu.memory_space<vmem>>, vector<16xi32>,
      %broadcast_in_dim3A_89 = arith.constant 0 : i32
      %broadcast_in_dim3A_90 = vector.broadcast %broadcast_in_dim3A_89 : i32 to vector<16xi32>
      %scan3A_91 = arith.constant 0 : i32
      %scan3A_92 = arith.constant 0 : i32
      %scan3A_93 = arith.constant 2 : i32
      %scan3A_94 = arith.addi %scan3A_92, %scan3A_93 : i32
      %scan3A_95 = arith.constant 1 : i32
      %scan3A_96:4 = scf.for %scan3A_689 = %scan3A_92 to %scan3A_94 step %scan3A_95 iter_args(%scan3A_690 = %broadcast_in_dim3A_90, %scan3A_691 = %broadcast_in_dim3A_90, %scan3A_692 = %broadcast_in_dim3A_90, %scan3A_693 = %broadcast_in_dim3A_90) -> (vector<16xi32>, vector<16xi32>, vector<16xi32>, vector<16xi32>)  : i32 {
        %mul3A_694 = arith.constant 256 : i32
        %mul3A_695 = arith.muli %scan3A_689, %mul3A_694 : i32
        %add3A_696 = arith.constant 0 : i32
        %add3A_697 = arith.addi %mul3A_695, %add3A_696 : i32
        %get3A = arith.constant 2 : i32
        %get3A_698 = arith.constant 0 : i32
        %get3A_699 = arith.constant 0 : i32
        %get3A_700 = tpu.memref_slice %arg5[%scan3A_91, %get3A_698, %get3A_699] : memref<2x8x2048xf32, #tpu.memory_space<vmem>> -> memref<1x8x2048xf32, #tpu.memory_space<vmem>>
        %get3A_701 = tpu.memref_squeeze %get3A_700 : memref<1x8x2048xf32, #tpu.memory_space<vmem>> -> memref<8x2048xf32, #tpu.memory_space<vmem>>
        %get3A_702 = arith.index_cast %get3A : i32 to index
        %get3A_703 = arith.index_cast %add3A_697 : i32 to index
        %get3A_704 = tpu.vector_load %get3A_701[%get3A_702, %get3A_703] {strides = array<i32>} : memref<8x2048xf32, #tpu.memory_space<vmem>>, vector<16xf32>,
        %bitcast3A = vector.bitcast %get3A_704 : vector<16xf32> to vector<16xi32>
        %add3A_705 = arith.constant 16 : i32
        %add3A_706 = arith.addi %mul3A_695, %add3A_705 : i32
        %get3A_707 = arith.constant 2 : i32
        %get3A_708 = arith.constant 0 : i32
        %get3A_709 = arith.constant 0 : i32
        %get3A_710 = tpu.memref_slice %arg5[%scan3A_91, %get3A_708, %get3A_709] : memref<2x8x2048xf32, #tpu.memory_space<vmem>> -> memref<1x8x2048xf32, #tpu.memory_space<vmem>>
        %get3A_711 = tpu.memref_squeeze %get3A_710 : memref<1x8x2048xf32, #tpu.memory_space<vmem>> -> memref<8x2048xf32, #tpu.memory_space<vmem>>
        %get3A_712 = arith.index_cast %get3A_707 : i32 to index
        %get3A_713 = arith.index_cast %add3A_706 : i32 to index
        %get3A_714 = tpu.vector_load %get3A_711[%get3A_712, %get3A_713] {strides = array<i32>} : memref<8x2048xf32, #tpu.memory_space<vmem>>, vector<16xf32>,
        %bitcast3A_715 = vector.bitcast %get3A_714 : vector<16xf32> to vector<16xi32>
        %add3A_716 = arith.constant 32 : i32
        %add3A_717 = arith.addi %mul3A_695, %add3A_716 : i32
        %get3A_718 = arith.constant 2 : i32
        %get3A_719 = arith.constant 0 : i32
        %get3A_720 = arith.constant 0 : i32
        %get3A_721 = tpu.memref_slice %arg5[%scan3A_91, %get3A_719, %get3A_720] : memref<2x8x2048xf32, #tpu.memory_space<vmem>> -> memref<1x8x2048xf32, #tpu.memory_space<vmem>>
        %get3A_722 = tpu.memref_squeeze %get3A_721 : memref<1x8x2048xf32, #tpu.memory_space<vmem>> -> memref<8x2048xf32, #tpu.memory_space<vmem>>
        %get3A_723 = arith.index_cast %get3A_718 : i32 to index
        %get3A_724 = arith.index_cast %add3A_717 : i32 to index
        %get3A_725 = tpu.vector_load %get3A_722[%get3A_723, %get3A_724] {strides = array<i32>} : memref<8x2048xf32, #tpu.memory_space<vmem>>, vector<16xf32>,
        %bitcast3A_726 = vector.bitcast %get3A_725 : vector<16xf32> to vector<16xi32>
        %add3A_727 = arith.constant 48 : i32
        %add3A_728 = arith.addi %mul3A_695, %add3A_727 : i32
        %get3A_729 = arith.constant 2 : i32
        %get3A_730 = arith.constant 0 : i32
        %get3A_731 = arith.constant 0 : i32
        %get3A_732 = tpu.memref_slice %arg5[%scan3A_91, %get3A_730, %get3A_731] : memref<2x8x2048xf32, #tpu.memory_space<vmem>> -> memref<1x8x2048xf32, #tpu.memory_space<vmem>>
        %get3A_733 = tpu.memref_squeeze %get3A_732 : memref<1x8x2048xf32, #tpu.memory_space<vmem>> -> memref<8x2048xf32, #tpu.memory_space<vmem>>
        %get3A_734 = arith.index_cast %get3A_729 : i32 to index
        %get3A_735 = arith.index_cast %add3A_728 : i32 to index
        %get3A_736 = tpu.vector_load %get3A_733[%get3A_734, %get3A_735] {strides = array<i32>} : memref<8x2048xf32, #tpu.memory_space<vmem>>, vector<16xf32>,
        %bitcast3A_737 = vector.bitcast %get3A_736 : vector<16xf32> to vector<16xi32>
        %add3A_738 = arith.constant 64 : i32
        %add3A_739 = arith.addi %mul3A_695, %add3A_738 : i32
        %get3A_740 = arith.constant 2 : i32
        %get3A_741 = arith.constant 0 : i32
        %get3A_742 = arith.constant 0 : i32
        %get3A_743 = tpu.memref_slice %arg5[%scan3A_91, %get3A_741, %get3A_742] : memref<2x8x2048xf32, #tpu.memory_space<vmem>> -> memref<1x8x2048xf32, #tpu.memory_space<vmem>>
        %get3A_744 = tpu.memref_squeeze %get3A_743 : memref<1x8x2048xf32, #tpu.memory_space<vmem>> -> memref<8x2048xf32, #tpu.memory_space<vmem>>
        %get3A_745 = arith.index_cast %get3A_740 : i32 to index
        %get3A_746 = arith.index_cast %add3A_739 : i32 to index
        %get3A_747 = tpu.vector_load %get3A_744[%get3A_745, %get3A_746] {strides = array<i32>} : memref<8x2048xf32, #tpu.memory_space<vmem>>, vector<16xf32>,
        %bitcast3A_748 = vector.bitcast %get3A_747 : vector<16xf32> to vector<16xi32>
        %add3A_749 = arith.constant 80 : i32
        %add3A_750 = arith.addi %mul3A_695, %add3A_749 : i32
        %get3A_751 = arith.constant 2 : i32
        %get3A_752 = arith.constant 0 : i32
        %get3A_753 = arith.constant 0 : i32
        %get3A_754 = tpu.memref_slice %arg5[%scan3A_91, %get3A_752, %get3A_753] : memref<2x8x2048xf32, #tpu.memory_space<vmem>> -> memref<1x8x2048xf32, #tpu.memory_space<vmem>>
        %get3A_755 = tpu.memref_squeeze %get3A_754 : memref<1x8x2048xf32, #tpu.memory_space<vmem>> -> memref<8x2048xf32, #tpu.memory_space<vmem>>
        %get3A_756 = arith.index_cast %get3A_751 : i32 to index
        %get3A_757 = arith.index_cast %add3A_750 : i32 to index
        %get3A_758 = tpu.vector_load %get3A_755[%get3A_756, %get3A_757] {strides = array<i32>} : memref<8x2048xf32, #tpu.memory_space<vmem>>, vector<16xf32>,
        %bitcast3A_759 = vector.bitcast %get3A_758 : vector<16xf32> to vector<16xi32>
        %add3A_760 = arith.constant 96 : i32
        %add3A_761 = arith.addi %mul3A_695, %add3A_760 : i32
        %get3A_762 = arith.constant 2 : i32
        %get3A_763 = arith.constant 0 : i32
        %get3A_764 = arith.constant 0 : i32
        %get3A_765 = tpu.memref_slice %arg5[%scan3A_91, %get3A_763, %get3A_764] : memref<2x8x2048xf32, #tpu.memory_space<vmem>> -> memref<1x8x2048xf32, #tpu.memory_space<vmem>>
        %get3A_766 = tpu.memref_squeeze %get3A_765 : memref<1x8x2048xf32, #tpu.memory_space<vmem>> -> memref<8x2048xf32, #tpu.memory_space<vmem>>
        %get3A_767 = arith.index_cast %get3A_762 : i32 to index
        %get3A_768 = arith.index_cast %add3A_761 : i32 to index
        %get3A_769 = tpu.vector_load %get3A_766[%get3A_767, %get3A_768] {strides = array<i32>} : memref<8x2048xf32, #tpu.memory_space<vmem>>, vector<16xf32>,
        %bitcast3A_770 = vector.bitcast %get3A_769 : vector<16xf32> to vector<16xi32>
        %add3A_771 = arith.constant 112 : i32
        %add3A_772 = arith.addi %mul3A_695, %add3A_771 : i32
        %get3A_773 = arith.constant 2 : i32
        %get3A_774 = arith.constant 0 : i32
        %get3A_775 = arith.constant 0 : i32
        %get3A_776 = tpu.memref_slice %arg5[%scan3A_91, %get3A_774, %get3A_775] : memref<2x8x2048xf32, #tpu.memory_space<vmem>> -> memref<1x8x2048xf32, #tpu.memory_space<vmem>>
        %get3A_777 = tpu.memref_squeeze %get3A_776 : memref<1x8x2048xf32, #tpu.memory_space<vmem>> -> memref<8x2048xf32, #tpu.memory_space<vmem>>
        %get3A_778 = arith.index_cast %get3A_773 : i32 to index
        %get3A_779 = arith.index_cast %add3A_772 : i32 to index
        %get3A_780 = tpu.vector_load %get3A_777[%get3A_778, %get3A_779] {strides = array<i32>} : memref<8x2048xf32, #tpu.memory_space<vmem>>, vector<16xf32>,
        %bitcast3A_781 = vector.bitcast %get3A_780 : vector<16xf32> to vector<16xi32>
        %add3A_782 = arith.constant 128 : i32
        %add3A_783 = arith.addi %mul3A_695, %add3A_782 : i32
        %get3A_784 = arith.constant 2 : i32
        %get3A_785 = arith.constant 0 : i32
        %get3A_786 = arith.constant 0 : i32
        %get3A_787 = tpu.memref_slice %arg5[%scan3A_91, %get3A_785, %get3A_786] : memref<2x8x2048xf32, #tpu.memory_space<vmem>> -> memref<1x8x2048xf32, #tpu.memory_space<vmem>>
        %get3A_788 = tpu.memref_squeeze %get3A_787 : memref<1x8x2048xf32, #tpu.memory_space<vmem>> -> memref<8x2048xf32, #tpu.memory_space<vmem>>
        %get3A_789 = arith.index_cast %get3A_784 : i32 to index
        %get3A_790 = arith.index_cast %add3A_783 : i32 to index
        %get3A_791 = tpu.vector_load %get3A_788[%get3A_789, %get3A_790] {strides = array<i32>} : memref<8x2048xf32, #tpu.memory_space<vmem>>, vector<16xf32>,
        %bitcast3A_792 = vector.bitcast %get3A_791 : vector<16xf32> to vector<16xi32>
        %add3A_793 = arith.constant 144 : i32
        %add3A_794 = arith.addi %mul3A_695, %add3A_793 : i32
        %get3A_795 = arith.constant 2 : i32
        %get3A_796 = arith.constant 0 : i32
        %get3A_797 = arith.constant 0 : i32
        %get3A_798 = tpu.memref_slice %arg5[%scan3A_91, %get3A_796, %get3A_797] : memref<2x8x2048xf32, #tpu.memory_space<vmem>> -> memref<1x8x2048xf32, #tpu.memory_space<vmem>>
        %get3A_799 = tpu.memref_squeeze %get3A_798 : memref<1x8x2048xf32, #tpu.memory_space<vmem>> -> memref<8x2048xf32, #tpu.memory_space<vmem>>
        %get3A_800 = arith.index_cast %get3A_795 : i32 to index
        %get3A_801 = arith.index_cast %add3A_794 : i32 to index
        %get3A_802 = tpu.vector_load %get3A_799[%get3A_800, %get3A_801] {strides = array<i32>} : memref<8x2048xf32, #tpu.memory_space<vmem>>, vector<16xf32>,
        %bitcast3A_803 = vector.bitcast %get3A_802 : vector<16xf32> to vector<16xi32>
        %add3A_804 = arith.constant 160 : i32
        %add3A_805 = arith.addi %mul3A_695, %add3A_804 : i32
        %get3A_806 = arith.constant 2 : i32
        %get3A_807 = arith.constant 0 : i32
        %get3A_808 = arith.constant 0 : i32
        %get3A_809 = tpu.memref_slice %arg5[%scan3A_91, %get3A_807, %get3A_808] : memref<2x8x2048xf32, #tpu.memory_space<vmem>> -> memref<1x8x2048xf32, #tpu.memory_space<vmem>>
        %get3A_810 = tpu.memref_squeeze %get3A_809 : memref<1x8x2048xf32, #tpu.memory_space<vmem>> -> memref<8x2048xf32, #tpu.memory_space<vmem>>
        %get3A_811 = arith.index_cast %get3A_806 : i32 to index
        %get3A_812 = arith.index_cast %add3A_805 : i32 to index
        %get3A_813 = tpu.vector_load %get3A_810[%get3A_811, %get3A_812] {strides = array<i32>} : memref<8x2048xf32, #tpu.memory_space<vmem>>, vector<16xf32>,
        %bitcast3A_814 = vector.bitcast %get3A_813 : vector<16xf32> to vector<16xi32>
        %add3A_815 = arith.constant 176 : i32
        %add3A_816 = arith.addi %mul3A_695, %add3A_815 : i32
        %get3A_817 = arith.constant 2 : i32
        %get3A_818 = arith.constant 0 : i32
        %get3A_819 = arith.constant 0 : i32
        %get3A_820 = tpu.memref_slice %arg5[%scan3A_91, %get3A_818, %get3A_819] : memref<2x8x2048xf32, #tpu.memory_space<vmem>> -> memref<1x8x2048xf32, #tpu.memory_space<vmem>>
        %get3A_821 = tpu.memref_squeeze %get3A_820 : memref<1x8x2048xf32, #tpu.memory_space<vmem>> -> memref<8x2048xf32, #tpu.memory_space<vmem>>
        %get3A_822 = arith.index_cast %get3A_817 : i32 to index
        %get3A_823 = arith.index_cast %add3A_816 : i32 to index
        %get3A_824 = tpu.vector_load %get3A_821[%get3A_822, %get3A_823] {strides = array<i32>} : memref<8x2048xf32, #tpu.memory_space<vmem>>, vector<16xf32>,
        %bitcast3A_825 = vector.bitcast %get3A_824 : vector<16xf32> to vector<16xi32>
        %add3A_826 = arith.constant 192 : i32
        %add3A_827 = arith.addi %mul3A_695, %add3A_826 : i32
        %get3A_828 = arith.constant 2 : i32
        %get3A_829 = arith.constant 0 : i32
        %get3A_830 = arith.constant 0 : i32
        %get3A_831 = tpu.memref_slice %arg5[%scan3A_91, %get3A_829, %get3A_830] : memref<2x8x2048xf32, #tpu.memory_space<vmem>> -> memref<1x8x2048xf32, #tpu.memory_space<vmem>>
        %get3A_832 = tpu.memref_squeeze %get3A_831 : memref<1x8x2048xf32, #tpu.memory_space<vmem>> -> memref<8x2048xf32, #tpu.memory_space<vmem>>
        %get3A_833 = arith.index_cast %get3A_828 : i32 to index
        %get3A_834 = arith.index_cast %add3A_827 : i32 to index
        %get3A_835 = tpu.vector_load %get3A_832[%get3A_833, %get3A_834] {strides = array<i32>} : memref<8x2048xf32, #tpu.memory_space<vmem>>, vector<16xf32>,
        %bitcast3A_836 = vector.bitcast %get3A_835 : vector<16xf32> to vector<16xi32>
        %add3A_837 = arith.constant 208 : i32
        %add3A_838 = arith.addi %mul3A_695, %add3A_837 : i32
        %get3A_839 = arith.constant 2 : i32
        %get3A_840 = arith.constant 0 : i32
        %get3A_841 = arith.constant 0 : i32
        %get3A_842 = tpu.memref_slice %arg5[%scan3A_91, %get3A_840, %get3A_841] : memref<2x8x2048xf32, #tpu.memory_space<vmem>> -> memref<1x8x2048xf32, #tpu.memory_space<vmem>>
        %get3A_843 = tpu.memref_squeeze %get3A_842 : memref<1x8x2048xf32, #tpu.memory_space<vmem>> -> memref<8x2048xf32, #tpu.memory_space<vmem>>
        %get3A_844 = arith.index_cast %get3A_839 : i32 to index
        %get3A_845 = arith.index_cast %add3A_838 : i32 to index
        %get3A_846 = tpu.vector_load %get3A_843[%get3A_844, %get3A_845] {strides = array<i32>} : memref<8x2048xf32, #tpu.memory_space<vmem>>, vector<16xf32>,
        %bitcast3A_847 = vector.bitcast %get3A_846 : vector<16xf32> to vector<16xi32>
        %add3A_848 = arith.constant 224 : i32
        %add3A_849 = arith.addi %mul3A_695, %add3A_848 : i32
        %get3A_850 = arith.constant 2 : i32
        %get3A_851 = arith.constant 0 : i32
        %get3A_852 = arith.constant 0 : i32
        %get3A_853 = tpu.memref_slice %arg5[%scan3A_91, %get3A_851, %get3A_852] : memref<2x8x2048xf32, #tpu.memory_space<vmem>> -> memref<1x8x2048xf32, #tpu.memory_space<vmem>>
        %get3A_854 = tpu.memref_squeeze %get3A_853 : memref<1x8x2048xf32, #tpu.memory_space<vmem>> -> memref<8x2048xf32, #tpu.memory_space<vmem>>
        %get3A_855 = arith.index_cast %get3A_850 : i32 to index
        %get3A_856 = arith.index_cast %add3A_849 : i32 to index
        %get3A_857 = tpu.vector_load %get3A_854[%get3A_855, %get3A_856] {strides = array<i32>} : memref<8x2048xf32, #tpu.memory_space<vmem>>, vector<16xf32>,
        %bitcast3A_858 = vector.bitcast %get3A_857 : vector<16xf32> to vector<16xi32>
        %add3A_859 = arith.constant 240 : i32
        %add3A_860 = arith.addi %mul3A_695, %add3A_859 : i32
        %get3A_861 = arith.constant 2 : i32
        %get3A_862 = arith.constant 0 : i32
        %get3A_863 = arith.constant 0 : i32
        %get3A_864 = tpu.memref_slice %arg5[%scan3A_91, %get3A_862, %get3A_863] : memref<2x8x2048xf32, #tpu.memory_space<vmem>> -> memref<1x8x2048xf32, #tpu.memory_space<vmem>>
        %get3A_865 = tpu.memref_squeeze %get3A_864 : memref<1x8x2048xf32, #tpu.memory_space<vmem>> -> memref<8x2048xf32, #tpu.memory_space<vmem>>
        %get3A_866 = arith.index_cast %get3A_861 : i32 to index
        %get3A_867 = arith.index_cast %add3A_860 : i32 to index
        %get3A_868 = tpu.vector_load %get3A_865[%get3A_866, %get3A_867] {strides = array<i32>} : memref<8x2048xf32, #tpu.memory_space<vmem>>, vector<16xf32>,
        %bitcast3A_869 = vector.bitcast %get3A_868 : vector<16xf32> to vector<16xi32>
        %shift_right_logical3A = arith.constant 31 : i32
        %shift_right_logical3A_870 = vector.broadcast %shift_right_logical3A : i32 to vector<16xi32>
        %shift_right_logical3A_871 = arith.shrui %bitcast3A, %shift_right_logical3A_870 : vector<16xi32>
        %add3A_872 = arith.addi %scan3A_690, %shift_right_logical3A_871 : vector<16xi32>
        %shift_right_logical3A_873 = arith.constant 31 : i32
        %shift_right_logical3A_874 = vector.broadcast %shift_right_logical3A_873 : i32 to vector<16xi32>
        %shift_right_logical3A_875 = arith.shrui %bitcast3A_715, %shift_right_logical3A_874 : vector<16xi32>
        %add3A_876 = arith.addi %scan3A_691, %shift_right_logical3A_875 : vector<16xi32>
        %shift_right_logical3A_877 = arith.constant 31 : i32
        %shift_right_logical3A_878 = vector.broadcast %shift_right_logical3A_877 : i32 to vector<16xi32>
        %shift_right_logical3A_879 = arith.shrui %bitcast3A_726, %shift_right_logical3A_878 : vector<16xi32>
        %add3A_880 = arith.addi %scan3A_692, %shift_right_logical3A_879 : vector<16xi32>
        %shift_right_logical3A_881 = arith.constant 31 : i32
        %shift_right_logical3A_882 = vector.broadcast %shift_right_logical3A_881 : i32 to vector<16xi32>
        %shift_right_logical3A_883 = arith.shrui %bitcast3A_737, %shift_right_logical3A_882 : vector<16xi32>
        %add3A_884 = arith.addi %scan3A_693, %shift_right_logical3A_883 : vector<16xi32>
        %shift_right_logical3A_885 = arith.constant 31 : i32
        %shift_right_logical3A_886 = vector.broadcast %shift_right_logical3A_885 : i32 to vector<16xi32>
        %shift_right_logical3A_887 = arith.shrui %bitcast3A_748, %shift_right_logical3A_886 : vector<16xi32>
        %add3A_888 = arith.addi %add3A_872, %shift_right_logical3A_887 : vector<16xi32>
        %shift_right_logical3A_889 = arith.constant 31 : i32
        %shift_right_logical3A_890 = vector.broadcast %shift_right_logical3A_889 : i32 to vector<16xi32>
        %shift_right_logical3A_891 = arith.shrui %bitcast3A_759, %shift_right_logical3A_890 : vector<16xi32>
        %add3A_892 = arith.addi %add3A_876, %shift_right_logical3A_891 : vector<16xi32>
        %shift_right_logical3A_893 = arith.constant 31 : i32
        %shift_right_logical3A_894 = vector.broadcast %shift_right_logical3A_893 : i32 to vector<16xi32>
        %shift_right_logical3A_895 = arith.shrui %bitcast3A_770, %shift_right_logical3A_894 : vector<16xi32>
        %add3A_896 = arith.addi %add3A_880, %shift_right_logical3A_895 : vector<16xi32>
        %shift_right_logical3A_897 = arith.constant 31 : i32
        %shift_right_logical3A_898 = vector.broadcast %shift_right_logical3A_897 : i32 to vector<16xi32>
        %shift_right_logical3A_899 = arith.shrui %bitcast3A_781, %shift_right_logical3A_898 : vector<16xi32>
        %add3A_900 = arith.addi %add3A_884, %shift_right_logical3A_899 : vector<16xi32>
        %shift_right_logical3A_901 = arith.constant 31 : i32
        %shift_right_logical3A_902 = vector.broadcast %shift_right_logical3A_901 : i32 to vector<16xi32>
        %shift_right_logical3A_903 = arith.shrui %bitcast3A_792, %shift_right_logical3A_902 : vector<16xi32>
        %add3A_904 = arith.addi %add3A_888, %shift_right_logical3A_903 : vector<16xi32>
        %shift_right_logical3A_905 = arith.constant 31 : i32
        %shift_right_logical3A_906 = vector.broadcast %shift_right_logical3A_905 : i32 to vector<16xi32>
        %shift_right_logical3A_907 = arith.shrui %bitcast3A_803, %shift_right_logical3A_906 : vector<16xi32>
        %add3A_908 = arith.addi %add3A_892, %shift_right_logical3A_907 : vector<16xi32>
        %shift_right_logical3A_909 = arith.constant 31 : i32
        %shift_right_logical3A_910 = vector.broadcast %shift_right_logical3A_909 : i32 to vector<16xi32>
        %shift_right_logical3A_911 = arith.shrui %bitcast3A_814, %shift_right_logical3A_910 : vector<16xi32>
        %add3A_912 = arith.addi %add3A_896, %shift_right_logical3A_911 : vector<16xi32>
        %shift_right_logical3A_913 = arith.constant 31 : i32
        %shift_right_logical3A_914 = vector.broadcast %shift_right_logical3A_913 : i32 to vector<16xi32>
        %shift_right_logical3A_915 = arith.shrui %bitcast3A_825, %shift_right_logical3A_914 : vector<16xi32>
        %add3A_916 = arith.addi %add3A_900, %shift_right_logical3A_915 : vector<16xi32>
        %shift_right_logical3A_917 = arith.constant 31 : i32
        %shift_right_logical3A_918 = vector.broadcast %shift_right_logical3A_917 : i32 to vector<16xi32>
        %shift_right_logical3A_919 = arith.shrui %bitcast3A_836, %shift_right_logical3A_918 : vector<16xi32>
        %add3A_920 = arith.addi %add3A_904, %shift_right_logical3A_919 : vector<16xi32>
        %shift_right_logical3A_921 = arith.constant 31 : i32
        %shift_right_logical3A_922 = vector.broadcast %shift_right_logical3A_921 : i32 to vector<16xi32>
        %shift_right_logical3A_923 = arith.shrui %bitcast3A_847, %shift_right_logical3A_922 : vector<16xi32>
        %add3A_924 = arith.addi %add3A_908, %shift_right_logical3A_923 : vector<16xi32>
        %shift_right_logical3A_925 = arith.constant 31 : i32
        %shift_right_logical3A_926 = vector.broadcast %shift_right_logical3A_925 : i32 to vector<16xi32>
        %shift_right_logical3A_927 = arith.shrui %bitcast3A_858, %shift_right_logical3A_926 : vector<16xi32>
        %add3A_928 = arith.addi %add3A_912, %shift_right_logical3A_927 : vector<16xi32>
        %shift_right_logical3A_929 = arith.constant 31 : i32
        %shift_right_logical3A_930 = vector.broadcast %shift_right_logical3A_929 : i32 to vector<16xi32>
        %shift_right_logical3A_931 = arith.shrui %bitcast3A_869, %shift_right_logical3A_930 : vector<16xi32>
        %add3A_932 = arith.addi %add3A_916, %shift_right_logical3A_931 : vector<16xi32>
        scf.yield %add3A_920, %add3A_924, %add3A_928, %add3A_932 : vector<16xi32>, vector<16xi32>, vector<16xi32>, vector<16xi32>
      }
      %scan3A_97 = arith.constant 2 : i32
      %add3A_98 = arith.addi %scan3A_96#0, %scan3A_96#1 : vector<16xi32>
      %add3A_99 = arith.addi %scan3A_96#2, %scan3A_96#3 : vector<16xi32>
      %add3A_100 = arith.addi %add3A_98, %add3A_99 : vector<16xi32>
      %swap3A_101 = arith.constant 2 : i32
      %swap3A_102 = arith.index_cast %swap3A_101 : i32 to index
      %swap3A_103 = arith.constant 0 : index
      %swap3A_104 = tpu.vector_load %arg6[%swap3A_102, %swap3A_103] {strides = array<i32>} : memref<16x16xi32, #tpu.memory_space<vmem>>, vector<16xi32>,
      tpu.vector_store %arg6[%swap3A_102, %swap3A_103], %add3A_100 {strides = array<i32>} : memref<16x16xi32, #tpu.memory_space<vmem>>, vector<16xi32>,
      %broadcast_in_dim3A_105 = arith.constant 0 : i32
      %broadcast_in_dim3A_106 = vector.broadcast %broadcast_in_dim3A_105 : i32 to vector<16xi32>
      %scan3A_107 = arith.constant 0 : i32
      %scan3A_108 = arith.constant 0 : i32
      %scan3A_109 = arith.constant 2 : i32
      %scan3A_110 = arith.addi %scan3A_108, %scan3A_109 : i32
      %scan3A_111 = arith.constant 1 : i32
      %scan3A_112:4 = scf.for %scan3A_689 = %scan3A_108 to %scan3A_110 step %scan3A_111 iter_args(%scan3A_690 = %broadcast_in_dim3A_106, %scan3A_691 = %broadcast_in_dim3A_106, %scan3A_692 = %broadcast_in_dim3A_106, %scan3A_693 = %broadcast_in_dim3A_106) -> (vector<16xi32>, vector<16xi32>, vector<16xi32>, vector<16xi32>)  : i32 {
        %mul3A_694 = arith.constant 256 : i32
        %mul3A_695 = arith.muli %scan3A_689, %mul3A_694 : i32
        %add3A_696 = arith.constant 0 : i32
        %add3A_697 = arith.addi %mul3A_695, %add3A_696 : i32
        %get3A = arith.constant 3 : i32
        %get3A_698 = arith.constant 0 : i32
        %get3A_699 = arith.constant 0 : i32
        %get3A_700 = tpu.memref_slice %arg5[%scan3A_107, %get3A_698, %get3A_699] : memref<2x8x2048xf32, #tpu.memory_space<vmem>> -> memref<1x8x2048xf32, #tpu.memory_space<vmem>>
        %get3A_701 = tpu.memref_squeeze %get3A_700 : memref<1x8x2048xf32, #tpu.memory_space<vmem>> -> memref<8x2048xf32, #tpu.memory_space<vmem>>
        %get3A_702 = arith.index_cast %get3A : i32 to index
        %get3A_703 = arith.index_cast %add3A_697 : i32 to index
        %get3A_704 = tpu.vector_load %get3A_701[%get3A_702, %get3A_703] {strides = array<i32>} : memref<8x2048xf32, #tpu.memory_space<vmem>>, vector<16xf32>,
        %bitcast3A = vector.bitcast %get3A_704 : vector<16xf32> to vector<16xi32>
        %add3A_705 = arith.constant 16 : i32
        %add3A_706 = arith.addi %mul3A_695, %add3A_705 : i32
        %get3A_707 = arith.constant 3 : i32
        %get3A_708 = arith.constant 0 : i32
        %get3A_709 = arith.constant 0 : i32
        %get3A_710 = tpu.memref_slice %arg5[%scan3A_107, %get3A_708, %get3A_709] : memref<2x8x2048xf32, #tpu.memory_space<vmem>> -> memref<1x8x2048xf32, #tpu.memory_space<vmem>>
        %get3A_711 = tpu.memref_squeeze %get3A_710 : memref<1x8x2048xf32, #tpu.memory_space<vmem>> -> memref<8x2048xf32, #tpu.memory_space<vmem>>
        %get3A_712 = arith.index_cast %get3A_707 : i32 to index
        %get3A_713 = arith.index_cast %add3A_706 : i32 to index
        %get3A_714 = tpu.vector_load %get3A_711[%get3A_712, %get3A_713] {strides = array<i32>} : memref<8x2048xf32, #tpu.memory_space<vmem>>, vector<16xf32>,
        %bitcast3A_715 = vector.bitcast %get3A_714 : vector<16xf32> to vector<16xi32>
        %add3A_716 = arith.constant 32 : i32
        %add3A_717 = arith.addi %mul3A_695, %add3A_716 : i32
        %get3A_718 = arith.constant 3 : i32
        %get3A_719 = arith.constant 0 : i32
        %get3A_720 = arith.constant 0 : i32
        %get3A_721 = tpu.memref_slice %arg5[%scan3A_107, %get3A_719, %get3A_720] : memref<2x8x2048xf32, #tpu.memory_space<vmem>> -> memref<1x8x2048xf32, #tpu.memory_space<vmem>>
        %get3A_722 = tpu.memref_squeeze %get3A_721 : memref<1x8x2048xf32, #tpu.memory_space<vmem>> -> memref<8x2048xf32, #tpu.memory_space<vmem>>
        %get3A_723 = arith.index_cast %get3A_718 : i32 to index
        %get3A_724 = arith.index_cast %add3A_717 : i32 to index
        %get3A_725 = tpu.vector_load %get3A_722[%get3A_723, %get3A_724] {strides = array<i32>} : memref<8x2048xf32, #tpu.memory_space<vmem>>, vector<16xf32>,
        %bitcast3A_726 = vector.bitcast %get3A_725 : vector<16xf32> to vector<16xi32>
        %add3A_727 = arith.constant 48 : i32
        %add3A_728 = arith.addi %mul3A_695, %add3A_727 : i32
        %get3A_729 = arith.constant 3 : i32
        %get3A_730 = arith.constant 0 : i32
        %get3A_731 = arith.constant 0 : i32
        %get3A_732 = tpu.memref_slice %arg5[%scan3A_107, %get3A_730, %get3A_731] : memref<2x8x2048xf32, #tpu.memory_space<vmem>> -> memref<1x8x2048xf32, #tpu.memory_space<vmem>>
        %get3A_733 = tpu.memref_squeeze %get3A_732 : memref<1x8x2048xf32, #tpu.memory_space<vmem>> -> memref<8x2048xf32, #tpu.memory_space<vmem>>
        %get3A_734 = arith.index_cast %get3A_729 : i32 to index
        %get3A_735 = arith.index_cast %add3A_728 : i32 to index
        %get3A_736 = tpu.vector_load %get3A_733[%get3A_734, %get3A_735] {strides = array<i32>} : memref<8x2048xf32, #tpu.memory_space<vmem>>, vector<16xf32>,
        %bitcast3A_737 = vector.bitcast %get3A_736 : vector<16xf32> to vector<16xi32>
        %add3A_738 = arith.constant 64 : i32
        %add3A_739 = arith.addi %mul3A_695, %add3A_738 : i32
        %get3A_740 = arith.constant 3 : i32
        %get3A_741 = arith.constant 0 : i32
        %get3A_742 = arith.constant 0 : i32
        %get3A_743 = tpu.memref_slice %arg5[%scan3A_107, %get3A_741, %get3A_742] : memref<2x8x2048xf32, #tpu.memory_space<vmem>> -> memref<1x8x2048xf32, #tpu.memory_space<vmem>>
        %get3A_744 = tpu.memref_squeeze %get3A_743 : memref<1x8x2048xf32, #tpu.memory_space<vmem>> -> memref<8x2048xf32, #tpu.memory_space<vmem>>
        %get3A_745 = arith.index_cast %get3A_740 : i32 to index
        %get3A_746 = arith.index_cast %add3A_739 : i32 to index
        %get3A_747 = tpu.vector_load %get3A_744[%get3A_745, %get3A_746] {strides = array<i32>} : memref<8x2048xf32, #tpu.memory_space<vmem>>, vector<16xf32>,
        %bitcast3A_748 = vector.bitcast %get3A_747 : vector<16xf32> to vector<16xi32>
        %add3A_749 = arith.constant 80 : i32
        %add3A_750 = arith.addi %mul3A_695, %add3A_749 : i32
        %get3A_751 = arith.constant 3 : i32
        %get3A_752 = arith.constant 0 : i32
        %get3A_753 = arith.constant 0 : i32
        %get3A_754 = tpu.memref_slice %arg5[%scan3A_107, %get3A_752, %get3A_753] : memref<2x8x2048xf32, #tpu.memory_space<vmem>> -> memref<1x8x2048xf32, #tpu.memory_space<vmem>>
        %get3A_755 = tpu.memref_squeeze %get3A_754 : memref<1x8x2048xf32, #tpu.memory_space<vmem>> -> memref<8x2048xf32, #tpu.memory_space<vmem>>
        %get3A_756 = arith.index_cast %get3A_751 : i32 to index
        %get3A_757 = arith.index_cast %add3A_750 : i32 to index
        %get3A_758 = tpu.vector_load %get3A_755[%get3A_756, %get3A_757] {strides = array<i32>} : memref<8x2048xf32, #tpu.memory_space<vmem>>, vector<16xf32>,
        %bitcast3A_759 = vector.bitcast %get3A_758 : vector<16xf32> to vector<16xi32>
        %add3A_760 = arith.constant 96 : i32
        %add3A_761 = arith.addi %mul3A_695, %add3A_760 : i32
        %get3A_762 = arith.constant 3 : i32
        %get3A_763 = arith.constant 0 : i32
        %get3A_764 = arith.constant 0 : i32
        %get3A_765 = tpu.memref_slice %arg5[%scan3A_107, %get3A_763, %get3A_764] : memref<2x8x2048xf32, #tpu.memory_space<vmem>> -> memref<1x8x2048xf32, #tpu.memory_space<vmem>>
        %get3A_766 = tpu.memref_squeeze %get3A_765 : memref<1x8x2048xf32, #tpu.memory_space<vmem>> -> memref<8x2048xf32, #tpu.memory_space<vmem>>
        %get3A_767 = arith.index_cast %get3A_762 : i32 to index
        %get3A_768 = arith.index_cast %add3A_761 : i32 to index
        %get3A_769 = tpu.vector_load %get3A_766[%get3A_767, %get3A_768] {strides = array<i32>} : memref<8x2048xf32, #tpu.memory_space<vmem>>, vector<16xf32>,
        %bitcast3A_770 = vector.bitcast %get3A_769 : vector<16xf32> to vector<16xi32>
        %add3A_771 = arith.constant 112 : i32
        %add3A_772 = arith.addi %mul3A_695, %add3A_771 : i32
        %get3A_773 = arith.constant 3 : i32
        %get3A_774 = arith.constant 0 : i32
        %get3A_775 = arith.constant 0 : i32
        %get3A_776 = tpu.memref_slice %arg5[%scan3A_107, %get3A_774, %get3A_775] : memref<2x8x2048xf32, #tpu.memory_space<vmem>> -> memref<1x8x2048xf32, #tpu.memory_space<vmem>>
        %get3A_777 = tpu.memref_squeeze %get3A_776 : memref<1x8x2048xf32, #tpu.memory_space<vmem>> -> memref<8x2048xf32, #tpu.memory_space<vmem>>
        %get3A_778 = arith.index_cast %get3A_773 : i32 to index
        %get3A_779 = arith.index_cast %add3A_772 : i32 to index
        %get3A_780 = tpu.vector_load %get3A_777[%get3A_778, %get3A_779] {strides = array<i32>} : memref<8x2048xf32, #tpu.memory_space<vmem>>, vector<16xf32>,
        %bitcast3A_781 = vector.bitcast %get3A_780 : vector<16xf32> to vector<16xi32>
        %add3A_782 = arith.constant 128 : i32
        %add3A_783 = arith.addi %mul3A_695, %add3A_782 : i32
        %get3A_784 = arith.constant 3 : i32
        %get3A_785 = arith.constant 0 : i32
        %get3A_786 = arith.constant 0 : i32
        %get3A_787 = tpu.memref_slice %arg5[%scan3A_107, %get3A_785, %get3A_786] : memref<2x8x2048xf32, #tpu.memory_space<vmem>> -> memref<1x8x2048xf32, #tpu.memory_space<vmem>>
        %get3A_788 = tpu.memref_squeeze %get3A_787 : memref<1x8x2048xf32, #tpu.memory_space<vmem>> -> memref<8x2048xf32, #tpu.memory_space<vmem>>
        %get3A_789 = arith.index_cast %get3A_784 : i32 to index
        %get3A_790 = arith.index_cast %add3A_783 : i32 to index
        %get3A_791 = tpu.vector_load %get3A_788[%get3A_789, %get3A_790] {strides = array<i32>} : memref<8x2048xf32, #tpu.memory_space<vmem>>, vector<16xf32>,
        %bitcast3A_792 = vector.bitcast %get3A_791 : vector<16xf32> to vector<16xi32>
        %add3A_793 = arith.constant 144 : i32
        %add3A_794 = arith.addi %mul3A_695, %add3A_793 : i32
        %get3A_795 = arith.constant 3 : i32
        %get3A_796 = arith.constant 0 : i32
        %get3A_797 = arith.constant 0 : i32
        %get3A_798 = tpu.memref_slice %arg5[%scan3A_107, %get3A_796, %get3A_797] : memref<2x8x2048xf32, #tpu.memory_space<vmem>> -> memref<1x8x2048xf32, #tpu.memory_space<vmem>>
        %get3A_799 = tpu.memref_squeeze %get3A_798 : memref<1x8x2048xf32, #tpu.memory_space<vmem>> -> memref<8x2048xf32, #tpu.memory_space<vmem>>
        %get3A_800 = arith.index_cast %get3A_795 : i32 to index
        %get3A_801 = arith.index_cast %add3A_794 : i32 to index
        %get3A_802 = tpu.vector_load %get3A_799[%get3A_800, %get3A_801] {strides = array<i32>} : memref<8x2048xf32, #tpu.memory_space<vmem>>, vector<16xf32>,
        %bitcast3A_803 = vector.bitcast %get3A_802 : vector<16xf32> to vector<16xi32>
        %add3A_804 = arith.constant 160 : i32
        %add3A_805 = arith.addi %mul3A_695, %add3A_804 : i32
        %get3A_806 = arith.constant 3 : i32
        %get3A_807 = arith.constant 0 : i32
        %get3A_808 = arith.constant 0 : i32
        %get3A_809 = tpu.memref_slice %arg5[%scan3A_107, %get3A_807, %get3A_808] : memref<2x8x2048xf32, #tpu.memory_space<vmem>> -> memref<1x8x2048xf32, #tpu.memory_space<vmem>>
        %get3A_810 = tpu.memref_squeeze %get3A_809 : memref<1x8x2048xf32, #tpu.memory_space<vmem>> -> memref<8x2048xf32, #tpu.memory_space<vmem>>
        %get3A_811 = arith.index_cast %get3A_806 : i32 to index
        %get3A_812 = arith.index_cast %add3A_805 : i32 to index
        %get3A_813 = tpu.vector_load %get3A_810[%get3A_811, %get3A_812] {strides = array<i32>} : memref<8x2048xf32, #tpu.memory_space<vmem>>, vector<16xf32>,
        %bitcast3A_814 = vector.bitcast %get3A_813 : vector<16xf32> to vector<16xi32>
        %add3A_815 = arith.constant 176 : i32
        %add3A_816 = arith.addi %mul3A_695, %add3A_815 : i32
        %get3A_817 = arith.constant 3 : i32
        %get3A_818 = arith.constant 0 : i32
        %get3A_819 = arith.constant 0 : i32
        %get3A_820 = tpu.memref_slice %arg5[%scan3A_107, %get3A_818, %get3A_819] : memref<2x8x2048xf32, #tpu.memory_space<vmem>> -> memref<1x8x2048xf32, #tpu.memory_space<vmem>>
        %get3A_821 = tpu.memref_squeeze %get3A_820 : memref<1x8x2048xf32, #tpu.memory_space<vmem>> -> memref<8x2048xf32, #tpu.memory_space<vmem>>
        %get3A_822 = arith.index_cast %get3A_817 : i32 to index
        %get3A_823 = arith.index_cast %add3A_816 : i32 to index
        %get3A_824 = tpu.vector_load %get3A_821[%get3A_822, %get3A_823] {strides = array<i32>} : memref<8x2048xf32, #tpu.memory_space<vmem>>, vector<16xf32>,
        %bitcast3A_825 = vector.bitcast %get3A_824 : vector<16xf32> to vector<16xi32>
        %add3A_826 = arith.constant 192 : i32
        %add3A_827 = arith.addi %mul3A_695, %add3A_826 : i32
        %get3A_828 = arith.constant 3 : i32
        %get3A_829 = arith.constant 0 : i32
        %get3A_830 = arith.constant 0 : i32
        %get3A_831 = tpu.memref_slice %arg5[%scan3A_107, %get3A_829, %get3A_830] : memref<2x8x2048xf32, #tpu.memory_space<vmem>> -> memref<1x8x2048xf32, #tpu.memory_space<vmem>>
        %get3A_832 = tpu.memref_squeeze %get3A_831 : memref<1x8x2048xf32, #tpu.memory_space<vmem>> -> memref<8x2048xf32, #tpu.memory_space<vmem>>
        %get3A_833 = arith.index_cast %get3A_828 : i32 to index
        %get3A_834 = arith.index_cast %add3A_827 : i32 to index
        %get3A_835 = tpu.vector_load %get3A_832[%get3A_833, %get3A_834] {strides = array<i32>} : memref<8x2048xf32, #tpu.memory_space<vmem>>, vector<16xf32>,
        %bitcast3A_836 = vector.bitcast %get3A_835 : vector<16xf32> to vector<16xi32>
        %add3A_837 = arith.constant 208 : i32
        %add3A_838 = arith.addi %mul3A_695, %add3A_837 : i32
        %get3A_839 = arith.constant 3 : i32
        %get3A_840 = arith.constant 0 : i32
        %get3A_841 = arith.constant 0 : i32
        %get3A_842 = tpu.memref_slice %arg5[%scan3A_107, %get3A_840, %get3A_841] : memref<2x8x2048xf32, #tpu.memory_space<vmem>> -> memref<1x8x2048xf32, #tpu.memory_space<vmem>>
        %get3A_843 = tpu.memref_squeeze %get3A_842 : memref<1x8x2048xf32, #tpu.memory_space<vmem>> -> memref<8x2048xf32, #tpu.memory_space<vmem>>
        %get3A_844 = arith.index_cast %get3A_839 : i32 to index
        %get3A_845 = arith.index_cast %add3A_838 : i32 to index
        %get3A_846 = tpu.vector_load %get3A_843[%get3A_844, %get3A_845] {strides = array<i32>} : memref<8x2048xf32, #tpu.memory_space<vmem>>, vector<16xf32>,
        %bitcast3A_847 = vector.bitcast %get3A_846 : vector<16xf32> to vector<16xi32>
        %add3A_848 = arith.constant 224 : i32
        %add3A_849 = arith.addi %mul3A_695, %add3A_848 : i32
        %get3A_850 = arith.constant 3 : i32
        %get3A_851 = arith.constant 0 : i32
        %get3A_852 = arith.constant 0 : i32
        %get3A_853 = tpu.memref_slice %arg5[%scan3A_107, %get3A_851, %get3A_852] : memref<2x8x2048xf32, #tpu.memory_space<vmem>> -> memref<1x8x2048xf32, #tpu.memory_space<vmem>>
        %get3A_854 = tpu.memref_squeeze %get3A_853 : memref<1x8x2048xf32, #tpu.memory_space<vmem>> -> memref<8x2048xf32, #tpu.memory_space<vmem>>
        %get3A_855 = arith.index_cast %get3A_850 : i32 to index
        %get3A_856 = arith.index_cast %add3A_849 : i32 to index
        %get3A_857 = tpu.vector_load %get3A_854[%get3A_855, %get3A_856] {strides = array<i32>} : memref<8x2048xf32, #tpu.memory_space<vmem>>, vector<16xf32>,
        %bitcast3A_858 = vector.bitcast %get3A_857 : vector<16xf32> to vector<16xi32>
        %add3A_859 = arith.constant 240 : i32
        %add3A_860 = arith.addi %mul3A_695, %add3A_859 : i32
        %get3A_861 = arith.constant 3 : i32
        %get3A_862 = arith.constant 0 : i32
        %get3A_863 = arith.constant 0 : i32
        %get3A_864 = tpu.memref_slice %arg5[%scan3A_107, %get3A_862, %get3A_863] : memref<2x8x2048xf32, #tpu.memory_space<vmem>> -> memref<1x8x2048xf32, #tpu.memory_space<vmem>>
        %get3A_865 = tpu.memref_squeeze %get3A_864 : memref<1x8x2048xf32, #tpu.memory_space<vmem>> -> memref<8x2048xf32, #tpu.memory_space<vmem>>
        %get3A_866 = arith.index_cast %get3A_861 : i32 to index
        %get3A_867 = arith.index_cast %add3A_860 : i32 to index
        %get3A_868 = tpu.vector_load %get3A_865[%get3A_866, %get3A_867] {strides = array<i32>} : memref<8x2048xf32, #tpu.memory_space<vmem>>, vector<16xf32>,
        %bitcast3A_869 = vector.bitcast %get3A_868 : vector<16xf32> to vector<16xi32>
        %shift_right_logical3A = arith.constant 31 : i32
        %shift_right_logical3A_870 = vector.broadcast %shift_right_logical3A : i32 to vector<16xi32>
        %shift_right_logical3A_871 = arith.shrui %bitcast3A, %shift_right_logical3A_870 : vector<16xi32>
        %add3A_872 = arith.addi %scan3A_690, %shift_right_logical3A_871 : vector<16xi32>
        %shift_right_logical3A_873 = arith.constant 31 : i32
        %shift_right_logical3A_874 = vector.broadcast %shift_right_logical3A_873 : i32 to vector<16xi32>
        %shift_right_logical3A_875 = arith.shrui %bitcast3A_715, %shift_right_logical3A_874 : vector<16xi32>
        %add3A_876 = arith.addi %scan3A_691, %shift_right_logical3A_875 : vector<16xi32>
        %shift_right_logical3A_877 = arith.constant 31 : i32
        %shift_right_logical3A_878 = vector.broadcast %shift_right_logical3A_877 : i32 to vector<16xi32>
        %shift_right_logical3A_879 = arith.shrui %bitcast3A_726, %shift_right_logical3A_878 : vector<16xi32>
        %add3A_880 = arith.addi %scan3A_692, %shift_right_logical3A_879 : vector<16xi32>
        %shift_right_logical3A_881 = arith.constant 31 : i32
        %shift_right_logical3A_882 = vector.broadcast %shift_right_logical3A_881 : i32 to vector<16xi32>
        %shift_right_logical3A_883 = arith.shrui %bitcast3A_737, %shift_right_logical3A_882 : vector<16xi32>
        %add3A_884 = arith.addi %scan3A_693, %shift_right_logical3A_883 : vector<16xi32>
        %shift_right_logical3A_885 = arith.constant 31 : i32
        %shift_right_logical3A_886 = vector.broadcast %shift_right_logical3A_885 : i32 to vector<16xi32>
        %shift_right_logical3A_887 = arith.shrui %bitcast3A_748, %shift_right_logical3A_886 : vector<16xi32>
        %add3A_888 = arith.addi %add3A_872, %shift_right_logical3A_887 : vector<16xi32>
        %shift_right_logical3A_889 = arith.constant 31 : i32
        %shift_right_logical3A_890 = vector.broadcast %shift_right_logical3A_889 : i32 to vector<16xi32>
        %shift_right_logical3A_891 = arith.shrui %bitcast3A_759, %shift_right_logical3A_890 : vector<16xi32>
        %add3A_892 = arith.addi %add3A_876, %shift_right_logical3A_891 : vector<16xi32>
        %shift_right_logical3A_893 = arith.constant 31 : i32
        %shift_right_logical3A_894 = vector.broadcast %shift_right_logical3A_893 : i32 to vector<16xi32>
        %shift_right_logical3A_895 = arith.shrui %bitcast3A_770, %shift_right_logical3A_894 : vector<16xi32>
        %add3A_896 = arith.addi %add3A_880, %shift_right_logical3A_895 : vector<16xi32>
        %shift_right_logical3A_897 = arith.constant 31 : i32
        %shift_right_logical3A_898 = vector.broadcast %shift_right_logical3A_897 : i32 to vector<16xi32>
        %shift_right_logical3A_899 = arith.shrui %bitcast3A_781, %shift_right_logical3A_898 : vector<16xi32>
        %add3A_900 = arith.addi %add3A_884, %shift_right_logical3A_899 : vector<16xi32>
        %shift_right_logical3A_901 = arith.constant 31 : i32
        %shift_right_logical3A_902 = vector.broadcast %shift_right_logical3A_901 : i32 to vector<16xi32>
        %shift_right_logical3A_903 = arith.shrui %bitcast3A_792, %shift_right_logical3A_902 : vector<16xi32>
        %add3A_904 = arith.addi %add3A_888, %shift_right_logical3A_903 : vector<16xi32>
        %shift_right_logical3A_905 = arith.constant 31 : i32
        %shift_right_logical3A_906 = vector.broadcast %shift_right_logical3A_905 : i32 to vector<16xi32>
        %shift_right_logical3A_907 = arith.shrui %bitcast3A_803, %shift_right_logical3A_906 : vector<16xi32>
        %add3A_908 = arith.addi %add3A_892, %shift_right_logical3A_907 : vector<16xi32>
        %shift_right_logical3A_909 = arith.constant 31 : i32
        %shift_right_logical3A_910 = vector.broadcast %shift_right_logical3A_909 : i32 to vector<16xi32>
        %shift_right_logical3A_911 = arith.shrui %bitcast3A_814, %shift_right_logical3A_910 : vector<16xi32>
        %add3A_912 = arith.addi %add3A_896, %shift_right_logical3A_911 : vector<16xi32>
        %shift_right_logical3A_913 = arith.constant 31 : i32
        %shift_right_logical3A_914 = vector.broadcast %shift_right_logical3A_913 : i32 to vector<16xi32>
        %shift_right_logical3A_915 = arith.shrui %bitcast3A_825, %shift_right_logical3A_914 : vector<16xi32>
        %add3A_916 = arith.addi %add3A_900, %shift_right_logical3A_915 : vector<16xi32>
        %shift_right_logical3A_917 = arith.constant 31 : i32
        %shift_right_logical3A_918 = vector.broadcast %shift_right_logical3A_917 : i32 to vector<16xi32>
        %shift_right_logical3A_919 = arith.shrui %bitcast3A_836, %shift_right_logical3A_918 : vector<16xi32>
        %add3A_920 = arith.addi %add3A_904, %shift_right_logical3A_919 : vector<16xi32>
        %shift_right_logical3A_921 = arith.constant 31 : i32
        %shift_right_logical3A_922 = vector.broadcast %shift_right_logical3A_921 : i32 to vector<16xi32>
        %shift_right_logical3A_923 = arith.shrui %bitcast3A_847, %shift_right_logical3A_922 : vector<16xi32>
        %add3A_924 = arith.addi %add3A_908, %shift_right_logical3A_923 : vector<16xi32>
        %shift_right_logical3A_925 = arith.constant 31 : i32
        %shift_right_logical3A_926 = vector.broadcast %shift_right_logical3A_925 : i32 to vector<16xi32>
        %shift_right_logical3A_927 = arith.shrui %bitcast3A_858, %shift_right_logical3A_926 : vector<16xi32>
        %add3A_928 = arith.addi %add3A_912, %shift_right_logical3A_927 : vector<16xi32>
        %shift_right_logical3A_929 = arith.constant 31 : i32
        %shift_right_logical3A_930 = vector.broadcast %shift_right_logical3A_929 : i32 to vector<16xi32>
        %shift_right_logical3A_931 = arith.shrui %bitcast3A_869, %shift_right_logical3A_930 : vector<16xi32>
        %add3A_932 = arith.addi %add3A_916, %shift_right_logical3A_931 : vector<16xi32>
        scf.yield %add3A_920, %add3A_924, %add3A_928, %add3A_932 : vector<16xi32>, vector<16xi32>, vector<16xi32>, vector<16xi32>
      }
      %scan3A_113 = arith.constant 2 : i32
      %add3A_114 = arith.addi %scan3A_112#0, %scan3A_112#1 : vector<16xi32>
      %add3A_115 = arith.addi %scan3A_112#2, %scan3A_112#3 : vector<16xi32>
      %add3A_116 = arith.addi %add3A_114, %add3A_115 : vector<16xi32>
      %swap3A_117 = arith.constant 3 : i32
      %swap3A_118 = arith.index_cast %swap3A_117 : i32 to index
      %swap3A_119 = arith.constant 0 : index
      %swap3A_120 = tpu.vector_load %arg6[%swap3A_118, %swap3A_119] {strides = array<i32>} : memref<16x16xi32, #tpu.memory_space<vmem>>, vector<16xi32>,
      tpu.vector_store %arg6[%swap3A_118, %swap3A_119], %add3A_116 {strides = array<i32>} : memref<16x16xi32, #tpu.memory_space<vmem>>, vector<16xi32>,
      %broadcast_in_dim3A_121 = arith.constant 0 : i32
      %broadcast_in_dim3A_122 = vector.broadcast %broadcast_in_dim3A_121 : i32 to vector<16xi32>
      %scan3A_123 = arith.constant 0 : i32
      %scan3A_124 = arith.constant 0 : i32
      %scan3A_125 = arith.constant 2 : i32
      %scan3A_126 = arith.addi %scan3A_124, %scan3A_125 : i32
      %scan3A_127 = arith.constant 1 : i32
      %scan3A_128:4 = scf.for %scan3A_689 = %scan3A_124 to %scan3A_126 step %scan3A_127 iter_args(%scan3A_690 = %broadcast_in_dim3A_122, %scan3A_691 = %broadcast_in_dim3A_122, %scan3A_692 = %broadcast_in_dim3A_122, %scan3A_693 = %broadcast_in_dim3A_122) -> (vector<16xi32>, vector<16xi32>, vector<16xi32>, vector<16xi32>)  : i32 {
        %mul3A_694 = arith.constant 256 : i32
        %mul3A_695 = arith.muli %scan3A_689, %mul3A_694 : i32
        %add3A_696 = arith.constant 0 : i32
        %add3A_697 = arith.addi %mul3A_695, %add3A_696 : i32
        %get3A = arith.constant 4 : i32
        %get3A_698 = arith.constant 0 : i32
        %get3A_699 = arith.constant 0 : i32
        %get3A_700 = tpu.memref_slice %arg5[%scan3A_123, %get3A_698, %get3A_699] : memref<2x8x2048xf32, #tpu.memory_space<vmem>> -> memref<1x8x2048xf32, #tpu.memory_space<vmem>>
        %get3A_701 = tpu.memref_squeeze %get3A_700 : memref<1x8x2048xf32, #tpu.memory_space<vmem>> -> memref<8x2048xf32, #tpu.memory_space<vmem>>
        %get3A_702 = arith.index_cast %get3A : i32 to index
        %get3A_703 = arith.index_cast %add3A_697 : i32 to index
        %get3A_704 = tpu.vector_load %get3A_701[%get3A_702, %get3A_703] {strides = array<i32>} : memref<8x2048xf32, #tpu.memory_space<vmem>>, vector<16xf32>,
        %bitcast3A = vector.bitcast %get3A_704 : vector<16xf32> to vector<16xi32>
        %add3A_705 = arith.constant 16 : i32
        %add3A_706 = arith.addi %mul3A_695, %add3A_705 : i32
        %get3A_707 = arith.constant 4 : i32
        %get3A_708 = arith.constant 0 : i32
        %get3A_709 = arith.constant 0 : i32
        %get3A_710 = tpu.memref_slice %arg5[%scan3A_123, %get3A_708, %get3A_709] : memref<2x8x2048xf32, #tpu.memory_space<vmem>> -> memref<1x8x2048xf32, #tpu.memory_space<vmem>>
        %get3A_711 = tpu.memref_squeeze %get3A_710 : memref<1x8x2048xf32, #tpu.memory_space<vmem>> -> memref<8x2048xf32, #tpu.memory_space<vmem>>
        %get3A_712 = arith.index_cast %get3A_707 : i32 to index
        %get3A_713 = arith.index_cast %add3A_706 : i32 to index
        %get3A_714 = tpu.vector_load %get3A_711[%get3A_712, %get3A_713] {strides = array<i32>} : memref<8x2048xf32, #tpu.memory_space<vmem>>, vector<16xf32>,
        %bitcast3A_715 = vector.bitcast %get3A_714 : vector<16xf32> to vector<16xi32>
        %add3A_716 = arith.constant 32 : i32
        %add3A_717 = arith.addi %mul3A_695, %add3A_716 : i32
        %get3A_718 = arith.constant 4 : i32
        %get3A_719 = arith.constant 0 : i32
        %get3A_720 = arith.constant 0 : i32
        %get3A_721 = tpu.memref_slice %arg5[%scan3A_123, %get3A_719, %get3A_720] : memref<2x8x2048xf32, #tpu.memory_space<vmem>> -> memref<1x8x2048xf32, #tpu.memory_space<vmem>>
        %get3A_722 = tpu.memref_squeeze %get3A_721 : memref<1x8x2048xf32, #tpu.memory_space<vmem>> -> memref<8x2048xf32, #tpu.memory_space<vmem>>
        %get3A_723 = arith.index_cast %get3A_718 : i32 to index
        %get3A_724 = arith.index_cast %add3A_717 : i32 to index
        %get3A_725 = tpu.vector_load %get3A_722[%get3A_723, %get3A_724] {strides = array<i32>} : memref<8x2048xf32, #tpu.memory_space<vmem>>, vector<16xf32>,
        %bitcast3A_726 = vector.bitcast %get3A_725 : vector<16xf32> to vector<16xi32>
        %add3A_727 = arith.constant 48 : i32
        %add3A_728 = arith.addi %mul3A_695, %add3A_727 : i32
        %get3A_729 = arith.constant 4 : i32
        %get3A_730 = arith.constant 0 : i32
        %get3A_731 = arith.constant 0 : i32
        %get3A_732 = tpu.memref_slice %arg5[%scan3A_123, %get3A_730, %get3A_731] : memref<2x8x2048xf32, #tpu.memory_space<vmem>> -> memref<1x8x2048xf32, #tpu.memory_space<vmem>>
        %get3A_733 = tpu.memref_squeeze %get3A_732 : memref<1x8x2048xf32, #tpu.memory_space<vmem>> -> memref<8x2048xf32, #tpu.memory_space<vmem>>
        %get3A_734 = arith.index_cast %get3A_729 : i32 to index
        %get3A_735 = arith.index_cast %add3A_728 : i32 to index
        %get3A_736 = tpu.vector_load %get3A_733[%get3A_734, %get3A_735] {strides = array<i32>} : memref<8x2048xf32, #tpu.memory_space<vmem>>, vector<16xf32>,
        %bitcast3A_737 = vector.bitcast %get3A_736 : vector<16xf32> to vector<16xi32>
        %add3A_738 = arith.constant 64 : i32
        %add3A_739 = arith.addi %mul3A_695, %add3A_738 : i32
        %get3A_740 = arith.constant 4 : i32
        %get3A_741 = arith.constant 0 : i32
        %get3A_742 = arith.constant 0 : i32
        %get3A_743 = tpu.memref_slice %arg5[%scan3A_123, %get3A_741, %get3A_742] : memref<2x8x2048xf32, #tpu.memory_space<vmem>> -> memref<1x8x2048xf32, #tpu.memory_space<vmem>>
        %get3A_744 = tpu.memref_squeeze %get3A_743 : memref<1x8x2048xf32, #tpu.memory_space<vmem>> -> memref<8x2048xf32, #tpu.memory_space<vmem>>
        %get3A_745 = arith.index_cast %get3A_740 : i32 to index
        %get3A_746 = arith.index_cast %add3A_739 : i32 to index
        %get3A_747 = tpu.vector_load %get3A_744[%get3A_745, %get3A_746] {strides = array<i32>} : memref<8x2048xf32, #tpu.memory_space<vmem>>, vector<16xf32>,
        %bitcast3A_748 = vector.bitcast %get3A_747 : vector<16xf32> to vector<16xi32>
        %add3A_749 = arith.constant 80 : i32
        %add3A_750 = arith.addi %mul3A_695, %add3A_749 : i32
        %get3A_751 = arith.constant 4 : i32
        %get3A_752 = arith.constant 0 : i32
        %get3A_753 = arith.constant 0 : i32
        %get3A_754 = tpu.memref_slice %arg5[%scan3A_123, %get3A_752, %get3A_753] : memref<2x8x2048xf32, #tpu.memory_space<vmem>> -> memref<1x8x2048xf32, #tpu.memory_space<vmem>>
        %get3A_755 = tpu.memref_squeeze %get3A_754 : memref<1x8x2048xf32, #tpu.memory_space<vmem>> -> memref<8x2048xf32, #tpu.memory_space<vmem>>
        %get3A_756 = arith.index_cast %get3A_751 : i32 to index
        %get3A_757 = arith.index_cast %add3A_750 : i32 to index
        %get3A_758 = tpu.vector_load %get3A_755[%get3A_756, %get3A_757] {strides = array<i32>} : memref<8x2048xf32, #tpu.memory_space<vmem>>, vector<16xf32>,
        %bitcast3A_759 = vector.bitcast %get3A_758 : vector<16xf32> to vector<16xi32>
        %add3A_760 = arith.constant 96 : i32
        %add3A_761 = arith.addi %mul3A_695, %add3A_760 : i32
        %get3A_762 = arith.constant 4 : i32
        %get3A_763 = arith.constant 0 : i32
        %get3A_764 = arith.constant 0 : i32
        %get3A_765 = tpu.memref_slice %arg5[%scan3A_123, %get3A_763, %get3A_764] : memref<2x8x2048xf32, #tpu.memory_space<vmem>> -> memref<1x8x2048xf32, #tpu.memory_space<vmem>>
        %get3A_766 = tpu.memref_squeeze %get3A_765 : memref<1x8x2048xf32, #tpu.memory_space<vmem>> -> memref<8x2048xf32, #tpu.memory_space<vmem>>
        %get3A_767 = arith.index_cast %get3A_762 : i32 to index
        %get3A_768 = arith.index_cast %add3A_761 : i32 to index
        %get3A_769 = tpu.vector_load %get3A_766[%get3A_767, %get3A_768] {strides = array<i32>} : memref<8x2048xf32, #tpu.memory_space<vmem>>, vector<16xf32>,
        %bitcast3A_770 = vector.bitcast %get3A_769 : vector<16xf32> to vector<16xi32>
        %add3A_771 = arith.constant 112 : i32
        %add3A_772 = arith.addi %mul3A_695, %add3A_771 : i32
        %get3A_773 = arith.constant 4 : i32
        %get3A_774 = arith.constant 0 : i32
        %get3A_775 = arith.constant 0 : i32
        %get3A_776 = tpu.memref_slice %arg5[%scan3A_123, %get3A_774, %get3A_775] : memref<2x8x2048xf32, #tpu.memory_space<vmem>> -> memref<1x8x2048xf32, #tpu.memory_space<vmem>>
        %get3A_777 = tpu.memref_squeeze %get3A_776 : memref<1x8x2048xf32, #tpu.memory_space<vmem>> -> memref<8x2048xf32, #tpu.memory_space<vmem>>
        %get3A_778 = arith.index_cast %get3A_773 : i32 to index
        %get3A_779 = arith.index_cast %add3A_772 : i32 to index
        %get3A_780 = tpu.vector_load %get3A_777[%get3A_778, %get3A_779] {strides = array<i32>} : memref<8x2048xf32, #tpu.memory_space<vmem>>, vector<16xf32>,
        %bitcast3A_781 = vector.bitcast %get3A_780 : vector<16xf32> to vector<16xi32>
        %add3A_782 = arith.constant 128 : i32
        %add3A_783 = arith.addi %mul3A_695, %add3A_782 : i32
        %get3A_784 = arith.constant 4 : i32
        %get3A_785 = arith.constant 0 : i32
        %get3A_786 = arith.constant 0 : i32
        %get3A_787 = tpu.memref_slice %arg5[%scan3A_123, %get3A_785, %get3A_786] : memref<2x8x2048xf32, #tpu.memory_space<vmem>> -> memref<1x8x2048xf32, #tpu.memory_space<vmem>>
        %get3A_788 = tpu.memref_squeeze %get3A_787 : memref<1x8x2048xf32, #tpu.memory_space<vmem>> -> memref<8x2048xf32, #tpu.memory_space<vmem>>
        %get3A_789 = arith.index_cast %get3A_784 : i32 to index
        %get3A_790 = arith.index_cast %add3A_783 : i32 to index
        %get3A_791 = tpu.vector_load %get3A_788[%get3A_789, %get3A_790] {strides = array<i32>} : memref<8x2048xf32, #tpu.memory_space<vmem>>, vector<16xf32>,
        %bitcast3A_792 = vector.bitcast %get3A_791 : vector<16xf32> to vector<16xi32>
        %add3A_793 = arith.constant 144 : i32
        %add3A_794 = arith.addi %mul3A_695, %add3A_793 : i32
        %get3A_795 = arith.constant 4 : i32
        %get3A_796 = arith.constant 0 : i32
        %get3A_797 = arith.constant 0 : i32
        %get3A_798 = tpu.memref_slice %arg5[%scan3A_123, %get3A_796, %get3A_797] : memref<2x8x2048xf32, #tpu.memory_space<vmem>> -> memref<1x8x2048xf32, #tpu.memory_space<vmem>>
        %get3A_799 = tpu.memref_squeeze %get3A_798 : memref<1x8x2048xf32, #tpu.memory_space<vmem>> -> memref<8x2048xf32, #tpu.memory_space<vmem>>
        %get3A_800 = arith.index_cast %get3A_795 : i32 to index
        %get3A_801 = arith.index_cast %add3A_794 : i32 to index
        %get3A_802 = tpu.vector_load %get3A_799[%get3A_800, %get3A_801] {strides = array<i32>} : memref<8x2048xf32, #tpu.memory_space<vmem>>, vector<16xf32>,
        %bitcast3A_803 = vector.bitcast %get3A_802 : vector<16xf32> to vector<16xi32>
        %add3A_804 = arith.constant 160 : i32
        %add3A_805 = arith.addi %mul3A_695, %add3A_804 : i32
        %get3A_806 = arith.constant 4 : i32
        %get3A_807 = arith.constant 0 : i32
        %get3A_808 = arith.constant 0 : i32
        %get3A_809 = tpu.memref_slice %arg5[%scan3A_123, %get3A_807, %get3A_808] : memref<2x8x2048xf32, #tpu.memory_space<vmem>> -> memref<1x8x2048xf32, #tpu.memory_space<vmem>>
        %get3A_810 = tpu.memref_squeeze %get3A_809 : memref<1x8x2048xf32, #tpu.memory_space<vmem>> -> memref<8x2048xf32, #tpu.memory_space<vmem>>
        %get3A_811 = arith.index_cast %get3A_806 : i32 to index
        %get3A_812 = arith.index_cast %add3A_805 : i32 to index
        %get3A_813 = tpu.vector_load %get3A_810[%get3A_811, %get3A_812] {strides = array<i32>} : memref<8x2048xf32, #tpu.memory_space<vmem>>, vector<16xf32>,
        %bitcast3A_814 = vector.bitcast %get3A_813 : vector<16xf32> to vector<16xi32>
        %add3A_815 = arith.constant 176 : i32
        %add3A_816 = arith.addi %mul3A_695, %add3A_815 : i32
        %get3A_817 = arith.constant 4 : i32
        %get3A_818 = arith.constant 0 : i32
        %get3A_819 = arith.constant 0 : i32
        %get3A_820 = tpu.memref_slice %arg5[%scan3A_123, %get3A_818, %get3A_819] : memref<2x8x2048xf32, #tpu.memory_space<vmem>> -> memref<1x8x2048xf32, #tpu.memory_space<vmem>>
        %get3A_821 = tpu.memref_squeeze %get3A_820 : memref<1x8x2048xf32, #tpu.memory_space<vmem>> -> memref<8x2048xf32, #tpu.memory_space<vmem>>
        %get3A_822 = arith.index_cast %get3A_817 : i32 to index
        %get3A_823 = arith.index_cast %add3A_816 : i32 to index
        %get3A_824 = tpu.vector_load %get3A_821[%get3A_822, %get3A_823] {strides = array<i32>} : memref<8x2048xf32, #tpu.memory_space<vmem>>, vector<16xf32>,
        %bitcast3A_825 = vector.bitcast %get3A_824 : vector<16xf32> to vector<16xi32>
        %add3A_826 = arith.constant 192 : i32
        %add3A_827 = arith.addi %mul3A_695, %add3A_826 : i32
        %get3A_828 = arith.constant 4 : i32
        %get3A_829 = arith.constant 0 : i32
        %get3A_830 = arith.constant 0 : i32
        %get3A_831 = tpu.memref_slice %arg5[%scan3A_123, %get3A_829, %get3A_830] : memref<2x8x2048xf32, #tpu.memory_space<vmem>> -> memref<1x8x2048xf32, #tpu.memory_space<vmem>>
        %get3A_832 = tpu.memref_squeeze %get3A_831 : memref<1x8x2048xf32, #tpu.memory_space<vmem>> -> memref<8x2048xf32, #tpu.memory_space<vmem>>
        %get3A_833 = arith.index_cast %get3A_828 : i32 to index
        %get3A_834 = arith.index_cast %add3A_827 : i32 to index
        %get3A_835 = tpu.vector_load %get3A_832[%get3A_833, %get3A_834] {strides = array<i32>} : memref<8x2048xf32, #tpu.memory_space<vmem>>, vector<16xf32>,
        %bitcast3A_836 = vector.bitcast %get3A_835 : vector<16xf32> to vector<16xi32>
        %add3A_837 = arith.constant 208 : i32
        %add3A_838 = arith.addi %mul3A_695, %add3A_837 : i32
        %get3A_839 = arith.constant 4 : i32
        %get3A_840 = arith.constant 0 : i32
        %get3A_841 = arith.constant 0 : i32
        %get3A_842 = tpu.memref_slice %arg5[%scan3A_123, %get3A_840, %get3A_841] : memref<2x8x2048xf32, #tpu.memory_space<vmem>> -> memref<1x8x2048xf32, #tpu.memory_space<vmem>>
        %get3A_843 = tpu.memref_squeeze %get3A_842 : memref<1x8x2048xf32, #tpu.memory_space<vmem>> -> memref<8x2048xf32, #tpu.memory_space<vmem>>
        %get3A_844 = arith.index_cast %get3A_839 : i32 to index
        %get3A_845 = arith.index_cast %add3A_838 : i32 to index
        %get3A_846 = tpu.vector_load %get3A_843[%get3A_844, %get3A_845] {strides = array<i32>} : memref<8x2048xf32, #tpu.memory_space<vmem>>, vector<16xf32>,
        %bitcast3A_847 = vector.bitcast %get3A_846 : vector<16xf32> to vector<16xi32>
        %add3A_848 = arith.constant 224 : i32
        %add3A_849 = arith.addi %mul3A_695, %add3A_848 : i32
        %get3A_850 = arith.constant 4 : i32
        %get3A_851 = arith.constant 0 : i32
        %get3A_852 = arith.constant 0 : i32
        %get3A_853 = tpu.memref_slice %arg5[%scan3A_123, %get3A_851, %get3A_852] : memref<2x8x2048xf32, #tpu.memory_space<vmem>> -> memref<1x8x2048xf32, #tpu.memory_space<vmem>>
        %get3A_854 = tpu.memref_squeeze %get3A_853 : memref<1x8x2048xf32, #tpu.memory_space<vmem>> -> memref<8x2048xf32, #tpu.memory_space<vmem>>
        %get3A_855 = arith.index_cast %get3A_850 : i32 to index
        %get3A_856 = arith.index_cast %add3A_849 : i32 to index
        %get3A_857 = tpu.vector_load %get3A_854[%get3A_855, %get3A_856] {strides = array<i32>} : memref<8x2048xf32, #tpu.memory_space<vmem>>, vector<16xf32>,
        %bitcast3A_858 = vector.bitcast %get3A_857 : vector<16xf32> to vector<16xi32>
        %add3A_859 = arith.constant 240 : i32
        %add3A_860 = arith.addi %mul3A_695, %add3A_859 : i32
        %get3A_861 = arith.constant 4 : i32
        %get3A_862 = arith.constant 0 : i32
        %get3A_863 = arith.constant 0 : i32
        %get3A_864 = tpu.memref_slice %arg5[%scan3A_123, %get3A_862, %get3A_863] : memref<2x8x2048xf32, #tpu.memory_space<vmem>> -> memref<1x8x2048xf32, #tpu.memory_space<vmem>>
        %get3A_865 = tpu.memref_squeeze %get3A_864 : memref<1x8x2048xf32, #tpu.memory_space<vmem>> -> memref<8x2048xf32, #tpu.memory_space<vmem>>
        %get3A_866 = arith.index_cast %get3A_861 : i32 to index
        %get3A_867 = arith.index_cast %add3A_860 : i32 to index
        %get3A_868 = tpu.vector_load %get3A_865[%get3A_866, %get3A_867] {strides = array<i32>} : memref<8x2048xf32, #tpu.memory_space<vmem>>, vector<16xf32>,
        %bitcast3A_869 = vector.bitcast %get3A_868 : vector<16xf32> to vector<16xi32>
        %shift_right_logical3A = arith.constant 31 : i32
        %shift_right_logical3A_870 = vector.broadcast %shift_right_logical3A : i32 to vector<16xi32>
        %shift_right_logical3A_871 = arith.shrui %bitcast3A, %shift_right_logical3A_870 : vector<16xi32>
        %add3A_872 = arith.addi %scan3A_690, %shift_right_logical3A_871 : vector<16xi32>
        %shift_right_logical3A_873 = arith.constant 31 : i32
        %shift_right_logical3A_874 = vector.broadcast %shift_right_logical3A_873 : i32 to vector<16xi32>
        %shift_right_logical3A_875 = arith.shrui %bitcast3A_715, %shift_right_logical3A_874 : vector<16xi32>
        %add3A_876 = arith.addi %scan3A_691, %shift_right_logical3A_875 : vector<16xi32>
        %shift_right_logical3A_877 = arith.constant 31 : i32
        %shift_right_logical3A_878 = vector.broadcast %shift_right_logical3A_877 : i32 to vector<16xi32>
        %shift_right_logical3A_879 = arith.shrui %bitcast3A_726, %shift_right_logical3A_878 : vector<16xi32>
        %add3A_880 = arith.addi %scan3A_692, %shift_right_logical3A_879 : vector<16xi32>
        %shift_right_logical3A_881 = arith.constant 31 : i32
        %shift_right_logical3A_882 = vector.broadcast %shift_right_logical3A_881 : i32 to vector<16xi32>
        %shift_right_logical3A_883 = arith.shrui %bitcast3A_737, %shift_right_logical3A_882 : vector<16xi32>
        %add3A_884 = arith.addi %scan3A_693, %shift_right_logical3A_883 : vector<16xi32>
        %shift_right_logical3A_885 = arith.constant 31 : i32
        %shift_right_logical3A_886 = vector.broadcast %shift_right_logical3A_885 : i32 to vector<16xi32>
        %shift_right_logical3A_887 = arith.shrui %bitcast3A_748, %shift_right_logical3A_886 : vector<16xi32>
        %add3A_888 = arith.addi %add3A_872, %shift_right_logical3A_887 : vector<16xi32>
        %shift_right_logical3A_889 = arith.constant 31 : i32
        %shift_right_logical3A_890 = vector.broadcast %shift_right_logical3A_889 : i32 to vector<16xi32>
        %shift_right_logical3A_891 = arith.shrui %bitcast3A_759, %shift_right_logical3A_890 : vector<16xi32>
        %add3A_892 = arith.addi %add3A_876, %shift_right_logical3A_891 : vector<16xi32>
        %shift_right_logical3A_893 = arith.constant 31 : i32
        %shift_right_logical3A_894 = vector.broadcast %shift_right_logical3A_893 : i32 to vector<16xi32>
        %shift_right_logical3A_895 = arith.shrui %bitcast3A_770, %shift_right_logical3A_894 : vector<16xi32>
        %add3A_896 = arith.addi %add3A_880, %shift_right_logical3A_895 : vector<16xi32>
        %shift_right_logical3A_897 = arith.constant 31 : i32
        %shift_right_logical3A_898 = vector.broadcast %shift_right_logical3A_897 : i32 to vector<16xi32>
        %shift_right_logical3A_899 = arith.shrui %bitcast3A_781, %shift_right_logical3A_898 : vector<16xi32>
        %add3A_900 = arith.addi %add3A_884, %shift_right_logical3A_899 : vector<16xi32>
        %shift_right_logical3A_901 = arith.constant 31 : i32
        %shift_right_logical3A_902 = vector.broadcast %shift_right_logical3A_901 : i32 to vector<16xi32>
        %shift_right_logical3A_903 = arith.shrui %bitcast3A_792, %shift_right_logical3A_902 : vector<16xi32>
        %add3A_904 = arith.addi %add3A_888, %shift_right_logical3A_903 : vector<16xi32>
        %shift_right_logical3A_905 = arith.constant 31 : i32
        %shift_right_logical3A_906 = vector.broadcast %shift_right_logical3A_905 : i32 to vector<16xi32>
        %shift_right_logical3A_907 = arith.shrui %bitcast3A_803, %shift_right_logical3A_906 : vector<16xi32>
        %add3A_908 = arith.addi %add3A_892, %shift_right_logical3A_907 : vector<16xi32>
        %shift_right_logical3A_909 = arith.constant 31 : i32
        %shift_right_logical3A_910 = vector.broadcast %shift_right_logical3A_909 : i32 to vector<16xi32>
        %shift_right_logical3A_911 = arith.shrui %bitcast3A_814, %shift_right_logical3A_910 : vector<16xi32>
        %add3A_912 = arith.addi %add3A_896, %shift_right_logical3A_911 : vector<16xi32>
        %shift_right_logical3A_913 = arith.constant 31 : i32
        %shift_right_logical3A_914 = vector.broadcast %shift_right_logical3A_913 : i32 to vector<16xi32>
        %shift_right_logical3A_915 = arith.shrui %bitcast3A_825, %shift_right_logical3A_914 : vector<16xi32>
        %add3A_916 = arith.addi %add3A_900, %shift_right_logical3A_915 : vector<16xi32>
        %shift_right_logical3A_917 = arith.constant 31 : i32
        %shift_right_logical3A_918 = vector.broadcast %shift_right_logical3A_917 : i32 to vector<16xi32>
        %shift_right_logical3A_919 = arith.shrui %bitcast3A_836, %shift_right_logical3A_918 : vector<16xi32>
        %add3A_920 = arith.addi %add3A_904, %shift_right_logical3A_919 : vector<16xi32>
        %shift_right_logical3A_921 = arith.constant 31 : i32
        %shift_right_logical3A_922 = vector.broadcast %shift_right_logical3A_921 : i32 to vector<16xi32>
        %shift_right_logical3A_923 = arith.shrui %bitcast3A_847, %shift_right_logical3A_922 : vector<16xi32>
        %add3A_924 = arith.addi %add3A_908, %shift_right_logical3A_923 : vector<16xi32>
        %shift_right_logical3A_925 = arith.constant 31 : i32
        %shift_right_logical3A_926 = vector.broadcast %shift_right_logical3A_925 : i32 to vector<16xi32>
        %shift_right_logical3A_927 = arith.shrui %bitcast3A_858, %shift_right_logical3A_926 : vector<16xi32>
        %add3A_928 = arith.addi %add3A_912, %shift_right_logical3A_927 : vector<16xi32>
        %shift_right_logical3A_929 = arith.constant 31 : i32
        %shift_right_logical3A_930 = vector.broadcast %shift_right_logical3A_929 : i32 to vector<16xi32>
        %shift_right_logical3A_931 = arith.shrui %bitcast3A_869, %shift_right_logical3A_930 : vector<16xi32>
        %add3A_932 = arith.addi %add3A_916, %shift_right_logical3A_931 : vector<16xi32>
        scf.yield %add3A_920, %add3A_924, %add3A_928, %add3A_932 : vector<16xi32>, vector<16xi32>, vector<16xi32>, vector<16xi32>
      }
      %scan3A_129 = arith.constant 2 : i32
      %add3A_130 = arith.addi %scan3A_128#0, %scan3A_128#1 : vector<16xi32>
      %add3A_131 = arith.addi %scan3A_128#2, %scan3A_128#3 : vector<16xi32>
      %add3A_132 = arith.addi %add3A_130, %add3A_131 : vector<16xi32>
      %swap3A_133 = arith.constant 4 : i32
      %swap3A_134 = arith.index_cast %swap3A_133 : i32 to index
      %swap3A_135 = arith.constant 0 : index
      %swap3A_136 = tpu.vector_load %arg6[%swap3A_134, %swap3A_135] {strides = array<i32>} : memref<16x16xi32, #tpu.memory_space<vmem>>, vector<16xi32>,
      tpu.vector_store %arg6[%swap3A_134, %swap3A_135], %add3A_132 {strides = array<i32>} : memref<16x16xi32, #tpu.memory_space<vmem>>, vector<16xi32>,
      %broadcast_in_dim3A_137 = arith.constant 0 : i32
      %broadcast_in_dim3A_138 = vector.broadcast %broadcast_in_dim3A_137 : i32 to vector<16xi32>
      %scan3A_139 = arith.constant 0 : i32
      %scan3A_140 = arith.constant 0 : i32
      %scan3A_141 = arith.constant 2 : i32
      %scan3A_142 = arith.addi %scan3A_140, %scan3A_141 : i32
      %scan3A_143 = arith.constant 1 : i32
      %scan3A_144:4 = scf.for %scan3A_689 = %scan3A_140 to %scan3A_142 step %scan3A_143 iter_args(%scan3A_690 = %broadcast_in_dim3A_138, %scan3A_691 = %broadcast_in_dim3A_138, %scan3A_692 = %broadcast_in_dim3A_138, %scan3A_693 = %broadcast_in_dim3A_138) -> (vector<16xi32>, vector<16xi32>, vector<16xi32>, vector<16xi32>)  : i32 {
        %mul3A_694 = arith.constant 256 : i32
        %mul3A_695 = arith.muli %scan3A_689, %mul3A_694 : i32
        %add3A_696 = arith.constant 0 : i32
        %add3A_697 = arith.addi %mul3A_695, %add3A_696 : i32
        %get3A = arith.constant 5 : i32
        %get3A_698 = arith.constant 0 : i32
        %get3A_699 = arith.constant 0 : i32
        %get3A_700 = tpu.memref_slice %arg5[%scan3A_139, %get3A_698, %get3A_699] : memref<2x8x2048xf32, #tpu.memory_space<vmem>> -> memref<1x8x2048xf32, #tpu.memory_space<vmem>>
        %get3A_701 = tpu.memref_squeeze %get3A_700 : memref<1x8x2048xf32, #tpu.memory_space<vmem>> -> memref<8x2048xf32, #tpu.memory_space<vmem>>
        %get3A_702 = arith.index_cast %get3A : i32 to index
        %get3A_703 = arith.index_cast %add3A_697 : i32 to index
        %get3A_704 = tpu.vector_load %get3A_701[%get3A_702, %get3A_703] {strides = array<i32>} : memref<8x2048xf32, #tpu.memory_space<vmem>>, vector<16xf32>,
        %bitcast3A = vector.bitcast %get3A_704 : vector<16xf32> to vector<16xi32>
        %add3A_705 = arith.constant 16 : i32
        %add3A_706 = arith.addi %mul3A_695, %add3A_705 : i32
        %get3A_707 = arith.constant 5 : i32
        %get3A_708 = arith.constant 0 : i32
        %get3A_709 = arith.constant 0 : i32
        %get3A_710 = tpu.memref_slice %arg5[%scan3A_139, %get3A_708, %get3A_709] : memref<2x8x2048xf32, #tpu.memory_space<vmem>> -> memref<1x8x2048xf32, #tpu.memory_space<vmem>>
        %get3A_711 = tpu.memref_squeeze %get3A_710 : memref<1x8x2048xf32, #tpu.memory_space<vmem>> -> memref<8x2048xf32, #tpu.memory_space<vmem>>
        %get3A_712 = arith.index_cast %get3A_707 : i32 to index
        %get3A_713 = arith.index_cast %add3A_706 : i32 to index
        %get3A_714 = tpu.vector_load %get3A_711[%get3A_712, %get3A_713] {strides = array<i32>} : memref<8x2048xf32, #tpu.memory_space<vmem>>, vector<16xf32>,
        %bitcast3A_715 = vector.bitcast %get3A_714 : vector<16xf32> to vector<16xi32>
        %add3A_716 = arith.constant 32 : i32
        %add3A_717 = arith.addi %mul3A_695, %add3A_716 : i32
        %get3A_718 = arith.constant 5 : i32
        %get3A_719 = arith.constant 0 : i32
        %get3A_720 = arith.constant 0 : i32
        %get3A_721 = tpu.memref_slice %arg5[%scan3A_139, %get3A_719, %get3A_720] : memref<2x8x2048xf32, #tpu.memory_space<vmem>> -> memref<1x8x2048xf32, #tpu.memory_space<vmem>>
        %get3A_722 = tpu.memref_squeeze %get3A_721 : memref<1x8x2048xf32, #tpu.memory_space<vmem>> -> memref<8x2048xf32, #tpu.memory_space<vmem>>
        %get3A_723 = arith.index_cast %get3A_718 : i32 to index
        %get3A_724 = arith.index_cast %add3A_717 : i32 to index
        %get3A_725 = tpu.vector_load %get3A_722[%get3A_723, %get3A_724] {strides = array<i32>} : memref<8x2048xf32, #tpu.memory_space<vmem>>, vector<16xf32>,
        %bitcast3A_726 = vector.bitcast %get3A_725 : vector<16xf32> to vector<16xi32>
        %add3A_727 = arith.constant 48 : i32
        %add3A_728 = arith.addi %mul3A_695, %add3A_727 : i32
        %get3A_729 = arith.constant 5 : i32
        %get3A_730 = arith.constant 0 : i32
        %get3A_731 = arith.constant 0 : i32
        %get3A_732 = tpu.memref_slice %arg5[%scan3A_139, %get3A_730, %get3A_731] : memref<2x8x2048xf32, #tpu.memory_space<vmem>> -> memref<1x8x2048xf32, #tpu.memory_space<vmem>>
        %get3A_733 = tpu.memref_squeeze %get3A_732 : memref<1x8x2048xf32, #tpu.memory_space<vmem>> -> memref<8x2048xf32, #tpu.memory_space<vmem>>
        %get3A_734 = arith.index_cast %get3A_729 : i32 to index
        %get3A_735 = arith.index_cast %add3A_728 : i32 to index
        %get3A_736 = tpu.vector_load %get3A_733[%get3A_734, %get3A_735] {strides = array<i32>} : memref<8x2048xf32, #tpu.memory_space<vmem>>, vector<16xf32>,
        %bitcast3A_737 = vector.bitcast %get3A_736 : vector<16xf32> to vector<16xi32>
        %add3A_738 = arith.constant 64 : i32
        %add3A_739 = arith.addi %mul3A_695, %add3A_738 : i32
        %get3A_740 = arith.constant 5 : i32
        %get3A_741 = arith.constant 0 : i32
        %get3A_742 = arith.constant 0 : i32
        %get3A_743 = tpu.memref_slice %arg5[%scan3A_139, %get3A_741, %get3A_742] : memref<2x8x2048xf32, #tpu.memory_space<vmem>> -> memref<1x8x2048xf32, #tpu.memory_space<vmem>>
        %get3A_744 = tpu.memref_squeeze %get3A_743 : memref<1x8x2048xf32, #tpu.memory_space<vmem>> -> memref<8x2048xf32, #tpu.memory_space<vmem>>
        %get3A_745 = arith.index_cast %get3A_740 : i32 to index
        %get3A_746 = arith.index_cast %add3A_739 : i32 to index
        %get3A_747 = tpu.vector_load %get3A_744[%get3A_745, %get3A_746] {strides = array<i32>} : memref<8x2048xf32, #tpu.memory_space<vmem>>, vector<16xf32>,
        %bitcast3A_748 = vector.bitcast %get3A_747 : vector<16xf32> to vector<16xi32>
        %add3A_749 = arith.constant 80 : i32
        %add3A_750 = arith.addi %mul3A_695, %add3A_749 : i32
        %get3A_751 = arith.constant 5 : i32
        %get3A_752 = arith.constant 0 : i32
        %get3A_753 = arith.constant 0 : i32
        %get3A_754 = tpu.memref_slice %arg5[%scan3A_139, %get3A_752, %get3A_753] : memref<2x8x2048xf32, #tpu.memory_space<vmem>> -> memref<1x8x2048xf32, #tpu.memory_space<vmem>>
        %get3A_755 = tpu.memref_squeeze %get3A_754 : memref<1x8x2048xf32, #tpu.memory_space<vmem>> -> memref<8x2048xf32, #tpu.memory_space<vmem>>
        %get3A_756 = arith.index_cast %get3A_751 : i32 to index
        %get3A_757 = arith.index_cast %add3A_750 : i32 to index
        %get3A_758 = tpu.vector_load %get3A_755[%get3A_756, %get3A_757] {strides = array<i32>} : memref<8x2048xf32, #tpu.memory_space<vmem>>, vector<16xf32>,
        %bitcast3A_759 = vector.bitcast %get3A_758 : vector<16xf32> to vector<16xi32>
        %add3A_760 = arith.constant 96 : i32
        %add3A_761 = arith.addi %mul3A_695, %add3A_760 : i32
        %get3A_762 = arith.constant 5 : i32
        %get3A_763 = arith.constant 0 : i32
        %get3A_764 = arith.constant 0 : i32
        %get3A_765 = tpu.memref_slice %arg5[%scan3A_139, %get3A_763, %get3A_764] : memref<2x8x2048xf32, #tpu.memory_space<vmem>> -> memref<1x8x2048xf32, #tpu.memory_space<vmem>>
        %get3A_766 = tpu.memref_squeeze %get3A_765 : memref<1x8x2048xf32, #tpu.memory_space<vmem>> -> memref<8x2048xf32, #tpu.memory_space<vmem>>
        %get3A_767 = arith.index_cast %get3A_762 : i32 to index
        %get3A_768 = arith.index_cast %add3A_761 : i32 to index
        %get3A_769 = tpu.vector_load %get3A_766[%get3A_767, %get3A_768] {strides = array<i32>} : memref<8x2048xf32, #tpu.memory_space<vmem>>, vector<16xf32>,
        %bitcast3A_770 = vector.bitcast %get3A_769 : vector<16xf32> to vector<16xi32>
        %add3A_771 = arith.constant 112 : i32
        %add3A_772 = arith.addi %mul3A_695, %add3A_771 : i32
        %get3A_773 = arith.constant 5 : i32
        %get3A_774 = arith.constant 0 : i32
        %get3A_775 = arith.constant 0 : i32
        %get3A_776 = tpu.memref_slice %arg5[%scan3A_139, %get3A_774, %get3A_775] : memref<2x8x2048xf32, #tpu.memory_space<vmem>> -> memref<1x8x2048xf32, #tpu.memory_space<vmem>>
        %get3A_777 = tpu.memref_squeeze %get3A_776 : memref<1x8x2048xf32, #tpu.memory_space<vmem>> -> memref<8x2048xf32, #tpu.memory_space<vmem>>
        %get3A_778 = arith.index_cast %get3A_773 : i32 to index
        %get3A_779 = arith.index_cast %add3A_772 : i32 to index
        %get3A_780 = tpu.vector_load %get3A_777[%get3A_778, %get3A_779] {strides = array<i32>} : memref<8x2048xf32, #tpu.memory_space<vmem>>, vector<16xf32>,
        %bitcast3A_781 = vector.bitcast %get3A_780 : vector<16xf32> to vector<16xi32>
        %add3A_782 = arith.constant 128 : i32
        %add3A_783 = arith.addi %mul3A_695, %add3A_782 : i32
        %get3A_784 = arith.constant 5 : i32
        %get3A_785 = arith.constant 0 : i32
        %get3A_786 = arith.constant 0 : i32
        %get3A_787 = tpu.memref_slice %arg5[%scan3A_139, %get3A_785, %get3A_786] : memref<2x8x2048xf32, #tpu.memory_space<vmem>> -> memref<1x8x2048xf32, #tpu.memory_space<vmem>>
        %get3A_788 = tpu.memref_squeeze %get3A_787 : memref<1x8x2048xf32, #tpu.memory_space<vmem>> -> memref<8x2048xf32, #tpu.memory_space<vmem>>
        %get3A_789 = arith.index_cast %get3A_784 : i32 to index
        %get3A_790 = arith.index_cast %add3A_783 : i32 to index
        %get3A_791 = tpu.vector_load %get3A_788[%get3A_789, %get3A_790] {strides = array<i32>} : memref<8x2048xf32, #tpu.memory_space<vmem>>, vector<16xf32>,
        %bitcast3A_792 = vector.bitcast %get3A_791 : vector<16xf32> to vector<16xi32>
        %add3A_793 = arith.constant 144 : i32
        %add3A_794 = arith.addi %mul3A_695, %add3A_793 : i32
        %get3A_795 = arith.constant 5 : i32
        %get3A_796 = arith.constant 0 : i32
        %get3A_797 = arith.constant 0 : i32
        %get3A_798 = tpu.memref_slice %arg5[%scan3A_139, %get3A_796, %get3A_797] : memref<2x8x2048xf32, #tpu.memory_space<vmem>> -> memref<1x8x2048xf32, #tpu.memory_space<vmem>>
        %get3A_799 = tpu.memref_squeeze %get3A_798 : memref<1x8x2048xf32, #tpu.memory_space<vmem>> -> memref<8x2048xf32, #tpu.memory_space<vmem>>
        %get3A_800 = arith.index_cast %get3A_795 : i32 to index
        %get3A_801 = arith.index_cast %add3A_794 : i32 to index
        %get3A_802 = tpu.vector_load %get3A_799[%get3A_800, %get3A_801] {strides = array<i32>} : memref<8x2048xf32, #tpu.memory_space<vmem>>, vector<16xf32>,
        %bitcast3A_803 = vector.bitcast %get3A_802 : vector<16xf32> to vector<16xi32>
        %add3A_804 = arith.constant 160 : i32
        %add3A_805 = arith.addi %mul3A_695, %add3A_804 : i32
        %get3A_806 = arith.constant 5 : i32
        %get3A_807 = arith.constant 0 : i32
        %get3A_808 = arith.constant 0 : i32
        %get3A_809 = tpu.memref_slice %arg5[%scan3A_139, %get3A_807, %get3A_808] : memref<2x8x2048xf32, #tpu.memory_space<vmem>> -> memref<1x8x2048xf32, #tpu.memory_space<vmem>>
        %get3A_810 = tpu.memref_squeeze %get3A_809 : memref<1x8x2048xf32, #tpu.memory_space<vmem>> -> memref<8x2048xf32, #tpu.memory_space<vmem>>
        %get3A_811 = arith.index_cast %get3A_806 : i32 to index
        %get3A_812 = arith.index_cast %add3A_805 : i32 to index
        %get3A_813 = tpu.vector_load %get3A_810[%get3A_811, %get3A_812] {strides = array<i32>} : memref<8x2048xf32, #tpu.memory_space<vmem>>, vector<16xf32>,
        %bitcast3A_814 = vector.bitcast %get3A_813 : vector<16xf32> to vector<16xi32>
        %add3A_815 = arith.constant 176 : i32
        %add3A_816 = arith.addi %mul3A_695, %add3A_815 : i32
        %get3A_817 = arith.constant 5 : i32
        %get3A_818 = arith.constant 0 : i32
        %get3A_819 = arith.constant 0 : i32
        %get3A_820 = tpu.memref_slice %arg5[%scan3A_139, %get3A_818, %get3A_819] : memref<2x8x2048xf32, #tpu.memory_space<vmem>> -> memref<1x8x2048xf32, #tpu.memory_space<vmem>>
        %get3A_821 = tpu.memref_squeeze %get3A_820 : memref<1x8x2048xf32, #tpu.memory_space<vmem>> -> memref<8x2048xf32, #tpu.memory_space<vmem>>
        %get3A_822 = arith.index_cast %get3A_817 : i32 to index
        %get3A_823 = arith.index_cast %add3A_816 : i32 to index
        %get3A_824 = tpu.vector_load %get3A_821[%get3A_822, %get3A_823] {strides = array<i32>} : memref<8x2048xf32, #tpu.memory_space<vmem>>, vector<16xf32>,
        %bitcast3A_825 = vector.bitcast %get3A_824 : vector<16xf32> to vector<16xi32>
        %add3A_826 = arith.constant 192 : i32
        %add3A_827 = arith.addi %mul3A_695, %add3A_826 : i32
        %get3A_828 = arith.constant 5 : i32
        %get3A_829 = arith.constant 0 : i32
        %get3A_830 = arith.constant 0 : i32
        %get3A_831 = tpu.memref_slice %arg5[%scan3A_139, %get3A_829, %get3A_830] : memref<2x8x2048xf32, #tpu.memory_space<vmem>> -> memref<1x8x2048xf32, #tpu.memory_space<vmem>>
        %get3A_832 = tpu.memref_squeeze %get3A_831 : memref<1x8x2048xf32, #tpu.memory_space<vmem>> -> memref<8x2048xf32, #tpu.memory_space<vmem>>
        %get3A_833 = arith.index_cast %get3A_828 : i32 to index
        %get3A_834 = arith.index_cast %add3A_827 : i32 to index
        %get3A_835 = tpu.vector_load %get3A_832[%get3A_833, %get3A_834] {strides = array<i32>} : memref<8x2048xf32, #tpu.memory_space<vmem>>, vector<16xf32>,
        %bitcast3A_836 = vector.bitcast %get3A_835 : vector<16xf32> to vector<16xi32>
        %add3A_837 = arith.constant 208 : i32
        %add3A_838 = arith.addi %mul3A_695, %add3A_837 : i32
        %get3A_839 = arith.constant 5 : i32
        %get3A_840 = arith.constant 0 : i32
        %get3A_841 = arith.constant 0 : i32
        %get3A_842 = tpu.memref_slice %arg5[%scan3A_139, %get3A_840, %get3A_841] : memref<2x8x2048xf32, #tpu.memory_space<vmem>> -> memref<1x8x2048xf32, #tpu.memory_space<vmem>>
        %get3A_843 = tpu.memref_squeeze %get3A_842 : memref<1x8x2048xf32, #tpu.memory_space<vmem>> -> memref<8x2048xf32, #tpu.memory_space<vmem>>
        %get3A_844 = arith.index_cast %get3A_839 : i32 to index
        %get3A_845 = arith.index_cast %add3A_838 : i32 to index
        %get3A_846 = tpu.vector_load %get3A_843[%get3A_844, %get3A_845] {strides = array<i32>} : memref<8x2048xf32, #tpu.memory_space<vmem>>, vector<16xf32>,
        %bitcast3A_847 = vector.bitcast %get3A_846 : vector<16xf32> to vector<16xi32>
        %add3A_848 = arith.constant 224 : i32
        %add3A_849 = arith.addi %mul3A_695, %add3A_848 : i32
        %get3A_850 = arith.constant 5 : i32
        %get3A_851 = arith.constant 0 : i32
        %get3A_852 = arith.constant 0 : i32
        %get3A_853 = tpu.memref_slice %arg5[%scan3A_139, %get3A_851, %get3A_852] : memref<2x8x2048xf32, #tpu.memory_space<vmem>> -> memref<1x8x2048xf32, #tpu.memory_space<vmem>>
        %get3A_854 = tpu.memref_squeeze %get3A_853 : memref<1x8x2048xf32, #tpu.memory_space<vmem>> -> memref<8x2048xf32, #tpu.memory_space<vmem>>
        %get3A_855 = arith.index_cast %get3A_850 : i32 to index
        %get3A_856 = arith.index_cast %add3A_849 : i32 to index
        %get3A_857 = tpu.vector_load %get3A_854[%get3A_855, %get3A_856] {strides = array<i32>} : memref<8x2048xf32, #tpu.memory_space<vmem>>, vector<16xf32>,
        %bitcast3A_858 = vector.bitcast %get3A_857 : vector<16xf32> to vector<16xi32>
        %add3A_859 = arith.constant 240 : i32
        %add3A_860 = arith.addi %mul3A_695, %add3A_859 : i32
        %get3A_861 = arith.constant 5 : i32
        %get3A_862 = arith.constant 0 : i32
        %get3A_863 = arith.constant 0 : i32
        %get3A_864 = tpu.memref_slice %arg5[%scan3A_139, %get3A_862, %get3A_863] : memref<2x8x2048xf32, #tpu.memory_space<vmem>> -> memref<1x8x2048xf32, #tpu.memory_space<vmem>>
        %get3A_865 = tpu.memref_squeeze %get3A_864 : memref<1x8x2048xf32, #tpu.memory_space<vmem>> -> memref<8x2048xf32, #tpu.memory_space<vmem>>
        %get3A_866 = arith.index_cast %get3A_861 : i32 to index
        %get3A_867 = arith.index_cast %add3A_860 : i32 to index
        %get3A_868 = tpu.vector_load %get3A_865[%get3A_866, %get3A_867] {strides = array<i32>} : memref<8x2048xf32, #tpu.memory_space<vmem>>, vector<16xf32>,
        %bitcast3A_869 = vector.bitcast %get3A_868 : vector<16xf32> to vector<16xi32>
        %shift_right_logical3A = arith.constant 31 : i32
        %shift_right_logical3A_870 = vector.broadcast %shift_right_logical3A : i32 to vector<16xi32>
        %shift_right_logical3A_871 = arith.shrui %bitcast3A, %shift_right_logical3A_870 : vector<16xi32>
        %add3A_872 = arith.addi %scan3A_690, %shift_right_logical3A_871 : vector<16xi32>
        %shift_right_logical3A_873 = arith.constant 31 : i32
        %shift_right_logical3A_874 = vector.broadcast %shift_right_logical3A_873 : i32 to vector<16xi32>
        %shift_right_logical3A_875 = arith.shrui %bitcast3A_715, %shift_right_logical3A_874 : vector<16xi32>
        %add3A_876 = arith.addi %scan3A_691, %shift_right_logical3A_875 : vector<16xi32>
        %shift_right_logical3A_877 = arith.constant 31 : i32
        %shift_right_logical3A_878 = vector.broadcast %shift_right_logical3A_877 : i32 to vector<16xi32>
        %shift_right_logical3A_879 = arith.shrui %bitcast3A_726, %shift_right_logical3A_878 : vector<16xi32>
        %add3A_880 = arith.addi %scan3A_692, %shift_right_logical3A_879 : vector<16xi32>
        %shift_right_logical3A_881 = arith.constant 31 : i32
        %shift_right_logical3A_882 = vector.broadcast %shift_right_logical3A_881 : i32 to vector<16xi32>
        %shift_right_logical3A_883 = arith.shrui %bitcast3A_737, %shift_right_logical3A_882 : vector<16xi32>
        %add3A_884 = arith.addi %scan3A_693, %shift_right_logical3A_883 : vector<16xi32>
        %shift_right_logical3A_885 = arith.constant 31 : i32
        %shift_right_logical3A_886 = vector.broadcast %shift_right_logical3A_885 : i32 to vector<16xi32>
        %shift_right_logical3A_887 = arith.shrui %bitcast3A_748, %shift_right_logical3A_886 : vector<16xi32>
        %add3A_888 = arith.addi %add3A_872, %shift_right_logical3A_887 : vector<16xi32>
        %shift_right_logical3A_889 = arith.constant 31 : i32
        %shift_right_logical3A_890 = vector.broadcast %shift_right_logical3A_889 : i32 to vector<16xi32>
        %shift_right_logical3A_891 = arith.shrui %bitcast3A_759, %shift_right_logical3A_890 : vector<16xi32>
        %add3A_892 = arith.addi %add3A_876, %shift_right_logical3A_891 : vector<16xi32>
        %shift_right_logical3A_893 = arith.constant 31 : i32
        %shift_right_logical3A_894 = vector.broadcast %shift_right_logical3A_893 : i32 to vector<16xi32>
        %shift_right_logical3A_895 = arith.shrui %bitcast3A_770, %shift_right_logical3A_894 : vector<16xi32>
        %add3A_896 = arith.addi %add3A_880, %shift_right_logical3A_895 : vector<16xi32>
        %shift_right_logical3A_897 = arith.constant 31 : i32
        %shift_right_logical3A_898 = vector.broadcast %shift_right_logical3A_897 : i32 to vector<16xi32>
        %shift_right_logical3A_899 = arith.shrui %bitcast3A_781, %shift_right_logical3A_898 : vector<16xi32>
        %add3A_900 = arith.addi %add3A_884, %shift_right_logical3A_899 : vector<16xi32>
        %shift_right_logical3A_901 = arith.constant 31 : i32
        %shift_right_logical3A_902 = vector.broadcast %shift_right_logical3A_901 : i32 to vector<16xi32>
        %shift_right_logical3A_903 = arith.shrui %bitcast3A_792, %shift_right_logical3A_902 : vector<16xi32>
        %add3A_904 = arith.addi %add3A_888, %shift_right_logical3A_903 : vector<16xi32>
        %shift_right_logical3A_905 = arith.constant 31 : i32
        %shift_right_logical3A_906 = vector.broadcast %shift_right_logical3A_905 : i32 to vector<16xi32>
        %shift_right_logical3A_907 = arith.shrui %bitcast3A_803, %shift_right_logical3A_906 : vector<16xi32>
        %add3A_908 = arith.addi %add3A_892, %shift_right_logical3A_907 : vector<16xi32>
        %shift_right_logical3A_909 = arith.constant 31 : i32
        %shift_right_logical3A_910 = vector.broadcast %shift_right_logical3A_909 : i32 to vector<16xi32>
        %shift_right_logical3A_911 = arith.shrui %bitcast3A_814, %shift_right_logical3A_910 : vector<16xi32>
        %add3A_912 = arith.addi %add3A_896, %shift_right_logical3A_911 : vector<16xi32>
        %shift_right_logical3A_913 = arith.constant 31 : i32
        %shift_right_logical3A_914 = vector.broadcast %shift_right_logical3A_913 : i32 to vector<16xi32>
        %shift_right_logical3A_915 = arith.shrui %bitcast3A_825, %shift_right_logical3A_914 : vector<16xi32>
        %add3A_916 = arith.addi %add3A_900, %shift_right_logical3A_915 : vector<16xi32>
        %shift_right_logical3A_917 = arith.constant 31 : i32
        %shift_right_logical3A_918 = vector.broadcast %shift_right_logical3A_917 : i32 to vector<16xi32>
        %shift_right_logical3A_919 = arith.shrui %bitcast3A_836, %shift_right_logical3A_918 : vector<16xi32>
        %add3A_920 = arith.addi %add3A_904, %shift_right_logical3A_919 : vector<16xi32>
        %shift_right_logical3A_921 = arith.constant 31 : i32
        %shift_right_logical3A_922 = vector.broadcast %shift_right_logical3A_921 : i32 to vector<16xi32>
        %shift_right_logical3A_923 = arith.shrui %bitcast3A_847, %shift_right_logical3A_922 : vector<16xi32>
        %add3A_924 = arith.addi %add3A_908, %shift_right_logical3A_923 : vector<16xi32>
        %shift_right_logical3A_925 = arith.constant 31 : i32
        %shift_right_logical3A_926 = vector.broadcast %shift_right_logical3A_925 : i32 to vector<16xi32>
        %shift_right_logical3A_927 = arith.shrui %bitcast3A_858, %shift_right_logical3A_926 : vector<16xi32>
        %add3A_928 = arith.addi %add3A_912, %shift_right_logical3A_927 : vector<16xi32>
        %shift_right_logical3A_929 = arith.constant 31 : i32
        %shift_right_logical3A_930 = vector.broadcast %shift_right_logical3A_929 : i32 to vector<16xi32>
        %shift_right_logical3A_931 = arith.shrui %bitcast3A_869, %shift_right_logical3A_930 : vector<16xi32>
        %add3A_932 = arith.addi %add3A_916, %shift_right_logical3A_931 : vector<16xi32>
        scf.yield %add3A_920, %add3A_924, %add3A_928, %add3A_932 : vector<16xi32>, vector<16xi32>, vector<16xi32>, vector<16xi32>
      }
      %scan3A_145 = arith.constant 2 : i32
      %add3A_146 = arith.addi %scan3A_144#0, %scan3A_144#1 : vector<16xi32>
      %add3A_147 = arith.addi %scan3A_144#2, %scan3A_144#3 : vector<16xi32>
      %add3A_148 = arith.addi %add3A_146, %add3A_147 : vector<16xi32>
      %swap3A_149 = arith.constant 5 : i32
      %swap3A_150 = arith.index_cast %swap3A_149 : i32 to index
      %swap3A_151 = arith.constant 0 : index
      %swap3A_152 = tpu.vector_load %arg6[%swap3A_150, %swap3A_151] {strides = array<i32>} : memref<16x16xi32, #tpu.memory_space<vmem>>, vector<16xi32>,
      tpu.vector_store %arg6[%swap3A_150, %swap3A_151], %add3A_148 {strides = array<i32>} : memref<16x16xi32, #tpu.memory_space<vmem>>, vector<16xi32>,
      %broadcast_in_dim3A_153 = arith.constant 0 : i32
      %broadcast_in_dim3A_154 = vector.broadcast %broadcast_in_dim3A_153 : i32 to vector<16xi32>
      %scan3A_155 = arith.constant 0 : i32
      %scan3A_156 = arith.constant 0 : i32
      %scan3A_157 = arith.constant 2 : i32
      %scan3A_158 = arith.addi %scan3A_156, %scan3A_157 : i32
      %scan3A_159 = arith.constant 1 : i32
      %scan3A_160:4 = scf.for %scan3A_689 = %scan3A_156 to %scan3A_158 step %scan3A_159 iter_args(%scan3A_690 = %broadcast_in_dim3A_154, %scan3A_691 = %broadcast_in_dim3A_154, %scan3A_692 = %broadcast_in_dim3A_154, %scan3A_693 = %broadcast_in_dim3A_154) -> (vector<16xi32>, vector<16xi32>, vector<16xi32>, vector<16xi32>)  : i32 {
        %mul3A_694 = arith.constant 256 : i32
        %mul3A_695 = arith.muli %scan3A_689, %mul3A_694 : i32
        %add3A_696 = arith.constant 0 : i32
        %add3A_697 = arith.addi %mul3A_695, %add3A_696 : i32
        %get3A = arith.constant 6 : i32
        %get3A_698 = arith.constant 0 : i32
        %get3A_699 = arith.constant 0 : i32
        %get3A_700 = tpu.memref_slice %arg5[%scan3A_155, %get3A_698, %get3A_699] : memref<2x8x2048xf32, #tpu.memory_space<vmem>> -> memref<1x8x2048xf32, #tpu.memory_space<vmem>>
        %get3A_701 = tpu.memref_squeeze %get3A_700 : memref<1x8x2048xf32, #tpu.memory_space<vmem>> -> memref<8x2048xf32, #tpu.memory_space<vmem>>
        %get3A_702 = arith.index_cast %get3A : i32 to index
        %get3A_703 = arith.index_cast %add3A_697 : i32 to index
        %get3A_704 = tpu.vector_load %get3A_701[%get3A_702, %get3A_703] {strides = array<i32>} : memref<8x2048xf32, #tpu.memory_space<vmem>>, vector<16xf32>,
        %bitcast3A = vector.bitcast %get3A_704 : vector<16xf32> to vector<16xi32>
        %add3A_705 = arith.constant 16 : i32
        %add3A_706 = arith.addi %mul3A_695, %add3A_705 : i32
        %get3A_707 = arith.constant 6 : i32
        %get3A_708 = arith.constant 0 : i32
        %get3A_709 = arith.constant 0 : i32
        %get3A_710 = tpu.memref_slice %arg5[%scan3A_155, %get3A_708, %get3A_709] : memref<2x8x2048xf32, #tpu.memory_space<vmem>> -> memref<1x8x2048xf32, #tpu.memory_space<vmem>>
        %get3A_711 = tpu.memref_squeeze %get3A_710 : memref<1x8x2048xf32, #tpu.memory_space<vmem>> -> memref<8x2048xf32, #tpu.memory_space<vmem>>
        %get3A_712 = arith.index_cast %get3A_707 : i32 to index
        %get3A_713 = arith.index_cast %add3A_706 : i32 to index
        %get3A_714 = tpu.vector_load %get3A_711[%get3A_712, %get3A_713] {strides = array<i32>} : memref<8x2048xf32, #tpu.memory_space<vmem>>, vector<16xf32>,
        %bitcast3A_715 = vector.bitcast %get3A_714 : vector<16xf32> to vector<16xi32>
        %add3A_716 = arith.constant 32 : i32
        %add3A_717 = arith.addi %mul3A_695, %add3A_716 : i32
        %get3A_718 = arith.constant 6 : i32
        %get3A_719 = arith.constant 0 : i32
        %get3A_720 = arith.constant 0 : i32
        %get3A_721 = tpu.memref_slice %arg5[%scan3A_155, %get3A_719, %get3A_720] : memref<2x8x2048xf32, #tpu.memory_space<vmem>> -> memref<1x8x2048xf32, #tpu.memory_space<vmem>>
        %get3A_722 = tpu.memref_squeeze %get3A_721 : memref<1x8x2048xf32, #tpu.memory_space<vmem>> -> memref<8x2048xf32, #tpu.memory_space<vmem>>
        %get3A_723 = arith.index_cast %get3A_718 : i32 to index
        %get3A_724 = arith.index_cast %add3A_717 : i32 to index
        %get3A_725 = tpu.vector_load %get3A_722[%get3A_723, %get3A_724] {strides = array<i32>} : memref<8x2048xf32, #tpu.memory_space<vmem>>, vector<16xf32>,
        %bitcast3A_726 = vector.bitcast %get3A_725 : vector<16xf32> to vector<16xi32>
        %add3A_727 = arith.constant 48 : i32
        %add3A_728 = arith.addi %mul3A_695, %add3A_727 : i32
        %get3A_729 = arith.constant 6 : i32
        %get3A_730 = arith.constant 0 : i32
        %get3A_731 = arith.constant 0 : i32
        %get3A_732 = tpu.memref_slice %arg5[%scan3A_155, %get3A_730, %get3A_731] : memref<2x8x2048xf32, #tpu.memory_space<vmem>> -> memref<1x8x2048xf32, #tpu.memory_space<vmem>>
        %get3A_733 = tpu.memref_squeeze %get3A_732 : memref<1x8x2048xf32, #tpu.memory_space<vmem>> -> memref<8x2048xf32, #tpu.memory_space<vmem>>
        %get3A_734 = arith.index_cast %get3A_729 : i32 to index
        %get3A_735 = arith.index_cast %add3A_728 : i32 to index
        %get3A_736 = tpu.vector_load %get3A_733[%get3A_734, %get3A_735] {strides = array<i32>} : memref<8x2048xf32, #tpu.memory_space<vmem>>, vector<16xf32>,
        %bitcast3A_737 = vector.bitcast %get3A_736 : vector<16xf32> to vector<16xi32>
        %add3A_738 = arith.constant 64 : i32
        %add3A_739 = arith.addi %mul3A_695, %add3A_738 : i32
        %get3A_740 = arith.constant 6 : i32
        %get3A_741 = arith.constant 0 : i32
        %get3A_742 = arith.constant 0 : i32
        %get3A_743 = tpu.memref_slice %arg5[%scan3A_155, %get3A_741, %get3A_742] : memref<2x8x2048xf32, #tpu.memory_space<vmem>> -> memref<1x8x2048xf32, #tpu.memory_space<vmem>>
        %get3A_744 = tpu.memref_squeeze %get3A_743 : memref<1x8x2048xf32, #tpu.memory_space<vmem>> -> memref<8x2048xf32, #tpu.memory_space<vmem>>
        %get3A_745 = arith.index_cast %get3A_740 : i32 to index
        %get3A_746 = arith.index_cast %add3A_739 : i32 to index
        %get3A_747 = tpu.vector_load %get3A_744[%get3A_745, %get3A_746] {strides = array<i32>} : memref<8x2048xf32, #tpu.memory_space<vmem>>, vector<16xf32>,
        %bitcast3A_748 = vector.bitcast %get3A_747 : vector<16xf32> to vector<16xi32>
        %add3A_749 = arith.constant 80 : i32
        %add3A_750 = arith.addi %mul3A_695, %add3A_749 : i32
        %get3A_751 = arith.constant 6 : i32
        %get3A_752 = arith.constant 0 : i32
        %get3A_753 = arith.constant 0 : i32
        %get3A_754 = tpu.memref_slice %arg5[%scan3A_155, %get3A_752, %get3A_753] : memref<2x8x2048xf32, #tpu.memory_space<vmem>> -> memref<1x8x2048xf32, #tpu.memory_space<vmem>>
        %get3A_755 = tpu.memref_squeeze %get3A_754 : memref<1x8x2048xf32, #tpu.memory_space<vmem>> -> memref<8x2048xf32, #tpu.memory_space<vmem>>
        %get3A_756 = arith.index_cast %get3A_751 : i32 to index
        %get3A_757 = arith.index_cast %add3A_750 : i32 to index
        %get3A_758 = tpu.vector_load %get3A_755[%get3A_756, %get3A_757] {strides = array<i32>} : memref<8x2048xf32, #tpu.memory_space<vmem>>, vector<16xf32>,
        %bitcast3A_759 = vector.bitcast %get3A_758 : vector<16xf32> to vector<16xi32>
        %add3A_760 = arith.constant 96 : i32
        %add3A_761 = arith.addi %mul3A_695, %add3A_760 : i32
        %get3A_762 = arith.constant 6 : i32
        %get3A_763 = arith.constant 0 : i32
        %get3A_764 = arith.constant 0 : i32
        %get3A_765 = tpu.memref_slice %arg5[%scan3A_155, %get3A_763, %get3A_764] : memref<2x8x2048xf32, #tpu.memory_space<vmem>> -> memref<1x8x2048xf32, #tpu.memory_space<vmem>>
        %get3A_766 = tpu.memref_squeeze %get3A_765 : memref<1x8x2048xf32, #tpu.memory_space<vmem>> -> memref<8x2048xf32, #tpu.memory_space<vmem>>
        %get3A_767 = arith.index_cast %get3A_762 : i32 to index
        %get3A_768 = arith.index_cast %add3A_761 : i32 to index
        %get3A_769 = tpu.vector_load %get3A_766[%get3A_767, %get3A_768] {strides = array<i32>} : memref<8x2048xf32, #tpu.memory_space<vmem>>, vector<16xf32>,
        %bitcast3A_770 = vector.bitcast %get3A_769 : vector<16xf32> to vector<16xi32>
        %add3A_771 = arith.constant 112 : i32
        %add3A_772 = arith.addi %mul3A_695, %add3A_771 : i32
        %get3A_773 = arith.constant 6 : i32
        %get3A_774 = arith.constant 0 : i32
        %get3A_775 = arith.constant 0 : i32
        %get3A_776 = tpu.memref_slice %arg5[%scan3A_155, %get3A_774, %get3A_775] : memref<2x8x2048xf32, #tpu.memory_space<vmem>> -> memref<1x8x2048xf32, #tpu.memory_space<vmem>>
        %get3A_777 = tpu.memref_squeeze %get3A_776 : memref<1x8x2048xf32, #tpu.memory_space<vmem>> -> memref<8x2048xf32, #tpu.memory_space<vmem>>
        %get3A_778 = arith.index_cast %get3A_773 : i32 to index
        %get3A_779 = arith.index_cast %add3A_772 : i32 to index
        %get3A_780 = tpu.vector_load %get3A_777[%get3A_778, %get3A_779] {strides = array<i32>} : memref<8x2048xf32, #tpu.memory_space<vmem>>, vector<16xf32>,
        %bitcast3A_781 = vector.bitcast %get3A_780 : vector<16xf32> to vector<16xi32>
        %add3A_782 = arith.constant 128 : i32
        %add3A_783 = arith.addi %mul3A_695, %add3A_782 : i32
        %get3A_784 = arith.constant 6 : i32
        %get3A_785 = arith.constant 0 : i32
        %get3A_786 = arith.constant 0 : i32
        %get3A_787 = tpu.memref_slice %arg5[%scan3A_155, %get3A_785, %get3A_786] : memref<2x8x2048xf32, #tpu.memory_space<vmem>> -> memref<1x8x2048xf32, #tpu.memory_space<vmem>>
        %get3A_788 = tpu.memref_squeeze %get3A_787 : memref<1x8x2048xf32, #tpu.memory_space<vmem>> -> memref<8x2048xf32, #tpu.memory_space<vmem>>
        %get3A_789 = arith.index_cast %get3A_784 : i32 to index
        %get3A_790 = arith.index_cast %add3A_783 : i32 to index
        %get3A_791 = tpu.vector_load %get3A_788[%get3A_789, %get3A_790] {strides = array<i32>} : memref<8x2048xf32, #tpu.memory_space<vmem>>, vector<16xf32>,
        %bitcast3A_792 = vector.bitcast %get3A_791 : vector<16xf32> to vector<16xi32>
        %add3A_793 = arith.constant 144 : i32
        %add3A_794 = arith.addi %mul3A_695, %add3A_793 : i32
        %get3A_795 = arith.constant 6 : i32
        %get3A_796 = arith.constant 0 : i32
        %get3A_797 = arith.constant 0 : i32
        %get3A_798 = tpu.memref_slice %arg5[%scan3A_155, %get3A_796, %get3A_797] : memref<2x8x2048xf32, #tpu.memory_space<vmem>> -> memref<1x8x2048xf32, #tpu.memory_space<vmem>>
        %get3A_799 = tpu.memref_squeeze %get3A_798 : memref<1x8x2048xf32, #tpu.memory_space<vmem>> -> memref<8x2048xf32, #tpu.memory_space<vmem>>
        %get3A_800 = arith.index_cast %get3A_795 : i32 to index
        %get3A_801 = arith.index_cast %add3A_794 : i32 to index
        %get3A_802 = tpu.vector_load %get3A_799[%get3A_800, %get3A_801] {strides = array<i32>} : memref<8x2048xf32, #tpu.memory_space<vmem>>, vector<16xf32>,
        %bitcast3A_803 = vector.bitcast %get3A_802 : vector<16xf32> to vector<16xi32>
        %add3A_804 = arith.constant 160 : i32
        %add3A_805 = arith.addi %mul3A_695, %add3A_804 : i32
        %get3A_806 = arith.constant 6 : i32
        %get3A_807 = arith.constant 0 : i32
        %get3A_808 = arith.constant 0 : i32
        %get3A_809 = tpu.memref_slice %arg5[%scan3A_155, %get3A_807, %get3A_808] : memref<2x8x2048xf32, #tpu.memory_space<vmem>> -> memref<1x8x2048xf32, #tpu.memory_space<vmem>>
        %get3A_810 = tpu.memref_squeeze %get3A_809 : memref<1x8x2048xf32, #tpu.memory_space<vmem>> -> memref<8x2048xf32, #tpu.memory_space<vmem>>
        %get3A_811 = arith.index_cast %get3A_806 : i32 to index
        %get3A_812 = arith.index_cast %add3A_805 : i32 to index
        %get3A_813 = tpu.vector_load %get3A_810[%get3A_811, %get3A_812] {strides = array<i32>} : memref<8x2048xf32, #tpu.memory_space<vmem>>, vector<16xf32>,
        %bitcast3A_814 = vector.bitcast %get3A_813 : vector<16xf32> to vector<16xi32>
        %add3A_815 = arith.constant 176 : i32
        %add3A_816 = arith.addi %mul3A_695, %add3A_815 : i32
        %get3A_817 = arith.constant 6 : i32
        %get3A_818 = arith.constant 0 : i32
        %get3A_819 = arith.constant 0 : i32
        %get3A_820 = tpu.memref_slice %arg5[%scan3A_155, %get3A_818, %get3A_819] : memref<2x8x2048xf32, #tpu.memory_space<vmem>> -> memref<1x8x2048xf32, #tpu.memory_space<vmem>>
        %get3A_821 = tpu.memref_squeeze %get3A_820 : memref<1x8x2048xf32, #tpu.memory_space<vmem>> -> memref<8x2048xf32, #tpu.memory_space<vmem>>
        %get3A_822 = arith.index_cast %get3A_817 : i32 to index
        %get3A_823 = arith.index_cast %add3A_816 : i32 to index
        %get3A_824 = tpu.vector_load %get3A_821[%get3A_822, %get3A_823] {strides = array<i32>} : memref<8x2048xf32, #tpu.memory_space<vmem>>, vector<16xf32>,
        %bitcast3A_825 = vector.bitcast %get3A_824 : vector<16xf32> to vector<16xi32>
        %add3A_826 = arith.constant 192 : i32
        %add3A_827 = arith.addi %mul3A_695, %add3A_826 : i32
        %get3A_828 = arith.constant 6 : i32
        %get3A_829 = arith.constant 0 : i32
        %get3A_830 = arith.constant 0 : i32
        %get3A_831 = tpu.memref_slice %arg5[%scan3A_155, %get3A_829, %get3A_830] : memref<2x8x2048xf32, #tpu.memory_space<vmem>> -> memref<1x8x2048xf32, #tpu.memory_space<vmem>>
        %get3A_832 = tpu.memref_squeeze %get3A_831 : memref<1x8x2048xf32, #tpu.memory_space<vmem>> -> memref<8x2048xf32, #tpu.memory_space<vmem>>
        %get3A_833 = arith.index_cast %get3A_828 : i32 to index
        %get3A_834 = arith.index_cast %add3A_827 : i32 to index
        %get3A_835 = tpu.vector_load %get3A_832[%get3A_833, %get3A_834] {strides = array<i32>} : memref<8x2048xf32, #tpu.memory_space<vmem>>, vector<16xf32>,
        %bitcast3A_836 = vector.bitcast %get3A_835 : vector<16xf32> to vector<16xi32>
        %add3A_837 = arith.constant 208 : i32
        %add3A_838 = arith.addi %mul3A_695, %add3A_837 : i32
        %get3A_839 = arith.constant 6 : i32
        %get3A_840 = arith.constant 0 : i32
        %get3A_841 = arith.constant 0 : i32
        %get3A_842 = tpu.memref_slice %arg5[%scan3A_155, %get3A_840, %get3A_841] : memref<2x8x2048xf32, #tpu.memory_space<vmem>> -> memref<1x8x2048xf32, #tpu.memory_space<vmem>>
        %get3A_843 = tpu.memref_squeeze %get3A_842 : memref<1x8x2048xf32, #tpu.memory_space<vmem>> -> memref<8x2048xf32, #tpu.memory_space<vmem>>
        %get3A_844 = arith.index_cast %get3A_839 : i32 to index
        %get3A_845 = arith.index_cast %add3A_838 : i32 to index
        %get3A_846 = tpu.vector_load %get3A_843[%get3A_844, %get3A_845] {strides = array<i32>} : memref<8x2048xf32, #tpu.memory_space<vmem>>, vector<16xf32>,
        %bitcast3A_847 = vector.bitcast %get3A_846 : vector<16xf32> to vector<16xi32>
        %add3A_848 = arith.constant 224 : i32
        %add3A_849 = arith.addi %mul3A_695, %add3A_848 : i32
        %get3A_850 = arith.constant 6 : i32
        %get3A_851 = arith.constant 0 : i32
        %get3A_852 = arith.constant 0 : i32
        %get3A_853 = tpu.memref_slice %arg5[%scan3A_155, %get3A_851, %get3A_852] : memref<2x8x2048xf32, #tpu.memory_space<vmem>> -> memref<1x8x2048xf32, #tpu.memory_space<vmem>>
        %get3A_854 = tpu.memref_squeeze %get3A_853 : memref<1x8x2048xf32, #tpu.memory_space<vmem>> -> memref<8x2048xf32, #tpu.memory_space<vmem>>
        %get3A_855 = arith.index_cast %get3A_850 : i32 to index
        %get3A_856 = arith.index_cast %add3A_849 : i32 to index
        %get3A_857 = tpu.vector_load %get3A_854[%get3A_855, %get3A_856] {strides = array<i32>} : memref<8x2048xf32, #tpu.memory_space<vmem>>, vector<16xf32>,
        %bitcast3A_858 = vector.bitcast %get3A_857 : vector<16xf32> to vector<16xi32>
        %add3A_859 = arith.constant 240 : i32
        %add3A_860 = arith.addi %mul3A_695, %add3A_859 : i32
        %get3A_861 = arith.constant 6 : i32
        %get3A_862 = arith.constant 0 : i32
        %get3A_863 = arith.constant 0 : i32
        %get3A_864 = tpu.memref_slice %arg5[%scan3A_155, %get3A_862, %get3A_863] : memref<2x8x2048xf32, #tpu.memory_space<vmem>> -> memref<1x8x2048xf32, #tpu.memory_space<vmem>>
        %get3A_865 = tpu.memref_squeeze %get3A_864 : memref<1x8x2048xf32, #tpu.memory_space<vmem>> -> memref<8x2048xf32, #tpu.memory_space<vmem>>
        %get3A_866 = arith.index_cast %get3A_861 : i32 to index
        %get3A_867 = arith.index_cast %add3A_860 : i32 to index
        %get3A_868 = tpu.vector_load %get3A_865[%get3A_866, %get3A_867] {strides = array<i32>} : memref<8x2048xf32, #tpu.memory_space<vmem>>, vector<16xf32>,
        %bitcast3A_869 = vector.bitcast %get3A_868 : vector<16xf32> to vector<16xi32>
        %shift_right_logical3A = arith.constant 31 : i32
        %shift_right_logical3A_870 = vector.broadcast %shift_right_logical3A : i32 to vector<16xi32>
        %shift_right_logical3A_871 = arith.shrui %bitcast3A, %shift_right_logical3A_870 : vector<16xi32>
        %add3A_872 = arith.addi %scan3A_690, %shift_right_logical3A_871 : vector<16xi32>
        %shift_right_logical3A_873 = arith.constant 31 : i32
        %shift_right_logical3A_874 = vector.broadcast %shift_right_logical3A_873 : i32 to vector<16xi32>
        %shift_right_logical3A_875 = arith.shrui %bitcast3A_715, %shift_right_logical3A_874 : vector<16xi32>
        %add3A_876 = arith.addi %scan3A_691, %shift_right_logical3A_875 : vector<16xi32>
        %shift_right_logical3A_877 = arith.constant 31 : i32
        %shift_right_logical3A_878 = vector.broadcast %shift_right_logical3A_877 : i32 to vector<16xi32>
        %shift_right_logical3A_879 = arith.shrui %bitcast3A_726, %shift_right_logical3A_878 : vector<16xi32>
        %add3A_880 = arith.addi %scan3A_692, %shift_right_logical3A_879 : vector<16xi32>
        %shift_right_logical3A_881 = arith.constant 31 : i32
        %shift_right_logical3A_882 = vector.broadcast %shift_right_logical3A_881 : i32 to vector<16xi32>
        %shift_right_logical3A_883 = arith.shrui %bitcast3A_737, %shift_right_logical3A_882 : vector<16xi32>
        %add3A_884 = arith.addi %scan3A_693, %shift_right_logical3A_883 : vector<16xi32>
        %shift_right_logical3A_885 = arith.constant 31 : i32
        %shift_right_logical3A_886 = vector.broadcast %shift_right_logical3A_885 : i32 to vector<16xi32>
        %shift_right_logical3A_887 = arith.shrui %bitcast3A_748, %shift_right_logical3A_886 : vector<16xi32>
        %add3A_888 = arith.addi %add3A_872, %shift_right_logical3A_887 : vector<16xi32>
        %shift_right_logical3A_889 = arith.constant 31 : i32
        %shift_right_logical3A_890 = vector.broadcast %shift_right_logical3A_889 : i32 to vector<16xi32>
        %shift_right_logical3A_891 = arith.shrui %bitcast3A_759, %shift_right_logical3A_890 : vector<16xi32>
        %add3A_892 = arith.addi %add3A_876, %shift_right_logical3A_891 : vector<16xi32>
        %shift_right_logical3A_893 = arith.constant 31 : i32
        %shift_right_logical3A_894 = vector.broadcast %shift_right_logical3A_893 : i32 to vector<16xi32>
        %shift_right_logical3A_895 = arith.shrui %bitcast3A_770, %shift_right_logical3A_894 : vector<16xi32>
        %add3A_896 = arith.addi %add3A_880, %shift_right_logical3A_895 : vector<16xi32>
        %shift_right_logical3A_897 = arith.constant 31 : i32
        %shift_right_logical3A_898 = vector.broadcast %shift_right_logical3A_897 : i32 to vector<16xi32>
        %shift_right_logical3A_899 = arith.shrui %bitcast3A_781, %shift_right_logical3A_898 : vector<16xi32>
        %add3A_900 = arith.addi %add3A_884, %shift_right_logical3A_899 : vector<16xi32>
        %shift_right_logical3A_901 = arith.constant 31 : i32
        %shift_right_logical3A_902 = vector.broadcast %shift_right_logical3A_901 : i32 to vector<16xi32>
        %shift_right_logical3A_903 = arith.shrui %bitcast3A_792, %shift_right_logical3A_902 : vector<16xi32>
        %add3A_904 = arith.addi %add3A_888, %shift_right_logical3A_903 : vector<16xi32>
        %shift_right_logical3A_905 = arith.constant 31 : i32
        %shift_right_logical3A_906 = vector.broadcast %shift_right_logical3A_905 : i32 to vector<16xi32>
        %shift_right_logical3A_907 = arith.shrui %bitcast3A_803, %shift_right_logical3A_906 : vector<16xi32>
        %add3A_908 = arith.addi %add3A_892, %shift_right_logical3A_907 : vector<16xi32>
        %shift_right_logical3A_909 = arith.constant 31 : i32
        %shift_right_logical3A_910 = vector.broadcast %shift_right_logical3A_909 : i32 to vector<16xi32>
        %shift_right_logical3A_911 = arith.shrui %bitcast3A_814, %shift_right_logical3A_910 : vector<16xi32>
        %add3A_912 = arith.addi %add3A_896, %shift_right_logical3A_911 : vector<16xi32>
        %shift_right_logical3A_913 = arith.constant 31 : i32
        %shift_right_logical3A_914 = vector.broadcast %shift_right_logical3A_913 : i32 to vector<16xi32>
        %shift_right_logical3A_915 = arith.shrui %bitcast3A_825, %shift_right_logical3A_914 : vector<16xi32>
        %add3A_916 = arith.addi %add3A_900, %shift_right_logical3A_915 : vector<16xi32>
        %shift_right_logical3A_917 = arith.constant 31 : i32
        %shift_right_logical3A_918 = vector.broadcast %shift_right_logical3A_917 : i32 to vector<16xi32>
        %shift_right_logical3A_919 = arith.shrui %bitcast3A_836, %shift_right_logical3A_918 : vector<16xi32>
        %add3A_920 = arith.addi %add3A_904, %shift_right_logical3A_919 : vector<16xi32>
        %shift_right_logical3A_921 = arith.constant 31 : i32
        %shift_right_logical3A_922 = vector.broadcast %shift_right_logical3A_921 : i32 to vector<16xi32>
        %shift_right_logical3A_923 = arith.shrui %bitcast3A_847, %shift_right_logical3A_922 : vector<16xi32>
        %add3A_924 = arith.addi %add3A_908, %shift_right_logical3A_923 : vector<16xi32>
        %shift_right_logical3A_925 = arith.constant 31 : i32
        %shift_right_logical3A_926 = vector.broadcast %shift_right_logical3A_925 : i32 to vector<16xi32>
        %shift_right_logical3A_927 = arith.shrui %bitcast3A_858, %shift_right_logical3A_926 : vector<16xi32>
        %add3A_928 = arith.addi %add3A_912, %shift_right_logical3A_927 : vector<16xi32>
        %shift_right_logical3A_929 = arith.constant 31 : i32
        %shift_right_logical3A_930 = vector.broadcast %shift_right_logical3A_929 : i32 to vector<16xi32>
        %shift_right_logical3A_931 = arith.shrui %bitcast3A_869, %shift_right_logical3A_930 : vector<16xi32>
        %add3A_932 = arith.addi %add3A_916, %shift_right_logical3A_931 : vector<16xi32>
        scf.yield %add3A_920, %add3A_924, %add3A_928, %add3A_932 : vector<16xi32>, vector<16xi32>, vector<16xi32>, vector<16xi32>
      }
      %scan3A_161 = arith.constant 2 : i32
      %add3A_162 = arith.addi %scan3A_160#0, %scan3A_160#1 : vector<16xi32>
      %add3A_163 = arith.addi %scan3A_160#2, %scan3A_160#3 : vector<16xi32>
      %add3A_164 = arith.addi %add3A_162, %add3A_163 : vector<16xi32>
      %swap3A_165 = arith.constant 6 : i32
      %swap3A_166 = arith.index_cast %swap3A_165 : i32 to index
      %swap3A_167 = arith.constant 0 : index
      %swap3A_168 = tpu.vector_load %arg6[%swap3A_166, %swap3A_167] {strides = array<i32>} : memref<16x16xi32, #tpu.memory_space<vmem>>, vector<16xi32>,
      tpu.vector_store %arg6[%swap3A_166, %swap3A_167], %add3A_164 {strides = array<i32>} : memref<16x16xi32, #tpu.memory_space<vmem>>, vector<16xi32>,
      %broadcast_in_dim3A_169 = arith.constant 0 : i32
      %broadcast_in_dim3A_170 = vector.broadcast %broadcast_in_dim3A_169 : i32 to vector<16xi32>
      %scan3A_171 = arith.constant 0 : i32
      %scan3A_172 = arith.constant 0 : i32
      %scan3A_173 = arith.constant 2 : i32
      %scan3A_174 = arith.addi %scan3A_172, %scan3A_173 : i32
      %scan3A_175 = arith.constant 1 : i32
      %scan3A_176:4 = scf.for %scan3A_689 = %scan3A_172 to %scan3A_174 step %scan3A_175 iter_args(%scan3A_690 = %broadcast_in_dim3A_170, %scan3A_691 = %broadcast_in_dim3A_170, %scan3A_692 = %broadcast_in_dim3A_170, %scan3A_693 = %broadcast_in_dim3A_170) -> (vector<16xi32>, vector<16xi32>, vector<16xi32>, vector<16xi32>)  : i32 {
        %mul3A_694 = arith.constant 256 : i32
        %mul3A_695 = arith.muli %scan3A_689, %mul3A_694 : i32
        %add3A_696 = arith.constant 0 : i32
        %add3A_697 = arith.addi %mul3A_695, %add3A_696 : i32
        %get3A = arith.constant 7 : i32
        %get3A_698 = arith.constant 0 : i32
        %get3A_699 = arith.constant 0 : i32
        %get3A_700 = tpu.memref_slice %arg5[%scan3A_171, %get3A_698, %get3A_699] : memref<2x8x2048xf32, #tpu.memory_space<vmem>> -> memref<1x8x2048xf32, #tpu.memory_space<vmem>>
        %get3A_701 = tpu.memref_squeeze %get3A_700 : memref<1x8x2048xf32, #tpu.memory_space<vmem>> -> memref<8x2048xf32, #tpu.memory_space<vmem>>
        %get3A_702 = arith.index_cast %get3A : i32 to index
        %get3A_703 = arith.index_cast %add3A_697 : i32 to index
        %get3A_704 = tpu.vector_load %get3A_701[%get3A_702, %get3A_703] {strides = array<i32>} : memref<8x2048xf32, #tpu.memory_space<vmem>>, vector<16xf32>,
        %bitcast3A = vector.bitcast %get3A_704 : vector<16xf32> to vector<16xi32>
        %add3A_705 = arith.constant 16 : i32
        %add3A_706 = arith.addi %mul3A_695, %add3A_705 : i32
        %get3A_707 = arith.constant 7 : i32
        %get3A_708 = arith.constant 0 : i32
        %get3A_709 = arith.constant 0 : i32
        %get3A_710 = tpu.memref_slice %arg5[%scan3A_171, %get3A_708, %get3A_709] : memref<2x8x2048xf32, #tpu.memory_space<vmem>> -> memref<1x8x2048xf32, #tpu.memory_space<vmem>>
        %get3A_711 = tpu.memref_squeeze %get3A_710 : memref<1x8x2048xf32, #tpu.memory_space<vmem>> -> memref<8x2048xf32, #tpu.memory_space<vmem>>
        %get3A_712 = arith.index_cast %get3A_707 : i32 to index
        %get3A_713 = arith.index_cast %add3A_706 : i32 to index
        %get3A_714 = tpu.vector_load %get3A_711[%get3A_712, %get3A_713] {strides = array<i32>} : memref<8x2048xf32, #tpu.memory_space<vmem>>, vector<16xf32>,
        %bitcast3A_715 = vector.bitcast %get3A_714 : vector<16xf32> to vector<16xi32>
        %add3A_716 = arith.constant 32 : i32
        %add3A_717 = arith.addi %mul3A_695, %add3A_716 : i32
        %get3A_718 = arith.constant 7 : i32
        %get3A_719 = arith.constant 0 : i32
        %get3A_720 = arith.constant 0 : i32
        %get3A_721 = tpu.memref_slice %arg5[%scan3A_171, %get3A_719, %get3A_720] : memref<2x8x2048xf32, #tpu.memory_space<vmem>> -> memref<1x8x2048xf32, #tpu.memory_space<vmem>>
        %get3A_722 = tpu.memref_squeeze %get3A_721 : memref<1x8x2048xf32, #tpu.memory_space<vmem>> -> memref<8x2048xf32, #tpu.memory_space<vmem>>
        %get3A_723 = arith.index_cast %get3A_718 : i32 to index
        %get3A_724 = arith.index_cast %add3A_717 : i32 to index
        %get3A_725 = tpu.vector_load %get3A_722[%get3A_723, %get3A_724] {strides = array<i32>} : memref<8x2048xf32, #tpu.memory_space<vmem>>, vector<16xf32>,
        %bitcast3A_726 = vector.bitcast %get3A_725 : vector<16xf32> to vector<16xi32>
        %add3A_727 = arith.constant 48 : i32
        %add3A_728 = arith.addi %mul3A_695, %add3A_727 : i32
        %get3A_729 = arith.constant 7 : i32
        %get3A_730 = arith.constant 0 : i32
        %get3A_731 = arith.constant 0 : i32
        %get3A_732 = tpu.memref_slice %arg5[%scan3A_171, %get3A_730, %get3A_731] : memref<2x8x2048xf32, #tpu.memory_space<vmem>> -> memref<1x8x2048xf32, #tpu.memory_space<vmem>>
        %get3A_733 = tpu.memref_squeeze %get3A_732 : memref<1x8x2048xf32, #tpu.memory_space<vmem>> -> memref<8x2048xf32, #tpu.memory_space<vmem>>
        %get3A_734 = arith.index_cast %get3A_729 : i32 to index
        %get3A_735 = arith.index_cast %add3A_728 : i32 to index
        %get3A_736 = tpu.vector_load %get3A_733[%get3A_734, %get3A_735] {strides = array<i32>} : memref<8x2048xf32, #tpu.memory_space<vmem>>, vector<16xf32>,
        %bitcast3A_737 = vector.bitcast %get3A_736 : vector<16xf32> to vector<16xi32>
        %add3A_738 = arith.constant 64 : i32
        %add3A_739 = arith.addi %mul3A_695, %add3A_738 : i32
        %get3A_740 = arith.constant 7 : i32
        %get3A_741 = arith.constant 0 : i32
        %get3A_742 = arith.constant 0 : i32
        %get3A_743 = tpu.memref_slice %arg5[%scan3A_171, %get3A_741, %get3A_742] : memref<2x8x2048xf32, #tpu.memory_space<vmem>> -> memref<1x8x2048xf32, #tpu.memory_space<vmem>>
        %get3A_744 = tpu.memref_squeeze %get3A_743 : memref<1x8x2048xf32, #tpu.memory_space<vmem>> -> memref<8x2048xf32, #tpu.memory_space<vmem>>
        %get3A_745 = arith.index_cast %get3A_740 : i32 to index
        %get3A_746 = arith.index_cast %add3A_739 : i32 to index
        %get3A_747 = tpu.vector_load %get3A_744[%get3A_745, %get3A_746] {strides = array<i32>} : memref<8x2048xf32, #tpu.memory_space<vmem>>, vector<16xf32>,
        %bitcast3A_748 = vector.bitcast %get3A_747 : vector<16xf32> to vector<16xi32>
        %add3A_749 = arith.constant 80 : i32
        %add3A_750 = arith.addi %mul3A_695, %add3A_749 : i32
        %get3A_751 = arith.constant 7 : i32
        %get3A_752 = arith.constant 0 : i32
        %get3A_753 = arith.constant 0 : i32
        %get3A_754 = tpu.memref_slice %arg5[%scan3A_171, %get3A_752, %get3A_753] : memref<2x8x2048xf32, #tpu.memory_space<vmem>> -> memref<1x8x2048xf32, #tpu.memory_space<vmem>>
        %get3A_755 = tpu.memref_squeeze %get3A_754 : memref<1x8x2048xf32, #tpu.memory_space<vmem>> -> memref<8x2048xf32, #tpu.memory_space<vmem>>
        %get3A_756 = arith.index_cast %get3A_751 : i32 to index
        %get3A_757 = arith.index_cast %add3A_750 : i32 to index
        %get3A_758 = tpu.vector_load %get3A_755[%get3A_756, %get3A_757] {strides = array<i32>} : memref<8x2048xf32, #tpu.memory_space<vmem>>, vector<16xf32>,
        %bitcast3A_759 = vector.bitcast %get3A_758 : vector<16xf32> to vector<16xi32>
        %add3A_760 = arith.constant 96 : i32
        %add3A_761 = arith.addi %mul3A_695, %add3A_760 : i32
        %get3A_762 = arith.constant 7 : i32
        %get3A_763 = arith.constant 0 : i32
        %get3A_764 = arith.constant 0 : i32
        %get3A_765 = tpu.memref_slice %arg5[%scan3A_171, %get3A_763, %get3A_764] : memref<2x8x2048xf32, #tpu.memory_space<vmem>> -> memref<1x8x2048xf32, #tpu.memory_space<vmem>>
        %get3A_766 = tpu.memref_squeeze %get3A_765 : memref<1x8x2048xf32, #tpu.memory_space<vmem>> -> memref<8x2048xf32, #tpu.memory_space<vmem>>
        %get3A_767 = arith.index_cast %get3A_762 : i32 to index
        %get3A_768 = arith.index_cast %add3A_761 : i32 to index
        %get3A_769 = tpu.vector_load %get3A_766[%get3A_767, %get3A_768] {strides = array<i32>} : memref<8x2048xf32, #tpu.memory_space<vmem>>, vector<16xf32>,
        %bitcast3A_770 = vector.bitcast %get3A_769 : vector<16xf32> to vector<16xi32>
        %add3A_771 = arith.constant 112 : i32
        %add3A_772 = arith.addi %mul3A_695, %add3A_771 : i32
        %get3A_773 = arith.constant 7 : i32
        %get3A_774 = arith.constant 0 : i32
        %get3A_775 = arith.constant 0 : i32
        %get3A_776 = tpu.memref_slice %arg5[%scan3A_171, %get3A_774, %get3A_775] : memref<2x8x2048xf32, #tpu.memory_space<vmem>> -> memref<1x8x2048xf32, #tpu.memory_space<vmem>>
        %get3A_777 = tpu.memref_squeeze %get3A_776 : memref<1x8x2048xf32, #tpu.memory_space<vmem>> -> memref<8x2048xf32, #tpu.memory_space<vmem>>
        %get3A_778 = arith.index_cast %get3A_773 : i32 to index
        %get3A_779 = arith.index_cast %add3A_772 : i32 to index
        %get3A_780 = tpu.vector_load %get3A_777[%get3A_778, %get3A_779] {strides = array<i32>} : memref<8x2048xf32, #tpu.memory_space<vmem>>, vector<16xf32>,
        %bitcast3A_781 = vector.bitcast %get3A_780 : vector<16xf32> to vector<16xi32>
        %add3A_782 = arith.constant 128 : i32
        %add3A_783 = arith.addi %mul3A_695, %add3A_782 : i32
        %get3A_784 = arith.constant 7 : i32
        %get3A_785 = arith.constant 0 : i32
        %get3A_786 = arith.constant 0 : i32
        %get3A_787 = tpu.memref_slice %arg5[%scan3A_171, %get3A_785, %get3A_786] : memref<2x8x2048xf32, #tpu.memory_space<vmem>> -> memref<1x8x2048xf32, #tpu.memory_space<vmem>>
        %get3A_788 = tpu.memref_squeeze %get3A_787 : memref<1x8x2048xf32, #tpu.memory_space<vmem>> -> memref<8x2048xf32, #tpu.memory_space<vmem>>
        %get3A_789 = arith.index_cast %get3A_784 : i32 to index
        %get3A_790 = arith.index_cast %add3A_783 : i32 to index
        %get3A_791 = tpu.vector_load %get3A_788[%get3A_789, %get3A_790] {strides = array<i32>} : memref<8x2048xf32, #tpu.memory_space<vmem>>, vector<16xf32>,
        %bitcast3A_792 = vector.bitcast %get3A_791 : vector<16xf32> to vector<16xi32>
        %add3A_793 = arith.constant 144 : i32
        %add3A_794 = arith.addi %mul3A_695, %add3A_793 : i32
        %get3A_795 = arith.constant 7 : i32
        %get3A_796 = arith.constant 0 : i32
        %get3A_797 = arith.constant 0 : i32
        %get3A_798 = tpu.memref_slice %arg5[%scan3A_171, %get3A_796, %get3A_797] : memref<2x8x2048xf32, #tpu.memory_space<vmem>> -> memref<1x8x2048xf32, #tpu.memory_space<vmem>>
        %get3A_799 = tpu.memref_squeeze %get3A_798 : memref<1x8x2048xf32, #tpu.memory_space<vmem>> -> memref<8x2048xf32, #tpu.memory_space<vmem>>
        %get3A_800 = arith.index_cast %get3A_795 : i32 to index
        %get3A_801 = arith.index_cast %add3A_794 : i32 to index
        %get3A_802 = tpu.vector_load %get3A_799[%get3A_800, %get3A_801] {strides = array<i32>} : memref<8x2048xf32, #tpu.memory_space<vmem>>, vector<16xf32>,
        %bitcast3A_803 = vector.bitcast %get3A_802 : vector<16xf32> to vector<16xi32>
        %add3A_804 = arith.constant 160 : i32
        %add3A_805 = arith.addi %mul3A_695, %add3A_804 : i32
        %get3A_806 = arith.constant 7 : i32
        %get3A_807 = arith.constant 0 : i32
        %get3A_808 = arith.constant 0 : i32
        %get3A_809 = tpu.memref_slice %arg5[%scan3A_171, %get3A_807, %get3A_808] : memref<2x8x2048xf32, #tpu.memory_space<vmem>> -> memref<1x8x2048xf32, #tpu.memory_space<vmem>>
        %get3A_810 = tpu.memref_squeeze %get3A_809 : memref<1x8x2048xf32, #tpu.memory_space<vmem>> -> memref<8x2048xf32, #tpu.memory_space<vmem>>
        %get3A_811 = arith.index_cast %get3A_806 : i32 to index
        %get3A_812 = arith.index_cast %add3A_805 : i32 to index
        %get3A_813 = tpu.vector_load %get3A_810[%get3A_811, %get3A_812] {strides = array<i32>} : memref<8x2048xf32, #tpu.memory_space<vmem>>, vector<16xf32>,
        %bitcast3A_814 = vector.bitcast %get3A_813 : vector<16xf32> to vector<16xi32>
        %add3A_815 = arith.constant 176 : i32
        %add3A_816 = arith.addi %mul3A_695, %add3A_815 : i32
        %get3A_817 = arith.constant 7 : i32
        %get3A_818 = arith.constant 0 : i32
        %get3A_819 = arith.constant 0 : i32
        %get3A_820 = tpu.memref_slice %arg5[%scan3A_171, %get3A_818, %get3A_819] : memref<2x8x2048xf32, #tpu.memory_space<vmem>> -> memref<1x8x2048xf32, #tpu.memory_space<vmem>>
        %get3A_821 = tpu.memref_squeeze %get3A_820 : memref<1x8x2048xf32, #tpu.memory_space<vmem>> -> memref<8x2048xf32, #tpu.memory_space<vmem>>
        %get3A_822 = arith.index_cast %get3A_817 : i32 to index
        %get3A_823 = arith.index_cast %add3A_816 : i32 to index
        %get3A_824 = tpu.vector_load %get3A_821[%get3A_822, %get3A_823] {strides = array<i32>} : memref<8x2048xf32, #tpu.memory_space<vmem>>, vector<16xf32>,
        %bitcast3A_825 = vector.bitcast %get3A_824 : vector<16xf32> to vector<16xi32>
        %add3A_826 = arith.constant 192 : i32
        %add3A_827 = arith.addi %mul3A_695, %add3A_826 : i32
        %get3A_828 = arith.constant 7 : i32
        %get3A_829 = arith.constant 0 : i32
        %get3A_830 = arith.constant 0 : i32
        %get3A_831 = tpu.memref_slice %arg5[%scan3A_171, %get3A_829, %get3A_830] : memref<2x8x2048xf32, #tpu.memory_space<vmem>> -> memref<1x8x2048xf32, #tpu.memory_space<vmem>>
        %get3A_832 = tpu.memref_squeeze %get3A_831 : memref<1x8x2048xf32, #tpu.memory_space<vmem>> -> memref<8x2048xf32, #tpu.memory_space<vmem>>
        %get3A_833 = arith.index_cast %get3A_828 : i32 to index
        %get3A_834 = arith.index_cast %add3A_827 : i32 to index
        %get3A_835 = tpu.vector_load %get3A_832[%get3A_833, %get3A_834] {strides = array<i32>} : memref<8x2048xf32, #tpu.memory_space<vmem>>, vector<16xf32>,
        %bitcast3A_836 = vector.bitcast %get3A_835 : vector<16xf32> to vector<16xi32>
        %add3A_837 = arith.constant 208 : i32
        %add3A_838 = arith.addi %mul3A_695, %add3A_837 : i32
        %get3A_839 = arith.constant 7 : i32
        %get3A_840 = arith.constant 0 : i32
        %get3A_841 = arith.constant 0 : i32
        %get3A_842 = tpu.memref_slice %arg5[%scan3A_171, %get3A_840, %get3A_841] : memref<2x8x2048xf32, #tpu.memory_space<vmem>> -> memref<1x8x2048xf32, #tpu.memory_space<vmem>>
        %get3A_843 = tpu.memref_squeeze %get3A_842 : memref<1x8x2048xf32, #tpu.memory_space<vmem>> -> memref<8x2048xf32, #tpu.memory_space<vmem>>
        %get3A_844 = arith.index_cast %get3A_839 : i32 to index
        %get3A_845 = arith.index_cast %add3A_838 : i32 to index
        %get3A_846 = tpu.vector_load %get3A_843[%get3A_844, %get3A_845] {strides = array<i32>} : memref<8x2048xf32, #tpu.memory_space<vmem>>, vector<16xf32>,
        %bitcast3A_847 = vector.bitcast %get3A_846 : vector<16xf32> to vector<16xi32>
        %add3A_848 = arith.constant 224 : i32
        %add3A_849 = arith.addi %mul3A_695, %add3A_848 : i32
        %get3A_850 = arith.constant 7 : i32
        %get3A_851 = arith.constant 0 : i32
        %get3A_852 = arith.constant 0 : i32
        %get3A_853 = tpu.memref_slice %arg5[%scan3A_171, %get3A_851, %get3A_852] : memref<2x8x2048xf32, #tpu.memory_space<vmem>> -> memref<1x8x2048xf32, #tpu.memory_space<vmem>>
        %get3A_854 = tpu.memref_squeeze %get3A_853 : memref<1x8x2048xf32, #tpu.memory_space<vmem>> -> memref<8x2048xf32, #tpu.memory_space<vmem>>
        %get3A_855 = arith.index_cast %get3A_850 : i32 to index
        %get3A_856 = arith.index_cast %add3A_849 : i32 to index
        %get3A_857 = tpu.vector_load %get3A_854[%get3A_855, %get3A_856] {strides = array<i32>} : memref<8x2048xf32, #tpu.memory_space<vmem>>, vector<16xf32>,
        %bitcast3A_858 = vector.bitcast %get3A_857 : vector<16xf32> to vector<16xi32>
        %add3A_859 = arith.constant 240 : i32
        %add3A_860 = arith.addi %mul3A_695, %add3A_859 : i32
        %get3A_861 = arith.constant 7 : i32
        %get3A_862 = arith.constant 0 : i32
        %get3A_863 = arith.constant 0 : i32
        %get3A_864 = tpu.memref_slice %arg5[%scan3A_171, %get3A_862, %get3A_863] : memref<2x8x2048xf32, #tpu.memory_space<vmem>> -> memref<1x8x2048xf32, #tpu.memory_space<vmem>>
        %get3A_865 = tpu.memref_squeeze %get3A_864 : memref<1x8x2048xf32, #tpu.memory_space<vmem>> -> memref<8x2048xf32, #tpu.memory_space<vmem>>
        %get3A_866 = arith.index_cast %get3A_861 : i32 to index
        %get3A_867 = arith.index_cast %add3A_860 : i32 to index
        %get3A_868 = tpu.vector_load %get3A_865[%get3A_866, %get3A_867] {strides = array<i32>} : memref<8x2048xf32, #tpu.memory_space<vmem>>, vector<16xf32>,
        %bitcast3A_869 = vector.bitcast %get3A_868 : vector<16xf32> to vector<16xi32>
        %shift_right_logical3A = arith.constant 31 : i32
        %shift_right_logical3A_870 = vector.broadcast %shift_right_logical3A : i32 to vector<16xi32>
        %shift_right_logical3A_871 = arith.shrui %bitcast3A, %shift_right_logical3A_870 : vector<16xi32>
        %add3A_872 = arith.addi %scan3A_690, %shift_right_logical3A_871 : vector<16xi32>
        %shift_right_logical3A_873 = arith.constant 31 : i32
        %shift_right_logical3A_874 = vector.broadcast %shift_right_logical3A_873 : i32 to vector<16xi32>
        %shift_right_logical3A_875 = arith.shrui %bitcast3A_715, %shift_right_logical3A_874 : vector<16xi32>
        %add3A_876 = arith.addi %scan3A_691, %shift_right_logical3A_875 : vector<16xi32>
        %shift_right_logical3A_877 = arith.constant 31 : i32
        %shift_right_logical3A_878 = vector.broadcast %shift_right_logical3A_877 : i32 to vector<16xi32>
        %shift_right_logical3A_879 = arith.shrui %bitcast3A_726, %shift_right_logical3A_878 : vector<16xi32>
        %add3A_880 = arith.addi %scan3A_692, %shift_right_logical3A_879 : vector<16xi32>
        %shift_right_logical3A_881 = arith.constant 31 : i32
        %shift_right_logical3A_882 = vector.broadcast %shift_right_logical3A_881 : i32 to vector<16xi32>
        %shift_right_logical3A_883 = arith.shrui %bitcast3A_737, %shift_right_logical3A_882 : vector<16xi32>
        %add3A_884 = arith.addi %scan3A_693, %shift_right_logical3A_883 : vector<16xi32>
        %shift_right_logical3A_885 = arith.constant 31 : i32
        %shift_right_logical3A_886 = vector.broadcast %shift_right_logical3A_885 : i32 to vector<16xi32>
        %shift_right_logical3A_887 = arith.shrui %bitcast3A_748, %shift_right_logical3A_886 : vector<16xi32>
        %add3A_888 = arith.addi %add3A_872, %shift_right_logical3A_887 : vector<16xi32>
        %shift_right_logical3A_889 = arith.constant 31 : i32
        %shift_right_logical3A_890 = vector.broadcast %shift_right_logical3A_889 : i32 to vector<16xi32>
        %shift_right_logical3A_891 = arith.shrui %bitcast3A_759, %shift_right_logical3A_890 : vector<16xi32>
        %add3A_892 = arith.addi %add3A_876, %shift_right_logical3A_891 : vector<16xi32>
        %shift_right_logical3A_893 = arith.constant 31 : i32
        %shift_right_logical3A_894 = vector.broadcast %shift_right_logical3A_893 : i32 to vector<16xi32>
        %shift_right_logical3A_895 = arith.shrui %bitcast3A_770, %shift_right_logical3A_894 : vector<16xi32>
        %add3A_896 = arith.addi %add3A_880, %shift_right_logical3A_895 : vector<16xi32>
        %shift_right_logical3A_897 = arith.constant 31 : i32
        %shift_right_logical3A_898 = vector.broadcast %shift_right_logical3A_897 : i32 to vector<16xi32>
        %shift_right_logical3A_899 = arith.shrui %bitcast3A_781, %shift_right_logical3A_898 : vector<16xi32>
        %add3A_900 = arith.addi %add3A_884, %shift_right_logical3A_899 : vector<16xi32>
        %shift_right_logical3A_901 = arith.constant 31 : i32
        %shift_right_logical3A_902 = vector.broadcast %shift_right_logical3A_901 : i32 to vector<16xi32>
        %shift_right_logical3A_903 = arith.shrui %bitcast3A_792, %shift_right_logical3A_902 : vector<16xi32>
        %add3A_904 = arith.addi %add3A_888, %shift_right_logical3A_903 : vector<16xi32>
        %shift_right_logical3A_905 = arith.constant 31 : i32
        %shift_right_logical3A_906 = vector.broadcast %shift_right_logical3A_905 : i32 to vector<16xi32>
        %shift_right_logical3A_907 = arith.shrui %bitcast3A_803, %shift_right_logical3A_906 : vector<16xi32>
        %add3A_908 = arith.addi %add3A_892, %shift_right_logical3A_907 : vector<16xi32>
        %shift_right_logical3A_909 = arith.constant 31 : i32
        %shift_right_logical3A_910 = vector.broadcast %shift_right_logical3A_909 : i32 to vector<16xi32>
        %shift_right_logical3A_911 = arith.shrui %bitcast3A_814, %shift_right_logical3A_910 : vector<16xi32>
        %add3A_912 = arith.addi %add3A_896, %shift_right_logical3A_911 : vector<16xi32>
        %shift_right_logical3A_913 = arith.constant 31 : i32
        %shift_right_logical3A_914 = vector.broadcast %shift_right_logical3A_913 : i32 to vector<16xi32>
        %shift_right_logical3A_915 = arith.shrui %bitcast3A_825, %shift_right_logical3A_914 : vector<16xi32>
        %add3A_916 = arith.addi %add3A_900, %shift_right_logical3A_915 : vector<16xi32>
        %shift_right_logical3A_917 = arith.constant 31 : i32
        %shift_right_logical3A_918 = vector.broadcast %shift_right_logical3A_917 : i32 to vector<16xi32>
        %shift_right_logical3A_919 = arith.shrui %bitcast3A_836, %shift_right_logical3A_918 : vector<16xi32>
        %add3A_920 = arith.addi %add3A_904, %shift_right_logical3A_919 : vector<16xi32>
        %shift_right_logical3A_921 = arith.constant 31 : i32
        %shift_right_logical3A_922 = vector.broadcast %shift_right_logical3A_921 : i32 to vector<16xi32>
        %shift_right_logical3A_923 = arith.shrui %bitcast3A_847, %shift_right_logical3A_922 : vector<16xi32>
        %add3A_924 = arith.addi %add3A_908, %shift_right_logical3A_923 : vector<16xi32>
        %shift_right_logical3A_925 = arith.constant 31 : i32
        %shift_right_logical3A_926 = vector.broadcast %shift_right_logical3A_925 : i32 to vector<16xi32>
        %shift_right_logical3A_927 = arith.shrui %bitcast3A_858, %shift_right_logical3A_926 : vector<16xi32>
        %add3A_928 = arith.addi %add3A_912, %shift_right_logical3A_927 : vector<16xi32>
        %shift_right_logical3A_929 = arith.constant 31 : i32
        %shift_right_logical3A_930 = vector.broadcast %shift_right_logical3A_929 : i32 to vector<16xi32>
        %shift_right_logical3A_931 = arith.shrui %bitcast3A_869, %shift_right_logical3A_930 : vector<16xi32>
        %add3A_932 = arith.addi %add3A_916, %shift_right_logical3A_931 : vector<16xi32>
        scf.yield %add3A_920, %add3A_924, %add3A_928, %add3A_932 : vector<16xi32>, vector<16xi32>, vector<16xi32>, vector<16xi32>
      }
      %scan3A_177 = arith.constant 2 : i32
      %add3A_178 = arith.addi %scan3A_176#0, %scan3A_176#1 : vector<16xi32>
      %add3A_179 = arith.addi %scan3A_176#2, %scan3A_176#3 : vector<16xi32>
      %add3A_180 = arith.addi %add3A_178, %add3A_179 : vector<16xi32>
      %swap3A_181 = arith.constant 7 : i32
      %swap3A_182 = arith.index_cast %swap3A_181 : i32 to index
      %swap3A_183 = arith.constant 0 : index
      %swap3A_184 = tpu.vector_load %arg6[%swap3A_182, %swap3A_183] {strides = array<i32>} : memref<16x16xi32, #tpu.memory_space<vmem>>, vector<16xi32>,
      tpu.vector_store %arg6[%swap3A_182, %swap3A_183], %add3A_180 {strides = array<i32>} : memref<16x16xi32, #tpu.memory_space<vmem>>, vector<16xi32>,
      %broadcast_in_dim3A_185 = arith.constant 0 : i32
      %broadcast_in_dim3A_186 = vector.broadcast %broadcast_in_dim3A_185 : i32 to vector<16xi32>
      %broadcast_in_dim3A_187 = arith.constant 0 : i32
      %broadcast_in_dim3A_188 = vector.broadcast %broadcast_in_dim3A_187 : i32 to vector<16xi32>
      %gather3A = tpu.vector_load_idx %arg6[%iota3A, %broadcast_in_dim3A_188] : memref<16x16xi32, #tpu.memory_space<vmem>>[vector<16xi32>, vector<16xi32>], vector<16xi32>,
      %add3A_189 = arith.addi %broadcast_in_dim3A_186, %gather3A : vector<16xi32>
      %broadcast_in_dim3A_190 = arith.constant 1 : i32
      %broadcast_in_dim3A_191 = vector.broadcast %broadcast_in_dim3A_190 : i32 to vector<16xi32>
      %gather3A_192 = tpu.vector_load_idx %arg6[%iota3A, %broadcast_in_dim3A_191] : memref<16x16xi32, #tpu.memory_space<vmem>>[vector<16xi32>, vector<16xi32>], vector<16xi32>,
      %add3A_193 = arith.addi %add3A_189, %gather3A_192 : vector<16xi32>
      %broadcast_in_dim3A_194 = arith.constant 2 : i32
      %broadcast_in_dim3A_195 = vector.broadcast %broadcast_in_dim3A_194 : i32 to vector<16xi32>
      %gather3A_196 = tpu.vector_load_idx %arg6[%iota3A, %broadcast_in_dim3A_195] : memref<16x16xi32, #tpu.memory_space<vmem>>[vector<16xi32>, vector<16xi32>], vector<16xi32>,
      %add3A_197 = arith.addi %add3A_193, %gather3A_196 : vector<16xi32>
      %broadcast_in_dim3A_198 = arith.constant 3 : i32
      %broadcast_in_dim3A_199 = vector.broadcast %broadcast_in_dim3A_198 : i32 to vector<16xi32>
      %gather3A_200 = tpu.vector_load_idx %arg6[%iota3A, %broadcast_in_dim3A_199] : memref<16x16xi32, #tpu.memory_space<vmem>>[vector<16xi32>, vector<16xi32>], vector<16xi32>,
      %add3A_201 = arith.addi %add3A_197, %gather3A_200 : vector<16xi32>
      %broadcast_in_dim3A_202 = arith.constant 4 : i32
      %broadcast_in_dim3A_203 = vector.broadcast %broadcast_in_dim3A_202 : i32 to vector<16xi32>
      %gather3A_204 = tpu.vector_load_idx %arg6[%iota3A, %broadcast_in_dim3A_203] : memref<16x16xi32, #tpu.memory_space<vmem>>[vector<16xi32>, vector<16xi32>], vector<16xi32>,
      %add3A_205 = arith.addi %add3A_201, %gather3A_204 : vector<16xi32>
      %broadcast_in_dim3A_206 = arith.constant 5 : i32
      %broadcast_in_dim3A_207 = vector.broadcast %broadcast_in_dim3A_206 : i32 to vector<16xi32>
      %gather3A_208 = tpu.vector_load_idx %arg6[%iota3A, %broadcast_in_dim3A_207] : memref<16x16xi32, #tpu.memory_space<vmem>>[vector<16xi32>, vector<16xi32>], vector<16xi32>,
      %add3A_209 = arith.addi %add3A_205, %gather3A_208 : vector<16xi32>
      %broadcast_in_dim3A_210 = arith.constant 6 : i32
      %broadcast_in_dim3A_211 = vector.broadcast %broadcast_in_dim3A_210 : i32 to vector<16xi32>
      %gather3A_212 = tpu.vector_load_idx %arg6[%iota3A, %broadcast_in_dim3A_211] : memref<16x16xi32, #tpu.memory_space<vmem>>[vector<16xi32>, vector<16xi32>], vector<16xi32>,
      %add3A_213 = arith.addi %add3A_209, %gather3A_212 : vector<16xi32>
      %broadcast_in_dim3A_214 = arith.constant 7 : i32
      %broadcast_in_dim3A_215 = vector.broadcast %broadcast_in_dim3A_214 : i32 to vector<16xi32>
      %gather3A_216 = tpu.vector_load_idx %arg6[%iota3A, %broadcast_in_dim3A_215] : memref<16x16xi32, #tpu.memory_space<vmem>>[vector<16xi32>, vector<16xi32>], vector<16xi32>,
      %add3A_217 = arith.addi %add3A_213, %gather3A_216 : vector<16xi32>
      %broadcast_in_dim3A_218 = arith.constant 8 : i32
      %broadcast_in_dim3A_219 = vector.broadcast %broadcast_in_dim3A_218 : i32 to vector<16xi32>
      %gather3A_220 = tpu.vector_load_idx %arg6[%iota3A, %broadcast_in_dim3A_219] : memref<16x16xi32, #tpu.memory_space<vmem>>[vector<16xi32>, vector<16xi32>], vector<16xi32>,
      %add3A_221 = arith.addi %add3A_217, %gather3A_220 : vector<16xi32>
      %broadcast_in_dim3A_222 = arith.constant 9 : i32
      %broadcast_in_dim3A_223 = vector.broadcast %broadcast_in_dim3A_222 : i32 to vector<16xi32>
      %gather3A_224 = tpu.vector_load_idx %arg6[%iota3A, %broadcast_in_dim3A_223] : memref<16x16xi32, #tpu.memory_space<vmem>>[vector<16xi32>, vector<16xi32>], vector<16xi32>,
      %add3A_225 = arith.addi %add3A_221, %gather3A_224 : vector<16xi32>
      %broadcast_in_dim3A_226 = arith.constant 10 : i32
      %broadcast_in_dim3A_227 = vector.broadcast %broadcast_in_dim3A_226 : i32 to vector<16xi32>
      %gather3A_228 = tpu.vector_load_idx %arg6[%iota3A, %broadcast_in_dim3A_227] : memref<16x16xi32, #tpu.memory_space<vmem>>[vector<16xi32>, vector<16xi32>], vector<16xi32>,
      %add3A_229 = arith.addi %add3A_225, %gather3A_228 : vector<16xi32>
      %broadcast_in_dim3A_230 = arith.constant 11 : i32
      %broadcast_in_dim3A_231 = vector.broadcast %broadcast_in_dim3A_230 : i32 to vector<16xi32>
      %gather3A_232 = tpu.vector_load_idx %arg6[%iota3A, %broadcast_in_dim3A_231] : memref<16x16xi32, #tpu.memory_space<vmem>>[vector<16xi32>, vector<16xi32>], vector<16xi32>,
      %add3A_233 = arith.addi %add3A_229, %gather3A_232 : vector<16xi32>
      %broadcast_in_dim3A_234 = arith.constant 12 : i32
      %broadcast_in_dim3A_235 = vector.broadcast %broadcast_in_dim3A_234 : i32 to vector<16xi32>
      %gather3A_236 = tpu.vector_load_idx %arg6[%iota3A, %broadcast_in_dim3A_235] : memref<16x16xi32, #tpu.memory_space<vmem>>[vector<16xi32>, vector<16xi32>], vector<16xi32>,
      %add3A_237 = arith.addi %add3A_233, %gather3A_236 : vector<16xi32>
      %broadcast_in_dim3A_238 = arith.constant 13 : i32
      %broadcast_in_dim3A_239 = vector.broadcast %broadcast_in_dim3A_238 : i32 to vector<16xi32>
      %gather3A_240 = tpu.vector_load_idx %arg6[%iota3A, %broadcast_in_dim3A_239] : memref<16x16xi32, #tpu.memory_space<vmem>>[vector<16xi32>, vector<16xi32>], vector<16xi32>,
      %add3A_241 = arith.addi %add3A_237, %gather3A_240 : vector<16xi32>
      %broadcast_in_dim3A_242 = arith.constant 14 : i32
      %broadcast_in_dim3A_243 = vector.broadcast %broadcast_in_dim3A_242 : i32 to vector<16xi32>
      %gather3A_244 = tpu.vector_load_idx %arg6[%iota3A, %broadcast_in_dim3A_243] : memref<16x16xi32, #tpu.memory_space<vmem>>[vector<16xi32>, vector<16xi32>], vector<16xi32>,
      %add3A_245 = arith.addi %add3A_241, %gather3A_244 : vector<16xi32>
      %broadcast_in_dim3A_246 = arith.constant 15 : i32
      %broadcast_in_dim3A_247 = vector.broadcast %broadcast_in_dim3A_246 : i32 to vector<16xi32>
      %gather3A_248 = tpu.vector_load_idx %arg6[%iota3A, %broadcast_in_dim3A_247] : memref<16x16xi32, #tpu.memory_space<vmem>>[vector<16xi32>, vector<16xi32>], vector<16xi32>,
      %add3A_249 = arith.addi %add3A_245, %gather3A_248 : vector<16xi32>
      %convert_element_type3A = arith.sitofp %add3A_249 : vector<16xi32> to vector<16xf32>
      %mul3A_250 = arith.constant 2.000000e+00 : f32
      %mul3A_251 = vector.broadcast %mul3A_250 : f32 to vector<16xf32>
      %mul3A_252 = arith.mulf %mul3A_251, %convert_element_type3A : vector<16xf32>
      %sub3A = arith.constant 2.048000e+03 : f32
      %sub3A_253 = vector.broadcast %sub3A : f32 to vector<16xf32>
      %sub3A_254 = arith.subf %sub3A_253, %mul3A_252 : vector<16xf32>
      %mul3A_255 = arith.constant 4.8828125E-4 : f32
      %mul3A_256 = vector.broadcast %mul3A_255 : f32 to vector<16xf32>
      %mul3A_257 = arith.mulf %sub3A_254, %mul3A_256 : vector<16xf32>
      %mul3A_258 = arith.constant -8.74227765E-8 : f32
      %mul3A_259 = vector.broadcast %mul3A_258 : f32 to vector<16xf32>
      %mul3A_260 = arith.mulf %convert_element_type3A, %mul3A_259 : vector<16xf32>
      %mul3A_261 = arith.constant 4.8828125E-4 : f32
      %mul3A_262 = vector.broadcast %mul3A_261 : f32 to vector<16xf32>
      %mul3A_263 = arith.mulf %mul3A_260, %mul3A_262 : vector<16xf32>
      %div3A = arith.divf %mul3A_263, %mul3A_257 : vector<16xf32>
      %gt3A = arith.constant 0.000000e+00 : f32
      %gt3A_264 = vector.broadcast %gt3A : f32 to vector<16xf32>
      %gt3A_265 = arith.cmpf ogt, %sub3A_254, %gt3A_264 : vector<16xf32>
      %lt3A = arith.constant 0.000000e+00 : f32
      %lt3A_266 = vector.broadcast %lt3A : f32 to vector<16xf32>
      %lt3A_267 = arith.cmpf olt, %sub3A_254, %lt3A_266 : vector<16xf32>
      %sub3A_268 = arith.constant 3.14159274 : f32
      %sub3A_269 = vector.broadcast %sub3A_268 : f32 to vector<16xf32>
      %sub3A_270 = arith.subf %div3A, %sub3A_269 : vector<16xf32>
      %jit3A = arith.constant -1.57079637 : f32
      %broadcast_in_dim3A_271 = vector.broadcast %jit3A : f32 to vector<16xf32>
      %select_n3A = arith.select %lt3A_267, %sub3A_270, %broadcast_in_dim3A_271 : vector<16xi1>, vector<16xf32>
      %select_n3A_272 = arith.select %gt3A_265, %div3A, %select_n3A : vector<16xi1>, vector<16xf32>
      %add3A_273 = arith.constant 3.14159274 : f32
      %add3A_274 = vector.broadcast %add3A_273 : f32 to vector<16xf32>
      %add3A_275 = arith.addf %select_n3A_272, %add3A_274 : vector<16xf32>
      %div3A_276 = arith.constant 6.28318548 : f32
      %div3A_277 = vector.broadcast %div3A_276 : f32 to vector<16xf32>
      %div3A_278 = arith.divf %add3A_275, %div3A_277 : vector<16xf32>
      %mul3A_279 = arith.constant 1.600000e+01 : f32
      %mul3A_280 = vector.broadcast %mul3A_279 : f32 to vector<16xf32>
      %mul3A_281 = arith.mulf %div3A_278, %mul3A_280 : vector<16xf32>
      %convert_element_type3A_282 = arith.fptosi %mul3A_281 : vector<16xf32> to vector<16xi32>
      %jit3A_283 = arith.constant 0 : i32
      %jit3A_284 = arith.constant 15 : i32
      %max3A = vector.broadcast %jit3A_283 : i32 to vector<16xi32>
      %max3A_285 = arith.maxsi %max3A, %convert_element_type3A_282 : vector<16xi32>
      %min3A = vector.broadcast %jit3A_284 : i32 to vector<16xi32>
      %min3A_286 = arith.minsi %min3A, %max3A_285 : vector<16xi32>
      %mul3A_287 = arith.constant 8 : i32
      %mul3A_288 = arith.muli %mul3A_42, %mul3A_287 : i32
      %lt3A_289 = arith.constant 8 : i32
      %lt3A_290 = vector.broadcast %lt3A_289 : i32 to vector<16xi32>
      %lt3A_291 = arith.cmpi slt, %iota3A, %lt3A_290 : vector<16xi32>
      %add3A_292 = vector.broadcast %mul3A_288 : i32 to vector<16xi32>
      %add3A_293 = arith.addi %add3A_292, %iota3A : vector<16xi32>
      tpu.vector_store_idx %arg8[%add3A_293], %min3A_286 masked %lt3A_291 : memref<512xi32, #tpu.memory_space<vmem>>[vector<16xi32>], vector<16xi32>, vector<16xi1>
      %broadcast_in_dim3A_294 = arith.constant 0.000000e+00 : f32
      %broadcast_in_dim3A_295 = vector.broadcast %broadcast_in_dim3A_294 : f32 to vector<16xf32>
      %add3A_296 = arith.constant 0 : i32
      %add3A_297 = arith.addi %mul3A_288, %add3A_296 : i32
      %swap3A_298 = arith.index_cast %add3A_297 : i32 to index
      %swap3A_299 = arith.constant 0 : index
      %swap3A_300 = tpu.vector_load %arg7[%swap3A_298, %swap3A_299] {strides = array<i32>} : memref<512x16xf32, #tpu.memory_space<vmem>>, vector<16xf32>,
      tpu.vector_store %arg7[%swap3A_298, %swap3A_299], %broadcast_in_dim3A_295 {strides = array<i32>} : memref<512x16xf32, #tpu.memory_space<vmem>>, vector<16xf32>,
      %broadcast_in_dim3A_301 = arith.constant 0.000000e+00 : f32
      %broadcast_in_dim3A_302 = vector.broadcast %broadcast_in_dim3A_301 : f32 to vector<16xf32>
      %add3A_303 = arith.constant 1 : i32
      %add3A_304 = arith.addi %mul3A_288, %add3A_303 : i32
      %swap3A_305 = arith.index_cast %add3A_304 : i32 to index
      %swap3A_306 = arith.constant 0 : index
      %swap3A_307 = tpu.vector_load %arg7[%swap3A_305, %swap3A_306] {strides = array<i32>} : memref<512x16xf32, #tpu.memory_space<vmem>>, vector<16xf32>,
      tpu.vector_store %arg7[%swap3A_305, %swap3A_306], %broadcast_in_dim3A_302 {strides = array<i32>} : memref<512x16xf32, #tpu.memory_space<vmem>>, vector<16xf32>,
      %broadcast_in_dim3A_308 = arith.constant 0.000000e+00 : f32
      %broadcast_in_dim3A_309 = vector.broadcast %broadcast_in_dim3A_308 : f32 to vector<16xf32>
      %add3A_310 = arith.constant 2 : i32
      %add3A_311 = arith.addi %mul3A_288, %add3A_310 : i32
      %swap3A_312 = arith.index_cast %add3A_311 : i32 to index
      %swap3A_313 = arith.constant 0 : index
      %swap3A_314 = tpu.vector_load %arg7[%swap3A_312, %swap3A_313] {strides = array<i32>} : memref<512x16xf32, #tpu.memory_space<vmem>>, vector<16xf32>,
      tpu.vector_store %arg7[%swap3A_312, %swap3A_313], %broadcast_in_dim3A_309 {strides = array<i32>} : memref<512x16xf32, #tpu.memory_space<vmem>>, vector<16xf32>,
      %broadcast_in_dim3A_315 = arith.constant 0.000000e+00 : f32
      %broadcast_in_dim3A_316 = vector.broadcast %broadcast_in_dim3A_315 : f32 to vector<16xf32>
      %add3A_317 = arith.constant 3 : i32
      %add3A_318 = arith.addi %mul3A_288, %add3A_317 : i32
      %swap3A_319 = arith.index_cast %add3A_318 : i32 to index
      %swap3A_320 = arith.constant 0 : index
      %swap3A_321 = tpu.vector_load %arg7[%swap3A_319, %swap3A_320] {strides = array<i32>} : memref<512x16xf32, #tpu.memory_space<vmem>>, vector<16xf32>,
      tpu.vector_store %arg7[%swap3A_319, %swap3A_320], %broadcast_in_dim3A_316 {strides = array<i32>} : memref<512x16xf32, #tpu.memory_space<vmem>>, vector<16xf32>,
      %broadcast_in_dim3A_322 = arith.constant 0.000000e+00 : f32
      %broadcast_in_dim3A_323 = vector.broadcast %broadcast_in_dim3A_322 : f32 to vector<16xf32>
      %add3A_324 = arith.constant 4 : i32
      %add3A_325 = arith.addi %mul3A_288, %add3A_324 : i32
      %swap3A_326 = arith.index_cast %add3A_325 : i32 to index
      %swap3A_327 = arith.constant 0 : index
      %swap3A_328 = tpu.vector_load %arg7[%swap3A_326, %swap3A_327] {strides = array<i32>} : memref<512x16xf32, #tpu.memory_space<vmem>>, vector<16xf32>,
      tpu.vector_store %arg7[%swap3A_326, %swap3A_327], %broadcast_in_dim3A_323 {strides = array<i32>} : memref<512x16xf32, #tpu.memory_space<vmem>>, vector<16xf32>,
      %broadcast_in_dim3A_329 = arith.constant 0.000000e+00 : f32
      %broadcast_in_dim3A_330 = vector.broadcast %broadcast_in_dim3A_329 : f32 to vector<16xf32>
      %add3A_331 = arith.constant 5 : i32
      %add3A_332 = arith.addi %mul3A_288, %add3A_331 : i32
      %swap3A_333 = arith.index_cast %add3A_332 : i32 to index
      %swap3A_334 = arith.constant 0 : index
      %swap3A_335 = tpu.vector_load %arg7[%swap3A_333, %swap3A_334] {strides = array<i32>} : memref<512x16xf32, #tpu.memory_space<vmem>>, vector<16xf32>,
      tpu.vector_store %arg7[%swap3A_333, %swap3A_334], %broadcast_in_dim3A_330 {strides = array<i32>} : memref<512x16xf32, #tpu.memory_space<vmem>>, vector<16xf32>,
      %broadcast_in_dim3A_336 = arith.constant 0.000000e+00 : f32
      %broadcast_in_dim3A_337 = vector.broadcast %broadcast_in_dim3A_336 : f32 to vector<16xf32>
      %add3A_338 = arith.constant 6 : i32
      %add3A_339 = arith.addi %mul3A_288, %add3A_338 : i32
      %swap3A_340 = arith.index_cast %add3A_339 : i32 to index
      %swap3A_341 = arith.constant 0 : index
      %swap3A_342 = tpu.vector_load %arg7[%swap3A_340, %swap3A_341] {strides = array<i32>} : memref<512x16xf32, #tpu.memory_space<vmem>>, vector<16xf32>,
      tpu.vector_store %arg7[%swap3A_340, %swap3A_341], %broadcast_in_dim3A_337 {strides = array<i32>} : memref<512x16xf32, #tpu.memory_space<vmem>>, vector<16xf32>,
      %broadcast_in_dim3A_343 = arith.constant 0.000000e+00 : f32
      %broadcast_in_dim3A_344 = vector.broadcast %broadcast_in_dim3A_343 : f32 to vector<16xf32>
      %add3A_345 = arith.constant 7 : i32
      %add3A_346 = arith.addi %mul3A_288, %add3A_345 : i32
      %swap3A_347 = arith.index_cast %add3A_346 : i32 to index
      %swap3A_348 = arith.constant 0 : index
      %swap3A_349 = tpu.vector_load %arg7[%swap3A_347, %swap3A_348] {strides = array<i32>} : memref<512x16xf32, #tpu.memory_space<vmem>>, vector<16xf32>,
      tpu.vector_store %arg7[%swap3A_347, %swap3A_348], %broadcast_in_dim3A_344 {strides = array<i32>} : memref<512x16xf32, #tpu.memory_space<vmem>>, vector<16xf32>,
      %add3A_350 = vector.broadcast %mul3A_288 : i32 to vector<16xi32>
      %add3A_351 = arith.addi %add3A_350, %iota3A : vector<16xi32>
      tpu.vector_store_idx %arg7[%add3A_351, %min3A_286], %broadcast_in_dim3A_3 masked %lt3A_291 : memref<512x16xf32, #tpu.memory_space<vmem>>[vector<16xi32>, vector<16xi32>], vector<16xf32>, vector<16xi1>
      %add3A_352 = arith.constant 2 : i32
      %add3A_353 = arith.addi %mul3A_42, %add3A_352 : i32
      %lt3A_354 = arith.constant 64 : i32
      %lt3A_355 = arith.cmpi slt, %add3A_353, %lt3A_354 : i32
      %convert_element_type3A_356 = arith.extui %lt3A_355 : i1 to i32
      %cond3A = arith.constant 0 : i32
      %cond3A_357 = arith.cmpi ne, %convert_element_type3A_356, %cond3A : i32
      scf.if %cond3A_357 {
        %add3A_689 = arith.constant 2 : i32
        %add3A_690 = arith.addi %mul3A_42, %add3A_689 : i32
        %mul3A_691 = arith.constant 8 : i32
        %mul3A_692 = arith.muli %add3A_690, %mul3A_691 : i32
        %add3A_693 = arith.addi %mul3A_2, %mul3A_692 : i32
        %dma_start3A_694 = arith.constant 0 : i32
        %dma_start3A_695 = arith.constant 0 : i32
        %dma_start3A_696 = arith.constant 0 : i32
        %dma_start3A_697 = tpu.memref_slice %arg5[%dma_start3A_694, %dma_start3A_695, %dma_start3A_696] : memref<2x8x2048xf32, #tpu.memory_space<vmem>> -> memref<1x8x2048xf32, #tpu.memory_space<vmem>>
        %dma_start3A_698 = tpu.memref_squeeze %dma_start3A_697 : memref<1x8x2048xf32, #tpu.memory_space<vmem>> -> memref<8x2048xf32, #tpu.memory_space<vmem>>
        %dma_start3A_699 = arith.constant 0 : i32
        %dma_start3A_700 = tpu.memref_slice %arg2[%add3A_693, %dma_start3A_699] : memref<16384x2048xf32, #tpu.memory_space<hbm>> -> memref<8x2048xf32, #tpu.memory_space<hbm>>
        %dma_start3A_701 = arith.constant 0 : i32
        %dma_start3A_702 = arith.constant 0 : i32
        %dma_start3A_703 = tpu.memref_slice %arg5[%dma_start3A_694, %dma_start3A_701, %dma_start3A_702] : memref<2x8x2048xf32, #tpu.memory_space<vmem>> -> memref<1x8x2048xf32, #tpu.memory_space<vmem>>
        %dma_start3A_704 = tpu.memref_squeeze %dma_start3A_703 : memref<1x8x2048xf32, #tpu.memory_space<vmem>> -> memref<8x2048xf32, #tpu.memory_space<vmem>>
        %dma_start3A_705 = arith.constant 0 : i32
        %dma_start3A_706 = tpu.memref_slice %arg2[%add3A_693, %dma_start3A_705] : memref<16384x2048xf32, #tpu.memory_space<hbm>> -> memref<8x2048xf32, #tpu.memory_space<hbm>>
        tpu.enqueue_dma source(%dma_start3A_706 : memref<8x2048xf32, #tpu.memory_space<hbm>>) target(%dma_start3A_704 : memref<8x2048xf32, #tpu.memory_space<vmem>>) target_semaphore(%arg9 : memref<!tpu.dma_semaphore, #tpu.memory_space<semaphore_mem>>)
      } else {
      }
      %add3A_358 = arith.constant 1 : i32
      %add3A_359 = arith.addi %mul3A_42, %add3A_358 : i32
      %mul3A_360 = arith.constant 8 : i32
      %mul3A_361 = arith.muli %add3A_359, %mul3A_360 : i32
      %add3A_362 = arith.addi %mul3A_2, %mul3A_361 : i32
      %dma_wait3A_363 = arith.constant 1 : i32
      %dma_wait3A_364 = arith.constant 0 : i32
      %dma_wait3A_365 = arith.constant 0 : i32
      %dma_wait3A_366 = tpu.memref_slice %arg5[%dma_wait3A_363, %dma_wait3A_364, %dma_wait3A_365] : memref<2x8x2048xf32, #tpu.memory_space<vmem>> -> memref<1x8x2048xf32, #tpu.memory_space<vmem>>
      %dma_wait3A_367 = tpu.memref_squeeze %dma_wait3A_366 : memref<1x8x2048xf32, #tpu.memory_space<vmem>> -> memref<8x2048xf32, #tpu.memory_space<vmem>>
      %dma_wait3A_368 = arith.constant 0 : i32
      %dma_wait3A_369 = tpu.memref_slice %arg2[%add3A_362, %dma_wait3A_368] : memref<16384x2048xf32, #tpu.memory_space<hbm>> -> memref<8x2048xf32, #tpu.memory_space<hbm>>
      %dma_wait3A_370 = arith.constant 0 : i32
      %dma_wait3A_371 = arith.constant 0 : i32
      %dma_wait3A_372 = tpu.memref_slice %arg5[%dma_wait3A_363, %dma_wait3A_370, %dma_wait3A_371] : memref<2x8x2048xf32, #tpu.memory_space<vmem>> -> memref<1x8x2048xf32, #tpu.memory_space<vmem>>
      %dma_wait3A_373 = tpu.memref_squeeze %dma_wait3A_372 : memref<1x8x2048xf32, #tpu.memory_space<vmem>> -> memref<8x2048xf32, #tpu.memory_space<vmem>>
      %dma_wait3A_374 = arith.constant 0 : i32
      %dma_wait3A_375 = tpu.memref_slice %arg2[%add3A_362, %dma_wait3A_374] : memref<16384x2048xf32, #tpu.memory_space<hbm>> -> memref<8x2048xf32, #tpu.memory_space<hbm>>
      tpu.wait_dma2 semaphore(%arg10 : memref<!tpu.dma_semaphore, #tpu.memory_space<semaphore_mem>>) src(%dma_wait3A_375 : memref<8x2048xf32, #tpu.memory_space<hbm>>) dst(%dma_wait3A_373 : memref<8x2048xf32, #tpu.memory_space<vmem>>)
      %broadcast_in_dim3A_376 = arith.constant 0 : i32
      %broadcast_in_dim3A_377 = vector.broadcast %broadcast_in_dim3A_376 : i32 to vector<16xi32>
      %scan3A_378 = arith.constant 1 : i32
      %scan3A_379 = arith.constant 0 : i32
      %scan3A_380 = arith.constant 2 : i32
      %scan3A_381 = arith.addi %scan3A_379, %scan3A_380 : i32
      %scan3A_382 = arith.constant 1 : i32
      %scan3A_383:4 = scf.for %scan3A_689 = %scan3A_379 to %scan3A_381 step %scan3A_382 iter_args(%scan3A_690 = %broadcast_in_dim3A_377, %scan3A_691 = %broadcast_in_dim3A_377, %scan3A_692 = %broadcast_in_dim3A_377, %scan3A_693 = %broadcast_in_dim3A_377) -> (vector<16xi32>, vector<16xi32>, vector<16xi32>, vector<16xi32>)  : i32 {
        %mul3A_694 = arith.constant 256 : i32
        %mul3A_695 = arith.muli %scan3A_689, %mul3A_694 : i32
        %add3A_696 = arith.constant 0 : i32
        %add3A_697 = arith.addi %mul3A_695, %add3A_696 : i32
        %get3A = arith.constant 0 : i32
        %get3A_698 = arith.constant 0 : i32
        %get3A_699 = arith.constant 0 : i32
        %get3A_700 = tpu.memref_slice %arg5[%scan3A_378, %get3A_698, %get3A_699] : memref<2x8x2048xf32, #tpu.memory_space<vmem>> -> memref<1x8x2048xf32, #tpu.memory_space<vmem>>
        %get3A_701 = tpu.memref_squeeze %get3A_700 : memref<1x8x2048xf32, #tpu.memory_space<vmem>> -> memref<8x2048xf32, #tpu.memory_space<vmem>>
        %get3A_702 = arith.index_cast %get3A : i32 to index
        %get3A_703 = arith.index_cast %add3A_697 : i32 to index
        %get3A_704 = tpu.vector_load %get3A_701[%get3A_702, %get3A_703] {strides = array<i32>} : memref<8x2048xf32, #tpu.memory_space<vmem>>, vector<16xf32>,
        %bitcast3A = vector.bitcast %get3A_704 : vector<16xf32> to vector<16xi32>
        %add3A_705 = arith.constant 16 : i32
        %add3A_706 = arith.addi %mul3A_695, %add3A_705 : i32
        %get3A_707 = arith.constant 0 : i32
        %get3A_708 = arith.constant 0 : i32
        %get3A_709 = arith.constant 0 : i32
        %get3A_710 = tpu.memref_slice %arg5[%scan3A_378, %get3A_708, %get3A_709] : memref<2x8x2048xf32, #tpu.memory_space<vmem>> -> memref<1x8x2048xf32, #tpu.memory_space<vmem>>
        %get3A_711 = tpu.memref_squeeze %get3A_710 : memref<1x8x2048xf32, #tpu.memory_space<vmem>> -> memref<8x2048xf32, #tpu.memory_space<vmem>>
        %get3A_712 = arith.index_cast %get3A_707 : i32 to index
        %get3A_713 = arith.index_cast %add3A_706 : i32 to index
        %get3A_714 = tpu.vector_load %get3A_711[%get3A_712, %get3A_713] {strides = array<i32>} : memref<8x2048xf32, #tpu.memory_space<vmem>>, vector<16xf32>,
        %bitcast3A_715 = vector.bitcast %get3A_714 : vector<16xf32> to vector<16xi32>
        %add3A_716 = arith.constant 32 : i32
        %add3A_717 = arith.addi %mul3A_695, %add3A_716 : i32
        %get3A_718 = arith.constant 0 : i32
        %get3A_719 = arith.constant 0 : i32
        %get3A_720 = arith.constant 0 : i32
        %get3A_721 = tpu.memref_slice %arg5[%scan3A_378, %get3A_719, %get3A_720] : memref<2x8x2048xf32, #tpu.memory_space<vmem>> -> memref<1x8x2048xf32, #tpu.memory_space<vmem>>
        %get3A_722 = tpu.memref_squeeze %get3A_721 : memref<1x8x2048xf32, #tpu.memory_space<vmem>> -> memref<8x2048xf32, #tpu.memory_space<vmem>>
        %get3A_723 = arith.index_cast %get3A_718 : i32 to index
        %get3A_724 = arith.index_cast %add3A_717 : i32 to index
        %get3A_725 = tpu.vector_load %get3A_722[%get3A_723, %get3A_724] {strides = array<i32>} : memref<8x2048xf32, #tpu.memory_space<vmem>>, vector<16xf32>,
        %bitcast3A_726 = vector.bitcast %get3A_725 : vector<16xf32> to vector<16xi32>
        %add3A_727 = arith.constant 48 : i32
        %add3A_728 = arith.addi %mul3A_695, %add3A_727 : i32
        %get3A_729 = arith.constant 0 : i32
        %get3A_730 = arith.constant 0 : i32
        %get3A_731 = arith.constant 0 : i32
        %get3A_732 = tpu.memref_slice %arg5[%scan3A_378, %get3A_730, %get3A_731] : memref<2x8x2048xf32, #tpu.memory_space<vmem>> -> memref<1x8x2048xf32, #tpu.memory_space<vmem>>
        %get3A_733 = tpu.memref_squeeze %get3A_732 : memref<1x8x2048xf32, #tpu.memory_space<vmem>> -> memref<8x2048xf32, #tpu.memory_space<vmem>>
        %get3A_734 = arith.index_cast %get3A_729 : i32 to index
        %get3A_735 = arith.index_cast %add3A_728 : i32 to index
        %get3A_736 = tpu.vector_load %get3A_733[%get3A_734, %get3A_735] {strides = array<i32>} : memref<8x2048xf32, #tpu.memory_space<vmem>>, vector<16xf32>,
        %bitcast3A_737 = vector.bitcast %get3A_736 : vector<16xf32> to vector<16xi32>
        %add3A_738 = arith.constant 64 : i32
        %add3A_739 = arith.addi %mul3A_695, %add3A_738 : i32
        %get3A_740 = arith.constant 0 : i32
        %get3A_741 = arith.constant 0 : i32
        %get3A_742 = arith.constant 0 : i32
        %get3A_743 = tpu.memref_slice %arg5[%scan3A_378, %get3A_741, %get3A_742] : memref<2x8x2048xf32, #tpu.memory_space<vmem>> -> memref<1x8x2048xf32, #tpu.memory_space<vmem>>
        %get3A_744 = tpu.memref_squeeze %get3A_743 : memref<1x8x2048xf32, #tpu.memory_space<vmem>> -> memref<8x2048xf32, #tpu.memory_space<vmem>>
        %get3A_745 = arith.index_cast %get3A_740 : i32 to index
        %get3A_746 = arith.index_cast %add3A_739 : i32 to index
        %get3A_747 = tpu.vector_load %get3A_744[%get3A_745, %get3A_746] {strides = array<i32>} : memref<8x2048xf32, #tpu.memory_space<vmem>>, vector<16xf32>,
        %bitcast3A_748 = vector.bitcast %get3A_747 : vector<16xf32> to vector<16xi32>
        %add3A_749 = arith.constant 80 : i32
        %add3A_750 = arith.addi %mul3A_695, %add3A_749 : i32
        %get3A_751 = arith.constant 0 : i32
        %get3A_752 = arith.constant 0 : i32
        %get3A_753 = arith.constant 0 : i32
        %get3A_754 = tpu.memref_slice %arg5[%scan3A_378, %get3A_752, %get3A_753] : memref<2x8x2048xf32, #tpu.memory_space<vmem>> -> memref<1x8x2048xf32, #tpu.memory_space<vmem>>
        %get3A_755 = tpu.memref_squeeze %get3A_754 : memref<1x8x2048xf32, #tpu.memory_space<vmem>> -> memref<8x2048xf32, #tpu.memory_space<vmem>>
        %get3A_756 = arith.index_cast %get3A_751 : i32 to index
        %get3A_757 = arith.index_cast %add3A_750 : i32 to index
        %get3A_758 = tpu.vector_load %get3A_755[%get3A_756, %get3A_757] {strides = array<i32>} : memref<8x2048xf32, #tpu.memory_space<vmem>>, vector<16xf32>,
        %bitcast3A_759 = vector.bitcast %get3A_758 : vector<16xf32> to vector<16xi32>
        %add3A_760 = arith.constant 96 : i32
        %add3A_761 = arith.addi %mul3A_695, %add3A_760 : i32
        %get3A_762 = arith.constant 0 : i32
        %get3A_763 = arith.constant 0 : i32
        %get3A_764 = arith.constant 0 : i32
        %get3A_765 = tpu.memref_slice %arg5[%scan3A_378, %get3A_763, %get3A_764] : memref<2x8x2048xf32, #tpu.memory_space<vmem>> -> memref<1x8x2048xf32, #tpu.memory_space<vmem>>
        %get3A_766 = tpu.memref_squeeze %get3A_765 : memref<1x8x2048xf32, #tpu.memory_space<vmem>> -> memref<8x2048xf32, #tpu.memory_space<vmem>>
        %get3A_767 = arith.index_cast %get3A_762 : i32 to index
        %get3A_768 = arith.index_cast %add3A_761 : i32 to index
        %get3A_769 = tpu.vector_load %get3A_766[%get3A_767, %get3A_768] {strides = array<i32>} : memref<8x2048xf32, #tpu.memory_space<vmem>>, vector<16xf32>,
        %bitcast3A_770 = vector.bitcast %get3A_769 : vector<16xf32> to vector<16xi32>
        %add3A_771 = arith.constant 112 : i32
        %add3A_772 = arith.addi %mul3A_695, %add3A_771 : i32
        %get3A_773 = arith.constant 0 : i32
        %get3A_774 = arith.constant 0 : i32
        %get3A_775 = arith.constant 0 : i32
        %get3A_776 = tpu.memref_slice %arg5[%scan3A_378, %get3A_774, %get3A_775] : memref<2x8x2048xf32, #tpu.memory_space<vmem>> -> memref<1x8x2048xf32, #tpu.memory_space<vmem>>
        %get3A_777 = tpu.memref_squeeze %get3A_776 : memref<1x8x2048xf32, #tpu.memory_space<vmem>> -> memref<8x2048xf32, #tpu.memory_space<vmem>>
        %get3A_778 = arith.index_cast %get3A_773 : i32 to index
        %get3A_779 = arith.index_cast %add3A_772 : i32 to index
        %get3A_780 = tpu.vector_load %get3A_777[%get3A_778, %get3A_779] {strides = array<i32>} : memref<8x2048xf32, #tpu.memory_space<vmem>>, vector<16xf32>,
        %bitcast3A_781 = vector.bitcast %get3A_780 : vector<16xf32> to vector<16xi32>
        %add3A_782 = arith.constant 128 : i32
        %add3A_783 = arith.addi %mul3A_695, %add3A_782 : i32
        %get3A_784 = arith.constant 0 : i32
        %get3A_785 = arith.constant 0 : i32
        %get3A_786 = arith.constant 0 : i32
        %get3A_787 = tpu.memref_slice %arg5[%scan3A_378, %get3A_785, %get3A_786] : memref<2x8x2048xf32, #tpu.memory_space<vmem>> -> memref<1x8x2048xf32, #tpu.memory_space<vmem>>
        %get3A_788 = tpu.memref_squeeze %get3A_787 : memref<1x8x2048xf32, #tpu.memory_space<vmem>> -> memref<8x2048xf32, #tpu.memory_space<vmem>>
        %get3A_789 = arith.index_cast %get3A_784 : i32 to index
        %get3A_790 = arith.index_cast %add3A_783 : i32 to index
        %get3A_791 = tpu.vector_load %get3A_788[%get3A_789, %get3A_790] {strides = array<i32>} : memref<8x2048xf32, #tpu.memory_space<vmem>>, vector<16xf32>,
        %bitcast3A_792 = vector.bitcast %get3A_791 : vector<16xf32> to vector<16xi32>
        %add3A_793 = arith.constant 144 : i32
        %add3A_794 = arith.addi %mul3A_695, %add3A_793 : i32
        %get3A_795 = arith.constant 0 : i32
        %get3A_796 = arith.constant 0 : i32
        %get3A_797 = arith.constant 0 : i32
        %get3A_798 = tpu.memref_slice %arg5[%scan3A_378, %get3A_796, %get3A_797] : memref<2x8x2048xf32, #tpu.memory_space<vmem>> -> memref<1x8x2048xf32, #tpu.memory_space<vmem>>
        %get3A_799 = tpu.memref_squeeze %get3A_798 : memref<1x8x2048xf32, #tpu.memory_space<vmem>> -> memref<8x2048xf32, #tpu.memory_space<vmem>>
        %get3A_800 = arith.index_cast %get3A_795 : i32 to index
        %get3A_801 = arith.index_cast %add3A_794 : i32 to index
        %get3A_802 = tpu.vector_load %get3A_799[%get3A_800, %get3A_801] {strides = array<i32>} : memref<8x2048xf32, #tpu.memory_space<vmem>>, vector<16xf32>,
        %bitcast3A_803 = vector.bitcast %get3A_802 : vector<16xf32> to vector<16xi32>
        %add3A_804 = arith.constant 160 : i32
        %add3A_805 = arith.addi %mul3A_695, %add3A_804 : i32
        %get3A_806 = arith.constant 0 : i32
        %get3A_807 = arith.constant 0 : i32
        %get3A_808 = arith.constant 0 : i32
        %get3A_809 = tpu.memref_slice %arg5[%scan3A_378, %get3A_807, %get3A_808] : memref<2x8x2048xf32, #tpu.memory_space<vmem>> -> memref<1x8x2048xf32, #tpu.memory_space<vmem>>
        %get3A_810 = tpu.memref_squeeze %get3A_809 : memref<1x8x2048xf32, #tpu.memory_space<vmem>> -> memref<8x2048xf32, #tpu.memory_space<vmem>>
        %get3A_811 = arith.index_cast %get3A_806 : i32 to index
        %get3A_812 = arith.index_cast %add3A_805 : i32 to index
        %get3A_813 = tpu.vector_load %get3A_810[%get3A_811, %get3A_812] {strides = array<i32>} : memref<8x2048xf32, #tpu.memory_space<vmem>>, vector<16xf32>,
        %bitcast3A_814 = vector.bitcast %get3A_813 : vector<16xf32> to vector<16xi32>
        %add3A_815 = arith.constant 176 : i32
        %add3A_816 = arith.addi %mul3A_695, %add3A_815 : i32
        %get3A_817 = arith.constant 0 : i32
        %get3A_818 = arith.constant 0 : i32
        %get3A_819 = arith.constant 0 : i32
        %get3A_820 = tpu.memref_slice %arg5[%scan3A_378, %get3A_818, %get3A_819] : memref<2x8x2048xf32, #tpu.memory_space<vmem>> -> memref<1x8x2048xf32, #tpu.memory_space<vmem>>
        %get3A_821 = tpu.memref_squeeze %get3A_820 : memref<1x8x2048xf32, #tpu.memory_space<vmem>> -> memref<8x2048xf32, #tpu.memory_space<vmem>>
        %get3A_822 = arith.index_cast %get3A_817 : i32 to index
        %get3A_823 = arith.index_cast %add3A_816 : i32 to index
        %get3A_824 = tpu.vector_load %get3A_821[%get3A_822, %get3A_823] {strides = array<i32>} : memref<8x2048xf32, #tpu.memory_space<vmem>>, vector<16xf32>,
        %bitcast3A_825 = vector.bitcast %get3A_824 : vector<16xf32> to vector<16xi32>
        %add3A_826 = arith.constant 192 : i32
        %add3A_827 = arith.addi %mul3A_695, %add3A_826 : i32
        %get3A_828 = arith.constant 0 : i32
        %get3A_829 = arith.constant 0 : i32
        %get3A_830 = arith.constant 0 : i32
        %get3A_831 = tpu.memref_slice %arg5[%scan3A_378, %get3A_829, %get3A_830] : memref<2x8x2048xf32, #tpu.memory_space<vmem>> -> memref<1x8x2048xf32, #tpu.memory_space<vmem>>
        %get3A_832 = tpu.memref_squeeze %get3A_831 : memref<1x8x2048xf32, #tpu.memory_space<vmem>> -> memref<8x2048xf32, #tpu.memory_space<vmem>>
        %get3A_833 = arith.index_cast %get3A_828 : i32 to index
        %get3A_834 = arith.index_cast %add3A_827 : i32 to index
        %get3A_835 = tpu.vector_load %get3A_832[%get3A_833, %get3A_834] {strides = array<i32>} : memref<8x2048xf32, #tpu.memory_space<vmem>>, vector<16xf32>,
        %bitcast3A_836 = vector.bitcast %get3A_835 : vector<16xf32> to vector<16xi32>
        %add3A_837 = arith.constant 208 : i32
        %add3A_838 = arith.addi %mul3A_695, %add3A_837 : i32
        %get3A_839 = arith.constant 0 : i32
        %get3A_840 = arith.constant 0 : i32
        %get3A_841 = arith.constant 0 : i32
        %get3A_842 = tpu.memref_slice %arg5[%scan3A_378, %get3A_840, %get3A_841] : memref<2x8x2048xf32, #tpu.memory_space<vmem>> -> memref<1x8x2048xf32, #tpu.memory_space<vmem>>
        %get3A_843 = tpu.memref_squeeze %get3A_842 : memref<1x8x2048xf32, #tpu.memory_space<vmem>> -> memref<8x2048xf32, #tpu.memory_space<vmem>>
        %get3A_844 = arith.index_cast %get3A_839 : i32 to index
        %get3A_845 = arith.index_cast %add3A_838 : i32 to index
        %get3A_846 = tpu.vector_load %get3A_843[%get3A_844, %get3A_845] {strides = array<i32>} : memref<8x2048xf32, #tpu.memory_space<vmem>>, vector<16xf32>,
        %bitcast3A_847 = vector.bitcast %get3A_846 : vector<16xf32> to vector<16xi32>
        %add3A_848 = arith.constant 224 : i32
        %add3A_849 = arith.addi %mul3A_695, %add3A_848 : i32
        %get3A_850 = arith.constant 0 : i32
        %get3A_851 = arith.constant 0 : i32
        %get3A_852 = arith.constant 0 : i32
        %get3A_853 = tpu.memref_slice %arg5[%scan3A_378, %get3A_851, %get3A_852] : memref<2x8x2048xf32, #tpu.memory_space<vmem>> -> memref<1x8x2048xf32, #tpu.memory_space<vmem>>
        %get3A_854 = tpu.memref_squeeze %get3A_853 : memref<1x8x2048xf32, #tpu.memory_space<vmem>> -> memref<8x2048xf32, #tpu.memory_space<vmem>>
        %get3A_855 = arith.index_cast %get3A_850 : i32 to index
        %get3A_856 = arith.index_cast %add3A_849 : i32 to index
        %get3A_857 = tpu.vector_load %get3A_854[%get3A_855, %get3A_856] {strides = array<i32>} : memref<8x2048xf32, #tpu.memory_space<vmem>>, vector<16xf32>,
        %bitcast3A_858 = vector.bitcast %get3A_857 : vector<16xf32> to vector<16xi32>
        %add3A_859 = arith.constant 240 : i32
        %add3A_860 = arith.addi %mul3A_695, %add3A_859 : i32
        %get3A_861 = arith.constant 0 : i32
        %get3A_862 = arith.constant 0 : i32
        %get3A_863 = arith.constant 0 : i32
        %get3A_864 = tpu.memref_slice %arg5[%scan3A_378, %get3A_862, %get3A_863] : memref<2x8x2048xf32, #tpu.memory_space<vmem>> -> memref<1x8x2048xf32, #tpu.memory_space<vmem>>
        %get3A_865 = tpu.memref_squeeze %get3A_864 : memref<1x8x2048xf32, #tpu.memory_space<vmem>> -> memref<8x2048xf32, #tpu.memory_space<vmem>>
        %get3A_866 = arith.index_cast %get3A_861 : i32 to index
        %get3A_867 = arith.index_cast %add3A_860 : i32 to index
        %get3A_868 = tpu.vector_load %get3A_865[%get3A_866, %get3A_867] {strides = array<i32>} : memref<8x2048xf32, #tpu.memory_space<vmem>>, vector<16xf32>,
        %bitcast3A_869 = vector.bitcast %get3A_868 : vector<16xf32> to vector<16xi32>
        %shift_right_logical3A = arith.constant 31 : i32
        %shift_right_logical3A_870 = vector.broadcast %shift_right_logical3A : i32 to vector<16xi32>
        %shift_right_logical3A_871 = arith.shrui %bitcast3A, %shift_right_logical3A_870 : vector<16xi32>
        %add3A_872 = arith.addi %scan3A_690, %shift_right_logical3A_871 : vector<16xi32>
        %shift_right_logical3A_873 = arith.constant 31 : i32
        %shift_right_logical3A_874 = vector.broadcast %shift_right_logical3A_873 : i32 to vector<16xi32>
        %shift_right_logical3A_875 = arith.shrui %bitcast3A_715, %shift_right_logical3A_874 : vector<16xi32>
        %add3A_876 = arith.addi %scan3A_691, %shift_right_logical3A_875 : vector<16xi32>
        %shift_right_logical3A_877 = arith.constant 31 : i32
        %shift_right_logical3A_878 = vector.broadcast %shift_right_logical3A_877 : i32 to vector<16xi32>
        %shift_right_logical3A_879 = arith.shrui %bitcast3A_726, %shift_right_logical3A_878 : vector<16xi32>
        %add3A_880 = arith.addi %scan3A_692, %shift_right_logical3A_879 : vector<16xi32>
        %shift_right_logical3A_881 = arith.constant 31 : i32
        %shift_right_logical3A_882 = vector.broadcast %shift_right_logical3A_881 : i32 to vector<16xi32>
        %shift_right_logical3A_883 = arith.shrui %bitcast3A_737, %shift_right_logical3A_882 : vector<16xi32>
        %add3A_884 = arith.addi %scan3A_693, %shift_right_logical3A_883 : vector<16xi32>
        %shift_right_logical3A_885 = arith.constant 31 : i32
        %shift_right_logical3A_886 = vector.broadcast %shift_right_logical3A_885 : i32 to vector<16xi32>
        %shift_right_logical3A_887 = arith.shrui %bitcast3A_748, %shift_right_logical3A_886 : vector<16xi32>
        %add3A_888 = arith.addi %add3A_872, %shift_right_logical3A_887 : vector<16xi32>
        %shift_right_logical3A_889 = arith.constant 31 : i32
        %shift_right_logical3A_890 = vector.broadcast %shift_right_logical3A_889 : i32 to vector<16xi32>
        %shift_right_logical3A_891 = arith.shrui %bitcast3A_759, %shift_right_logical3A_890 : vector<16xi32>
        %add3A_892 = arith.addi %add3A_876, %shift_right_logical3A_891 : vector<16xi32>
        %shift_right_logical3A_893 = arith.constant 31 : i32
        %shift_right_logical3A_894 = vector.broadcast %shift_right_logical3A_893 : i32 to vector<16xi32>
        %shift_right_logical3A_895 = arith.shrui %bitcast3A_770, %shift_right_logical3A_894 : vector<16xi32>
        %add3A_896 = arith.addi %add3A_880, %shift_right_logical3A_895 : vector<16xi32>
        %shift_right_logical3A_897 = arith.constant 31 : i32
        %shift_right_logical3A_898 = vector.broadcast %shift_right_logical3A_897 : i32 to vector<16xi32>
        %shift_right_logical3A_899 = arith.shrui %bitcast3A_781, %shift_right_logical3A_898 : vector<16xi32>
        %add3A_900 = arith.addi %add3A_884, %shift_right_logical3A_899 : vector<16xi32>
        %shift_right_logical3A_901 = arith.constant 31 : i32
        %shift_right_logical3A_902 = vector.broadcast %shift_right_logical3A_901 : i32 to vector<16xi32>
        %shift_right_logical3A_903 = arith.shrui %bitcast3A_792, %shift_right_logical3A_902 : vector<16xi32>
        %add3A_904 = arith.addi %add3A_888, %shift_right_logical3A_903 : vector<16xi32>
        %shift_right_logical3A_905 = arith.constant 31 : i32
        %shift_right_logical3A_906 = vector.broadcast %shift_right_logical3A_905 : i32 to vector<16xi32>
        %shift_right_logical3A_907 = arith.shrui %bitcast3A_803, %shift_right_logical3A_906 : vector<16xi32>
        %add3A_908 = arith.addi %add3A_892, %shift_right_logical3A_907 : vector<16xi32>
        %shift_right_logical3A_909 = arith.constant 31 : i32
        %shift_right_logical3A_910 = vector.broadcast %shift_right_logical3A_909 : i32 to vector<16xi32>
        %shift_right_logical3A_911 = arith.shrui %bitcast3A_814, %shift_right_logical3A_910 : vector<16xi32>
        %add3A_912 = arith.addi %add3A_896, %shift_right_logical3A_911 : vector<16xi32>
        %shift_right_logical3A_913 = arith.constant 31 : i32
        %shift_right_logical3A_914 = vector.broadcast %shift_right_logical3A_913 : i32 to vector<16xi32>
        %shift_right_logical3A_915 = arith.shrui %bitcast3A_825, %shift_right_logical3A_914 : vector<16xi32>
        %add3A_916 = arith.addi %add3A_900, %shift_right_logical3A_915 : vector<16xi32>
        %shift_right_logical3A_917 = arith.constant 31 : i32
        %shift_right_logical3A_918 = vector.broadcast %shift_right_logical3A_917 : i32 to vector<16xi32>
        %shift_right_logical3A_919 = arith.shrui %bitcast3A_836, %shift_right_logical3A_918 : vector<16xi32>
        %add3A_920 = arith.addi %add3A_904, %shift_right_logical3A_919 : vector<16xi32>
        %shift_right_logical3A_921 = arith.constant 31 : i32
        %shift_right_logical3A_922 = vector.broadcast %shift_right_logical3A_921 : i32 to vector<16xi32>
        %shift_right_logical3A_923 = arith.shrui %bitcast3A_847, %shift_right_logical3A_922 : vector<16xi32>
        %add3A_924 = arith.addi %add3A_908, %shift_right_logical3A_923 : vector<16xi32>
        %shift_right_logical3A_925 = arith.constant 31 : i32
        %shift_right_logical3A_926 = vector.broadcast %shift_right_logical3A_925 : i32 to vector<16xi32>
        %shift_right_logical3A_927 = arith.shrui %bitcast3A_858, %shift_right_logical3A_926 : vector<16xi32>
        %add3A_928 = arith.addi %add3A_912, %shift_right_logical3A_927 : vector<16xi32>
        %shift_right_logical3A_929 = arith.constant 31 : i32
        %shift_right_logical3A_930 = vector.broadcast %shift_right_logical3A_929 : i32 to vector<16xi32>
        %shift_right_logical3A_931 = arith.shrui %bitcast3A_869, %shift_right_logical3A_930 : vector<16xi32>
        %add3A_932 = arith.addi %add3A_916, %shift_right_logical3A_931 : vector<16xi32>
        scf.yield %add3A_920, %add3A_924, %add3A_928, %add3A_932 : vector<16xi32>, vector<16xi32>, vector<16xi32>, vector<16xi32>
      }
      %scan3A_384 = arith.constant 2 : i32
      %add3A_385 = arith.addi %scan3A_383#0, %scan3A_383#1 : vector<16xi32>
      %add3A_386 = arith.addi %scan3A_383#2, %scan3A_383#3 : vector<16xi32>
      %add3A_387 = arith.addi %add3A_385, %add3A_386 : vector<16xi32>
      %swap3A_388 = arith.constant 0 : i32
      %swap3A_389 = arith.index_cast %swap3A_388 : i32 to index
      %swap3A_390 = arith.constant 0 : index
      %swap3A_391 = tpu.vector_load %arg6[%swap3A_389, %swap3A_390] {strides = array<i32>} : memref<16x16xi32, #tpu.memory_space<vmem>>, vector<16xi32>,
      tpu.vector_store %arg6[%swap3A_389, %swap3A_390], %add3A_387 {strides = array<i32>} : memref<16x16xi32, #tpu.memory_space<vmem>>, vector<16xi32>,
      %broadcast_in_dim3A_392 = arith.constant 0 : i32
      %broadcast_in_dim3A_393 = vector.broadcast %broadcast_in_dim3A_392 : i32 to vector<16xi32>
      %scan3A_394 = arith.constant 1 : i32
      %scan3A_395 = arith.constant 0 : i32
      %scan3A_396 = arith.constant 2 : i32
      %scan3A_397 = arith.addi %scan3A_395, %scan3A_396 : i32
      %scan3A_398 = arith.constant 1 : i32
      %scan3A_399:4 = scf.for %scan3A_689 = %scan3A_395 to %scan3A_397 step %scan3A_398 iter_args(%scan3A_690 = %broadcast_in_dim3A_393, %scan3A_691 = %broadcast_in_dim3A_393, %scan3A_692 = %broadcast_in_dim3A_393, %scan3A_693 = %broadcast_in_dim3A_393) -> (vector<16xi32>, vector<16xi32>, vector<16xi32>, vector<16xi32>)  : i32 {
        %mul3A_694 = arith.constant 256 : i32
        %mul3A_695 = arith.muli %scan3A_689, %mul3A_694 : i32
        %add3A_696 = arith.constant 0 : i32
        %add3A_697 = arith.addi %mul3A_695, %add3A_696 : i32
        %get3A = arith.constant 1 : i32
        %get3A_698 = arith.constant 0 : i32
        %get3A_699 = arith.constant 0 : i32
        %get3A_700 = tpu.memref_slice %arg5[%scan3A_394, %get3A_698, %get3A_699] : memref<2x8x2048xf32, #tpu.memory_space<vmem>> -> memref<1x8x2048xf32, #tpu.memory_space<vmem>>
        %get3A_701 = tpu.memref_squeeze %get3A_700 : memref<1x8x2048xf32, #tpu.memory_space<vmem>> -> memref<8x2048xf32, #tpu.memory_space<vmem>>
        %get3A_702 = arith.index_cast %get3A : i32 to index
        %get3A_703 = arith.index_cast %add3A_697 : i32 to index
        %get3A_704 = tpu.vector_load %get3A_701[%get3A_702, %get3A_703] {strides = array<i32>} : memref<8x2048xf32, #tpu.memory_space<vmem>>, vector<16xf32>,
        %bitcast3A = vector.bitcast %get3A_704 : vector<16xf32> to vector<16xi32>
        %add3A_705 = arith.constant 16 : i32
        %add3A_706 = arith.addi %mul3A_695, %add3A_705 : i32
        %get3A_707 = arith.constant 1 : i32
        %get3A_708 = arith.constant 0 : i32
        %get3A_709 = arith.constant 0 : i32
        %get3A_710 = tpu.memref_slice %arg5[%scan3A_394, %get3A_708, %get3A_709] : memref<2x8x2048xf32, #tpu.memory_space<vmem>> -> memref<1x8x2048xf32, #tpu.memory_space<vmem>>
        %get3A_711 = tpu.memref_squeeze %get3A_710 : memref<1x8x2048xf32, #tpu.memory_space<vmem>> -> memref<8x2048xf32, #tpu.memory_space<vmem>>
        %get3A_712 = arith.index_cast %get3A_707 : i32 to index
        %get3A_713 = arith.index_cast %add3A_706 : i32 to index
        %get3A_714 = tpu.vector_load %get3A_711[%get3A_712, %get3A_713] {strides = array<i32>} : memref<8x2048xf32, #tpu.memory_space<vmem>>, vector<16xf32>,
        %bitcast3A_715 = vector.bitcast %get3A_714 : vector<16xf32> to vector<16xi32>
        %add3A_716 = arith.constant 32 : i32
        %add3A_717 = arith.addi %mul3A_695, %add3A_716 : i32
        %get3A_718 = arith.constant 1 : i32
        %get3A_719 = arith.constant 0 : i32
        %get3A_720 = arith.constant 0 : i32
        %get3A_721 = tpu.memref_slice %arg5[%scan3A_394, %get3A_719, %get3A_720] : memref<2x8x2048xf32, #tpu.memory_space<vmem>> -> memref<1x8x2048xf32, #tpu.memory_space<vmem>>
        %get3A_722 = tpu.memref_squeeze %get3A_721 : memref<1x8x2048xf32, #tpu.memory_space<vmem>> -> memref<8x2048xf32, #tpu.memory_space<vmem>>
        %get3A_723 = arith.index_cast %get3A_718 : i32 to index
        %get3A_724 = arith.index_cast %add3A_717 : i32 to index
        %get3A_725 = tpu.vector_load %get3A_722[%get3A_723, %get3A_724] {strides = array<i32>} : memref<8x2048xf32, #tpu.memory_space<vmem>>, vector<16xf32>,
        %bitcast3A_726 = vector.bitcast %get3A_725 : vector<16xf32> to vector<16xi32>
        %add3A_727 = arith.constant 48 : i32
        %add3A_728 = arith.addi %mul3A_695, %add3A_727 : i32
        %get3A_729 = arith.constant 1 : i32
        %get3A_730 = arith.constant 0 : i32
        %get3A_731 = arith.constant 0 : i32
        %get3A_732 = tpu.memref_slice %arg5[%scan3A_394, %get3A_730, %get3A_731] : memref<2x8x2048xf32, #tpu.memory_space<vmem>> -> memref<1x8x2048xf32, #tpu.memory_space<vmem>>
        %get3A_733 = tpu.memref_squeeze %get3A_732 : memref<1x8x2048xf32, #tpu.memory_space<vmem>> -> memref<8x2048xf32, #tpu.memory_space<vmem>>
        %get3A_734 = arith.index_cast %get3A_729 : i32 to index
        %get3A_735 = arith.index_cast %add3A_728 : i32 to index
        %get3A_736 = tpu.vector_load %get3A_733[%get3A_734, %get3A_735] {strides = array<i32>} : memref<8x2048xf32, #tpu.memory_space<vmem>>, vector<16xf32>,
        %bitcast3A_737 = vector.bitcast %get3A_736 : vector<16xf32> to vector<16xi32>
        %add3A_738 = arith.constant 64 : i32
        %add3A_739 = arith.addi %mul3A_695, %add3A_738 : i32
        %get3A_740 = arith.constant 1 : i32
        %get3A_741 = arith.constant 0 : i32
        %get3A_742 = arith.constant 0 : i32
        %get3A_743 = tpu.memref_slice %arg5[%scan3A_394, %get3A_741, %get3A_742] : memref<2x8x2048xf32, #tpu.memory_space<vmem>> -> memref<1x8x2048xf32, #tpu.memory_space<vmem>>
        %get3A_744 = tpu.memref_squeeze %get3A_743 : memref<1x8x2048xf32, #tpu.memory_space<vmem>> -> memref<8x2048xf32, #tpu.memory_space<vmem>>
        %get3A_745 = arith.index_cast %get3A_740 : i32 to index
        %get3A_746 = arith.index_cast %add3A_739 : i32 to index
        %get3A_747 = tpu.vector_load %get3A_744[%get3A_745, %get3A_746] {strides = array<i32>} : memref<8x2048xf32, #tpu.memory_space<vmem>>, vector<16xf32>,
        %bitcast3A_748 = vector.bitcast %get3A_747 : vector<16xf32> to vector<16xi32>
        %add3A_749 = arith.constant 80 : i32
        %add3A_750 = arith.addi %mul3A_695, %add3A_749 : i32
        %get3A_751 = arith.constant 1 : i32
        %get3A_752 = arith.constant 0 : i32
        %get3A_753 = arith.constant 0 : i32
        %get3A_754 = tpu.memref_slice %arg5[%scan3A_394, %get3A_752, %get3A_753] : memref<2x8x2048xf32, #tpu.memory_space<vmem>> -> memref<1x8x2048xf32, #tpu.memory_space<vmem>>
        %get3A_755 = tpu.memref_squeeze %get3A_754 : memref<1x8x2048xf32, #tpu.memory_space<vmem>> -> memref<8x2048xf32, #tpu.memory_space<vmem>>
        %get3A_756 = arith.index_cast %get3A_751 : i32 to index
        %get3A_757 = arith.index_cast %add3A_750 : i32 to index
        %get3A_758 = tpu.vector_load %get3A_755[%get3A_756, %get3A_757] {strides = array<i32>} : memref<8x2048xf32, #tpu.memory_space<vmem>>, vector<16xf32>,
        %bitcast3A_759 = vector.bitcast %get3A_758 : vector<16xf32> to vector<16xi32>
        %add3A_760 = arith.constant 96 : i32
        %add3A_761 = arith.addi %mul3A_695, %add3A_760 : i32
        %get3A_762 = arith.constant 1 : i32
        %get3A_763 = arith.constant 0 : i32
        %get3A_764 = arith.constant 0 : i32
        %get3A_765 = tpu.memref_slice %arg5[%scan3A_394, %get3A_763, %get3A_764] : memref<2x8x2048xf32, #tpu.memory_space<vmem>> -> memref<1x8x2048xf32, #tpu.memory_space<vmem>>
        %get3A_766 = tpu.memref_squeeze %get3A_765 : memref<1x8x2048xf32, #tpu.memory_space<vmem>> -> memref<8x2048xf32, #tpu.memory_space<vmem>>
        %get3A_767 = arith.index_cast %get3A_762 : i32 to index
        %get3A_768 = arith.index_cast %add3A_761 : i32 to index
        %get3A_769 = tpu.vector_load %get3A_766[%get3A_767, %get3A_768] {strides = array<i32>} : memref<8x2048xf32, #tpu.memory_space<vmem>>, vector<16xf32>,
        %bitcast3A_770 = vector.bitcast %get3A_769 : vector<16xf32> to vector<16xi32>
        %add3A_771 = arith.constant 112 : i32
        %add3A_772 = arith.addi %mul3A_695, %add3A_771 : i32
        %get3A_773 = arith.constant 1 : i32
        %get3A_774 = arith.constant 0 : i32
        %get3A_775 = arith.constant 0 : i32
        %get3A_776 = tpu.memref_slice %arg5[%scan3A_394, %get3A_774, %get3A_775] : memref<2x8x2048xf32, #tpu.memory_space<vmem>> -> memref<1x8x2048xf32, #tpu.memory_space<vmem>>
        %get3A_777 = tpu.memref_squeeze %get3A_776 : memref<1x8x2048xf32, #tpu.memory_space<vmem>> -> memref<8x2048xf32, #tpu.memory_space<vmem>>
        %get3A_778 = arith.index_cast %get3A_773 : i32 to index
        %get3A_779 = arith.index_cast %add3A_772 : i32 to index
        %get3A_780 = tpu.vector_load %get3A_777[%get3A_778, %get3A_779] {strides = array<i32>} : memref<8x2048xf32, #tpu.memory_space<vmem>>, vector<16xf32>,
        %bitcast3A_781 = vector.bitcast %get3A_780 : vector<16xf32> to vector<16xi32>
        %add3A_782 = arith.constant 128 : i32
        %add3A_783 = arith.addi %mul3A_695, %add3A_782 : i32
        %get3A_784 = arith.constant 1 : i32
        %get3A_785 = arith.constant 0 : i32
        %get3A_786 = arith.constant 0 : i32
        %get3A_787 = tpu.memref_slice %arg5[%scan3A_394, %get3A_785, %get3A_786] : memref<2x8x2048xf32, #tpu.memory_space<vmem>> -> memref<1x8x2048xf32, #tpu.memory_space<vmem>>
        %get3A_788 = tpu.memref_squeeze %get3A_787 : memref<1x8x2048xf32, #tpu.memory_space<vmem>> -> memref<8x2048xf32, #tpu.memory_space<vmem>>
        %get3A_789 = arith.index_cast %get3A_784 : i32 to index
        %get3A_790 = arith.index_cast %add3A_783 : i32 to index
        %get3A_791 = tpu.vector_load %get3A_788[%get3A_789, %get3A_790] {strides = array<i32>} : memref<8x2048xf32, #tpu.memory_space<vmem>>, vector<16xf32>,
        %bitcast3A_792 = vector.bitcast %get3A_791 : vector<16xf32> to vector<16xi32>
        %add3A_793 = arith.constant 144 : i32
        %add3A_794 = arith.addi %mul3A_695, %add3A_793 : i32
        %get3A_795 = arith.constant 1 : i32
        %get3A_796 = arith.constant 0 : i32
        %get3A_797 = arith.constant 0 : i32
        %get3A_798 = tpu.memref_slice %arg5[%scan3A_394, %get3A_796, %get3A_797] : memref<2x8x2048xf32, #tpu.memory_space<vmem>> -> memref<1x8x2048xf32, #tpu.memory_space<vmem>>
        %get3A_799 = tpu.memref_squeeze %get3A_798 : memref<1x8x2048xf32, #tpu.memory_space<vmem>> -> memref<8x2048xf32, #tpu.memory_space<vmem>>
        %get3A_800 = arith.index_cast %get3A_795 : i32 to index
        %get3A_801 = arith.index_cast %add3A_794 : i32 to index
        %get3A_802 = tpu.vector_load %get3A_799[%get3A_800, %get3A_801] {strides = array<i32>} : memref<8x2048xf32, #tpu.memory_space<vmem>>, vector<16xf32>,
        %bitcast3A_803 = vector.bitcast %get3A_802 : vector<16xf32> to vector<16xi32>
        %add3A_804 = arith.constant 160 : i32
        %add3A_805 = arith.addi %mul3A_695, %add3A_804 : i32
        %get3A_806 = arith.constant 1 : i32
        %get3A_807 = arith.constant 0 : i32
        %get3A_808 = arith.constant 0 : i32
        %get3A_809 = tpu.memref_slice %arg5[%scan3A_394, %get3A_807, %get3A_808] : memref<2x8x2048xf32, #tpu.memory_space<vmem>> -> memref<1x8x2048xf32, #tpu.memory_space<vmem>>
        %get3A_810 = tpu.memref_squeeze %get3A_809 : memref<1x8x2048xf32, #tpu.memory_space<vmem>> -> memref<8x2048xf32, #tpu.memory_space<vmem>>
        %get3A_811 = arith.index_cast %get3A_806 : i32 to index
        %get3A_812 = arith.index_cast %add3A_805 : i32 to index
        %get3A_813 = tpu.vector_load %get3A_810[%get3A_811, %get3A_812] {strides = array<i32>} : memref<8x2048xf32, #tpu.memory_space<vmem>>, vector<16xf32>,
        %bitcast3A_814 = vector.bitcast %get3A_813 : vector<16xf32> to vector<16xi32>
        %add3A_815 = arith.constant 176 : i32
        %add3A_816 = arith.addi %mul3A_695, %add3A_815 : i32
        %get3A_817 = arith.constant 1 : i32
        %get3A_818 = arith.constant 0 : i32
        %get3A_819 = arith.constant 0 : i32
        %get3A_820 = tpu.memref_slice %arg5[%scan3A_394, %get3A_818, %get3A_819] : memref<2x8x2048xf32, #tpu.memory_space<vmem>> -> memref<1x8x2048xf32, #tpu.memory_space<vmem>>
        %get3A_821 = tpu.memref_squeeze %get3A_820 : memref<1x8x2048xf32, #tpu.memory_space<vmem>> -> memref<8x2048xf32, #tpu.memory_space<vmem>>
        %get3A_822 = arith.index_cast %get3A_817 : i32 to index
        %get3A_823 = arith.index_cast %add3A_816 : i32 to index
        %get3A_824 = tpu.vector_load %get3A_821[%get3A_822, %get3A_823] {strides = array<i32>} : memref<8x2048xf32, #tpu.memory_space<vmem>>, vector<16xf32>,
        %bitcast3A_825 = vector.bitcast %get3A_824 : vector<16xf32> to vector<16xi32>
        %add3A_826 = arith.constant 192 : i32
        %add3A_827 = arith.addi %mul3A_695, %add3A_826 : i32
        %get3A_828 = arith.constant 1 : i32
        %get3A_829 = arith.constant 0 : i32
        %get3A_830 = arith.constant 0 : i32
        %get3A_831 = tpu.memref_slice %arg5[%scan3A_394, %get3A_829, %get3A_830] : memref<2x8x2048xf32, #tpu.memory_space<vmem>> -> memref<1x8x2048xf32, #tpu.memory_space<vmem>>
        %get3A_832 = tpu.memref_squeeze %get3A_831 : memref<1x8x2048xf32, #tpu.memory_space<vmem>> -> memref<8x2048xf32, #tpu.memory_space<vmem>>
        %get3A_833 = arith.index_cast %get3A_828 : i32 to index
        %get3A_834 = arith.index_cast %add3A_827 : i32 to index
        %get3A_835 = tpu.vector_load %get3A_832[%get3A_833, %get3A_834] {strides = array<i32>} : memref<8x2048xf32, #tpu.memory_space<vmem>>, vector<16xf32>,
        %bitcast3A_836 = vector.bitcast %get3A_835 : vector<16xf32> to vector<16xi32>
        %add3A_837 = arith.constant 208 : i32
        %add3A_838 = arith.addi %mul3A_695, %add3A_837 : i32
        %get3A_839 = arith.constant 1 : i32
        %get3A_840 = arith.constant 0 : i32
        %get3A_841 = arith.constant 0 : i32
        %get3A_842 = tpu.memref_slice %arg5[%scan3A_394, %get3A_840, %get3A_841] : memref<2x8x2048xf32, #tpu.memory_space<vmem>> -> memref<1x8x2048xf32, #tpu.memory_space<vmem>>
        %get3A_843 = tpu.memref_squeeze %get3A_842 : memref<1x8x2048xf32, #tpu.memory_space<vmem>> -> memref<8x2048xf32, #tpu.memory_space<vmem>>
        %get3A_844 = arith.index_cast %get3A_839 : i32 to index
        %get3A_845 = arith.index_cast %add3A_838 : i32 to index
        %get3A_846 = tpu.vector_load %get3A_843[%get3A_844, %get3A_845] {strides = array<i32>} : memref<8x2048xf32, #tpu.memory_space<vmem>>, vector<16xf32>,
        %bitcast3A_847 = vector.bitcast %get3A_846 : vector<16xf32> to vector<16xi32>
        %add3A_848 = arith.constant 224 : i32
        %add3A_849 = arith.addi %mul3A_695, %add3A_848 : i32
        %get3A_850 = arith.constant 1 : i32
        %get3A_851 = arith.constant 0 : i32
        %get3A_852 = arith.constant 0 : i32
        %get3A_853 = tpu.memref_slice %arg5[%scan3A_394, %get3A_851, %get3A_852] : memref<2x8x2048xf32, #tpu.memory_space<vmem>> -> memref<1x8x2048xf32, #tpu.memory_space<vmem>>
        %get3A_854 = tpu.memref_squeeze %get3A_853 : memref<1x8x2048xf32, #tpu.memory_space<vmem>> -> memref<8x2048xf32, #tpu.memory_space<vmem>>
        %get3A_855 = arith.index_cast %get3A_850 : i32 to index
        %get3A_856 = arith.index_cast %add3A_849 : i32 to index
        %get3A_857 = tpu.vector_load %get3A_854[%get3A_855, %get3A_856] {strides = array<i32>} : memref<8x2048xf32, #tpu.memory_space<vmem>>, vector<16xf32>,
        %bitcast3A_858 = vector.bitcast %get3A_857 : vector<16xf32> to vector<16xi32>
        %add3A_859 = arith.constant 240 : i32
        %add3A_860 = arith.addi %mul3A_695, %add3A_859 : i32
        %get3A_861 = arith.constant 1 : i32
        %get3A_862 = arith.constant 0 : i32
        %get3A_863 = arith.constant 0 : i32
        %get3A_864 = tpu.memref_slice %arg5[%scan3A_394, %get3A_862, %get3A_863] : memref<2x8x2048xf32, #tpu.memory_space<vmem>> -> memref<1x8x2048xf32, #tpu.memory_space<vmem>>
        %get3A_865 = tpu.memref_squeeze %get3A_864 : memref<1x8x2048xf32, #tpu.memory_space<vmem>> -> memref<8x2048xf32, #tpu.memory_space<vmem>>
        %get3A_866 = arith.index_cast %get3A_861 : i32 to index
        %get3A_867 = arith.index_cast %add3A_860 : i32 to index
        %get3A_868 = tpu.vector_load %get3A_865[%get3A_866, %get3A_867] {strides = array<i32>} : memref<8x2048xf32, #tpu.memory_space<vmem>>, vector<16xf32>,
        %bitcast3A_869 = vector.bitcast %get3A_868 : vector<16xf32> to vector<16xi32>
        %shift_right_logical3A = arith.constant 31 : i32
        %shift_right_logical3A_870 = vector.broadcast %shift_right_logical3A : i32 to vector<16xi32>
        %shift_right_logical3A_871 = arith.shrui %bitcast3A, %shift_right_logical3A_870 : vector<16xi32>
        %add3A_872 = arith.addi %scan3A_690, %shift_right_logical3A_871 : vector<16xi32>
        %shift_right_logical3A_873 = arith.constant 31 : i32
        %shift_right_logical3A_874 = vector.broadcast %shift_right_logical3A_873 : i32 to vector<16xi32>
        %shift_right_logical3A_875 = arith.shrui %bitcast3A_715, %shift_right_logical3A_874 : vector<16xi32>
        %add3A_876 = arith.addi %scan3A_691, %shift_right_logical3A_875 : vector<16xi32>
        %shift_right_logical3A_877 = arith.constant 31 : i32
        %shift_right_logical3A_878 = vector.broadcast %shift_right_logical3A_877 : i32 to vector<16xi32>
        %shift_right_logical3A_879 = arith.shrui %bitcast3A_726, %shift_right_logical3A_878 : vector<16xi32>
        %add3A_880 = arith.addi %scan3A_692, %shift_right_logical3A_879 : vector<16xi32>
        %shift_right_logical3A_881 = arith.constant 31 : i32
        %shift_right_logical3A_882 = vector.broadcast %shift_right_logical3A_881 : i32 to vector<16xi32>
        %shift_right_logical3A_883 = arith.shrui %bitcast3A_737, %shift_right_logical3A_882 : vector<16xi32>
        %add3A_884 = arith.addi %scan3A_693, %shift_right_logical3A_883 : vector<16xi32>
        %shift_right_logical3A_885 = arith.constant 31 : i32
        %shift_right_logical3A_886 = vector.broadcast %shift_right_logical3A_885 : i32 to vector<16xi32>
        %shift_right_logical3A_887 = arith.shrui %bitcast3A_748, %shift_right_logical3A_886 : vector<16xi32>
        %add3A_888 = arith.addi %add3A_872, %shift_right_logical3A_887 : vector<16xi32>
        %shift_right_logical3A_889 = arith.constant 31 : i32
        %shift_right_logical3A_890 = vector.broadcast %shift_right_logical3A_889 : i32 to vector<16xi32>
        %shift_right_logical3A_891 = arith.shrui %bitcast3A_759, %shift_right_logical3A_890 : vector<16xi32>
        %add3A_892 = arith.addi %add3A_876, %shift_right_logical3A_891 : vector<16xi32>
        %shift_right_logical3A_893 = arith.constant 31 : i32
        %shift_right_logical3A_894 = vector.broadcast %shift_right_logical3A_893 : i32 to vector<16xi32>
        %shift_right_logical3A_895 = arith.shrui %bitcast3A_770, %shift_right_logical3A_894 : vector<16xi32>
        %add3A_896 = arith.addi %add3A_880, %shift_right_logical3A_895 : vector<16xi32>
        %shift_right_logical3A_897 = arith.constant 31 : i32
        %shift_right_logical3A_898 = vector.broadcast %shift_right_logical3A_897 : i32 to vector<16xi32>
        %shift_right_logical3A_899 = arith.shrui %bitcast3A_781, %shift_right_logical3A_898 : vector<16xi32>
        %add3A_900 = arith.addi %add3A_884, %shift_right_logical3A_899 : vector<16xi32>
        %shift_right_logical3A_901 = arith.constant 31 : i32
        %shift_right_logical3A_902 = vector.broadcast %shift_right_logical3A_901 : i32 to vector<16xi32>
        %shift_right_logical3A_903 = arith.shrui %bitcast3A_792, %shift_right_logical3A_902 : vector<16xi32>
        %add3A_904 = arith.addi %add3A_888, %shift_right_logical3A_903 : vector<16xi32>
        %shift_right_logical3A_905 = arith.constant 31 : i32
        %shift_right_logical3A_906 = vector.broadcast %shift_right_logical3A_905 : i32 to vector<16xi32>
        %shift_right_logical3A_907 = arith.shrui %bitcast3A_803, %shift_right_logical3A_906 : vector<16xi32>
        %add3A_908 = arith.addi %add3A_892, %shift_right_logical3A_907 : vector<16xi32>
        %shift_right_logical3A_909 = arith.constant 31 : i32
        %shift_right_logical3A_910 = vector.broadcast %shift_right_logical3A_909 : i32 to vector<16xi32>
        %shift_right_logical3A_911 = arith.shrui %bitcast3A_814, %shift_right_logical3A_910 : vector<16xi32>
        %add3A_912 = arith.addi %add3A_896, %shift_right_logical3A_911 : vector<16xi32>
        %shift_right_logical3A_913 = arith.constant 31 : i32
        %shift_right_logical3A_914 = vector.broadcast %shift_right_logical3A_913 : i32 to vector<16xi32>
        %shift_right_logical3A_915 = arith.shrui %bitcast3A_825, %shift_right_logical3A_914 : vector<16xi32>
        %add3A_916 = arith.addi %add3A_900, %shift_right_logical3A_915 : vector<16xi32>
        %shift_right_logical3A_917 = arith.constant 31 : i32
        %shift_right_logical3A_918 = vector.broadcast %shift_right_logical3A_917 : i32 to vector<16xi32>
        %shift_right_logical3A_919 = arith.shrui %bitcast3A_836, %shift_right_logical3A_918 : vector<16xi32>
        %add3A_920 = arith.addi %add3A_904, %shift_right_logical3A_919 : vector<16xi32>
        %shift_right_logical3A_921 = arith.constant 31 : i32
        %shift_right_logical3A_922 = vector.broadcast %shift_right_logical3A_921 : i32 to vector<16xi32>
        %shift_right_logical3A_923 = arith.shrui %bitcast3A_847, %shift_right_logical3A_922 : vector<16xi32>
        %add3A_924 = arith.addi %add3A_908, %shift_right_logical3A_923 : vector<16xi32>
        %shift_right_logical3A_925 = arith.constant 31 : i32
        %shift_right_logical3A_926 = vector.broadcast %shift_right_logical3A_925 : i32 to vector<16xi32>
        %shift_right_logical3A_927 = arith.shrui %bitcast3A_858, %shift_right_logical3A_926 : vector<16xi32>
        %add3A_928 = arith.addi %add3A_912, %shift_right_logical3A_927 : vector<16xi32>
        %shift_right_logical3A_929 = arith.constant 31 : i32
        %shift_right_logical3A_930 = vector.broadcast %shift_right_logical3A_929 : i32 to vector<16xi32>
        %shift_right_logical3A_931 = arith.shrui %bitcast3A_869, %shift_right_logical3A_930 : vector<16xi32>
        %add3A_932 = arith.addi %add3A_916, %shift_right_logical3A_931 : vector<16xi32>
        scf.yield %add3A_920, %add3A_924, %add3A_928, %add3A_932 : vector<16xi32>, vector<16xi32>, vector<16xi32>, vector<16xi32>
      }
      %scan3A_400 = arith.constant 2 : i32
      %add3A_401 = arith.addi %scan3A_399#0, %scan3A_399#1 : vector<16xi32>
      %add3A_402 = arith.addi %scan3A_399#2, %scan3A_399#3 : vector<16xi32>
      %add3A_403 = arith.addi %add3A_401, %add3A_402 : vector<16xi32>
      %swap3A_404 = arith.constant 1 : i32
      %swap3A_405 = arith.index_cast %swap3A_404 : i32 to index
      %swap3A_406 = arith.constant 0 : index
      %swap3A_407 = tpu.vector_load %arg6[%swap3A_405, %swap3A_406] {strides = array<i32>} : memref<16x16xi32, #tpu.memory_space<vmem>>, vector<16xi32>,
      tpu.vector_store %arg6[%swap3A_405, %swap3A_406], %add3A_403 {strides = array<i32>} : memref<16x16xi32, #tpu.memory_space<vmem>>, vector<16xi32>,
      %broadcast_in_dim3A_408 = arith.constant 0 : i32
      %broadcast_in_dim3A_409 = vector.broadcast %broadcast_in_dim3A_408 : i32 to vector<16xi32>
      %scan3A_410 = arith.constant 1 : i32
      %scan3A_411 = arith.constant 0 : i32
      %scan3A_412 = arith.constant 2 : i32
      %scan3A_413 = arith.addi %scan3A_411, %scan3A_412 : i32
      %scan3A_414 = arith.constant 1 : i32
      %scan3A_415:4 = scf.for %scan3A_689 = %scan3A_411 to %scan3A_413 step %scan3A_414 iter_args(%scan3A_690 = %broadcast_in_dim3A_409, %scan3A_691 = %broadcast_in_dim3A_409, %scan3A_692 = %broadcast_in_dim3A_409, %scan3A_693 = %broadcast_in_dim3A_409) -> (vector<16xi32>, vector<16xi32>, vector<16xi32>, vector<16xi32>)  : i32 {
        %mul3A_694 = arith.constant 256 : i32
        %mul3A_695 = arith.muli %scan3A_689, %mul3A_694 : i32
        %add3A_696 = arith.constant 0 : i32
        %add3A_697 = arith.addi %mul3A_695, %add3A_696 : i32
        %get3A = arith.constant 2 : i32
        %get3A_698 = arith.constant 0 : i32
        %get3A_699 = arith.constant 0 : i32
        %get3A_700 = tpu.memref_slice %arg5[%scan3A_410, %get3A_698, %get3A_699] : memref<2x8x2048xf32, #tpu.memory_space<vmem>> -> memref<1x8x2048xf32, #tpu.memory_space<vmem>>
        %get3A_701 = tpu.memref_squeeze %get3A_700 : memref<1x8x2048xf32, #tpu.memory_space<vmem>> -> memref<8x2048xf32, #tpu.memory_space<vmem>>
        %get3A_702 = arith.index_cast %get3A : i32 to index
        %get3A_703 = arith.index_cast %add3A_697 : i32 to index
        %get3A_704 = tpu.vector_load %get3A_701[%get3A_702, %get3A_703] {strides = array<i32>} : memref<8x2048xf32, #tpu.memory_space<vmem>>, vector<16xf32>,
        %bitcast3A = vector.bitcast %get3A_704 : vector<16xf32> to vector<16xi32>
        %add3A_705 = arith.constant 16 : i32
        %add3A_706 = arith.addi %mul3A_695, %add3A_705 : i32
        %get3A_707 = arith.constant 2 : i32
        %get3A_708 = arith.constant 0 : i32
        %get3A_709 = arith.constant 0 : i32
        %get3A_710 = tpu.memref_slice %arg5[%scan3A_410, %get3A_708, %get3A_709] : memref<2x8x2048xf32, #tpu.memory_space<vmem>> -> memref<1x8x2048xf32, #tpu.memory_space<vmem>>
        %get3A_711 = tpu.memref_squeeze %get3A_710 : memref<1x8x2048xf32, #tpu.memory_space<vmem>> -> memref<8x2048xf32, #tpu.memory_space<vmem>>
        %get3A_712 = arith.index_cast %get3A_707 : i32 to index
        %get3A_713 = arith.index_cast %add3A_706 : i32 to index
        %get3A_714 = tpu.vector_load %get3A_711[%get3A_712, %get3A_713] {strides = array<i32>} : memref<8x2048xf32, #tpu.memory_space<vmem>>, vector<16xf32>,
        %bitcast3A_715 = vector.bitcast %get3A_714 : vector<16xf32> to vector<16xi32>
        %add3A_716 = arith.constant 32 : i32
        %add3A_717 = arith.addi %mul3A_695, %add3A_716 : i32
        %get3A_718 = arith.constant 2 : i32
        %get3A_719 = arith.constant 0 : i32
        %get3A_720 = arith.constant 0 : i32
        %get3A_721 = tpu.memref_slice %arg5[%scan3A_410, %get3A_719, %get3A_720] : memref<2x8x2048xf32, #tpu.memory_space<vmem>> -> memref<1x8x2048xf32, #tpu.memory_space<vmem>>
        %get3A_722 = tpu.memref_squeeze %get3A_721 : memref<1x8x2048xf32, #tpu.memory_space<vmem>> -> memref<8x2048xf32, #tpu.memory_space<vmem>>
        %get3A_723 = arith.index_cast %get3A_718 : i32 to index
        %get3A_724 = arith.index_cast %add3A_717 : i32 to index
        %get3A_725 = tpu.vector_load %get3A_722[%get3A_723, %get3A_724] {strides = array<i32>} : memref<8x2048xf32, #tpu.memory_space<vmem>>, vector<16xf32>,
        %bitcast3A_726 = vector.bitcast %get3A_725 : vector<16xf32> to vector<16xi32>
        %add3A_727 = arith.constant 48 : i32
        %add3A_728 = arith.addi %mul3A_695, %add3A_727 : i32
        %get3A_729 = arith.constant 2 : i32
        %get3A_730 = arith.constant 0 : i32
        %get3A_731 = arith.constant 0 : i32
        %get3A_732 = tpu.memref_slice %arg5[%scan3A_410, %get3A_730, %get3A_731] : memref<2x8x2048xf32, #tpu.memory_space<vmem>> -> memref<1x8x2048xf32, #tpu.memory_space<vmem>>
        %get3A_733 = tpu.memref_squeeze %get3A_732 : memref<1x8x2048xf32, #tpu.memory_space<vmem>> -> memref<8x2048xf32, #tpu.memory_space<vmem>>
        %get3A_734 = arith.index_cast %get3A_729 : i32 to index
        %get3A_735 = arith.index_cast %add3A_728 : i32 to index
        %get3A_736 = tpu.vector_load %get3A_733[%get3A_734, %get3A_735] {strides = array<i32>} : memref<8x2048xf32, #tpu.memory_space<vmem>>, vector<16xf32>,
        %bitcast3A_737 = vector.bitcast %get3A_736 : vector<16xf32> to vector<16xi32>
        %add3A_738 = arith.constant 64 : i32
        %add3A_739 = arith.addi %mul3A_695, %add3A_738 : i32
        %get3A_740 = arith.constant 2 : i32
        %get3A_741 = arith.constant 0 : i32
        %get3A_742 = arith.constant 0 : i32
        %get3A_743 = tpu.memref_slice %arg5[%scan3A_410, %get3A_741, %get3A_742] : memref<2x8x2048xf32, #tpu.memory_space<vmem>> -> memref<1x8x2048xf32, #tpu.memory_space<vmem>>
        %get3A_744 = tpu.memref_squeeze %get3A_743 : memref<1x8x2048xf32, #tpu.memory_space<vmem>> -> memref<8x2048xf32, #tpu.memory_space<vmem>>
        %get3A_745 = arith.index_cast %get3A_740 : i32 to index
        %get3A_746 = arith.index_cast %add3A_739 : i32 to index
        %get3A_747 = tpu.vector_load %get3A_744[%get3A_745, %get3A_746] {strides = array<i32>} : memref<8x2048xf32, #tpu.memory_space<vmem>>, vector<16xf32>,
        %bitcast3A_748 = vector.bitcast %get3A_747 : vector<16xf32> to vector<16xi32>
        %add3A_749 = arith.constant 80 : i32
        %add3A_750 = arith.addi %mul3A_695, %add3A_749 : i32
        %get3A_751 = arith.constant 2 : i32
        %get3A_752 = arith.constant 0 : i32
        %get3A_753 = arith.constant 0 : i32
        %get3A_754 = tpu.memref_slice %arg5[%scan3A_410, %get3A_752, %get3A_753] : memref<2x8x2048xf32, #tpu.memory_space<vmem>> -> memref<1x8x2048xf32, #tpu.memory_space<vmem>>
        %get3A_755 = tpu.memref_squeeze %get3A_754 : memref<1x8x2048xf32, #tpu.memory_space<vmem>> -> memref<8x2048xf32, #tpu.memory_space<vmem>>
        %get3A_756 = arith.index_cast %get3A_751 : i32 to index
        %get3A_757 = arith.index_cast %add3A_750 : i32 to index
        %get3A_758 = tpu.vector_load %get3A_755[%get3A_756, %get3A_757] {strides = array<i32>} : memref<8x2048xf32, #tpu.memory_space<vmem>>, vector<16xf32>,
        %bitcast3A_759 = vector.bitcast %get3A_758 : vector<16xf32> to vector<16xi32>
        %add3A_760 = arith.constant 96 : i32
        %add3A_761 = arith.addi %mul3A_695, %add3A_760 : i32
        %get3A_762 = arith.constant 2 : i32
        %get3A_763 = arith.constant 0 : i32
        %get3A_764 = arith.constant 0 : i32
        %get3A_765 = tpu.memref_slice %arg5[%scan3A_410, %get3A_763, %get3A_764] : memref<2x8x2048xf32, #tpu.memory_space<vmem>> -> memref<1x8x2048xf32, #tpu.memory_space<vmem>>
        %get3A_766 = tpu.memref_squeeze %get3A_765 : memref<1x8x2048xf32, #tpu.memory_space<vmem>> -> memref<8x2048xf32, #tpu.memory_space<vmem>>
        %get3A_767 = arith.index_cast %get3A_762 : i32 to index
        %get3A_768 = arith.index_cast %add3A_761 : i32 to index
        %get3A_769 = tpu.vector_load %get3A_766[%get3A_767, %get3A_768] {strides = array<i32>} : memref<8x2048xf32, #tpu.memory_space<vmem>>, vector<16xf32>,
        %bitcast3A_770 = vector.bitcast %get3A_769 : vector<16xf32> to vector<16xi32>
        %add3A_771 = arith.constant 112 : i32
        %add3A_772 = arith.addi %mul3A_695, %add3A_771 : i32
        %get3A_773 = arith.constant 2 : i32
        %get3A_774 = arith.constant 0 : i32
        %get3A_775 = arith.constant 0 : i32
        %get3A_776 = tpu.memref_slice %arg5[%scan3A_410, %get3A_774, %get3A_775] : memref<2x8x2048xf32, #tpu.memory_space<vmem>> -> memref<1x8x2048xf32, #tpu.memory_space<vmem>>
        %get3A_777 = tpu.memref_squeeze %get3A_776 : memref<1x8x2048xf32, #tpu.memory_space<vmem>> -> memref<8x2048xf32, #tpu.memory_space<vmem>>
        %get3A_778 = arith.index_cast %get3A_773 : i32 to index
        %get3A_779 = arith.index_cast %add3A_772 : i32 to index
        %get3A_780 = tpu.vector_load %get3A_777[%get3A_778, %get3A_779] {strides = array<i32>} : memref<8x2048xf32, #tpu.memory_space<vmem>>, vector<16xf32>,
        %bitcast3A_781 = vector.bitcast %get3A_780 : vector<16xf32> to vector<16xi32>
        %add3A_782 = arith.constant 128 : i32
        %add3A_783 = arith.addi %mul3A_695, %add3A_782 : i32
        %get3A_784 = arith.constant 2 : i32
        %get3A_785 = arith.constant 0 : i32
        %get3A_786 = arith.constant 0 : i32
        %get3A_787 = tpu.memref_slice %arg5[%scan3A_410, %get3A_785, %get3A_786] : memref<2x8x2048xf32, #tpu.memory_space<vmem>> -> memref<1x8x2048xf32, #tpu.memory_space<vmem>>
        %get3A_788 = tpu.memref_squeeze %get3A_787 : memref<1x8x2048xf32, #tpu.memory_space<vmem>> -> memref<8x2048xf32, #tpu.memory_space<vmem>>
        %get3A_789 = arith.index_cast %get3A_784 : i32 to index
        %get3A_790 = arith.index_cast %add3A_783 : i32 to index
        %get3A_791 = tpu.vector_load %get3A_788[%get3A_789, %get3A_790] {strides = array<i32>} : memref<8x2048xf32, #tpu.memory_space<vmem>>, vector<16xf32>,
        %bitcast3A_792 = vector.bitcast %get3A_791 : vector<16xf32> to vector<16xi32>
        %add3A_793 = arith.constant 144 : i32
        %add3A_794 = arith.addi %mul3A_695, %add3A_793 : i32
        %get3A_795 = arith.constant 2 : i32
        %get3A_796 = arith.constant 0 : i32
        %get3A_797 = arith.constant 0 : i32
        %get3A_798 = tpu.memref_slice %arg5[%scan3A_410, %get3A_796, %get3A_797] : memref<2x8x2048xf32, #tpu.memory_space<vmem>> -> memref<1x8x2048xf32, #tpu.memory_space<vmem>>
        %get3A_799 = tpu.memref_squeeze %get3A_798 : memref<1x8x2048xf32, #tpu.memory_space<vmem>> -> memref<8x2048xf32, #tpu.memory_space<vmem>>
        %get3A_800 = arith.index_cast %get3A_795 : i32 to index
        %get3A_801 = arith.index_cast %add3A_794 : i32 to index
        %get3A_802 = tpu.vector_load %get3A_799[%get3A_800, %get3A_801] {strides = array<i32>} : memref<8x2048xf32, #tpu.memory_space<vmem>>, vector<16xf32>,
        %bitcast3A_803 = vector.bitcast %get3A_802 : vector<16xf32> to vector<16xi32>
        %add3A_804 = arith.constant 160 : i32
        %add3A_805 = arith.addi %mul3A_695, %add3A_804 : i32
        %get3A_806 = arith.constant 2 : i32
        %get3A_807 = arith.constant 0 : i32
        %get3A_808 = arith.constant 0 : i32
        %get3A_809 = tpu.memref_slice %arg5[%scan3A_410, %get3A_807, %get3A_808] : memref<2x8x2048xf32, #tpu.memory_space<vmem>> -> memref<1x8x2048xf32, #tpu.memory_space<vmem>>
        %get3A_810 = tpu.memref_squeeze %get3A_809 : memref<1x8x2048xf32, #tpu.memory_space<vmem>> -> memref<8x2048xf32, #tpu.memory_space<vmem>>
        %get3A_811 = arith.index_cast %get3A_806 : i32 to index
        %get3A_812 = arith.index_cast %add3A_805 : i32 to index
        %get3A_813 = tpu.vector_load %get3A_810[%get3A_811, %get3A_812] {strides = array<i32>} : memref<8x2048xf32, #tpu.memory_space<vmem>>, vector<16xf32>,
        %bitcast3A_814 = vector.bitcast %get3A_813 : vector<16xf32> to vector<16xi32>
        %add3A_815 = arith.constant 176 : i32
        %add3A_816 = arith.addi %mul3A_695, %add3A_815 : i32
        %get3A_817 = arith.constant 2 : i32
        %get3A_818 = arith.constant 0 : i32
        %get3A_819 = arith.constant 0 : i32
        %get3A_820 = tpu.memref_slice %arg5[%scan3A_410, %get3A_818, %get3A_819] : memref<2x8x2048xf32, #tpu.memory_space<vmem>> -> memref<1x8x2048xf32, #tpu.memory_space<vmem>>
        %get3A_821 = tpu.memref_squeeze %get3A_820 : memref<1x8x2048xf32, #tpu.memory_space<vmem>> -> memref<8x2048xf32, #tpu.memory_space<vmem>>
        %get3A_822 = arith.index_cast %get3A_817 : i32 to index
        %get3A_823 = arith.index_cast %add3A_816 : i32 to index
        %get3A_824 = tpu.vector_load %get3A_821[%get3A_822, %get3A_823] {strides = array<i32>} : memref<8x2048xf32, #tpu.memory_space<vmem>>, vector<16xf32>,
        %bitcast3A_825 = vector.bitcast %get3A_824 : vector<16xf32> to vector<16xi32>
        %add3A_826 = arith.constant 192 : i32
        %add3A_827 = arith.addi %mul3A_695, %add3A_826 : i32
        %get3A_828 = arith.constant 2 : i32
        %get3A_829 = arith.constant 0 : i32
        %get3A_830 = arith.constant 0 : i32
        %get3A_831 = tpu.memref_slice %arg5[%scan3A_410, %get3A_829, %get3A_830] : memref<2x8x2048xf32, #tpu.memory_space<vmem>> -> memref<1x8x2048xf32, #tpu.memory_space<vmem>>
        %get3A_832 = tpu.memref_squeeze %get3A_831 : memref<1x8x2048xf32, #tpu.memory_space<vmem>> -> memref<8x2048xf32, #tpu.memory_space<vmem>>
        %get3A_833 = arith.index_cast %get3A_828 : i32 to index
        %get3A_834 = arith.index_cast %add3A_827 : i32 to index
        %get3A_835 = tpu.vector_load %get3A_832[%get3A_833, %get3A_834] {strides = array<i32>} : memref<8x2048xf32, #tpu.memory_space<vmem>>, vector<16xf32>,
        %bitcast3A_836 = vector.bitcast %get3A_835 : vector<16xf32> to vector<16xi32>
        %add3A_837 = arith.constant 208 : i32
        %add3A_838 = arith.addi %mul3A_695, %add3A_837 : i32
        %get3A_839 = arith.constant 2 : i32
        %get3A_840 = arith.constant 0 : i32
        %get3A_841 = arith.constant 0 : i32
        %get3A_842 = tpu.memref_slice %arg5[%scan3A_410, %get3A_840, %get3A_841] : memref<2x8x2048xf32, #tpu.memory_space<vmem>> -> memref<1x8x2048xf32, #tpu.memory_space<vmem>>
        %get3A_843 = tpu.memref_squeeze %get3A_842 : memref<1x8x2048xf32, #tpu.memory_space<vmem>> -> memref<8x2048xf32, #tpu.memory_space<vmem>>
        %get3A_844 = arith.index_cast %get3A_839 : i32 to index
        %get3A_845 = arith.index_cast %add3A_838 : i32 to index
        %get3A_846 = tpu.vector_load %get3A_843[%get3A_844, %get3A_845] {strides = array<i32>} : memref<8x2048xf32, #tpu.memory_space<vmem>>, vector<16xf32>,
        %bitcast3A_847 = vector.bitcast %get3A_846 : vector<16xf32> to vector<16xi32>
        %add3A_848 = arith.constant 224 : i32
        %add3A_849 = arith.addi %mul3A_695, %add3A_848 : i32
        %get3A_850 = arith.constant 2 : i32
        %get3A_851 = arith.constant 0 : i32
        %get3A_852 = arith.constant 0 : i32
        %get3A_853 = tpu.memref_slice %arg5[%scan3A_410, %get3A_851, %get3A_852] : memref<2x8x2048xf32, #tpu.memory_space<vmem>> -> memref<1x8x2048xf32, #tpu.memory_space<vmem>>
        %get3A_854 = tpu.memref_squeeze %get3A_853 : memref<1x8x2048xf32, #tpu.memory_space<vmem>> -> memref<8x2048xf32, #tpu.memory_space<vmem>>
        %get3A_855 = arith.index_cast %get3A_850 : i32 to index
        %get3A_856 = arith.index_cast %add3A_849 : i32 to index
        %get3A_857 = tpu.vector_load %get3A_854[%get3A_855, %get3A_856] {strides = array<i32>} : memref<8x2048xf32, #tpu.memory_space<vmem>>, vector<16xf32>,
        %bitcast3A_858 = vector.bitcast %get3A_857 : vector<16xf32> to vector<16xi32>
        %add3A_859 = arith.constant 240 : i32
        %add3A_860 = arith.addi %mul3A_695, %add3A_859 : i32
        %get3A_861 = arith.constant 2 : i32
        %get3A_862 = arith.constant 0 : i32
        %get3A_863 = arith.constant 0 : i32
        %get3A_864 = tpu.memref_slice %arg5[%scan3A_410, %get3A_862, %get3A_863] : memref<2x8x2048xf32, #tpu.memory_space<vmem>> -> memref<1x8x2048xf32, #tpu.memory_space<vmem>>
        %get3A_865 = tpu.memref_squeeze %get3A_864 : memref<1x8x2048xf32, #tpu.memory_space<vmem>> -> memref<8x2048xf32, #tpu.memory_space<vmem>>
        %get3A_866 = arith.index_cast %get3A_861 : i32 to index
        %get3A_867 = arith.index_cast %add3A_860 : i32 to index
        %get3A_868 = tpu.vector_load %get3A_865[%get3A_866, %get3A_867] {strides = array<i32>} : memref<8x2048xf32, #tpu.memory_space<vmem>>, vector<16xf32>,
        %bitcast3A_869 = vector.bitcast %get3A_868 : vector<16xf32> to vector<16xi32>
        %shift_right_logical3A = arith.constant 31 : i32
        %shift_right_logical3A_870 = vector.broadcast %shift_right_logical3A : i32 to vector<16xi32>
        %shift_right_logical3A_871 = arith.shrui %bitcast3A, %shift_right_logical3A_870 : vector<16xi32>
        %add3A_872 = arith.addi %scan3A_690, %shift_right_logical3A_871 : vector<16xi32>
        %shift_right_logical3A_873 = arith.constant 31 : i32
        %shift_right_logical3A_874 = vector.broadcast %shift_right_logical3A_873 : i32 to vector<16xi32>
        %shift_right_logical3A_875 = arith.shrui %bitcast3A_715, %shift_right_logical3A_874 : vector<16xi32>
        %add3A_876 = arith.addi %scan3A_691, %shift_right_logical3A_875 : vector<16xi32>
        %shift_right_logical3A_877 = arith.constant 31 : i32
        %shift_right_logical3A_878 = vector.broadcast %shift_right_logical3A_877 : i32 to vector<16xi32>
        %shift_right_logical3A_879 = arith.shrui %bitcast3A_726, %shift_right_logical3A_878 : vector<16xi32>
        %add3A_880 = arith.addi %scan3A_692, %shift_right_logical3A_879 : vector<16xi32>
        %shift_right_logical3A_881 = arith.constant 31 : i32
        %shift_right_logical3A_882 = vector.broadcast %shift_right_logical3A_881 : i32 to vector<16xi32>
        %shift_right_logical3A_883 = arith.shrui %bitcast3A_737, %shift_right_logical3A_882 : vector<16xi32>
        %add3A_884 = arith.addi %scan3A_693, %shift_right_logical3A_883 : vector<16xi32>
        %shift_right_logical3A_885 = arith.constant 31 : i32
        %shift_right_logical3A_886 = vector.broadcast %shift_right_logical3A_885 : i32 to vector<16xi32>
        %shift_right_logical3A_887 = arith.shrui %bitcast3A_748, %shift_right_logical3A_886 : vector<16xi32>
        %add3A_888 = arith.addi %add3A_872, %shift_right_logical3A_887 : vector<16xi32>
        %shift_right_logical3A_889 = arith.constant 31 : i32
        %shift_right_logical3A_890 = vector.broadcast %shift_right_logical3A_889 : i32 to vector<16xi32>
        %shift_right_logical3A_891 = arith.shrui %bitcast3A_759, %shift_right_logical3A_890 : vector<16xi32>
        %add3A_892 = arith.addi %add3A_876, %shift_right_logical3A_891 : vector<16xi32>
        %shift_right_logical3A_893 = arith.constant 31 : i32
        %shift_right_logical3A_894 = vector.broadcast %shift_right_logical3A_893 : i32 to vector<16xi32>
        %shift_right_logical3A_895 = arith.shrui %bitcast3A_770, %shift_right_logical3A_894 : vector<16xi32>
        %add3A_896 = arith.addi %add3A_880, %shift_right_logical3A_895 : vector<16xi32>
        %shift_right_logical3A_897 = arith.constant 31 : i32
        %shift_right_logical3A_898 = vector.broadcast %shift_right_logical3A_897 : i32 to vector<16xi32>
        %shift_right_logical3A_899 = arith.shrui %bitcast3A_781, %shift_right_logical3A_898 : vector<16xi32>
        %add3A_900 = arith.addi %add3A_884, %shift_right_logical3A_899 : vector<16xi32>
        %shift_right_logical3A_901 = arith.constant 31 : i32
        %shift_right_logical3A_902 = vector.broadcast %shift_right_logical3A_901 : i32 to vector<16xi32>
        %shift_right_logical3A_903 = arith.shrui %bitcast3A_792, %shift_right_logical3A_902 : vector<16xi32>
        %add3A_904 = arith.addi %add3A_888, %shift_right_logical3A_903 : vector<16xi32>
        %shift_right_logical3A_905 = arith.constant 31 : i32
        %shift_right_logical3A_906 = vector.broadcast %shift_right_logical3A_905 : i32 to vector<16xi32>
        %shift_right_logical3A_907 = arith.shrui %bitcast3A_803, %shift_right_logical3A_906 : vector<16xi32>
        %add3A_908 = arith.addi %add3A_892, %shift_right_logical3A_907 : vector<16xi32>
        %shift_right_logical3A_909 = arith.constant 31 : i32
        %shift_right_logical3A_910 = vector.broadcast %shift_right_logical3A_909 : i32 to vector<16xi32>
        %shift_right_logical3A_911 = arith.shrui %bitcast3A_814, %shift_right_logical3A_910 : vector<16xi32>
        %add3A_912 = arith.addi %add3A_896, %shift_right_logical3A_911 : vector<16xi32>
        %shift_right_logical3A_913 = arith.constant 31 : i32
        %shift_right_logical3A_914 = vector.broadcast %shift_right_logical3A_913 : i32 to vector<16xi32>
        %shift_right_logical3A_915 = arith.shrui %bitcast3A_825, %shift_right_logical3A_914 : vector<16xi32>
        %add3A_916 = arith.addi %add3A_900, %shift_right_logical3A_915 : vector<16xi32>
        %shift_right_logical3A_917 = arith.constant 31 : i32
        %shift_right_logical3A_918 = vector.broadcast %shift_right_logical3A_917 : i32 to vector<16xi32>
        %shift_right_logical3A_919 = arith.shrui %bitcast3A_836, %shift_right_logical3A_918 : vector<16xi32>
        %add3A_920 = arith.addi %add3A_904, %shift_right_logical3A_919 : vector<16xi32>
        %shift_right_logical3A_921 = arith.constant 31 : i32
        %shift_right_logical3A_922 = vector.broadcast %shift_right_logical3A_921 : i32 to vector<16xi32>
        %shift_right_logical3A_923 = arith.shrui %bitcast3A_847, %shift_right_logical3A_922 : vector<16xi32>
        %add3A_924 = arith.addi %add3A_908, %shift_right_logical3A_923 : vector<16xi32>
        %shift_right_logical3A_925 = arith.constant 31 : i32
        %shift_right_logical3A_926 = vector.broadcast %shift_right_logical3A_925 : i32 to vector<16xi32>
        %shift_right_logical3A_927 = arith.shrui %bitcast3A_858, %shift_right_logical3A_926 : vector<16xi32>
        %add3A_928 = arith.addi %add3A_912, %shift_right_logical3A_927 : vector<16xi32>
        %shift_right_logical3A_929 = arith.constant 31 : i32
        %shift_right_logical3A_930 = vector.broadcast %shift_right_logical3A_929 : i32 to vector<16xi32>
        %shift_right_logical3A_931 = arith.shrui %bitcast3A_869, %shift_right_logical3A_930 : vector<16xi32>
        %add3A_932 = arith.addi %add3A_916, %shift_right_logical3A_931 : vector<16xi32>
        scf.yield %add3A_920, %add3A_924, %add3A_928, %add3A_932 : vector<16xi32>, vector<16xi32>, vector<16xi32>, vector<16xi32>
      }
      %scan3A_416 = arith.constant 2 : i32
      %add3A_417 = arith.addi %scan3A_415#0, %scan3A_415#1 : vector<16xi32>
      %add3A_418 = arith.addi %scan3A_415#2, %scan3A_415#3 : vector<16xi32>
      %add3A_419 = arith.addi %add3A_417, %add3A_418 : vector<16xi32>
      %swap3A_420 = arith.constant 2 : i32
      %swap3A_421 = arith.index_cast %swap3A_420 : i32 to index
      %swap3A_422 = arith.constant 0 : index
      %swap3A_423 = tpu.vector_load %arg6[%swap3A_421, %swap3A_422] {strides = array<i32>} : memref<16x16xi32, #tpu.memory_space<vmem>>, vector<16xi32>,
      tpu.vector_store %arg6[%swap3A_421, %swap3A_422], %add3A_419 {strides = array<i32>} : memref<16x16xi32, #tpu.memory_space<vmem>>, vector<16xi32>,
      %broadcast_in_dim3A_424 = arith.constant 0 : i32
      %broadcast_in_dim3A_425 = vector.broadcast %broadcast_in_dim3A_424 : i32 to vector<16xi32>
      %scan3A_426 = arith.constant 1 : i32
      %scan3A_427 = arith.constant 0 : i32
      %scan3A_428 = arith.constant 2 : i32
      %scan3A_429 = arith.addi %scan3A_427, %scan3A_428 : i32
      %scan3A_430 = arith.constant 1 : i32
      %scan3A_431:4 = scf.for %scan3A_689 = %scan3A_427 to %scan3A_429 step %scan3A_430 iter_args(%scan3A_690 = %broadcast_in_dim3A_425, %scan3A_691 = %broadcast_in_dim3A_425, %scan3A_692 = %broadcast_in_dim3A_425, %scan3A_693 = %broadcast_in_dim3A_425) -> (vector<16xi32>, vector<16xi32>, vector<16xi32>, vector<16xi32>)  : i32 {
        %mul3A_694 = arith.constant 256 : i32
        %mul3A_695 = arith.muli %scan3A_689, %mul3A_694 : i32
        %add3A_696 = arith.constant 0 : i32
        %add3A_697 = arith.addi %mul3A_695, %add3A_696 : i32
        %get3A = arith.constant 3 : i32
        %get3A_698 = arith.constant 0 : i32
        %get3A_699 = arith.constant 0 : i32
        %get3A_700 = tpu.memref_slice %arg5[%scan3A_426, %get3A_698, %get3A_699] : memref<2x8x2048xf32, #tpu.memory_space<vmem>> -> memref<1x8x2048xf32, #tpu.memory_space<vmem>>
        %get3A_701 = tpu.memref_squeeze %get3A_700 : memref<1x8x2048xf32, #tpu.memory_space<vmem>> -> memref<8x2048xf32, #tpu.memory_space<vmem>>
        %get3A_702 = arith.index_cast %get3A : i32 to index
        %get3A_703 = arith.index_cast %add3A_697 : i32 to index
        %get3A_704 = tpu.vector_load %get3A_701[%get3A_702, %get3A_703] {strides = array<i32>} : memref<8x2048xf32, #tpu.memory_space<vmem>>, vector<16xf32>,
        %bitcast3A = vector.bitcast %get3A_704 : vector<16xf32> to vector<16xi32>
        %add3A_705 = arith.constant 16 : i32
        %add3A_706 = arith.addi %mul3A_695, %add3A_705 : i32
        %get3A_707 = arith.constant 3 : i32
        %get3A_708 = arith.constant 0 : i32
        %get3A_709 = arith.constant 0 : i32
        %get3A_710 = tpu.memref_slice %arg5[%scan3A_426, %get3A_708, %get3A_709] : memref<2x8x2048xf32, #tpu.memory_space<vmem>> -> memref<1x8x2048xf32, #tpu.memory_space<vmem>>
        %get3A_711 = tpu.memref_squeeze %get3A_710 : memref<1x8x2048xf32, #tpu.memory_space<vmem>> -> memref<8x2048xf32, #tpu.memory_space<vmem>>
        %get3A_712 = arith.index_cast %get3A_707 : i32 to index
        %get3A_713 = arith.index_cast %add3A_706 : i32 to index
        %get3A_714 = tpu.vector_load %get3A_711[%get3A_712, %get3A_713] {strides = array<i32>} : memref<8x2048xf32, #tpu.memory_space<vmem>>, vector<16xf32>,
        %bitcast3A_715 = vector.bitcast %get3A_714 : vector<16xf32> to vector<16xi32>
        %add3A_716 = arith.constant 32 : i32
        %add3A_717 = arith.addi %mul3A_695, %add3A_716 : i32
        %get3A_718 = arith.constant 3 : i32
        %get3A_719 = arith.constant 0 : i32
        %get3A_720 = arith.constant 0 : i32
        %get3A_721 = tpu.memref_slice %arg5[%scan3A_426, %get3A_719, %get3A_720] : memref<2x8x2048xf32, #tpu.memory_space<vmem>> -> memref<1x8x2048xf32, #tpu.memory_space<vmem>>
        %get3A_722 = tpu.memref_squeeze %get3A_721 : memref<1x8x2048xf32, #tpu.memory_space<vmem>> -> memref<8x2048xf32, #tpu.memory_space<vmem>>
        %get3A_723 = arith.index_cast %get3A_718 : i32 to index
        %get3A_724 = arith.index_cast %add3A_717 : i32 to index
        %get3A_725 = tpu.vector_load %get3A_722[%get3A_723, %get3A_724] {strides = array<i32>} : memref<8x2048xf32, #tpu.memory_space<vmem>>, vector<16xf32>,
        %bitcast3A_726 = vector.bitcast %get3A_725 : vector<16xf32> to vector<16xi32>
        %add3A_727 = arith.constant 48 : i32
        %add3A_728 = arith.addi %mul3A_695, %add3A_727 : i32
        %get3A_729 = arith.constant 3 : i32
        %get3A_730 = arith.constant 0 : i32
        %get3A_731 = arith.constant 0 : i32
        %get3A_732 = tpu.memref_slice %arg5[%scan3A_426, %get3A_730, %get3A_731] : memref<2x8x2048xf32, #tpu.memory_space<vmem>> -> memref<1x8x2048xf32, #tpu.memory_space<vmem>>
        %get3A_733 = tpu.memref_squeeze %get3A_732 : memref<1x8x2048xf32, #tpu.memory_space<vmem>> -> memref<8x2048xf32, #tpu.memory_space<vmem>>
        %get3A_734 = arith.index_cast %get3A_729 : i32 to index
        %get3A_735 = arith.index_cast %add3A_728 : i32 to index
        %get3A_736 = tpu.vector_load %get3A_733[%get3A_734, %get3A_735] {strides = array<i32>} : memref<8x2048xf32, #tpu.memory_space<vmem>>, vector<16xf32>,
        %bitcast3A_737 = vector.bitcast %get3A_736 : vector<16xf32> to vector<16xi32>
        %add3A_738 = arith.constant 64 : i32
        %add3A_739 = arith.addi %mul3A_695, %add3A_738 : i32
        %get3A_740 = arith.constant 3 : i32
        %get3A_741 = arith.constant 0 : i32
        %get3A_742 = arith.constant 0 : i32
        %get3A_743 = tpu.memref_slice %arg5[%scan3A_426, %get3A_741, %get3A_742] : memref<2x8x2048xf32, #tpu.memory_space<vmem>> -> memref<1x8x2048xf32, #tpu.memory_space<vmem>>
        %get3A_744 = tpu.memref_squeeze %get3A_743 : memref<1x8x2048xf32, #tpu.memory_space<vmem>> -> memref<8x2048xf32, #tpu.memory_space<vmem>>
        %get3A_745 = arith.index_cast %get3A_740 : i32 to index
        %get3A_746 = arith.index_cast %add3A_739 : i32 to index
        %get3A_747 = tpu.vector_load %get3A_744[%get3A_745, %get3A_746] {strides = array<i32>} : memref<8x2048xf32, #tpu.memory_space<vmem>>, vector<16xf32>,
        %bitcast3A_748 = vector.bitcast %get3A_747 : vector<16xf32> to vector<16xi32>
        %add3A_749 = arith.constant 80 : i32
        %add3A_750 = arith.addi %mul3A_695, %add3A_749 : i32
        %get3A_751 = arith.constant 3 : i32
        %get3A_752 = arith.constant 0 : i32
        %get3A_753 = arith.constant 0 : i32
        %get3A_754 = tpu.memref_slice %arg5[%scan3A_426, %get3A_752, %get3A_753] : memref<2x8x2048xf32, #tpu.memory_space<vmem>> -> memref<1x8x2048xf32, #tpu.memory_space<vmem>>
        %get3A_755 = tpu.memref_squeeze %get3A_754 : memref<1x8x2048xf32, #tpu.memory_space<vmem>> -> memref<8x2048xf32, #tpu.memory_space<vmem>>
        %get3A_756 = arith.index_cast %get3A_751 : i32 to index
        %get3A_757 = arith.index_cast %add3A_750 : i32 to index
        %get3A_758 = tpu.vector_load %get3A_755[%get3A_756, %get3A_757] {strides = array<i32>} : memref<8x2048xf32, #tpu.memory_space<vmem>>, vector<16xf32>,
        %bitcast3A_759 = vector.bitcast %get3A_758 : vector<16xf32> to vector<16xi32>
        %add3A_760 = arith.constant 96 : i32
        %add3A_761 = arith.addi %mul3A_695, %add3A_760 : i32
        %get3A_762 = arith.constant 3 : i32
        %get3A_763 = arith.constant 0 : i32
        %get3A_764 = arith.constant 0 : i32
        %get3A_765 = tpu.memref_slice %arg5[%scan3A_426, %get3A_763, %get3A_764] : memref<2x8x2048xf32, #tpu.memory_space<vmem>> -> memref<1x8x2048xf32, #tpu.memory_space<vmem>>
        %get3A_766 = tpu.memref_squeeze %get3A_765 : memref<1x8x2048xf32, #tpu.memory_space<vmem>> -> memref<8x2048xf32, #tpu.memory_space<vmem>>
        %get3A_767 = arith.index_cast %get3A_762 : i32 to index
        %get3A_768 = arith.index_cast %add3A_761 : i32 to index
        %get3A_769 = tpu.vector_load %get3A_766[%get3A_767, %get3A_768] {strides = array<i32>} : memref<8x2048xf32, #tpu.memory_space<vmem>>, vector<16xf32>,
        %bitcast3A_770 = vector.bitcast %get3A_769 : vector<16xf32> to vector<16xi32>
        %add3A_771 = arith.constant 112 : i32
        %add3A_772 = arith.addi %mul3A_695, %add3A_771 : i32
        %get3A_773 = arith.constant 3 : i32
        %get3A_774 = arith.constant 0 : i32
        %get3A_775 = arith.constant 0 : i32
        %get3A_776 = tpu.memref_slice %arg5[%scan3A_426, %get3A_774, %get3A_775] : memref<2x8x2048xf32, #tpu.memory_space<vmem>> -> memref<1x8x2048xf32, #tpu.memory_space<vmem>>
        %get3A_777 = tpu.memref_squeeze %get3A_776 : memref<1x8x2048xf32, #tpu.memory_space<vmem>> -> memref<8x2048xf32, #tpu.memory_space<vmem>>
        %get3A_778 = arith.index_cast %get3A_773 : i32 to index
        %get3A_779 = arith.index_cast %add3A_772 : i32 to index
        %get3A_780 = tpu.vector_load %get3A_777[%get3A_778, %get3A_779] {strides = array<i32>} : memref<8x2048xf32, #tpu.memory_space<vmem>>, vector<16xf32>,
        %bitcast3A_781 = vector.bitcast %get3A_780 : vector<16xf32> to vector<16xi32>
        %add3A_782 = arith.constant 128 : i32
        %add3A_783 = arith.addi %mul3A_695, %add3A_782 : i32
        %get3A_784 = arith.constant 3 : i32
        %get3A_785 = arith.constant 0 : i32
        %get3A_786 = arith.constant 0 : i32
        %get3A_787 = tpu.memref_slice %arg5[%scan3A_426, %get3A_785, %get3A_786] : memref<2x8x2048xf32, #tpu.memory_space<vmem>> -> memref<1x8x2048xf32, #tpu.memory_space<vmem>>
        %get3A_788 = tpu.memref_squeeze %get3A_787 : memref<1x8x2048xf32, #tpu.memory_space<vmem>> -> memref<8x2048xf32, #tpu.memory_space<vmem>>
        %get3A_789 = arith.index_cast %get3A_784 : i32 to index
        %get3A_790 = arith.index_cast %add3A_783 : i32 to index
        %get3A_791 = tpu.vector_load %get3A_788[%get3A_789, %get3A_790] {strides = array<i32>} : memref<8x2048xf32, #tpu.memory_space<vmem>>, vector<16xf32>,
        %bitcast3A_792 = vector.bitcast %get3A_791 : vector<16xf32> to vector<16xi32>
        %add3A_793 = arith.constant 144 : i32
        %add3A_794 = arith.addi %mul3A_695, %add3A_793 : i32
        %get3A_795 = arith.constant 3 : i32
        %get3A_796 = arith.constant 0 : i32
        %get3A_797 = arith.constant 0 : i32
        %get3A_798 = tpu.memref_slice %arg5[%scan3A_426, %get3A_796, %get3A_797] : memref<2x8x2048xf32, #tpu.memory_space<vmem>> -> memref<1x8x2048xf32, #tpu.memory_space<vmem>>
        %get3A_799 = tpu.memref_squeeze %get3A_798 : memref<1x8x2048xf32, #tpu.memory_space<vmem>> -> memref<8x2048xf32, #tpu.memory_space<vmem>>
        %get3A_800 = arith.index_cast %get3A_795 : i32 to index
        %get3A_801 = arith.index_cast %add3A_794 : i32 to index
        %get3A_802 = tpu.vector_load %get3A_799[%get3A_800, %get3A_801] {strides = array<i32>} : memref<8x2048xf32, #tpu.memory_space<vmem>>, vector<16xf32>,
        %bitcast3A_803 = vector.bitcast %get3A_802 : vector<16xf32> to vector<16xi32>
        %add3A_804 = arith.constant 160 : i32
        %add3A_805 = arith.addi %mul3A_695, %add3A_804 : i32
        %get3A_806 = arith.constant 3 : i32
        %get3A_807 = arith.constant 0 : i32
        %get3A_808 = arith.constant 0 : i32
        %get3A_809 = tpu.memref_slice %arg5[%scan3A_426, %get3A_807, %get3A_808] : memref<2x8x2048xf32, #tpu.memory_space<vmem>> -> memref<1x8x2048xf32, #tpu.memory_space<vmem>>
        %get3A_810 = tpu.memref_squeeze %get3A_809 : memref<1x8x2048xf32, #tpu.memory_space<vmem>> -> memref<8x2048xf32, #tpu.memory_space<vmem>>
        %get3A_811 = arith.index_cast %get3A_806 : i32 to index
        %get3A_812 = arith.index_cast %add3A_805 : i32 to index
        %get3A_813 = tpu.vector_load %get3A_810[%get3A_811, %get3A_812] {strides = array<i32>} : memref<8x2048xf32, #tpu.memory_space<vmem>>, vector<16xf32>,
        %bitcast3A_814 = vector.bitcast %get3A_813 : vector<16xf32> to vector<16xi32>
        %add3A_815 = arith.constant 176 : i32
        %add3A_816 = arith.addi %mul3A_695, %add3A_815 : i32
        %get3A_817 = arith.constant 3 : i32
        %get3A_818 = arith.constant 0 : i32
        %get3A_819 = arith.constant 0 : i32
        %get3A_820 = tpu.memref_slice %arg5[%scan3A_426, %get3A_818, %get3A_819] : memref<2x8x2048xf32, #tpu.memory_space<vmem>> -> memref<1x8x2048xf32, #tpu.memory_space<vmem>>
        %get3A_821 = tpu.memref_squeeze %get3A_820 : memref<1x8x2048xf32, #tpu.memory_space<vmem>> -> memref<8x2048xf32, #tpu.memory_space<vmem>>
        %get3A_822 = arith.index_cast %get3A_817 : i32 to index
        %get3A_823 = arith.index_cast %add3A_816 : i32 to index
        %get3A_824 = tpu.vector_load %get3A_821[%get3A_822, %get3A_823] {strides = array<i32>} : memref<8x2048xf32, #tpu.memory_space<vmem>>, vector<16xf32>,
        %bitcast3A_825 = vector.bitcast %get3A_824 : vector<16xf32> to vector<16xi32>
        %add3A_826 = arith.constant 192 : i32
        %add3A_827 = arith.addi %mul3A_695, %add3A_826 : i32
        %get3A_828 = arith.constant 3 : i32
        %get3A_829 = arith.constant 0 : i32
        %get3A_830 = arith.constant 0 : i32
        %get3A_831 = tpu.memref_slice %arg5[%scan3A_426, %get3A_829, %get3A_830] : memref<2x8x2048xf32, #tpu.memory_space<vmem>> -> memref<1x8x2048xf32, #tpu.memory_space<vmem>>
        %get3A_832 = tpu.memref_squeeze %get3A_831 : memref<1x8x2048xf32, #tpu.memory_space<vmem>> -> memref<8x2048xf32, #tpu.memory_space<vmem>>
        %get3A_833 = arith.index_cast %get3A_828 : i32 to index
        %get3A_834 = arith.index_cast %add3A_827 : i32 to index
        %get3A_835 = tpu.vector_load %get3A_832[%get3A_833, %get3A_834] {strides = array<i32>} : memref<8x2048xf32, #tpu.memory_space<vmem>>, vector<16xf32>,
        %bitcast3A_836 = vector.bitcast %get3A_835 : vector<16xf32> to vector<16xi32>
        %add3A_837 = arith.constant 208 : i32
        %add3A_838 = arith.addi %mul3A_695, %add3A_837 : i32
        %get3A_839 = arith.constant 3 : i32
        %get3A_840 = arith.constant 0 : i32
        %get3A_841 = arith.constant 0 : i32
        %get3A_842 = tpu.memref_slice %arg5[%scan3A_426, %get3A_840, %get3A_841] : memref<2x8x2048xf32, #tpu.memory_space<vmem>> -> memref<1x8x2048xf32, #tpu.memory_space<vmem>>
        %get3A_843 = tpu.memref_squeeze %get3A_842 : memref<1x8x2048xf32, #tpu.memory_space<vmem>> -> memref<8x2048xf32, #tpu.memory_space<vmem>>
        %get3A_844 = arith.index_cast %get3A_839 : i32 to index
        %get3A_845 = arith.index_cast %add3A_838 : i32 to index
        %get3A_846 = tpu.vector_load %get3A_843[%get3A_844, %get3A_845] {strides = array<i32>} : memref<8x2048xf32, #tpu.memory_space<vmem>>, vector<16xf32>,
        %bitcast3A_847 = vector.bitcast %get3A_846 : vector<16xf32> to vector<16xi32>
        %add3A_848 = arith.constant 224 : i32
        %add3A_849 = arith.addi %mul3A_695, %add3A_848 : i32
        %get3A_850 = arith.constant 3 : i32
        %get3A_851 = arith.constant 0 : i32
        %get3A_852 = arith.constant 0 : i32
        %get3A_853 = tpu.memref_slice %arg5[%scan3A_426, %get3A_851, %get3A_852] : memref<2x8x2048xf32, #tpu.memory_space<vmem>> -> memref<1x8x2048xf32, #tpu.memory_space<vmem>>
        %get3A_854 = tpu.memref_squeeze %get3A_853 : memref<1x8x2048xf32, #tpu.memory_space<vmem>> -> memref<8x2048xf32, #tpu.memory_space<vmem>>
        %get3A_855 = arith.index_cast %get3A_850 : i32 to index
        %get3A_856 = arith.index_cast %add3A_849 : i32 to index
        %get3A_857 = tpu.vector_load %get3A_854[%get3A_855, %get3A_856] {strides = array<i32>} : memref<8x2048xf32, #tpu.memory_space<vmem>>, vector<16xf32>,
        %bitcast3A_858 = vector.bitcast %get3A_857 : vector<16xf32> to vector<16xi32>
        %add3A_859 = arith.constant 240 : i32
        %add3A_860 = arith.addi %mul3A_695, %add3A_859 : i32
        %get3A_861 = arith.constant 3 : i32
        %get3A_862 = arith.constant 0 : i32
        %get3A_863 = arith.constant 0 : i32
        %get3A_864 = tpu.memref_slice %arg5[%scan3A_426, %get3A_862, %get3A_863] : memref<2x8x2048xf32, #tpu.memory_space<vmem>> -> memref<1x8x2048xf32, #tpu.memory_space<vmem>>
        %get3A_865 = tpu.memref_squeeze %get3A_864 : memref<1x8x2048xf32, #tpu.memory_space<vmem>> -> memref<8x2048xf32, #tpu.memory_space<vmem>>
        %get3A_866 = arith.index_cast %get3A_861 : i32 to index
        %get3A_867 = arith.index_cast %add3A_860 : i32 to index
        %get3A_868 = tpu.vector_load %get3A_865[%get3A_866, %get3A_867] {strides = array<i32>} : memref<8x2048xf32, #tpu.memory_space<vmem>>, vector<16xf32>,
        %bitcast3A_869 = vector.bitcast %get3A_868 : vector<16xf32> to vector<16xi32>
        %shift_right_logical3A = arith.constant 31 : i32
        %shift_right_logical3A_870 = vector.broadcast %shift_right_logical3A : i32 to vector<16xi32>
        %shift_right_logical3A_871 = arith.shrui %bitcast3A, %shift_right_logical3A_870 : vector<16xi32>
        %add3A_872 = arith.addi %scan3A_690, %shift_right_logical3A_871 : vector<16xi32>
        %shift_right_logical3A_873 = arith.constant 31 : i32
        %shift_right_logical3A_874 = vector.broadcast %shift_right_logical3A_873 : i32 to vector<16xi32>
        %shift_right_logical3A_875 = arith.shrui %bitcast3A_715, %shift_right_logical3A_874 : vector<16xi32>
        %add3A_876 = arith.addi %scan3A_691, %shift_right_logical3A_875 : vector<16xi32>
        %shift_right_logical3A_877 = arith.constant 31 : i32
        %shift_right_logical3A_878 = vector.broadcast %shift_right_logical3A_877 : i32 to vector<16xi32>
        %shift_right_logical3A_879 = arith.shrui %bitcast3A_726, %shift_right_logical3A_878 : vector<16xi32>
        %add3A_880 = arith.addi %scan3A_692, %shift_right_logical3A_879 : vector<16xi32>
        %shift_right_logical3A_881 = arith.constant 31 : i32
        %shift_right_logical3A_882 = vector.broadcast %shift_right_logical3A_881 : i32 to vector<16xi32>
        %shift_right_logical3A_883 = arith.shrui %bitcast3A_737, %shift_right_logical3A_882 : vector<16xi32>
        %add3A_884 = arith.addi %scan3A_693, %shift_right_logical3A_883 : vector<16xi32>
        %shift_right_logical3A_885 = arith.constant 31 : i32
        %shift_right_logical3A_886 = vector.broadcast %shift_right_logical3A_885 : i32 to vector<16xi32>
        %shift_right_logical3A_887 = arith.shrui %bitcast3A_748, %shift_right_logical3A_886 : vector<16xi32>
        %add3A_888 = arith.addi %add3A_872, %shift_right_logical3A_887 : vector<16xi32>
        %shift_right_logical3A_889 = arith.constant 31 : i32
        %shift_right_logical3A_890 = vector.broadcast %shift_right_logical3A_889 : i32 to vector<16xi32>
        %shift_right_logical3A_891 = arith.shrui %bitcast3A_759, %shift_right_logical3A_890 : vector<16xi32>
        %add3A_892 = arith.addi %add3A_876, %shift_right_logical3A_891 : vector<16xi32>
        %shift_right_logical3A_893 = arith.constant 31 : i32
        %shift_right_logical3A_894 = vector.broadcast %shift_right_logical3A_893 : i32 to vector<16xi32>
        %shift_right_logical3A_895 = arith.shrui %bitcast3A_770, %shift_right_logical3A_894 : vector<16xi32>
        %add3A_896 = arith.addi %add3A_880, %shift_right_logical3A_895 : vector<16xi32>
        %shift_right_logical3A_897 = arith.constant 31 : i32
        %shift_right_logical3A_898 = vector.broadcast %shift_right_logical3A_897 : i32 to vector<16xi32>
        %shift_right_logical3A_899 = arith.shrui %bitcast3A_781, %shift_right_logical3A_898 : vector<16xi32>
        %add3A_900 = arith.addi %add3A_884, %shift_right_logical3A_899 : vector<16xi32>
        %shift_right_logical3A_901 = arith.constant 31 : i32
        %shift_right_logical3A_902 = vector.broadcast %shift_right_logical3A_901 : i32 to vector<16xi32>
        %shift_right_logical3A_903 = arith.shrui %bitcast3A_792, %shift_right_logical3A_902 : vector<16xi32>
        %add3A_904 = arith.addi %add3A_888, %shift_right_logical3A_903 : vector<16xi32>
        %shift_right_logical3A_905 = arith.constant 31 : i32
        %shift_right_logical3A_906 = vector.broadcast %shift_right_logical3A_905 : i32 to vector<16xi32>
        %shift_right_logical3A_907 = arith.shrui %bitcast3A_803, %shift_right_logical3A_906 : vector<16xi32>
        %add3A_908 = arith.addi %add3A_892, %shift_right_logical3A_907 : vector<16xi32>
        %shift_right_logical3A_909 = arith.constant 31 : i32
        %shift_right_logical3A_910 = vector.broadcast %shift_right_logical3A_909 : i32 to vector<16xi32>
        %shift_right_logical3A_911 = arith.shrui %bitcast3A_814, %shift_right_logical3A_910 : vector<16xi32>
        %add3A_912 = arith.addi %add3A_896, %shift_right_logical3A_911 : vector<16xi32>
        %shift_right_logical3A_913 = arith.constant 31 : i32
        %shift_right_logical3A_914 = vector.broadcast %shift_right_logical3A_913 : i32 to vector<16xi32>
        %shift_right_logical3A_915 = arith.shrui %bitcast3A_825, %shift_right_logical3A_914 : vector<16xi32>
        %add3A_916 = arith.addi %add3A_900, %shift_right_logical3A_915 : vector<16xi32>
        %shift_right_logical3A_917 = arith.constant 31 : i32
        %shift_right_logical3A_918 = vector.broadcast %shift_right_logical3A_917 : i32 to vector<16xi32>
        %shift_right_logical3A_919 = arith.shrui %bitcast3A_836, %shift_right_logical3A_918 : vector<16xi32>
        %add3A_920 = arith.addi %add3A_904, %shift_right_logical3A_919 : vector<16xi32>
        %shift_right_logical3A_921 = arith.constant 31 : i32
        %shift_right_logical3A_922 = vector.broadcast %shift_right_logical3A_921 : i32 to vector<16xi32>
        %shift_right_logical3A_923 = arith.shrui %bitcast3A_847, %shift_right_logical3A_922 : vector<16xi32>
        %add3A_924 = arith.addi %add3A_908, %shift_right_logical3A_923 : vector<16xi32>
        %shift_right_logical3A_925 = arith.constant 31 : i32
        %shift_right_logical3A_926 = vector.broadcast %shift_right_logical3A_925 : i32 to vector<16xi32>
        %shift_right_logical3A_927 = arith.shrui %bitcast3A_858, %shift_right_logical3A_926 : vector<16xi32>
        %add3A_928 = arith.addi %add3A_912, %shift_right_logical3A_927 : vector<16xi32>
        %shift_right_logical3A_929 = arith.constant 31 : i32
        %shift_right_logical3A_930 = vector.broadcast %shift_right_logical3A_929 : i32 to vector<16xi32>
        %shift_right_logical3A_931 = arith.shrui %bitcast3A_869, %shift_right_logical3A_930 : vector<16xi32>
        %add3A_932 = arith.addi %add3A_916, %shift_right_logical3A_931 : vector<16xi32>
        scf.yield %add3A_920, %add3A_924, %add3A_928, %add3A_932 : vector<16xi32>, vector<16xi32>, vector<16xi32>, vector<16xi32>
      }
      %scan3A_432 = arith.constant 2 : i32
      %add3A_433 = arith.addi %scan3A_431#0, %scan3A_431#1 : vector<16xi32>
      %add3A_434 = arith.addi %scan3A_431#2, %scan3A_431#3 : vector<16xi32>
      %add3A_435 = arith.addi %add3A_433, %add3A_434 : vector<16xi32>
      %swap3A_436 = arith.constant 3 : i32
      %swap3A_437 = arith.index_cast %swap3A_436 : i32 to index
      %swap3A_438 = arith.constant 0 : index
      %swap3A_439 = tpu.vector_load %arg6[%swap3A_437, %swap3A_438] {strides = array<i32>} : memref<16x16xi32, #tpu.memory_space<vmem>>, vector<16xi32>,
      tpu.vector_store %arg6[%swap3A_437, %swap3A_438], %add3A_435 {strides = array<i32>} : memref<16x16xi32, #tpu.memory_space<vmem>>, vector<16xi32>,
      %broadcast_in_dim3A_440 = arith.constant 0 : i32
      %broadcast_in_dim3A_441 = vector.broadcast %broadcast_in_dim3A_440 : i32 to vector<16xi32>
      %scan3A_442 = arith.constant 1 : i32
      %scan3A_443 = arith.constant 0 : i32
      %scan3A_444 = arith.constant 2 : i32
      %scan3A_445 = arith.addi %scan3A_443, %scan3A_444 : i32
      %scan3A_446 = arith.constant 1 : i32
      %scan3A_447:4 = scf.for %scan3A_689 = %scan3A_443 to %scan3A_445 step %scan3A_446 iter_args(%scan3A_690 = %broadcast_in_dim3A_441, %scan3A_691 = %broadcast_in_dim3A_441, %scan3A_692 = %broadcast_in_dim3A_441, %scan3A_693 = %broadcast_in_dim3A_441) -> (vector<16xi32>, vector<16xi32>, vector<16xi32>, vector<16xi32>)  : i32 {
        %mul3A_694 = arith.constant 256 : i32
        %mul3A_695 = arith.muli %scan3A_689, %mul3A_694 : i32
        %add3A_696 = arith.constant 0 : i32
        %add3A_697 = arith.addi %mul3A_695, %add3A_696 : i32
        %get3A = arith.constant 4 : i32
        %get3A_698 = arith.constant 0 : i32
        %get3A_699 = arith.constant 0 : i32
        %get3A_700 = tpu.memref_slice %arg5[%scan3A_442, %get3A_698, %get3A_699] : memref<2x8x2048xf32, #tpu.memory_space<vmem>> -> memref<1x8x2048xf32, #tpu.memory_space<vmem>>
        %get3A_701 = tpu.memref_squeeze %get3A_700 : memref<1x8x2048xf32, #tpu.memory_space<vmem>> -> memref<8x2048xf32, #tpu.memory_space<vmem>>
        %get3A_702 = arith.index_cast %get3A : i32 to index
        %get3A_703 = arith.index_cast %add3A_697 : i32 to index
        %get3A_704 = tpu.vector_load %get3A_701[%get3A_702, %get3A_703] {strides = array<i32>} : memref<8x2048xf32, #tpu.memory_space<vmem>>, vector<16xf32>,
        %bitcast3A = vector.bitcast %get3A_704 : vector<16xf32> to vector<16xi32>
        %add3A_705 = arith.constant 16 : i32
        %add3A_706 = arith.addi %mul3A_695, %add3A_705 : i32
        %get3A_707 = arith.constant 4 : i32
        %get3A_708 = arith.constant 0 : i32
        %get3A_709 = arith.constant 0 : i32
        %get3A_710 = tpu.memref_slice %arg5[%scan3A_442, %get3A_708, %get3A_709] : memref<2x8x2048xf32, #tpu.memory_space<vmem>> -> memref<1x8x2048xf32, #tpu.memory_space<vmem>>
        %get3A_711 = tpu.memref_squeeze %get3A_710 : memref<1x8x2048xf32, #tpu.memory_space<vmem>> -> memref<8x2048xf32, #tpu.memory_space<vmem>>
        %get3A_712 = arith.index_cast %get3A_707 : i32 to index
        %get3A_713 = arith.index_cast %add3A_706 : i32 to index
        %get3A_714 = tpu.vector_load %get3A_711[%get3A_712, %get3A_713] {strides = array<i32>} : memref<8x2048xf32, #tpu.memory_space<vmem>>, vector<16xf32>,
        %bitcast3A_715 = vector.bitcast %get3A_714 : vector<16xf32> to vector<16xi32>
        %add3A_716 = arith.constant 32 : i32
        %add3A_717 = arith.addi %mul3A_695, %add3A_716 : i32
        %get3A_718 = arith.constant 4 : i32
        %get3A_719 = arith.constant 0 : i32
        %get3A_720 = arith.constant 0 : i32
        %get3A_721 = tpu.memref_slice %arg5[%scan3A_442, %get3A_719, %get3A_720] : memref<2x8x2048xf32, #tpu.memory_space<vmem>> -> memref<1x8x2048xf32, #tpu.memory_space<vmem>>
        %get3A_722 = tpu.memref_squeeze %get3A_721 : memref<1x8x2048xf32, #tpu.memory_space<vmem>> -> memref<8x2048xf32, #tpu.memory_space<vmem>>
        %get3A_723 = arith.index_cast %get3A_718 : i32 to index
        %get3A_724 = arith.index_cast %add3A_717 : i32 to index
        %get3A_725 = tpu.vector_load %get3A_722[%get3A_723, %get3A_724] {strides = array<i32>} : memref<8x2048xf32, #tpu.memory_space<vmem>>, vector<16xf32>,
        %bitcast3A_726 = vector.bitcast %get3A_725 : vector<16xf32> to vector<16xi32>
        %add3A_727 = arith.constant 48 : i32
        %add3A_728 = arith.addi %mul3A_695, %add3A_727 : i32
        %get3A_729 = arith.constant 4 : i32
        %get3A_730 = arith.constant 0 : i32
        %get3A_731 = arith.constant 0 : i32
        %get3A_732 = tpu.memref_slice %arg5[%scan3A_442, %get3A_730, %get3A_731] : memref<2x8x2048xf32, #tpu.memory_space<vmem>> -> memref<1x8x2048xf32, #tpu.memory_space<vmem>>
        %get3A_733 = tpu.memref_squeeze %get3A_732 : memref<1x8x2048xf32, #tpu.memory_space<vmem>> -> memref<8x2048xf32, #tpu.memory_space<vmem>>
        %get3A_734 = arith.index_cast %get3A_729 : i32 to index
        %get3A_735 = arith.index_cast %add3A_728 : i32 to index
        %get3A_736 = tpu.vector_load %get3A_733[%get3A_734, %get3A_735] {strides = array<i32>} : memref<8x2048xf32, #tpu.memory_space<vmem>>, vector<16xf32>,
        %bitcast3A_737 = vector.bitcast %get3A_736 : vector<16xf32> to vector<16xi32>
        %add3A_738 = arith.constant 64 : i32
        %add3A_739 = arith.addi %mul3A_695, %add3A_738 : i32
        %get3A_740 = arith.constant 4 : i32
        %get3A_741 = arith.constant 0 : i32
        %get3A_742 = arith.constant 0 : i32
        %get3A_743 = tpu.memref_slice %arg5[%scan3A_442, %get3A_741, %get3A_742] : memref<2x8x2048xf32, #tpu.memory_space<vmem>> -> memref<1x8x2048xf32, #tpu.memory_space<vmem>>
        %get3A_744 = tpu.memref_squeeze %get3A_743 : memref<1x8x2048xf32, #tpu.memory_space<vmem>> -> memref<8x2048xf32, #tpu.memory_space<vmem>>
        %get3A_745 = arith.index_cast %get3A_740 : i32 to index
        %get3A_746 = arith.index_cast %add3A_739 : i32 to index
        %get3A_747 = tpu.vector_load %get3A_744[%get3A_745, %get3A_746] {strides = array<i32>} : memref<8x2048xf32, #tpu.memory_space<vmem>>, vector<16xf32>,
        %bitcast3A_748 = vector.bitcast %get3A_747 : vector<16xf32> to vector<16xi32>
        %add3A_749 = arith.constant 80 : i32
        %add3A_750 = arith.addi %mul3A_695, %add3A_749 : i32
        %get3A_751 = arith.constant 4 : i32
        %get3A_752 = arith.constant 0 : i32
        %get3A_753 = arith.constant 0 : i32
        %get3A_754 = tpu.memref_slice %arg5[%scan3A_442, %get3A_752, %get3A_753] : memref<2x8x2048xf32, #tpu.memory_space<vmem>> -> memref<1x8x2048xf32, #tpu.memory_space<vmem>>
        %get3A_755 = tpu.memref_squeeze %get3A_754 : memref<1x8x2048xf32, #tpu.memory_space<vmem>> -> memref<8x2048xf32, #tpu.memory_space<vmem>>
        %get3A_756 = arith.index_cast %get3A_751 : i32 to index
        %get3A_757 = arith.index_cast %add3A_750 : i32 to index
        %get3A_758 = tpu.vector_load %get3A_755[%get3A_756, %get3A_757] {strides = array<i32>} : memref<8x2048xf32, #tpu.memory_space<vmem>>, vector<16xf32>,
        %bitcast3A_759 = vector.bitcast %get3A_758 : vector<16xf32> to vector<16xi32>
        %add3A_760 = arith.constant 96 : i32
        %add3A_761 = arith.addi %mul3A_695, %add3A_760 : i32
        %get3A_762 = arith.constant 4 : i32
        %get3A_763 = arith.constant 0 : i32
        %get3A_764 = arith.constant 0 : i32
        %get3A_765 = tpu.memref_slice %arg5[%scan3A_442, %get3A_763, %get3A_764] : memref<2x8x2048xf32, #tpu.memory_space<vmem>> -> memref<1x8x2048xf32, #tpu.memory_space<vmem>>
        %get3A_766 = tpu.memref_squeeze %get3A_765 : memref<1x8x2048xf32, #tpu.memory_space<vmem>> -> memref<8x2048xf32, #tpu.memory_space<vmem>>
        %get3A_767 = arith.index_cast %get3A_762 : i32 to index
        %get3A_768 = arith.index_cast %add3A_761 : i32 to index
        %get3A_769 = tpu.vector_load %get3A_766[%get3A_767, %get3A_768] {strides = array<i32>} : memref<8x2048xf32, #tpu.memory_space<vmem>>, vector<16xf32>,
        %bitcast3A_770 = vector.bitcast %get3A_769 : vector<16xf32> to vector<16xi32>
        %add3A_771 = arith.constant 112 : i32
        %add3A_772 = arith.addi %mul3A_695, %add3A_771 : i32
        %get3A_773 = arith.constant 4 : i32
        %get3A_774 = arith.constant 0 : i32
        %get3A_775 = arith.constant 0 : i32
        %get3A_776 = tpu.memref_slice %arg5[%scan3A_442, %get3A_774, %get3A_775] : memref<2x8x2048xf32, #tpu.memory_space<vmem>> -> memref<1x8x2048xf32, #tpu.memory_space<vmem>>
        %get3A_777 = tpu.memref_squeeze %get3A_776 : memref<1x8x2048xf32, #tpu.memory_space<vmem>> -> memref<8x2048xf32, #tpu.memory_space<vmem>>
        %get3A_778 = arith.index_cast %get3A_773 : i32 to index
        %get3A_779 = arith.index_cast %add3A_772 : i32 to index
        %get3A_780 = tpu.vector_load %get3A_777[%get3A_778, %get3A_779] {strides = array<i32>} : memref<8x2048xf32, #tpu.memory_space<vmem>>, vector<16xf32>,
        %bitcast3A_781 = vector.bitcast %get3A_780 : vector<16xf32> to vector<16xi32>
        %add3A_782 = arith.constant 128 : i32
        %add3A_783 = arith.addi %mul3A_695, %add3A_782 : i32
        %get3A_784 = arith.constant 4 : i32
        %get3A_785 = arith.constant 0 : i32
        %get3A_786 = arith.constant 0 : i32
        %get3A_787 = tpu.memref_slice %arg5[%scan3A_442, %get3A_785, %get3A_786] : memref<2x8x2048xf32, #tpu.memory_space<vmem>> -> memref<1x8x2048xf32, #tpu.memory_space<vmem>>
        %get3A_788 = tpu.memref_squeeze %get3A_787 : memref<1x8x2048xf32, #tpu.memory_space<vmem>> -> memref<8x2048xf32, #tpu.memory_space<vmem>>
        %get3A_789 = arith.index_cast %get3A_784 : i32 to index
        %get3A_790 = arith.index_cast %add3A_783 : i32 to index
        %get3A_791 = tpu.vector_load %get3A_788[%get3A_789, %get3A_790] {strides = array<i32>} : memref<8x2048xf32, #tpu.memory_space<vmem>>, vector<16xf32>,
        %bitcast3A_792 = vector.bitcast %get3A_791 : vector<16xf32> to vector<16xi32>
        %add3A_793 = arith.constant 144 : i32
        %add3A_794 = arith.addi %mul3A_695, %add3A_793 : i32
        %get3A_795 = arith.constant 4 : i32
        %get3A_796 = arith.constant 0 : i32
        %get3A_797 = arith.constant 0 : i32
        %get3A_798 = tpu.memref_slice %arg5[%scan3A_442, %get3A_796, %get3A_797] : memref<2x8x2048xf32, #tpu.memory_space<vmem>> -> memref<1x8x2048xf32, #tpu.memory_space<vmem>>
        %get3A_799 = tpu.memref_squeeze %get3A_798 : memref<1x8x2048xf32, #tpu.memory_space<vmem>> -> memref<8x2048xf32, #tpu.memory_space<vmem>>
        %get3A_800 = arith.index_cast %get3A_795 : i32 to index
        %get3A_801 = arith.index_cast %add3A_794 : i32 to index
        %get3A_802 = tpu.vector_load %get3A_799[%get3A_800, %get3A_801] {strides = array<i32>} : memref<8x2048xf32, #tpu.memory_space<vmem>>, vector<16xf32>,
        %bitcast3A_803 = vector.bitcast %get3A_802 : vector<16xf32> to vector<16xi32>
        %add3A_804 = arith.constant 160 : i32
        %add3A_805 = arith.addi %mul3A_695, %add3A_804 : i32
        %get3A_806 = arith.constant 4 : i32
        %get3A_807 = arith.constant 0 : i32
        %get3A_808 = arith.constant 0 : i32
        %get3A_809 = tpu.memref_slice %arg5[%scan3A_442, %get3A_807, %get3A_808] : memref<2x8x2048xf32, #tpu.memory_space<vmem>> -> memref<1x8x2048xf32, #tpu.memory_space<vmem>>
        %get3A_810 = tpu.memref_squeeze %get3A_809 : memref<1x8x2048xf32, #tpu.memory_space<vmem>> -> memref<8x2048xf32, #tpu.memory_space<vmem>>
        %get3A_811 = arith.index_cast %get3A_806 : i32 to index
        %get3A_812 = arith.index_cast %add3A_805 : i32 to index
        %get3A_813 = tpu.vector_load %get3A_810[%get3A_811, %get3A_812] {strides = array<i32>} : memref<8x2048xf32, #tpu.memory_space<vmem>>, vector<16xf32>,
        %bitcast3A_814 = vector.bitcast %get3A_813 : vector<16xf32> to vector<16xi32>
        %add3A_815 = arith.constant 176 : i32
        %add3A_816 = arith.addi %mul3A_695, %add3A_815 : i32
        %get3A_817 = arith.constant 4 : i32
        %get3A_818 = arith.constant 0 : i32
        %get3A_819 = arith.constant 0 : i32
        %get3A_820 = tpu.memref_slice %arg5[%scan3A_442, %get3A_818, %get3A_819] : memref<2x8x2048xf32, #tpu.memory_space<vmem>> -> memref<1x8x2048xf32, #tpu.memory_space<vmem>>
        %get3A_821 = tpu.memref_squeeze %get3A_820 : memref<1x8x2048xf32, #tpu.memory_space<vmem>> -> memref<8x2048xf32, #tpu.memory_space<vmem>>
        %get3A_822 = arith.index_cast %get3A_817 : i32 to index
        %get3A_823 = arith.index_cast %add3A_816 : i32 to index
        %get3A_824 = tpu.vector_load %get3A_821[%get3A_822, %get3A_823] {strides = array<i32>} : memref<8x2048xf32, #tpu.memory_space<vmem>>, vector<16xf32>,
        %bitcast3A_825 = vector.bitcast %get3A_824 : vector<16xf32> to vector<16xi32>
        %add3A_826 = arith.constant 192 : i32
        %add3A_827 = arith.addi %mul3A_695, %add3A_826 : i32
        %get3A_828 = arith.constant 4 : i32
        %get3A_829 = arith.constant 0 : i32
        %get3A_830 = arith.constant 0 : i32
        %get3A_831 = tpu.memref_slice %arg5[%scan3A_442, %get3A_829, %get3A_830] : memref<2x8x2048xf32, #tpu.memory_space<vmem>> -> memref<1x8x2048xf32, #tpu.memory_space<vmem>>
        %get3A_832 = tpu.memref_squeeze %get3A_831 : memref<1x8x2048xf32, #tpu.memory_space<vmem>> -> memref<8x2048xf32, #tpu.memory_space<vmem>>
        %get3A_833 = arith.index_cast %get3A_828 : i32 to index
        %get3A_834 = arith.index_cast %add3A_827 : i32 to index
        %get3A_835 = tpu.vector_load %get3A_832[%get3A_833, %get3A_834] {strides = array<i32>} : memref<8x2048xf32, #tpu.memory_space<vmem>>, vector<16xf32>,
        %bitcast3A_836 = vector.bitcast %get3A_835 : vector<16xf32> to vector<16xi32>
        %add3A_837 = arith.constant 208 : i32
        %add3A_838 = arith.addi %mul3A_695, %add3A_837 : i32
        %get3A_839 = arith.constant 4 : i32
        %get3A_840 = arith.constant 0 : i32
        %get3A_841 = arith.constant 0 : i32
        %get3A_842 = tpu.memref_slice %arg5[%scan3A_442, %get3A_840, %get3A_841] : memref<2x8x2048xf32, #tpu.memory_space<vmem>> -> memref<1x8x2048xf32, #tpu.memory_space<vmem>>
        %get3A_843 = tpu.memref_squeeze %get3A_842 : memref<1x8x2048xf32, #tpu.memory_space<vmem>> -> memref<8x2048xf32, #tpu.memory_space<vmem>>
        %get3A_844 = arith.index_cast %get3A_839 : i32 to index
        %get3A_845 = arith.index_cast %add3A_838 : i32 to index
        %get3A_846 = tpu.vector_load %get3A_843[%get3A_844, %get3A_845] {strides = array<i32>} : memref<8x2048xf32, #tpu.memory_space<vmem>>, vector<16xf32>,
        %bitcast3A_847 = vector.bitcast %get3A_846 : vector<16xf32> to vector<16xi32>
        %add3A_848 = arith.constant 224 : i32
        %add3A_849 = arith.addi %mul3A_695, %add3A_848 : i32
        %get3A_850 = arith.constant 4 : i32
        %get3A_851 = arith.constant 0 : i32
        %get3A_852 = arith.constant 0 : i32
        %get3A_853 = tpu.memref_slice %arg5[%scan3A_442, %get3A_851, %get3A_852] : memref<2x8x2048xf32, #tpu.memory_space<vmem>> -> memref<1x8x2048xf32, #tpu.memory_space<vmem>>
        %get3A_854 = tpu.memref_squeeze %get3A_853 : memref<1x8x2048xf32, #tpu.memory_space<vmem>> -> memref<8x2048xf32, #tpu.memory_space<vmem>>
        %get3A_855 = arith.index_cast %get3A_850 : i32 to index
        %get3A_856 = arith.index_cast %add3A_849 : i32 to index
        %get3A_857 = tpu.vector_load %get3A_854[%get3A_855, %get3A_856] {strides = array<i32>} : memref<8x2048xf32, #tpu.memory_space<vmem>>, vector<16xf32>,
        %bitcast3A_858 = vector.bitcast %get3A_857 : vector<16xf32> to vector<16xi32>
        %add3A_859 = arith.constant 240 : i32
        %add3A_860 = arith.addi %mul3A_695, %add3A_859 : i32
        %get3A_861 = arith.constant 4 : i32
        %get3A_862 = arith.constant 0 : i32
        %get3A_863 = arith.constant 0 : i32
        %get3A_864 = tpu.memref_slice %arg5[%scan3A_442, %get3A_862, %get3A_863] : memref<2x8x2048xf32, #tpu.memory_space<vmem>> -> memref<1x8x2048xf32, #tpu.memory_space<vmem>>
        %get3A_865 = tpu.memref_squeeze %get3A_864 : memref<1x8x2048xf32, #tpu.memory_space<vmem>> -> memref<8x2048xf32, #tpu.memory_space<vmem>>
        %get3A_866 = arith.index_cast %get3A_861 : i32 to index
        %get3A_867 = arith.index_cast %add3A_860 : i32 to index
        %get3A_868 = tpu.vector_load %get3A_865[%get3A_866, %get3A_867] {strides = array<i32>} : memref<8x2048xf32, #tpu.memory_space<vmem>>, vector<16xf32>,
        %bitcast3A_869 = vector.bitcast %get3A_868 : vector<16xf32> to vector<16xi32>
        %shift_right_logical3A = arith.constant 31 : i32
        %shift_right_logical3A_870 = vector.broadcast %shift_right_logical3A : i32 to vector<16xi32>
        %shift_right_logical3A_871 = arith.shrui %bitcast3A, %shift_right_logical3A_870 : vector<16xi32>
        %add3A_872 = arith.addi %scan3A_690, %shift_right_logical3A_871 : vector<16xi32>
        %shift_right_logical3A_873 = arith.constant 31 : i32
        %shift_right_logical3A_874 = vector.broadcast %shift_right_logical3A_873 : i32 to vector<16xi32>
        %shift_right_logical3A_875 = arith.shrui %bitcast3A_715, %shift_right_logical3A_874 : vector<16xi32>
        %add3A_876 = arith.addi %scan3A_691, %shift_right_logical3A_875 : vector<16xi32>
        %shift_right_logical3A_877 = arith.constant 31 : i32
        %shift_right_logical3A_878 = vector.broadcast %shift_right_logical3A_877 : i32 to vector<16xi32>
        %shift_right_logical3A_879 = arith.shrui %bitcast3A_726, %shift_right_logical3A_878 : vector<16xi32>
        %add3A_880 = arith.addi %scan3A_692, %shift_right_logical3A_879 : vector<16xi32>
        %shift_right_logical3A_881 = arith.constant 31 : i32
        %shift_right_logical3A_882 = vector.broadcast %shift_right_logical3A_881 : i32 to vector<16xi32>
        %shift_right_logical3A_883 = arith.shrui %bitcast3A_737, %shift_right_logical3A_882 : vector<16xi32>
        %add3A_884 = arith.addi %scan3A_693, %shift_right_logical3A_883 : vector<16xi32>
        %shift_right_logical3A_885 = arith.constant 31 : i32
        %shift_right_logical3A_886 = vector.broadcast %shift_right_logical3A_885 : i32 to vector<16xi32>
        %shift_right_logical3A_887 = arith.shrui %bitcast3A_748, %shift_right_logical3A_886 : vector<16xi32>
        %add3A_888 = arith.addi %add3A_872, %shift_right_logical3A_887 : vector<16xi32>
        %shift_right_logical3A_889 = arith.constant 31 : i32
        %shift_right_logical3A_890 = vector.broadcast %shift_right_logical3A_889 : i32 to vector<16xi32>
        %shift_right_logical3A_891 = arith.shrui %bitcast3A_759, %shift_right_logical3A_890 : vector<16xi32>
        %add3A_892 = arith.addi %add3A_876, %shift_right_logical3A_891 : vector<16xi32>
        %shift_right_logical3A_893 = arith.constant 31 : i32
        %shift_right_logical3A_894 = vector.broadcast %shift_right_logical3A_893 : i32 to vector<16xi32>
        %shift_right_logical3A_895 = arith.shrui %bitcast3A_770, %shift_right_logical3A_894 : vector<16xi32>
        %add3A_896 = arith.addi %add3A_880, %shift_right_logical3A_895 : vector<16xi32>
        %shift_right_logical3A_897 = arith.constant 31 : i32
        %shift_right_logical3A_898 = vector.broadcast %shift_right_logical3A_897 : i32 to vector<16xi32>
        %shift_right_logical3A_899 = arith.shrui %bitcast3A_781, %shift_right_logical3A_898 : vector<16xi32>
        %add3A_900 = arith.addi %add3A_884, %shift_right_logical3A_899 : vector<16xi32>
        %shift_right_logical3A_901 = arith.constant 31 : i32
        %shift_right_logical3A_902 = vector.broadcast %shift_right_logical3A_901 : i32 to vector<16xi32>
        %shift_right_logical3A_903 = arith.shrui %bitcast3A_792, %shift_right_logical3A_902 : vector<16xi32>
        %add3A_904 = arith.addi %add3A_888, %shift_right_logical3A_903 : vector<16xi32>
        %shift_right_logical3A_905 = arith.constant 31 : i32
        %shift_right_logical3A_906 = vector.broadcast %shift_right_logical3A_905 : i32 to vector<16xi32>
        %shift_right_logical3A_907 = arith.shrui %bitcast3A_803, %shift_right_logical3A_906 : vector<16xi32>
        %add3A_908 = arith.addi %add3A_892, %shift_right_logical3A_907 : vector<16xi32>
        %shift_right_logical3A_909 = arith.constant 31 : i32
        %shift_right_logical3A_910 = vector.broadcast %shift_right_logical3A_909 : i32 to vector<16xi32>
        %shift_right_logical3A_911 = arith.shrui %bitcast3A_814, %shift_right_logical3A_910 : vector<16xi32>
        %add3A_912 = arith.addi %add3A_896, %shift_right_logical3A_911 : vector<16xi32>
        %shift_right_logical3A_913 = arith.constant 31 : i32
        %shift_right_logical3A_914 = vector.broadcast %shift_right_logical3A_913 : i32 to vector<16xi32>
        %shift_right_logical3A_915 = arith.shrui %bitcast3A_825, %shift_right_logical3A_914 : vector<16xi32>
        %add3A_916 = arith.addi %add3A_900, %shift_right_logical3A_915 : vector<16xi32>
        %shift_right_logical3A_917 = arith.constant 31 : i32
        %shift_right_logical3A_918 = vector.broadcast %shift_right_logical3A_917 : i32 to vector<16xi32>
        %shift_right_logical3A_919 = arith.shrui %bitcast3A_836, %shift_right_logical3A_918 : vector<16xi32>
        %add3A_920 = arith.addi %add3A_904, %shift_right_logical3A_919 : vector<16xi32>
        %shift_right_logical3A_921 = arith.constant 31 : i32
        %shift_right_logical3A_922 = vector.broadcast %shift_right_logical3A_921 : i32 to vector<16xi32>
        %shift_right_logical3A_923 = arith.shrui %bitcast3A_847, %shift_right_logical3A_922 : vector<16xi32>
        %add3A_924 = arith.addi %add3A_908, %shift_right_logical3A_923 : vector<16xi32>
        %shift_right_logical3A_925 = arith.constant 31 : i32
        %shift_right_logical3A_926 = vector.broadcast %shift_right_logical3A_925 : i32 to vector<16xi32>
        %shift_right_logical3A_927 = arith.shrui %bitcast3A_858, %shift_right_logical3A_926 : vector<16xi32>
        %add3A_928 = arith.addi %add3A_912, %shift_right_logical3A_927 : vector<16xi32>
        %shift_right_logical3A_929 = arith.constant 31 : i32
        %shift_right_logical3A_930 = vector.broadcast %shift_right_logical3A_929 : i32 to vector<16xi32>
        %shift_right_logical3A_931 = arith.shrui %bitcast3A_869, %shift_right_logical3A_930 : vector<16xi32>
        %add3A_932 = arith.addi %add3A_916, %shift_right_logical3A_931 : vector<16xi32>
        scf.yield %add3A_920, %add3A_924, %add3A_928, %add3A_932 : vector<16xi32>, vector<16xi32>, vector<16xi32>, vector<16xi32>
      }
      %scan3A_448 = arith.constant 2 : i32
      %add3A_449 = arith.addi %scan3A_447#0, %scan3A_447#1 : vector<16xi32>
      %add3A_450 = arith.addi %scan3A_447#2, %scan3A_447#3 : vector<16xi32>
      %add3A_451 = arith.addi %add3A_449, %add3A_450 : vector<16xi32>
      %swap3A_452 = arith.constant 4 : i32
      %swap3A_453 = arith.index_cast %swap3A_452 : i32 to index
      %swap3A_454 = arith.constant 0 : index
      %swap3A_455 = tpu.vector_load %arg6[%swap3A_453, %swap3A_454] {strides = array<i32>} : memref<16x16xi32, #tpu.memory_space<vmem>>, vector<16xi32>,
      tpu.vector_store %arg6[%swap3A_453, %swap3A_454], %add3A_451 {strides = array<i32>} : memref<16x16xi32, #tpu.memory_space<vmem>>, vector<16xi32>,
      %broadcast_in_dim3A_456 = arith.constant 0 : i32
      %broadcast_in_dim3A_457 = vector.broadcast %broadcast_in_dim3A_456 : i32 to vector<16xi32>
      %scan3A_458 = arith.constant 1 : i32
      %scan3A_459 = arith.constant 0 : i32
      %scan3A_460 = arith.constant 2 : i32
      %scan3A_461 = arith.addi %scan3A_459, %scan3A_460 : i32
      %scan3A_462 = arith.constant 1 : i32
      %scan3A_463:4 = scf.for %scan3A_689 = %scan3A_459 to %scan3A_461 step %scan3A_462 iter_args(%scan3A_690 = %broadcast_in_dim3A_457, %scan3A_691 = %broadcast_in_dim3A_457, %scan3A_692 = %broadcast_in_dim3A_457, %scan3A_693 = %broadcast_in_dim3A_457) -> (vector<16xi32>, vector<16xi32>, vector<16xi32>, vector<16xi32>)  : i32 {
        %mul3A_694 = arith.constant 256 : i32
        %mul3A_695 = arith.muli %scan3A_689, %mul3A_694 : i32
        %add3A_696 = arith.constant 0 : i32
        %add3A_697 = arith.addi %mul3A_695, %add3A_696 : i32
        %get3A = arith.constant 5 : i32
        %get3A_698 = arith.constant 0 : i32
        %get3A_699 = arith.constant 0 : i32
        %get3A_700 = tpu.memref_slice %arg5[%scan3A_458, %get3A_698, %get3A_699] : memref<2x8x2048xf32, #tpu.memory_space<vmem>> -> memref<1x8x2048xf32, #tpu.memory_space<vmem>>
        %get3A_701 = tpu.memref_squeeze %get3A_700 : memref<1x8x2048xf32, #tpu.memory_space<vmem>> -> memref<8x2048xf32, #tpu.memory_space<vmem>>
        %get3A_702 = arith.index_cast %get3A : i32 to index
        %get3A_703 = arith.index_cast %add3A_697 : i32 to index
        %get3A_704 = tpu.vector_load %get3A_701[%get3A_702, %get3A_703] {strides = array<i32>} : memref<8x2048xf32, #tpu.memory_space<vmem>>, vector<16xf32>,
        %bitcast3A = vector.bitcast %get3A_704 : vector<16xf32> to vector<16xi32>
        %add3A_705 = arith.constant 16 : i32
        %add3A_706 = arith.addi %mul3A_695, %add3A_705 : i32
        %get3A_707 = arith.constant 5 : i32
        %get3A_708 = arith.constant 0 : i32
        %get3A_709 = arith.constant 0 : i32
        %get3A_710 = tpu.memref_slice %arg5[%scan3A_458, %get3A_708, %get3A_709] : memref<2x8x2048xf32, #tpu.memory_space<vmem>> -> memref<1x8x2048xf32, #tpu.memory_space<vmem>>
        %get3A_711 = tpu.memref_squeeze %get3A_710 : memref<1x8x2048xf32, #tpu.memory_space<vmem>> -> memref<8x2048xf32, #tpu.memory_space<vmem>>
        %get3A_712 = arith.index_cast %get3A_707 : i32 to index
        %get3A_713 = arith.index_cast %add3A_706 : i32 to index
        %get3A_714 = tpu.vector_load %get3A_711[%get3A_712, %get3A_713] {strides = array<i32>} : memref<8x2048xf32, #tpu.memory_space<vmem>>, vector<16xf32>,
        %bitcast3A_715 = vector.bitcast %get3A_714 : vector<16xf32> to vector<16xi32>
        %add3A_716 = arith.constant 32 : i32
        %add3A_717 = arith.addi %mul3A_695, %add3A_716 : i32
        %get3A_718 = arith.constant 5 : i32
        %get3A_719 = arith.constant 0 : i32
        %get3A_720 = arith.constant 0 : i32
        %get3A_721 = tpu.memref_slice %arg5[%scan3A_458, %get3A_719, %get3A_720] : memref<2x8x2048xf32, #tpu.memory_space<vmem>> -> memref<1x8x2048xf32, #tpu.memory_space<vmem>>
        %get3A_722 = tpu.memref_squeeze %get3A_721 : memref<1x8x2048xf32, #tpu.memory_space<vmem>> -> memref<8x2048xf32, #tpu.memory_space<vmem>>
        %get3A_723 = arith.index_cast %get3A_718 : i32 to index
        %get3A_724 = arith.index_cast %add3A_717 : i32 to index
        %get3A_725 = tpu.vector_load %get3A_722[%get3A_723, %get3A_724] {strides = array<i32>} : memref<8x2048xf32, #tpu.memory_space<vmem>>, vector<16xf32>,
        %bitcast3A_726 = vector.bitcast %get3A_725 : vector<16xf32> to vector<16xi32>
        %add3A_727 = arith.constant 48 : i32
        %add3A_728 = arith.addi %mul3A_695, %add3A_727 : i32
        %get3A_729 = arith.constant 5 : i32
        %get3A_730 = arith.constant 0 : i32
        %get3A_731 = arith.constant 0 : i32
        %get3A_732 = tpu.memref_slice %arg5[%scan3A_458, %get3A_730, %get3A_731] : memref<2x8x2048xf32, #tpu.memory_space<vmem>> -> memref<1x8x2048xf32, #tpu.memory_space<vmem>>
        %get3A_733 = tpu.memref_squeeze %get3A_732 : memref<1x8x2048xf32, #tpu.memory_space<vmem>> -> memref<8x2048xf32, #tpu.memory_space<vmem>>
        %get3A_734 = arith.index_cast %get3A_729 : i32 to index
        %get3A_735 = arith.index_cast %add3A_728 : i32 to index
        %get3A_736 = tpu.vector_load %get3A_733[%get3A_734, %get3A_735] {strides = array<i32>} : memref<8x2048xf32, #tpu.memory_space<vmem>>, vector<16xf32>,
        %bitcast3A_737 = vector.bitcast %get3A_736 : vector<16xf32> to vector<16xi32>
        %add3A_738 = arith.constant 64 : i32
        %add3A_739 = arith.addi %mul3A_695, %add3A_738 : i32
        %get3A_740 = arith.constant 5 : i32
        %get3A_741 = arith.constant 0 : i32
        %get3A_742 = arith.constant 0 : i32
        %get3A_743 = tpu.memref_slice %arg5[%scan3A_458, %get3A_741, %get3A_742] : memref<2x8x2048xf32, #tpu.memory_space<vmem>> -> memref<1x8x2048xf32, #tpu.memory_space<vmem>>
        %get3A_744 = tpu.memref_squeeze %get3A_743 : memref<1x8x2048xf32, #tpu.memory_space<vmem>> -> memref<8x2048xf32, #tpu.memory_space<vmem>>
        %get3A_745 = arith.index_cast %get3A_740 : i32 to index
        %get3A_746 = arith.index_cast %add3A_739 : i32 to index
        %get3A_747 = tpu.vector_load %get3A_744[%get3A_745, %get3A_746] {strides = array<i32>} : memref<8x2048xf32, #tpu.memory_space<vmem>>, vector<16xf32>,
        %bitcast3A_748 = vector.bitcast %get3A_747 : vector<16xf32> to vector<16xi32>
        %add3A_749 = arith.constant 80 : i32
        %add3A_750 = arith.addi %mul3A_695, %add3A_749 : i32
        %get3A_751 = arith.constant 5 : i32
        %get3A_752 = arith.constant 0 : i32
        %get3A_753 = arith.constant 0 : i32
        %get3A_754 = tpu.memref_slice %arg5[%scan3A_458, %get3A_752, %get3A_753] : memref<2x8x2048xf32, #tpu.memory_space<vmem>> -> memref<1x8x2048xf32, #tpu.memory_space<vmem>>
        %get3A_755 = tpu.memref_squeeze %get3A_754 : memref<1x8x2048xf32, #tpu.memory_space<vmem>> -> memref<8x2048xf32, #tpu.memory_space<vmem>>
        %get3A_756 = arith.index_cast %get3A_751 : i32 to index
        %get3A_757 = arith.index_cast %add3A_750 : i32 to index
        %get3A_758 = tpu.vector_load %get3A_755[%get3A_756, %get3A_757] {strides = array<i32>} : memref<8x2048xf32, #tpu.memory_space<vmem>>, vector<16xf32>,
        %bitcast3A_759 = vector.bitcast %get3A_758 : vector<16xf32> to vector<16xi32>
        %add3A_760 = arith.constant 96 : i32
        %add3A_761 = arith.addi %mul3A_695, %add3A_760 : i32
        %get3A_762 = arith.constant 5 : i32
        %get3A_763 = arith.constant 0 : i32
        %get3A_764 = arith.constant 0 : i32
        %get3A_765 = tpu.memref_slice %arg5[%scan3A_458, %get3A_763, %get3A_764] : memref<2x8x2048xf32, #tpu.memory_space<vmem>> -> memref<1x8x2048xf32, #tpu.memory_space<vmem>>
        %get3A_766 = tpu.memref_squeeze %get3A_765 : memref<1x8x2048xf32, #tpu.memory_space<vmem>> -> memref<8x2048xf32, #tpu.memory_space<vmem>>
        %get3A_767 = arith.index_cast %get3A_762 : i32 to index
        %get3A_768 = arith.index_cast %add3A_761 : i32 to index
        %get3A_769 = tpu.vector_load %get3A_766[%get3A_767, %get3A_768] {strides = array<i32>} : memref<8x2048xf32, #tpu.memory_space<vmem>>, vector<16xf32>,
        %bitcast3A_770 = vector.bitcast %get3A_769 : vector<16xf32> to vector<16xi32>
        %add3A_771 = arith.constant 112 : i32
        %add3A_772 = arith.addi %mul3A_695, %add3A_771 : i32
        %get3A_773 = arith.constant 5 : i32
        %get3A_774 = arith.constant 0 : i32
        %get3A_775 = arith.constant 0 : i32
        %get3A_776 = tpu.memref_slice %arg5[%scan3A_458, %get3A_774, %get3A_775] : memref<2x8x2048xf32, #tpu.memory_space<vmem>> -> memref<1x8x2048xf32, #tpu.memory_space<vmem>>
        %get3A_777 = tpu.memref_squeeze %get3A_776 : memref<1x8x2048xf32, #tpu.memory_space<vmem>> -> memref<8x2048xf32, #tpu.memory_space<vmem>>
        %get3A_778 = arith.index_cast %get3A_773 : i32 to index
        %get3A_779 = arith.index_cast %add3A_772 : i32 to index
        %get3A_780 = tpu.vector_load %get3A_777[%get3A_778, %get3A_779] {strides = array<i32>} : memref<8x2048xf32, #tpu.memory_space<vmem>>, vector<16xf32>,
        %bitcast3A_781 = vector.bitcast %get3A_780 : vector<16xf32> to vector<16xi32>
        %add3A_782 = arith.constant 128 : i32
        %add3A_783 = arith.addi %mul3A_695, %add3A_782 : i32
        %get3A_784 = arith.constant 5 : i32
        %get3A_785 = arith.constant 0 : i32
        %get3A_786 = arith.constant 0 : i32
        %get3A_787 = tpu.memref_slice %arg5[%scan3A_458, %get3A_785, %get3A_786] : memref<2x8x2048xf32, #tpu.memory_space<vmem>> -> memref<1x8x2048xf32, #tpu.memory_space<vmem>>
        %get3A_788 = tpu.memref_squeeze %get3A_787 : memref<1x8x2048xf32, #tpu.memory_space<vmem>> -> memref<8x2048xf32, #tpu.memory_space<vmem>>
        %get3A_789 = arith.index_cast %get3A_784 : i32 to index
        %get3A_790 = arith.index_cast %add3A_783 : i32 to index
        %get3A_791 = tpu.vector_load %get3A_788[%get3A_789, %get3A_790] {strides = array<i32>} : memref<8x2048xf32, #tpu.memory_space<vmem>>, vector<16xf32>,
        %bitcast3A_792 = vector.bitcast %get3A_791 : vector<16xf32> to vector<16xi32>
        %add3A_793 = arith.constant 144 : i32
        %add3A_794 = arith.addi %mul3A_695, %add3A_793 : i32
        %get3A_795 = arith.constant 5 : i32
        %get3A_796 = arith.constant 0 : i32
        %get3A_797 = arith.constant 0 : i32
        %get3A_798 = tpu.memref_slice %arg5[%scan3A_458, %get3A_796, %get3A_797] : memref<2x8x2048xf32, #tpu.memory_space<vmem>> -> memref<1x8x2048xf32, #tpu.memory_space<vmem>>
        %get3A_799 = tpu.memref_squeeze %get3A_798 : memref<1x8x2048xf32, #tpu.memory_space<vmem>> -> memref<8x2048xf32, #tpu.memory_space<vmem>>
        %get3A_800 = arith.index_cast %get3A_795 : i32 to index
        %get3A_801 = arith.index_cast %add3A_794 : i32 to index
        %get3A_802 = tpu.vector_load %get3A_799[%get3A_800, %get3A_801] {strides = array<i32>} : memref<8x2048xf32, #tpu.memory_space<vmem>>, vector<16xf32>,
        %bitcast3A_803 = vector.bitcast %get3A_802 : vector<16xf32> to vector<16xi32>
        %add3A_804 = arith.constant 160 : i32
        %add3A_805 = arith.addi %mul3A_695, %add3A_804 : i32
        %get3A_806 = arith.constant 5 : i32
        %get3A_807 = arith.constant 0 : i32
        %get3A_808 = arith.constant 0 : i32
        %get3A_809 = tpu.memref_slice %arg5[%scan3A_458, %get3A_807, %get3A_808] : memref<2x8x2048xf32, #tpu.memory_space<vmem>> -> memref<1x8x2048xf32, #tpu.memory_space<vmem>>
        %get3A_810 = tpu.memref_squeeze %get3A_809 : memref<1x8x2048xf32, #tpu.memory_space<vmem>> -> memref<8x2048xf32, #tpu.memory_space<vmem>>
        %get3A_811 = arith.index_cast %get3A_806 : i32 to index
        %get3A_812 = arith.index_cast %add3A_805 : i32 to index
        %get3A_813 = tpu.vector_load %get3A_810[%get3A_811, %get3A_812] {strides = array<i32>} : memref<8x2048xf32, #tpu.memory_space<vmem>>, vector<16xf32>,
        %bitcast3A_814 = vector.bitcast %get3A_813 : vector<16xf32> to vector<16xi32>
        %add3A_815 = arith.constant 176 : i32
        %add3A_816 = arith.addi %mul3A_695, %add3A_815 : i32
        %get3A_817 = arith.constant 5 : i32
        %get3A_818 = arith.constant 0 : i32
        %get3A_819 = arith.constant 0 : i32
        %get3A_820 = tpu.memref_slice %arg5[%scan3A_458, %get3A_818, %get3A_819] : memref<2x8x2048xf32, #tpu.memory_space<vmem>> -> memref<1x8x2048xf32, #tpu.memory_space<vmem>>
        %get3A_821 = tpu.memref_squeeze %get3A_820 : memref<1x8x2048xf32, #tpu.memory_space<vmem>> -> memref<8x2048xf32, #tpu.memory_space<vmem>>
        %get3A_822 = arith.index_cast %get3A_817 : i32 to index
        %get3A_823 = arith.index_cast %add3A_816 : i32 to index
        %get3A_824 = tpu.vector_load %get3A_821[%get3A_822, %get3A_823] {strides = array<i32>} : memref<8x2048xf32, #tpu.memory_space<vmem>>, vector<16xf32>,
        %bitcast3A_825 = vector.bitcast %get3A_824 : vector<16xf32> to vector<16xi32>
        %add3A_826 = arith.constant 192 : i32
        %add3A_827 = arith.addi %mul3A_695, %add3A_826 : i32
        %get3A_828 = arith.constant 5 : i32
        %get3A_829 = arith.constant 0 : i32
        %get3A_830 = arith.constant 0 : i32
        %get3A_831 = tpu.memref_slice %arg5[%scan3A_458, %get3A_829, %get3A_830] : memref<2x8x2048xf32, #tpu.memory_space<vmem>> -> memref<1x8x2048xf32, #tpu.memory_space<vmem>>
        %get3A_832 = tpu.memref_squeeze %get3A_831 : memref<1x8x2048xf32, #tpu.memory_space<vmem>> -> memref<8x2048xf32, #tpu.memory_space<vmem>>
        %get3A_833 = arith.index_cast %get3A_828 : i32 to index
        %get3A_834 = arith.index_cast %add3A_827 : i32 to index
        %get3A_835 = tpu.vector_load %get3A_832[%get3A_833, %get3A_834] {strides = array<i32>} : memref<8x2048xf32, #tpu.memory_space<vmem>>, vector<16xf32>,
        %bitcast3A_836 = vector.bitcast %get3A_835 : vector<16xf32> to vector<16xi32>
        %add3A_837 = arith.constant 208 : i32
        %add3A_838 = arith.addi %mul3A_695, %add3A_837 : i32
        %get3A_839 = arith.constant 5 : i32
        %get3A_840 = arith.constant 0 : i32
        %get3A_841 = arith.constant 0 : i32
        %get3A_842 = tpu.memref_slice %arg5[%scan3A_458, %get3A_840, %get3A_841] : memref<2x8x2048xf32, #tpu.memory_space<vmem>> -> memref<1x8x2048xf32, #tpu.memory_space<vmem>>
        %get3A_843 = tpu.memref_squeeze %get3A_842 : memref<1x8x2048xf32, #tpu.memory_space<vmem>> -> memref<8x2048xf32, #tpu.memory_space<vmem>>
        %get3A_844 = arith.index_cast %get3A_839 : i32 to index
        %get3A_845 = arith.index_cast %add3A_838 : i32 to index
        %get3A_846 = tpu.vector_load %get3A_843[%get3A_844, %get3A_845] {strides = array<i32>} : memref<8x2048xf32, #tpu.memory_space<vmem>>, vector<16xf32>,
        %bitcast3A_847 = vector.bitcast %get3A_846 : vector<16xf32> to vector<16xi32>
        %add3A_848 = arith.constant 224 : i32
        %add3A_849 = arith.addi %mul3A_695, %add3A_848 : i32
        %get3A_850 = arith.constant 5 : i32
        %get3A_851 = arith.constant 0 : i32
        %get3A_852 = arith.constant 0 : i32
        %get3A_853 = tpu.memref_slice %arg5[%scan3A_458, %get3A_851, %get3A_852] : memref<2x8x2048xf32, #tpu.memory_space<vmem>> -> memref<1x8x2048xf32, #tpu.memory_space<vmem>>
        %get3A_854 = tpu.memref_squeeze %get3A_853 : memref<1x8x2048xf32, #tpu.memory_space<vmem>> -> memref<8x2048xf32, #tpu.memory_space<vmem>>
        %get3A_855 = arith.index_cast %get3A_850 : i32 to index
        %get3A_856 = arith.index_cast %add3A_849 : i32 to index
        %get3A_857 = tpu.vector_load %get3A_854[%get3A_855, %get3A_856] {strides = array<i32>} : memref<8x2048xf32, #tpu.memory_space<vmem>>, vector<16xf32>,
        %bitcast3A_858 = vector.bitcast %get3A_857 : vector<16xf32> to vector<16xi32>
        %add3A_859 = arith.constant 240 : i32
        %add3A_860 = arith.addi %mul3A_695, %add3A_859 : i32
        %get3A_861 = arith.constant 5 : i32
        %get3A_862 = arith.constant 0 : i32
        %get3A_863 = arith.constant 0 : i32
        %get3A_864 = tpu.memref_slice %arg5[%scan3A_458, %get3A_862, %get3A_863] : memref<2x8x2048xf32, #tpu.memory_space<vmem>> -> memref<1x8x2048xf32, #tpu.memory_space<vmem>>
        %get3A_865 = tpu.memref_squeeze %get3A_864 : memref<1x8x2048xf32, #tpu.memory_space<vmem>> -> memref<8x2048xf32, #tpu.memory_space<vmem>>
        %get3A_866 = arith.index_cast %get3A_861 : i32 to index
        %get3A_867 = arith.index_cast %add3A_860 : i32 to index
        %get3A_868 = tpu.vector_load %get3A_865[%get3A_866, %get3A_867] {strides = array<i32>} : memref<8x2048xf32, #tpu.memory_space<vmem>>, vector<16xf32>,
        %bitcast3A_869 = vector.bitcast %get3A_868 : vector<16xf32> to vector<16xi32>
        %shift_right_logical3A = arith.constant 31 : i32
        %shift_right_logical3A_870 = vector.broadcast %shift_right_logical3A : i32 to vector<16xi32>
        %shift_right_logical3A_871 = arith.shrui %bitcast3A, %shift_right_logical3A_870 : vector<16xi32>
        %add3A_872 = arith.addi %scan3A_690, %shift_right_logical3A_871 : vector<16xi32>
        %shift_right_logical3A_873 = arith.constant 31 : i32
        %shift_right_logical3A_874 = vector.broadcast %shift_right_logical3A_873 : i32 to vector<16xi32>
        %shift_right_logical3A_875 = arith.shrui %bitcast3A_715, %shift_right_logical3A_874 : vector<16xi32>
        %add3A_876 = arith.addi %scan3A_691, %shift_right_logical3A_875 : vector<16xi32>
        %shift_right_logical3A_877 = arith.constant 31 : i32
        %shift_right_logical3A_878 = vector.broadcast %shift_right_logical3A_877 : i32 to vector<16xi32>
        %shift_right_logical3A_879 = arith.shrui %bitcast3A_726, %shift_right_logical3A_878 : vector<16xi32>
        %add3A_880 = arith.addi %scan3A_692, %shift_right_logical3A_879 : vector<16xi32>
        %shift_right_logical3A_881 = arith.constant 31 : i32
        %shift_right_logical3A_882 = vector.broadcast %shift_right_logical3A_881 : i32 to vector<16xi32>
        %shift_right_logical3A_883 = arith.shrui %bitcast3A_737, %shift_right_logical3A_882 : vector<16xi32>
        %add3A_884 = arith.addi %scan3A_693, %shift_right_logical3A_883 : vector<16xi32>
        %shift_right_logical3A_885 = arith.constant 31 : i32
        %shift_right_logical3A_886 = vector.broadcast %shift_right_logical3A_885 : i32 to vector<16xi32>
        %shift_right_logical3A_887 = arith.shrui %bitcast3A_748, %shift_right_logical3A_886 : vector<16xi32>
        %add3A_888 = arith.addi %add3A_872, %shift_right_logical3A_887 : vector<16xi32>
        %shift_right_logical3A_889 = arith.constant 31 : i32
        %shift_right_logical3A_890 = vector.broadcast %shift_right_logical3A_889 : i32 to vector<16xi32>
        %shift_right_logical3A_891 = arith.shrui %bitcast3A_759, %shift_right_logical3A_890 : vector<16xi32>
        %add3A_892 = arith.addi %add3A_876, %shift_right_logical3A_891 : vector<16xi32>
        %shift_right_logical3A_893 = arith.constant 31 : i32
        %shift_right_logical3A_894 = vector.broadcast %shift_right_logical3A_893 : i32 to vector<16xi32>
        %shift_right_logical3A_895 = arith.shrui %bitcast3A_770, %shift_right_logical3A_894 : vector<16xi32>
        %add3A_896 = arith.addi %add3A_880, %shift_right_logical3A_895 : vector<16xi32>
        %shift_right_logical3A_897 = arith.constant 31 : i32
        %shift_right_logical3A_898 = vector.broadcast %shift_right_logical3A_897 : i32 to vector<16xi32>
        %shift_right_logical3A_899 = arith.shrui %bitcast3A_781, %shift_right_logical3A_898 : vector<16xi32>
        %add3A_900 = arith.addi %add3A_884, %shift_right_logical3A_899 : vector<16xi32>
        %shift_right_logical3A_901 = arith.constant 31 : i32
        %shift_right_logical3A_902 = vector.broadcast %shift_right_logical3A_901 : i32 to vector<16xi32>
        %shift_right_logical3A_903 = arith.shrui %bitcast3A_792, %shift_right_logical3A_902 : vector<16xi32>
        %add3A_904 = arith.addi %add3A_888, %shift_right_logical3A_903 : vector<16xi32>
        %shift_right_logical3A_905 = arith.constant 31 : i32
        %shift_right_logical3A_906 = vector.broadcast %shift_right_logical3A_905 : i32 to vector<16xi32>
        %shift_right_logical3A_907 = arith.shrui %bitcast3A_803, %shift_right_logical3A_906 : vector<16xi32>
        %add3A_908 = arith.addi %add3A_892, %shift_right_logical3A_907 : vector<16xi32>
        %shift_right_logical3A_909 = arith.constant 31 : i32
        %shift_right_logical3A_910 = vector.broadcast %shift_right_logical3A_909 : i32 to vector<16xi32>
        %shift_right_logical3A_911 = arith.shrui %bitcast3A_814, %shift_right_logical3A_910 : vector<16xi32>
        %add3A_912 = arith.addi %add3A_896, %shift_right_logical3A_911 : vector<16xi32>
        %shift_right_logical3A_913 = arith.constant 31 : i32
        %shift_right_logical3A_914 = vector.broadcast %shift_right_logical3A_913 : i32 to vector<16xi32>
        %shift_right_logical3A_915 = arith.shrui %bitcast3A_825, %shift_right_logical3A_914 : vector<16xi32>
        %add3A_916 = arith.addi %add3A_900, %shift_right_logical3A_915 : vector<16xi32>
        %shift_right_logical3A_917 = arith.constant 31 : i32
        %shift_right_logical3A_918 = vector.broadcast %shift_right_logical3A_917 : i32 to vector<16xi32>
        %shift_right_logical3A_919 = arith.shrui %bitcast3A_836, %shift_right_logical3A_918 : vector<16xi32>
        %add3A_920 = arith.addi %add3A_904, %shift_right_logical3A_919 : vector<16xi32>
        %shift_right_logical3A_921 = arith.constant 31 : i32
        %shift_right_logical3A_922 = vector.broadcast %shift_right_logical3A_921 : i32 to vector<16xi32>
        %shift_right_logical3A_923 = arith.shrui %bitcast3A_847, %shift_right_logical3A_922 : vector<16xi32>
        %add3A_924 = arith.addi %add3A_908, %shift_right_logical3A_923 : vector<16xi32>
        %shift_right_logical3A_925 = arith.constant 31 : i32
        %shift_right_logical3A_926 = vector.broadcast %shift_right_logical3A_925 : i32 to vector<16xi32>
        %shift_right_logical3A_927 = arith.shrui %bitcast3A_858, %shift_right_logical3A_926 : vector<16xi32>
        %add3A_928 = arith.addi %add3A_912, %shift_right_logical3A_927 : vector<16xi32>
        %shift_right_logical3A_929 = arith.constant 31 : i32
        %shift_right_logical3A_930 = vector.broadcast %shift_right_logical3A_929 : i32 to vector<16xi32>
        %shift_right_logical3A_931 = arith.shrui %bitcast3A_869, %shift_right_logical3A_930 : vector<16xi32>
        %add3A_932 = arith.addi %add3A_916, %shift_right_logical3A_931 : vector<16xi32>
        scf.yield %add3A_920, %add3A_924, %add3A_928, %add3A_932 : vector<16xi32>, vector<16xi32>, vector<16xi32>, vector<16xi32>
      }
      %scan3A_464 = arith.constant 2 : i32
      %add3A_465 = arith.addi %scan3A_463#0, %scan3A_463#1 : vector<16xi32>
      %add3A_466 = arith.addi %scan3A_463#2, %scan3A_463#3 : vector<16xi32>
      %add3A_467 = arith.addi %add3A_465, %add3A_466 : vector<16xi32>
      %swap3A_468 = arith.constant 5 : i32
      %swap3A_469 = arith.index_cast %swap3A_468 : i32 to index
      %swap3A_470 = arith.constant 0 : index
      %swap3A_471 = tpu.vector_load %arg6[%swap3A_469, %swap3A_470] {strides = array<i32>} : memref<16x16xi32, #tpu.memory_space<vmem>>, vector<16xi32>,
      tpu.vector_store %arg6[%swap3A_469, %swap3A_470], %add3A_467 {strides = array<i32>} : memref<16x16xi32, #tpu.memory_space<vmem>>, vector<16xi32>,
      %broadcast_in_dim3A_472 = arith.constant 0 : i32
      %broadcast_in_dim3A_473 = vector.broadcast %broadcast_in_dim3A_472 : i32 to vector<16xi32>
      %scan3A_474 = arith.constant 1 : i32
      %scan3A_475 = arith.constant 0 : i32
      %scan3A_476 = arith.constant 2 : i32
      %scan3A_477 = arith.addi %scan3A_475, %scan3A_476 : i32
      %scan3A_478 = arith.constant 1 : i32
      %scan3A_479:4 = scf.for %scan3A_689 = %scan3A_475 to %scan3A_477 step %scan3A_478 iter_args(%scan3A_690 = %broadcast_in_dim3A_473, %scan3A_691 = %broadcast_in_dim3A_473, %scan3A_692 = %broadcast_in_dim3A_473, %scan3A_693 = %broadcast_in_dim3A_473) -> (vector<16xi32>, vector<16xi32>, vector<16xi32>, vector<16xi32>)  : i32 {
        %mul3A_694 = arith.constant 256 : i32
        %mul3A_695 = arith.muli %scan3A_689, %mul3A_694 : i32
        %add3A_696 = arith.constant 0 : i32
        %add3A_697 = arith.addi %mul3A_695, %add3A_696 : i32
        %get3A = arith.constant 6 : i32
        %get3A_698 = arith.constant 0 : i32
        %get3A_699 = arith.constant 0 : i32
        %get3A_700 = tpu.memref_slice %arg5[%scan3A_474, %get3A_698, %get3A_699] : memref<2x8x2048xf32, #tpu.memory_space<vmem>> -> memref<1x8x2048xf32, #tpu.memory_space<vmem>>
        %get3A_701 = tpu.memref_squeeze %get3A_700 : memref<1x8x2048xf32, #tpu.memory_space<vmem>> -> memref<8x2048xf32, #tpu.memory_space<vmem>>
        %get3A_702 = arith.index_cast %get3A : i32 to index
        %get3A_703 = arith.index_cast %add3A_697 : i32 to index
        %get3A_704 = tpu.vector_load %get3A_701[%get3A_702, %get3A_703] {strides = array<i32>} : memref<8x2048xf32, #tpu.memory_space<vmem>>, vector<16xf32>,
        %bitcast3A = vector.bitcast %get3A_704 : vector<16xf32> to vector<16xi32>
        %add3A_705 = arith.constant 16 : i32
        %add3A_706 = arith.addi %mul3A_695, %add3A_705 : i32
        %get3A_707 = arith.constant 6 : i32
        %get3A_708 = arith.constant 0 : i32
        %get3A_709 = arith.constant 0 : i32
        %get3A_710 = tpu.memref_slice %arg5[%scan3A_474, %get3A_708, %get3A_709] : memref<2x8x2048xf32, #tpu.memory_space<vmem>> -> memref<1x8x2048xf32, #tpu.memory_space<vmem>>
        %get3A_711 = tpu.memref_squeeze %get3A_710 : memref<1x8x2048xf32, #tpu.memory_space<vmem>> -> memref<8x2048xf32, #tpu.memory_space<vmem>>
        %get3A_712 = arith.index_cast %get3A_707 : i32 to index
        %get3A_713 = arith.index_cast %add3A_706 : i32 to index
        %get3A_714 = tpu.vector_load %get3A_711[%get3A_712, %get3A_713] {strides = array<i32>} : memref<8x2048xf32, #tpu.memory_space<vmem>>, vector<16xf32>,
        %bitcast3A_715 = vector.bitcast %get3A_714 : vector<16xf32> to vector<16xi32>
        %add3A_716 = arith.constant 32 : i32
        %add3A_717 = arith.addi %mul3A_695, %add3A_716 : i32
        %get3A_718 = arith.constant 6 : i32
        %get3A_719 = arith.constant 0 : i32
        %get3A_720 = arith.constant 0 : i32
        %get3A_721 = tpu.memref_slice %arg5[%scan3A_474, %get3A_719, %get3A_720] : memref<2x8x2048xf32, #tpu.memory_space<vmem>> -> memref<1x8x2048xf32, #tpu.memory_space<vmem>>
        %get3A_722 = tpu.memref_squeeze %get3A_721 : memref<1x8x2048xf32, #tpu.memory_space<vmem>> -> memref<8x2048xf32, #tpu.memory_space<vmem>>
        %get3A_723 = arith.index_cast %get3A_718 : i32 to index
        %get3A_724 = arith.index_cast %add3A_717 : i32 to index
        %get3A_725 = tpu.vector_load %get3A_722[%get3A_723, %get3A_724] {strides = array<i32>} : memref<8x2048xf32, #tpu.memory_space<vmem>>, vector<16xf32>,
        %bitcast3A_726 = vector.bitcast %get3A_725 : vector<16xf32> to vector<16xi32>
        %add3A_727 = arith.constant 48 : i32
        %add3A_728 = arith.addi %mul3A_695, %add3A_727 : i32
        %get3A_729 = arith.constant 6 : i32
        %get3A_730 = arith.constant 0 : i32
        %get3A_731 = arith.constant 0 : i32
        %get3A_732 = tpu.memref_slice %arg5[%scan3A_474, %get3A_730, %get3A_731] : memref<2x8x2048xf32, #tpu.memory_space<vmem>> -> memref<1x8x2048xf32, #tpu.memory_space<vmem>>
        %get3A_733 = tpu.memref_squeeze %get3A_732 : memref<1x8x2048xf32, #tpu.memory_space<vmem>> -> memref<8x2048xf32, #tpu.memory_space<vmem>>
        %get3A_734 = arith.index_cast %get3A_729 : i32 to index
        %get3A_735 = arith.index_cast %add3A_728 : i32 to index
        %get3A_736 = tpu.vector_load %get3A_733[%get3A_734, %get3A_735] {strides = array<i32>} : memref<8x2048xf32, #tpu.memory_space<vmem>>, vector<16xf32>,
        %bitcast3A_737 = vector.bitcast %get3A_736 : vector<16xf32> to vector<16xi32>
        %add3A_738 = arith.constant 64 : i32
        %add3A_739 = arith.addi %mul3A_695, %add3A_738 : i32
        %get3A_740 = arith.constant 6 : i32
        %get3A_741 = arith.constant 0 : i32
        %get3A_742 = arith.constant 0 : i32
        %get3A_743 = tpu.memref_slice %arg5[%scan3A_474, %get3A_741, %get3A_742] : memref<2x8x2048xf32, #tpu.memory_space<vmem>> -> memref<1x8x2048xf32, #tpu.memory_space<vmem>>
        %get3A_744 = tpu.memref_squeeze %get3A_743 : memref<1x8x2048xf32, #tpu.memory_space<vmem>> -> memref<8x2048xf32, #tpu.memory_space<vmem>>
        %get3A_745 = arith.index_cast %get3A_740 : i32 to index
        %get3A_746 = arith.index_cast %add3A_739 : i32 to index
        %get3A_747 = tpu.vector_load %get3A_744[%get3A_745, %get3A_746] {strides = array<i32>} : memref<8x2048xf32, #tpu.memory_space<vmem>>, vector<16xf32>,
        %bitcast3A_748 = vector.bitcast %get3A_747 : vector<16xf32> to vector<16xi32>
        %add3A_749 = arith.constant 80 : i32
        %add3A_750 = arith.addi %mul3A_695, %add3A_749 : i32
        %get3A_751 = arith.constant 6 : i32
        %get3A_752 = arith.constant 0 : i32
        %get3A_753 = arith.constant 0 : i32
        %get3A_754 = tpu.memref_slice %arg5[%scan3A_474, %get3A_752, %get3A_753] : memref<2x8x2048xf32, #tpu.memory_space<vmem>> -> memref<1x8x2048xf32, #tpu.memory_space<vmem>>
        %get3A_755 = tpu.memref_squeeze %get3A_754 : memref<1x8x2048xf32, #tpu.memory_space<vmem>> -> memref<8x2048xf32, #tpu.memory_space<vmem>>
        %get3A_756 = arith.index_cast %get3A_751 : i32 to index
        %get3A_757 = arith.index_cast %add3A_750 : i32 to index
        %get3A_758 = tpu.vector_load %get3A_755[%get3A_756, %get3A_757] {strides = array<i32>} : memref<8x2048xf32, #tpu.memory_space<vmem>>, vector<16xf32>,
        %bitcast3A_759 = vector.bitcast %get3A_758 : vector<16xf32> to vector<16xi32>
        %add3A_760 = arith.constant 96 : i32
        %add3A_761 = arith.addi %mul3A_695, %add3A_760 : i32
        %get3A_762 = arith.constant 6 : i32
        %get3A_763 = arith.constant 0 : i32
        %get3A_764 = arith.constant 0 : i32
        %get3A_765 = tpu.memref_slice %arg5[%scan3A_474, %get3A_763, %get3A_764] : memref<2x8x2048xf32, #tpu.memory_space<vmem>> -> memref<1x8x2048xf32, #tpu.memory_space<vmem>>
        %get3A_766 = tpu.memref_squeeze %get3A_765 : memref<1x8x2048xf32, #tpu.memory_space<vmem>> -> memref<8x2048xf32, #tpu.memory_space<vmem>>
        %get3A_767 = arith.index_cast %get3A_762 : i32 to index
        %get3A_768 = arith.index_cast %add3A_761 : i32 to index
        %get3A_769 = tpu.vector_load %get3A_766[%get3A_767, %get3A_768] {strides = array<i32>} : memref<8x2048xf32, #tpu.memory_space<vmem>>, vector<16xf32>,
        %bitcast3A_770 = vector.bitcast %get3A_769 : vector<16xf32> to vector<16xi32>
        %add3A_771 = arith.constant 112 : i32
        %add3A_772 = arith.addi %mul3A_695, %add3A_771 : i32
        %get3A_773 = arith.constant 6 : i32
        %get3A_774 = arith.constant 0 : i32
        %get3A_775 = arith.constant 0 : i32
        %get3A_776 = tpu.memref_slice %arg5[%scan3A_474, %get3A_774, %get3A_775] : memref<2x8x2048xf32, #tpu.memory_space<vmem>> -> memref<1x8x2048xf32, #tpu.memory_space<vmem>>
        %get3A_777 = tpu.memref_squeeze %get3A_776 : memref<1x8x2048xf32, #tpu.memory_space<vmem>> -> memref<8x2048xf32, #tpu.memory_space<vmem>>
        %get3A_778 = arith.index_cast %get3A_773 : i32 to index
        %get3A_779 = arith.index_cast %add3A_772 : i32 to index
        %get3A_780 = tpu.vector_load %get3A_777[%get3A_778, %get3A_779] {strides = array<i32>} : memref<8x2048xf32, #tpu.memory_space<vmem>>, vector<16xf32>,
        %bitcast3A_781 = vector.bitcast %get3A_780 : vector<16xf32> to vector<16xi32>
        %add3A_782 = arith.constant 128 : i32
        %add3A_783 = arith.addi %mul3A_695, %add3A_782 : i32
        %get3A_784 = arith.constant 6 : i32
        %get3A_785 = arith.constant 0 : i32
        %get3A_786 = arith.constant 0 : i32
        %get3A_787 = tpu.memref_slice %arg5[%scan3A_474, %get3A_785, %get3A_786] : memref<2x8x2048xf32, #tpu.memory_space<vmem>> -> memref<1x8x2048xf32, #tpu.memory_space<vmem>>
        %get3A_788 = tpu.memref_squeeze %get3A_787 : memref<1x8x2048xf32, #tpu.memory_space<vmem>> -> memref<8x2048xf32, #tpu.memory_space<vmem>>
        %get3A_789 = arith.index_cast %get3A_784 : i32 to index
        %get3A_790 = arith.index_cast %add3A_783 : i32 to index
        %get3A_791 = tpu.vector_load %get3A_788[%get3A_789, %get3A_790] {strides = array<i32>} : memref<8x2048xf32, #tpu.memory_space<vmem>>, vector<16xf32>,
        %bitcast3A_792 = vector.bitcast %get3A_791 : vector<16xf32> to vector<16xi32>
        %add3A_793 = arith.constant 144 : i32
        %add3A_794 = arith.addi %mul3A_695, %add3A_793 : i32
        %get3A_795 = arith.constant 6 : i32
        %get3A_796 = arith.constant 0 : i32
        %get3A_797 = arith.constant 0 : i32
        %get3A_798 = tpu.memref_slice %arg5[%scan3A_474, %get3A_796, %get3A_797] : memref<2x8x2048xf32, #tpu.memory_space<vmem>> -> memref<1x8x2048xf32, #tpu.memory_space<vmem>>
        %get3A_799 = tpu.memref_squeeze %get3A_798 : memref<1x8x2048xf32, #tpu.memory_space<vmem>> -> memref<8x2048xf32, #tpu.memory_space<vmem>>
        %get3A_800 = arith.index_cast %get3A_795 : i32 to index
        %get3A_801 = arith.index_cast %add3A_794 : i32 to index
        %get3A_802 = tpu.vector_load %get3A_799[%get3A_800, %get3A_801] {strides = array<i32>} : memref<8x2048xf32, #tpu.memory_space<vmem>>, vector<16xf32>,
        %bitcast3A_803 = vector.bitcast %get3A_802 : vector<16xf32> to vector<16xi32>
        %add3A_804 = arith.constant 160 : i32
        %add3A_805 = arith.addi %mul3A_695, %add3A_804 : i32
        %get3A_806 = arith.constant 6 : i32
        %get3A_807 = arith.constant 0 : i32
        %get3A_808 = arith.constant 0 : i32
        %get3A_809 = tpu.memref_slice %arg5[%scan3A_474, %get3A_807, %get3A_808] : memref<2x8x2048xf32, #tpu.memory_space<vmem>> -> memref<1x8x2048xf32, #tpu.memory_space<vmem>>
        %get3A_810 = tpu.memref_squeeze %get3A_809 : memref<1x8x2048xf32, #tpu.memory_space<vmem>> -> memref<8x2048xf32, #tpu.memory_space<vmem>>
        %get3A_811 = arith.index_cast %get3A_806 : i32 to index
        %get3A_812 = arith.index_cast %add3A_805 : i32 to index
        %get3A_813 = tpu.vector_load %get3A_810[%get3A_811, %get3A_812] {strides = array<i32>} : memref<8x2048xf32, #tpu.memory_space<vmem>>, vector<16xf32>,
        %bitcast3A_814 = vector.bitcast %get3A_813 : vector<16xf32> to vector<16xi32>
        %add3A_815 = arith.constant 176 : i32
        %add3A_816 = arith.addi %mul3A_695, %add3A_815 : i32
        %get3A_817 = arith.constant 6 : i32
        %get3A_818 = arith.constant 0 : i32
        %get3A_819 = arith.constant 0 : i32
        %get3A_820 = tpu.memref_slice %arg5[%scan3A_474, %get3A_818, %get3A_819] : memref<2x8x2048xf32, #tpu.memory_space<vmem>> -> memref<1x8x2048xf32, #tpu.memory_space<vmem>>
        %get3A_821 = tpu.memref_squeeze %get3A_820 : memref<1x8x2048xf32, #tpu.memory_space<vmem>> -> memref<8x2048xf32, #tpu.memory_space<vmem>>
        %get3A_822 = arith.index_cast %get3A_817 : i32 to index
        %get3A_823 = arith.index_cast %add3A_816 : i32 to index
        %get3A_824 = tpu.vector_load %get3A_821[%get3A_822, %get3A_823] {strides = array<i32>} : memref<8x2048xf32, #tpu.memory_space<vmem>>, vector<16xf32>,
        %bitcast3A_825 = vector.bitcast %get3A_824 : vector<16xf32> to vector<16xi32>
        %add3A_826 = arith.constant 192 : i32
        %add3A_827 = arith.addi %mul3A_695, %add3A_826 : i32
        %get3A_828 = arith.constant 6 : i32
        %get3A_829 = arith.constant 0 : i32
        %get3A_830 = arith.constant 0 : i32
        %get3A_831 = tpu.memref_slice %arg5[%scan3A_474, %get3A_829, %get3A_830] : memref<2x8x2048xf32, #tpu.memory_space<vmem>> -> memref<1x8x2048xf32, #tpu.memory_space<vmem>>
        %get3A_832 = tpu.memref_squeeze %get3A_831 : memref<1x8x2048xf32, #tpu.memory_space<vmem>> -> memref<8x2048xf32, #tpu.memory_space<vmem>>
        %get3A_833 = arith.index_cast %get3A_828 : i32 to index
        %get3A_834 = arith.index_cast %add3A_827 : i32 to index
        %get3A_835 = tpu.vector_load %get3A_832[%get3A_833, %get3A_834] {strides = array<i32>} : memref<8x2048xf32, #tpu.memory_space<vmem>>, vector<16xf32>,
        %bitcast3A_836 = vector.bitcast %get3A_835 : vector<16xf32> to vector<16xi32>
        %add3A_837 = arith.constant 208 : i32
        %add3A_838 = arith.addi %mul3A_695, %add3A_837 : i32
        %get3A_839 = arith.constant 6 : i32
        %get3A_840 = arith.constant 0 : i32
        %get3A_841 = arith.constant 0 : i32
        %get3A_842 = tpu.memref_slice %arg5[%scan3A_474, %get3A_840, %get3A_841] : memref<2x8x2048xf32, #tpu.memory_space<vmem>> -> memref<1x8x2048xf32, #tpu.memory_space<vmem>>
        %get3A_843 = tpu.memref_squeeze %get3A_842 : memref<1x8x2048xf32, #tpu.memory_space<vmem>> -> memref<8x2048xf32, #tpu.memory_space<vmem>>
        %get3A_844 = arith.index_cast %get3A_839 : i32 to index
        %get3A_845 = arith.index_cast %add3A_838 : i32 to index
        %get3A_846 = tpu.vector_load %get3A_843[%get3A_844, %get3A_845] {strides = array<i32>} : memref<8x2048xf32, #tpu.memory_space<vmem>>, vector<16xf32>,
        %bitcast3A_847 = vector.bitcast %get3A_846 : vector<16xf32> to vector<16xi32>
        %add3A_848 = arith.constant 224 : i32
        %add3A_849 = arith.addi %mul3A_695, %add3A_848 : i32
        %get3A_850 = arith.constant 6 : i32
        %get3A_851 = arith.constant 0 : i32
        %get3A_852 = arith.constant 0 : i32
        %get3A_853 = tpu.memref_slice %arg5[%scan3A_474, %get3A_851, %get3A_852] : memref<2x8x2048xf32, #tpu.memory_space<vmem>> -> memref<1x8x2048xf32, #tpu.memory_space<vmem>>
        %get3A_854 = tpu.memref_squeeze %get3A_853 : memref<1x8x2048xf32, #tpu.memory_space<vmem>> -> memref<8x2048xf32, #tpu.memory_space<vmem>>
        %get3A_855 = arith.index_cast %get3A_850 : i32 to index
        %get3A_856 = arith.index_cast %add3A_849 : i32 to index
        %get3A_857 = tpu.vector_load %get3A_854[%get3A_855, %get3A_856] {strides = array<i32>} : memref<8x2048xf32, #tpu.memory_space<vmem>>, vector<16xf32>,
        %bitcast3A_858 = vector.bitcast %get3A_857 : vector<16xf32> to vector<16xi32>
        %add3A_859 = arith.constant 240 : i32
        %add3A_860 = arith.addi %mul3A_695, %add3A_859 : i32
        %get3A_861 = arith.constant 6 : i32
        %get3A_862 = arith.constant 0 : i32
        %get3A_863 = arith.constant 0 : i32
        %get3A_864 = tpu.memref_slice %arg5[%scan3A_474, %get3A_862, %get3A_863] : memref<2x8x2048xf32, #tpu.memory_space<vmem>> -> memref<1x8x2048xf32, #tpu.memory_space<vmem>>
        %get3A_865 = tpu.memref_squeeze %get3A_864 : memref<1x8x2048xf32, #tpu.memory_space<vmem>> -> memref<8x2048xf32, #tpu.memory_space<vmem>>
        %get3A_866 = arith.index_cast %get3A_861 : i32 to index
        %get3A_867 = arith.index_cast %add3A_860 : i32 to index
        %get3A_868 = tpu.vector_load %get3A_865[%get3A_866, %get3A_867] {strides = array<i32>} : memref<8x2048xf32, #tpu.memory_space<vmem>>, vector<16xf32>,
        %bitcast3A_869 = vector.bitcast %get3A_868 : vector<16xf32> to vector<16xi32>
        %shift_right_logical3A = arith.constant 31 : i32
        %shift_right_logical3A_870 = vector.broadcast %shift_right_logical3A : i32 to vector<16xi32>
        %shift_right_logical3A_871 = arith.shrui %bitcast3A, %shift_right_logical3A_870 : vector<16xi32>
        %add3A_872 = arith.addi %scan3A_690, %shift_right_logical3A_871 : vector<16xi32>
        %shift_right_logical3A_873 = arith.constant 31 : i32
        %shift_right_logical3A_874 = vector.broadcast %shift_right_logical3A_873 : i32 to vector<16xi32>
        %shift_right_logical3A_875 = arith.shrui %bitcast3A_715, %shift_right_logical3A_874 : vector<16xi32>
        %add3A_876 = arith.addi %scan3A_691, %shift_right_logical3A_875 : vector<16xi32>
        %shift_right_logical3A_877 = arith.constant 31 : i32
        %shift_right_logical3A_878 = vector.broadcast %shift_right_logical3A_877 : i32 to vector<16xi32>
        %shift_right_logical3A_879 = arith.shrui %bitcast3A_726, %shift_right_logical3A_878 : vector<16xi32>
        %add3A_880 = arith.addi %scan3A_692, %shift_right_logical3A_879 : vector<16xi32>
        %shift_right_logical3A_881 = arith.constant 31 : i32
        %shift_right_logical3A_882 = vector.broadcast %shift_right_logical3A_881 : i32 to vector<16xi32>
        %shift_right_logical3A_883 = arith.shrui %bitcast3A_737, %shift_right_logical3A_882 : vector<16xi32>
        %add3A_884 = arith.addi %scan3A_693, %shift_right_logical3A_883 : vector<16xi32>
        %shift_right_logical3A_885 = arith.constant 31 : i32
        %shift_right_logical3A_886 = vector.broadcast %shift_right_logical3A_885 : i32 to vector<16xi32>
        %shift_right_logical3A_887 = arith.shrui %bitcast3A_748, %shift_right_logical3A_886 : vector<16xi32>
        %add3A_888 = arith.addi %add3A_872, %shift_right_logical3A_887 : vector<16xi32>
        %shift_right_logical3A_889 = arith.constant 31 : i32
        %shift_right_logical3A_890 = vector.broadcast %shift_right_logical3A_889 : i32 to vector<16xi32>
        %shift_right_logical3A_891 = arith.shrui %bitcast3A_759, %shift_right_logical3A_890 : vector<16xi32>
        %add3A_892 = arith.addi %add3A_876, %shift_right_logical3A_891 : vector<16xi32>
        %shift_right_logical3A_893 = arith.constant 31 : i32
        %shift_right_logical3A_894 = vector.broadcast %shift_right_logical3A_893 : i32 to vector<16xi32>
        %shift_right_logical3A_895 = arith.shrui %bitcast3A_770, %shift_right_logical3A_894 : vector<16xi32>
        %add3A_896 = arith.addi %add3A_880, %shift_right_logical3A_895 : vector<16xi32>
        %shift_right_logical3A_897 = arith.constant 31 : i32
        %shift_right_logical3A_898 = vector.broadcast %shift_right_logical3A_897 : i32 to vector<16xi32>
        %shift_right_logical3A_899 = arith.shrui %bitcast3A_781, %shift_right_logical3A_898 : vector<16xi32>
        %add3A_900 = arith.addi %add3A_884, %shift_right_logical3A_899 : vector<16xi32>
        %shift_right_logical3A_901 = arith.constant 31 : i32
        %shift_right_logical3A_902 = vector.broadcast %shift_right_logical3A_901 : i32 to vector<16xi32>
        %shift_right_logical3A_903 = arith.shrui %bitcast3A_792, %shift_right_logical3A_902 : vector<16xi32>
        %add3A_904 = arith.addi %add3A_888, %shift_right_logical3A_903 : vector<16xi32>
        %shift_right_logical3A_905 = arith.constant 31 : i32
        %shift_right_logical3A_906 = vector.broadcast %shift_right_logical3A_905 : i32 to vector<16xi32>
        %shift_right_logical3A_907 = arith.shrui %bitcast3A_803, %shift_right_logical3A_906 : vector<16xi32>
        %add3A_908 = arith.addi %add3A_892, %shift_right_logical3A_907 : vector<16xi32>
        %shift_right_logical3A_909 = arith.constant 31 : i32
        %shift_right_logical3A_910 = vector.broadcast %shift_right_logical3A_909 : i32 to vector<16xi32>
        %shift_right_logical3A_911 = arith.shrui %bitcast3A_814, %shift_right_logical3A_910 : vector<16xi32>
        %add3A_912 = arith.addi %add3A_896, %shift_right_logical3A_911 : vector<16xi32>
        %shift_right_logical3A_913 = arith.constant 31 : i32
        %shift_right_logical3A_914 = vector.broadcast %shift_right_logical3A_913 : i32 to vector<16xi32>
        %shift_right_logical3A_915 = arith.shrui %bitcast3A_825, %shift_right_logical3A_914 : vector<16xi32>
        %add3A_916 = arith.addi %add3A_900, %shift_right_logical3A_915 : vector<16xi32>
        %shift_right_logical3A_917 = arith.constant 31 : i32
        %shift_right_logical3A_918 = vector.broadcast %shift_right_logical3A_917 : i32 to vector<16xi32>
        %shift_right_logical3A_919 = arith.shrui %bitcast3A_836, %shift_right_logical3A_918 : vector<16xi32>
        %add3A_920 = arith.addi %add3A_904, %shift_right_logical3A_919 : vector<16xi32>
        %shift_right_logical3A_921 = arith.constant 31 : i32
        %shift_right_logical3A_922 = vector.broadcast %shift_right_logical3A_921 : i32 to vector<16xi32>
        %shift_right_logical3A_923 = arith.shrui %bitcast3A_847, %shift_right_logical3A_922 : vector<16xi32>
        %add3A_924 = arith.addi %add3A_908, %shift_right_logical3A_923 : vector<16xi32>
        %shift_right_logical3A_925 = arith.constant 31 : i32
        %shift_right_logical3A_926 = vector.broadcast %shift_right_logical3A_925 : i32 to vector<16xi32>
        %shift_right_logical3A_927 = arith.shrui %bitcast3A_858, %shift_right_logical3A_926 : vector<16xi32>
        %add3A_928 = arith.addi %add3A_912, %shift_right_logical3A_927 : vector<16xi32>
        %shift_right_logical3A_929 = arith.constant 31 : i32
        %shift_right_logical3A_930 = vector.broadcast %shift_right_logical3A_929 : i32 to vector<16xi32>
        %shift_right_logical3A_931 = arith.shrui %bitcast3A_869, %shift_right_logical3A_930 : vector<16xi32>
        %add3A_932 = arith.addi %add3A_916, %shift_right_logical3A_931 : vector<16xi32>
        scf.yield %add3A_920, %add3A_924, %add3A_928, %add3A_932 : vector<16xi32>, vector<16xi32>, vector<16xi32>, vector<16xi32>
      }
      %scan3A_480 = arith.constant 2 : i32
      %add3A_481 = arith.addi %scan3A_479#0, %scan3A_479#1 : vector<16xi32>
      %add3A_482 = arith.addi %scan3A_479#2, %scan3A_479#3 : vector<16xi32>
      %add3A_483 = arith.addi %add3A_481, %add3A_482 : vector<16xi32>
      %swap3A_484 = arith.constant 6 : i32
      %swap3A_485 = arith.index_cast %swap3A_484 : i32 to index
      %swap3A_486 = arith.constant 0 : index
      %swap3A_487 = tpu.vector_load %arg6[%swap3A_485, %swap3A_486] {strides = array<i32>} : memref<16x16xi32, #tpu.memory_space<vmem>>, vector<16xi32>,
      tpu.vector_store %arg6[%swap3A_485, %swap3A_486], %add3A_483 {strides = array<i32>} : memref<16x16xi32, #tpu.memory_space<vmem>>, vector<16xi32>,
      %broadcast_in_dim3A_488 = arith.constant 0 : i32
      %broadcast_in_dim3A_489 = vector.broadcast %broadcast_in_dim3A_488 : i32 to vector<16xi32>
      %scan3A_490 = arith.constant 1 : i32
      %scan3A_491 = arith.constant 0 : i32
      %scan3A_492 = arith.constant 2 : i32
      %scan3A_493 = arith.addi %scan3A_491, %scan3A_492 : i32
      %scan3A_494 = arith.constant 1 : i32
      %scan3A_495:4 = scf.for %scan3A_689 = %scan3A_491 to %scan3A_493 step %scan3A_494 iter_args(%scan3A_690 = %broadcast_in_dim3A_489, %scan3A_691 = %broadcast_in_dim3A_489, %scan3A_692 = %broadcast_in_dim3A_489, %scan3A_693 = %broadcast_in_dim3A_489) -> (vector<16xi32>, vector<16xi32>, vector<16xi32>, vector<16xi32>)  : i32 {
        %mul3A_694 = arith.constant 256 : i32
        %mul3A_695 = arith.muli %scan3A_689, %mul3A_694 : i32
        %add3A_696 = arith.constant 0 : i32
        %add3A_697 = arith.addi %mul3A_695, %add3A_696 : i32
        %get3A = arith.constant 7 : i32
        %get3A_698 = arith.constant 0 : i32
        %get3A_699 = arith.constant 0 : i32
        %get3A_700 = tpu.memref_slice %arg5[%scan3A_490, %get3A_698, %get3A_699] : memref<2x8x2048xf32, #tpu.memory_space<vmem>> -> memref<1x8x2048xf32, #tpu.memory_space<vmem>>
        %get3A_701 = tpu.memref_squeeze %get3A_700 : memref<1x8x2048xf32, #tpu.memory_space<vmem>> -> memref<8x2048xf32, #tpu.memory_space<vmem>>
        %get3A_702 = arith.index_cast %get3A : i32 to index
        %get3A_703 = arith.index_cast %add3A_697 : i32 to index
        %get3A_704 = tpu.vector_load %get3A_701[%get3A_702, %get3A_703] {strides = array<i32>} : memref<8x2048xf32, #tpu.memory_space<vmem>>, vector<16xf32>,
        %bitcast3A = vector.bitcast %get3A_704 : vector<16xf32> to vector<16xi32>
        %add3A_705 = arith.constant 16 : i32
        %add3A_706 = arith.addi %mul3A_695, %add3A_705 : i32
        %get3A_707 = arith.constant 7 : i32
        %get3A_708 = arith.constant 0 : i32
        %get3A_709 = arith.constant 0 : i32
        %get3A_710 = tpu.memref_slice %arg5[%scan3A_490, %get3A_708, %get3A_709] : memref<2x8x2048xf32, #tpu.memory_space<vmem>> -> memref<1x8x2048xf32, #tpu.memory_space<vmem>>
        %get3A_711 = tpu.memref_squeeze %get3A_710 : memref<1x8x2048xf32, #tpu.memory_space<vmem>> -> memref<8x2048xf32, #tpu.memory_space<vmem>>
        %get3A_712 = arith.index_cast %get3A_707 : i32 to index
        %get3A_713 = arith.index_cast %add3A_706 : i32 to index
        %get3A_714 = tpu.vector_load %get3A_711[%get3A_712, %get3A_713] {strides = array<i32>} : memref<8x2048xf32, #tpu.memory_space<vmem>>, vector<16xf32>,
        %bitcast3A_715 = vector.bitcast %get3A_714 : vector<16xf32> to vector<16xi32>
        %add3A_716 = arith.constant 32 : i32
        %add3A_717 = arith.addi %mul3A_695, %add3A_716 : i32
        %get3A_718 = arith.constant 7 : i32
        %get3A_719 = arith.constant 0 : i32
        %get3A_720 = arith.constant 0 : i32
        %get3A_721 = tpu.memref_slice %arg5[%scan3A_490, %get3A_719, %get3A_720] : memref<2x8x2048xf32, #tpu.memory_space<vmem>> -> memref<1x8x2048xf32, #tpu.memory_space<vmem>>
        %get3A_722 = tpu.memref_squeeze %get3A_721 : memref<1x8x2048xf32, #tpu.memory_space<vmem>> -> memref<8x2048xf32, #tpu.memory_space<vmem>>
        %get3A_723 = arith.index_cast %get3A_718 : i32 to index
        %get3A_724 = arith.index_cast %add3A_717 : i32 to index
        %get3A_725 = tpu.vector_load %get3A_722[%get3A_723, %get3A_724] {strides = array<i32>} : memref<8x2048xf32, #tpu.memory_space<vmem>>, vector<16xf32>,
        %bitcast3A_726 = vector.bitcast %get3A_725 : vector<16xf32> to vector<16xi32>
        %add3A_727 = arith.constant 48 : i32
        %add3A_728 = arith.addi %mul3A_695, %add3A_727 : i32
        %get3A_729 = arith.constant 7 : i32
        %get3A_730 = arith.constant 0 : i32
        %get3A_731 = arith.constant 0 : i32
        %get3A_732 = tpu.memref_slice %arg5[%scan3A_490, %get3A_730, %get3A_731] : memref<2x8x2048xf32, #tpu.memory_space<vmem>> -> memref<1x8x2048xf32, #tpu.memory_space<vmem>>
        %get3A_733 = tpu.memref_squeeze %get3A_732 : memref<1x8x2048xf32, #tpu.memory_space<vmem>> -> memref<8x2048xf32, #tpu.memory_space<vmem>>
        %get3A_734 = arith.index_cast %get3A_729 : i32 to index
        %get3A_735 = arith.index_cast %add3A_728 : i32 to index
        %get3A_736 = tpu.vector_load %get3A_733[%get3A_734, %get3A_735] {strides = array<i32>} : memref<8x2048xf32, #tpu.memory_space<vmem>>, vector<16xf32>,
        %bitcast3A_737 = vector.bitcast %get3A_736 : vector<16xf32> to vector<16xi32>
        %add3A_738 = arith.constant 64 : i32
        %add3A_739 = arith.addi %mul3A_695, %add3A_738 : i32
        %get3A_740 = arith.constant 7 : i32
        %get3A_741 = arith.constant 0 : i32
        %get3A_742 = arith.constant 0 : i32
        %get3A_743 = tpu.memref_slice %arg5[%scan3A_490, %get3A_741, %get3A_742] : memref<2x8x2048xf32, #tpu.memory_space<vmem>> -> memref<1x8x2048xf32, #tpu.memory_space<vmem>>
        %get3A_744 = tpu.memref_squeeze %get3A_743 : memref<1x8x2048xf32, #tpu.memory_space<vmem>> -> memref<8x2048xf32, #tpu.memory_space<vmem>>
        %get3A_745 = arith.index_cast %get3A_740 : i32 to index
        %get3A_746 = arith.index_cast %add3A_739 : i32 to index
        %get3A_747 = tpu.vector_load %get3A_744[%get3A_745, %get3A_746] {strides = array<i32>} : memref<8x2048xf32, #tpu.memory_space<vmem>>, vector<16xf32>,
        %bitcast3A_748 = vector.bitcast %get3A_747 : vector<16xf32> to vector<16xi32>
        %add3A_749 = arith.constant 80 : i32
        %add3A_750 = arith.addi %mul3A_695, %add3A_749 : i32
        %get3A_751 = arith.constant 7 : i32
        %get3A_752 = arith.constant 0 : i32
        %get3A_753 = arith.constant 0 : i32
        %get3A_754 = tpu.memref_slice %arg5[%scan3A_490, %get3A_752, %get3A_753] : memref<2x8x2048xf32, #tpu.memory_space<vmem>> -> memref<1x8x2048xf32, #tpu.memory_space<vmem>>
        %get3A_755 = tpu.memref_squeeze %get3A_754 : memref<1x8x2048xf32, #tpu.memory_space<vmem>> -> memref<8x2048xf32, #tpu.memory_space<vmem>>
        %get3A_756 = arith.index_cast %get3A_751 : i32 to index
        %get3A_757 = arith.index_cast %add3A_750 : i32 to index
        %get3A_758 = tpu.vector_load %get3A_755[%get3A_756, %get3A_757] {strides = array<i32>} : memref<8x2048xf32, #tpu.memory_space<vmem>>, vector<16xf32>,
        %bitcast3A_759 = vector.bitcast %get3A_758 : vector<16xf32> to vector<16xi32>
        %add3A_760 = arith.constant 96 : i32
        %add3A_761 = arith.addi %mul3A_695, %add3A_760 : i32
        %get3A_762 = arith.constant 7 : i32
        %get3A_763 = arith.constant 0 : i32
        %get3A_764 = arith.constant 0 : i32
        %get3A_765 = tpu.memref_slice %arg5[%scan3A_490, %get3A_763, %get3A_764] : memref<2x8x2048xf32, #tpu.memory_space<vmem>> -> memref<1x8x2048xf32, #tpu.memory_space<vmem>>
        %get3A_766 = tpu.memref_squeeze %get3A_765 : memref<1x8x2048xf32, #tpu.memory_space<vmem>> -> memref<8x2048xf32, #tpu.memory_space<vmem>>
        %get3A_767 = arith.index_cast %get3A_762 : i32 to index
        %get3A_768 = arith.index_cast %add3A_761 : i32 to index
        %get3A_769 = tpu.vector_load %get3A_766[%get3A_767, %get3A_768] {strides = array<i32>} : memref<8x2048xf32, #tpu.memory_space<vmem>>, vector<16xf32>,
        %bitcast3A_770 = vector.bitcast %get3A_769 : vector<16xf32> to vector<16xi32>
        %add3A_771 = arith.constant 112 : i32
        %add3A_772 = arith.addi %mul3A_695, %add3A_771 : i32
        %get3A_773 = arith.constant 7 : i32
        %get3A_774 = arith.constant 0 : i32
        %get3A_775 = arith.constant 0 : i32
        %get3A_776 = tpu.memref_slice %arg5[%scan3A_490, %get3A_774, %get3A_775] : memref<2x8x2048xf32, #tpu.memory_space<vmem>> -> memref<1x8x2048xf32, #tpu.memory_space<vmem>>
        %get3A_777 = tpu.memref_squeeze %get3A_776 : memref<1x8x2048xf32, #tpu.memory_space<vmem>> -> memref<8x2048xf32, #tpu.memory_space<vmem>>
        %get3A_778 = arith.index_cast %get3A_773 : i32 to index
        %get3A_779 = arith.index_cast %add3A_772 : i32 to index
        %get3A_780 = tpu.vector_load %get3A_777[%get3A_778, %get3A_779] {strides = array<i32>} : memref<8x2048xf32, #tpu.memory_space<vmem>>, vector<16xf32>,
        %bitcast3A_781 = vector.bitcast %get3A_780 : vector<16xf32> to vector<16xi32>
        %add3A_782 = arith.constant 128 : i32
        %add3A_783 = arith.addi %mul3A_695, %add3A_782 : i32
        %get3A_784 = arith.constant 7 : i32
        %get3A_785 = arith.constant 0 : i32
        %get3A_786 = arith.constant 0 : i32
        %get3A_787 = tpu.memref_slice %arg5[%scan3A_490, %get3A_785, %get3A_786] : memref<2x8x2048xf32, #tpu.memory_space<vmem>> -> memref<1x8x2048xf32, #tpu.memory_space<vmem>>
        %get3A_788 = tpu.memref_squeeze %get3A_787 : memref<1x8x2048xf32, #tpu.memory_space<vmem>> -> memref<8x2048xf32, #tpu.memory_space<vmem>>
        %get3A_789 = arith.index_cast %get3A_784 : i32 to index
        %get3A_790 = arith.index_cast %add3A_783 : i32 to index
        %get3A_791 = tpu.vector_load %get3A_788[%get3A_789, %get3A_790] {strides = array<i32>} : memref<8x2048xf32, #tpu.memory_space<vmem>>, vector<16xf32>,
        %bitcast3A_792 = vector.bitcast %get3A_791 : vector<16xf32> to vector<16xi32>
        %add3A_793 = arith.constant 144 : i32
        %add3A_794 = arith.addi %mul3A_695, %add3A_793 : i32
        %get3A_795 = arith.constant 7 : i32
        %get3A_796 = arith.constant 0 : i32
        %get3A_797 = arith.constant 0 : i32
        %get3A_798 = tpu.memref_slice %arg5[%scan3A_490, %get3A_796, %get3A_797] : memref<2x8x2048xf32, #tpu.memory_space<vmem>> -> memref<1x8x2048xf32, #tpu.memory_space<vmem>>
        %get3A_799 = tpu.memref_squeeze %get3A_798 : memref<1x8x2048xf32, #tpu.memory_space<vmem>> -> memref<8x2048xf32, #tpu.memory_space<vmem>>
        %get3A_800 = arith.index_cast %get3A_795 : i32 to index
        %get3A_801 = arith.index_cast %add3A_794 : i32 to index
        %get3A_802 = tpu.vector_load %get3A_799[%get3A_800, %get3A_801] {strides = array<i32>} : memref<8x2048xf32, #tpu.memory_space<vmem>>, vector<16xf32>,
        %bitcast3A_803 = vector.bitcast %get3A_802 : vector<16xf32> to vector<16xi32>
        %add3A_804 = arith.constant 160 : i32
        %add3A_805 = arith.addi %mul3A_695, %add3A_804 : i32
        %get3A_806 = arith.constant 7 : i32
        %get3A_807 = arith.constant 0 : i32
        %get3A_808 = arith.constant 0 : i32
        %get3A_809 = tpu.memref_slice %arg5[%scan3A_490, %get3A_807, %get3A_808] : memref<2x8x2048xf32, #tpu.memory_space<vmem>> -> memref<1x8x2048xf32, #tpu.memory_space<vmem>>
        %get3A_810 = tpu.memref_squeeze %get3A_809 : memref<1x8x2048xf32, #tpu.memory_space<vmem>> -> memref<8x2048xf32, #tpu.memory_space<vmem>>
        %get3A_811 = arith.index_cast %get3A_806 : i32 to index
        %get3A_812 = arith.index_cast %add3A_805 : i32 to index
        %get3A_813 = tpu.vector_load %get3A_810[%get3A_811, %get3A_812] {strides = array<i32>} : memref<8x2048xf32, #tpu.memory_space<vmem>>, vector<16xf32>,
        %bitcast3A_814 = vector.bitcast %get3A_813 : vector<16xf32> to vector<16xi32>
        %add3A_815 = arith.constant 176 : i32
        %add3A_816 = arith.addi %mul3A_695, %add3A_815 : i32
        %get3A_817 = arith.constant 7 : i32
        %get3A_818 = arith.constant 0 : i32
        %get3A_819 = arith.constant 0 : i32
        %get3A_820 = tpu.memref_slice %arg5[%scan3A_490, %get3A_818, %get3A_819] : memref<2x8x2048xf32, #tpu.memory_space<vmem>> -> memref<1x8x2048xf32, #tpu.memory_space<vmem>>
        %get3A_821 = tpu.memref_squeeze %get3A_820 : memref<1x8x2048xf32, #tpu.memory_space<vmem>> -> memref<8x2048xf32, #tpu.memory_space<vmem>>
        %get3A_822 = arith.index_cast %get3A_817 : i32 to index
        %get3A_823 = arith.index_cast %add3A_816 : i32 to index
        %get3A_824 = tpu.vector_load %get3A_821[%get3A_822, %get3A_823] {strides = array<i32>} : memref<8x2048xf32, #tpu.memory_space<vmem>>, vector<16xf32>,
        %bitcast3A_825 = vector.bitcast %get3A_824 : vector<16xf32> to vector<16xi32>
        %add3A_826 = arith.constant 192 : i32
        %add3A_827 = arith.addi %mul3A_695, %add3A_826 : i32
        %get3A_828 = arith.constant 7 : i32
        %get3A_829 = arith.constant 0 : i32
        %get3A_830 = arith.constant 0 : i32
        %get3A_831 = tpu.memref_slice %arg5[%scan3A_490, %get3A_829, %get3A_830] : memref<2x8x2048xf32, #tpu.memory_space<vmem>> -> memref<1x8x2048xf32, #tpu.memory_space<vmem>>
        %get3A_832 = tpu.memref_squeeze %get3A_831 : memref<1x8x2048xf32, #tpu.memory_space<vmem>> -> memref<8x2048xf32, #tpu.memory_space<vmem>>
        %get3A_833 = arith.index_cast %get3A_828 : i32 to index
        %get3A_834 = arith.index_cast %add3A_827 : i32 to index
        %get3A_835 = tpu.vector_load %get3A_832[%get3A_833, %get3A_834] {strides = array<i32>} : memref<8x2048xf32, #tpu.memory_space<vmem>>, vector<16xf32>,
        %bitcast3A_836 = vector.bitcast %get3A_835 : vector<16xf32> to vector<16xi32>
        %add3A_837 = arith.constant 208 : i32
        %add3A_838 = arith.addi %mul3A_695, %add3A_837 : i32
        %get3A_839 = arith.constant 7 : i32
        %get3A_840 = arith.constant 0 : i32
        %get3A_841 = arith.constant 0 : i32
        %get3A_842 = tpu.memref_slice %arg5[%scan3A_490, %get3A_840, %get3A_841] : memref<2x8x2048xf32, #tpu.memory_space<vmem>> -> memref<1x8x2048xf32, #tpu.memory_space<vmem>>
        %get3A_843 = tpu.memref_squeeze %get3A_842 : memref<1x8x2048xf32, #tpu.memory_space<vmem>> -> memref<8x2048xf32, #tpu.memory_space<vmem>>
        %get3A_844 = arith.index_cast %get3A_839 : i32 to index
        %get3A_845 = arith.index_cast %add3A_838 : i32 to index
        %get3A_846 = tpu.vector_load %get3A_843[%get3A_844, %get3A_845] {strides = array<i32>} : memref<8x2048xf32, #tpu.memory_space<vmem>>, vector<16xf32>,
        %bitcast3A_847 = vector.bitcast %get3A_846 : vector<16xf32> to vector<16xi32>
        %add3A_848 = arith.constant 224 : i32
        %add3A_849 = arith.addi %mul3A_695, %add3A_848 : i32
        %get3A_850 = arith.constant 7 : i32
        %get3A_851 = arith.constant 0 : i32
        %get3A_852 = arith.constant 0 : i32
        %get3A_853 = tpu.memref_slice %arg5[%scan3A_490, %get3A_851, %get3A_852] : memref<2x8x2048xf32, #tpu.memory_space<vmem>> -> memref<1x8x2048xf32, #tpu.memory_space<vmem>>
        %get3A_854 = tpu.memref_squeeze %get3A_853 : memref<1x8x2048xf32, #tpu.memory_space<vmem>> -> memref<8x2048xf32, #tpu.memory_space<vmem>>
        %get3A_855 = arith.index_cast %get3A_850 : i32 to index
        %get3A_856 = arith.index_cast %add3A_849 : i32 to index
        %get3A_857 = tpu.vector_load %get3A_854[%get3A_855, %get3A_856] {strides = array<i32>} : memref<8x2048xf32, #tpu.memory_space<vmem>>, vector<16xf32>,
        %bitcast3A_858 = vector.bitcast %get3A_857 : vector<16xf32> to vector<16xi32>
        %add3A_859 = arith.constant 240 : i32
        %add3A_860 = arith.addi %mul3A_695, %add3A_859 : i32
        %get3A_861 = arith.constant 7 : i32
        %get3A_862 = arith.constant 0 : i32
        %get3A_863 = arith.constant 0 : i32
        %get3A_864 = tpu.memref_slice %arg5[%scan3A_490, %get3A_862, %get3A_863] : memref<2x8x2048xf32, #tpu.memory_space<vmem>> -> memref<1x8x2048xf32, #tpu.memory_space<vmem>>
        %get3A_865 = tpu.memref_squeeze %get3A_864 : memref<1x8x2048xf32, #tpu.memory_space<vmem>> -> memref<8x2048xf32, #tpu.memory_space<vmem>>
        %get3A_866 = arith.index_cast %get3A_861 : i32 to index
        %get3A_867 = arith.index_cast %add3A_860 : i32 to index
        %get3A_868 = tpu.vector_load %get3A_865[%get3A_866, %get3A_867] {strides = array<i32>} : memref<8x2048xf32, #tpu.memory_space<vmem>>, vector<16xf32>,
        %bitcast3A_869 = vector.bitcast %get3A_868 : vector<16xf32> to vector<16xi32>
        %shift_right_logical3A = arith.constant 31 : i32
        %shift_right_logical3A_870 = vector.broadcast %shift_right_logical3A : i32 to vector<16xi32>
        %shift_right_logical3A_871 = arith.shrui %bitcast3A, %shift_right_logical3A_870 : vector<16xi32>
        %add3A_872 = arith.addi %scan3A_690, %shift_right_logical3A_871 : vector<16xi32>
        %shift_right_logical3A_873 = arith.constant 31 : i32
        %shift_right_logical3A_874 = vector.broadcast %shift_right_logical3A_873 : i32 to vector<16xi32>
        %shift_right_logical3A_875 = arith.shrui %bitcast3A_715, %shift_right_logical3A_874 : vector<16xi32>
        %add3A_876 = arith.addi %scan3A_691, %shift_right_logical3A_875 : vector<16xi32>
        %shift_right_logical3A_877 = arith.constant 31 : i32
        %shift_right_logical3A_878 = vector.broadcast %shift_right_logical3A_877 : i32 to vector<16xi32>
        %shift_right_logical3A_879 = arith.shrui %bitcast3A_726, %shift_right_logical3A_878 : vector<16xi32>
        %add3A_880 = arith.addi %scan3A_692, %shift_right_logical3A_879 : vector<16xi32>
        %shift_right_logical3A_881 = arith.constant 31 : i32
        %shift_right_logical3A_882 = vector.broadcast %shift_right_logical3A_881 : i32 to vector<16xi32>
        %shift_right_logical3A_883 = arith.shrui %bitcast3A_737, %shift_right_logical3A_882 : vector<16xi32>
        %add3A_884 = arith.addi %scan3A_693, %shift_right_logical3A_883 : vector<16xi32>
        %shift_right_logical3A_885 = arith.constant 31 : i32
        %shift_right_logical3A_886 = vector.broadcast %shift_right_logical3A_885 : i32 to vector<16xi32>
        %shift_right_logical3A_887 = arith.shrui %bitcast3A_748, %shift_right_logical3A_886 : vector<16xi32>
        %add3A_888 = arith.addi %add3A_872, %shift_right_logical3A_887 : vector<16xi32>
        %shift_right_logical3A_889 = arith.constant 31 : i32
        %shift_right_logical3A_890 = vector.broadcast %shift_right_logical3A_889 : i32 to vector<16xi32>
        %shift_right_logical3A_891 = arith.shrui %bitcast3A_759, %shift_right_logical3A_890 : vector<16xi32>
        %add3A_892 = arith.addi %add3A_876, %shift_right_logical3A_891 : vector<16xi32>
        %shift_right_logical3A_893 = arith.constant 31 : i32
        %shift_right_logical3A_894 = vector.broadcast %shift_right_logical3A_893 : i32 to vector<16xi32>
        %shift_right_logical3A_895 = arith.shrui %bitcast3A_770, %shift_right_logical3A_894 : vector<16xi32>
        %add3A_896 = arith.addi %add3A_880, %shift_right_logical3A_895 : vector<16xi32>
        %shift_right_logical3A_897 = arith.constant 31 : i32
        %shift_right_logical3A_898 = vector.broadcast %shift_right_logical3A_897 : i32 to vector<16xi32>
        %shift_right_logical3A_899 = arith.shrui %bitcast3A_781, %shift_right_logical3A_898 : vector<16xi32>
        %add3A_900 = arith.addi %add3A_884, %shift_right_logical3A_899 : vector<16xi32>
        %shift_right_logical3A_901 = arith.constant 31 : i32
        %shift_right_logical3A_902 = vector.broadcast %shift_right_logical3A_901 : i32 to vector<16xi32>
        %shift_right_logical3A_903 = arith.shrui %bitcast3A_792, %shift_right_logical3A_902 : vector<16xi32>
        %add3A_904 = arith.addi %add3A_888, %shift_right_logical3A_903 : vector<16xi32>
        %shift_right_logical3A_905 = arith.constant 31 : i32
        %shift_right_logical3A_906 = vector.broadcast %shift_right_logical3A_905 : i32 to vector<16xi32>
        %shift_right_logical3A_907 = arith.shrui %bitcast3A_803, %shift_right_logical3A_906 : vector<16xi32>
        %add3A_908 = arith.addi %add3A_892, %shift_right_logical3A_907 : vector<16xi32>
        %shift_right_logical3A_909 = arith.constant 31 : i32
        %shift_right_logical3A_910 = vector.broadcast %shift_right_logical3A_909 : i32 to vector<16xi32>
        %shift_right_logical3A_911 = arith.shrui %bitcast3A_814, %shift_right_logical3A_910 : vector<16xi32>
        %add3A_912 = arith.addi %add3A_896, %shift_right_logical3A_911 : vector<16xi32>
        %shift_right_logical3A_913 = arith.constant 31 : i32
        %shift_right_logical3A_914 = vector.broadcast %shift_right_logical3A_913 : i32 to vector<16xi32>
        %shift_right_logical3A_915 = arith.shrui %bitcast3A_825, %shift_right_logical3A_914 : vector<16xi32>
        %add3A_916 = arith.addi %add3A_900, %shift_right_logical3A_915 : vector<16xi32>
        %shift_right_logical3A_917 = arith.constant 31 : i32
        %shift_right_logical3A_918 = vector.broadcast %shift_right_logical3A_917 : i32 to vector<16xi32>
        %shift_right_logical3A_919 = arith.shrui %bitcast3A_836, %shift_right_logical3A_918 : vector<16xi32>
        %add3A_920 = arith.addi %add3A_904, %shift_right_logical3A_919 : vector<16xi32>
        %shift_right_logical3A_921 = arith.constant 31 : i32
        %shift_right_logical3A_922 = vector.broadcast %shift_right_logical3A_921 : i32 to vector<16xi32>
        %shift_right_logical3A_923 = arith.shrui %bitcast3A_847, %shift_right_logical3A_922 : vector<16xi32>
        %add3A_924 = arith.addi %add3A_908, %shift_right_logical3A_923 : vector<16xi32>
        %shift_right_logical3A_925 = arith.constant 31 : i32
        %shift_right_logical3A_926 = vector.broadcast %shift_right_logical3A_925 : i32 to vector<16xi32>
        %shift_right_logical3A_927 = arith.shrui %bitcast3A_858, %shift_right_logical3A_926 : vector<16xi32>
        %add3A_928 = arith.addi %add3A_912, %shift_right_logical3A_927 : vector<16xi32>
        %shift_right_logical3A_929 = arith.constant 31 : i32
        %shift_right_logical3A_930 = vector.broadcast %shift_right_logical3A_929 : i32 to vector<16xi32>
        %shift_right_logical3A_931 = arith.shrui %bitcast3A_869, %shift_right_logical3A_930 : vector<16xi32>
        %add3A_932 = arith.addi %add3A_916, %shift_right_logical3A_931 : vector<16xi32>
        scf.yield %add3A_920, %add3A_924, %add3A_928, %add3A_932 : vector<16xi32>, vector<16xi32>, vector<16xi32>, vector<16xi32>
      }
      %scan3A_496 = arith.constant 2 : i32
      %add3A_497 = arith.addi %scan3A_495#0, %scan3A_495#1 : vector<16xi32>
      %add3A_498 = arith.addi %scan3A_495#2, %scan3A_495#3 : vector<16xi32>
      %add3A_499 = arith.addi %add3A_497, %add3A_498 : vector<16xi32>
      %swap3A_500 = arith.constant 7 : i32
      %swap3A_501 = arith.index_cast %swap3A_500 : i32 to index
      %swap3A_502 = arith.constant 0 : index
      %swap3A_503 = tpu.vector_load %arg6[%swap3A_501, %swap3A_502] {strides = array<i32>} : memref<16x16xi32, #tpu.memory_space<vmem>>, vector<16xi32>,
      tpu.vector_store %arg6[%swap3A_501, %swap3A_502], %add3A_499 {strides = array<i32>} : memref<16x16xi32, #tpu.memory_space<vmem>>, vector<16xi32>,
      %broadcast_in_dim3A_504 = arith.constant 0 : i32
      %broadcast_in_dim3A_505 = vector.broadcast %broadcast_in_dim3A_504 : i32 to vector<16xi32>
      %broadcast_in_dim3A_506 = arith.constant 0 : i32
      %broadcast_in_dim3A_507 = vector.broadcast %broadcast_in_dim3A_506 : i32 to vector<16xi32>
      %gather3A_508 = tpu.vector_load_idx %arg6[%iota3A, %broadcast_in_dim3A_507] : memref<16x16xi32, #tpu.memory_space<vmem>>[vector<16xi32>, vector<16xi32>], vector<16xi32>,
      %add3A_509 = arith.addi %broadcast_in_dim3A_505, %gather3A_508 : vector<16xi32>
      %broadcast_in_dim3A_510 = arith.constant 1 : i32
      %broadcast_in_dim3A_511 = vector.broadcast %broadcast_in_dim3A_510 : i32 to vector<16xi32>
      %gather3A_512 = tpu.vector_load_idx %arg6[%iota3A, %broadcast_in_dim3A_511] : memref<16x16xi32, #tpu.memory_space<vmem>>[vector<16xi32>, vector<16xi32>], vector<16xi32>,
      %add3A_513 = arith.addi %add3A_509, %gather3A_512 : vector<16xi32>
      %broadcast_in_dim3A_514 = arith.constant 2 : i32
      %broadcast_in_dim3A_515 = vector.broadcast %broadcast_in_dim3A_514 : i32 to vector<16xi32>
      %gather3A_516 = tpu.vector_load_idx %arg6[%iota3A, %broadcast_in_dim3A_515] : memref<16x16xi32, #tpu.memory_space<vmem>>[vector<16xi32>, vector<16xi32>], vector<16xi32>,
      %add3A_517 = arith.addi %add3A_513, %gather3A_516 : vector<16xi32>
      %broadcast_in_dim3A_518 = arith.constant 3 : i32
      %broadcast_in_dim3A_519 = vector.broadcast %broadcast_in_dim3A_518 : i32 to vector<16xi32>
      %gather3A_520 = tpu.vector_load_idx %arg6[%iota3A, %broadcast_in_dim3A_519] : memref<16x16xi32, #tpu.memory_space<vmem>>[vector<16xi32>, vector<16xi32>], vector<16xi32>,
      %add3A_521 = arith.addi %add3A_517, %gather3A_520 : vector<16xi32>
      %broadcast_in_dim3A_522 = arith.constant 4 : i32
      %broadcast_in_dim3A_523 = vector.broadcast %broadcast_in_dim3A_522 : i32 to vector<16xi32>
      %gather3A_524 = tpu.vector_load_idx %arg6[%iota3A, %broadcast_in_dim3A_523] : memref<16x16xi32, #tpu.memory_space<vmem>>[vector<16xi32>, vector<16xi32>], vector<16xi32>,
      %add3A_525 = arith.addi %add3A_521, %gather3A_524 : vector<16xi32>
      %broadcast_in_dim3A_526 = arith.constant 5 : i32
      %broadcast_in_dim3A_527 = vector.broadcast %broadcast_in_dim3A_526 : i32 to vector<16xi32>
      %gather3A_528 = tpu.vector_load_idx %arg6[%iota3A, %broadcast_in_dim3A_527] : memref<16x16xi32, #tpu.memory_space<vmem>>[vector<16xi32>, vector<16xi32>], vector<16xi32>,
      %add3A_529 = arith.addi %add3A_525, %gather3A_528 : vector<16xi32>
      %broadcast_in_dim3A_530 = arith.constant 6 : i32
      %broadcast_in_dim3A_531 = vector.broadcast %broadcast_in_dim3A_530 : i32 to vector<16xi32>
      %gather3A_532 = tpu.vector_load_idx %arg6[%iota3A, %broadcast_in_dim3A_531] : memref<16x16xi32, #tpu.memory_space<vmem>>[vector<16xi32>, vector<16xi32>], vector<16xi32>,
      %add3A_533 = arith.addi %add3A_529, %gather3A_532 : vector<16xi32>
      %broadcast_in_dim3A_534 = arith.constant 7 : i32
      %broadcast_in_dim3A_535 = vector.broadcast %broadcast_in_dim3A_534 : i32 to vector<16xi32>
      %gather3A_536 = tpu.vector_load_idx %arg6[%iota3A, %broadcast_in_dim3A_535] : memref<16x16xi32, #tpu.memory_space<vmem>>[vector<16xi32>, vector<16xi32>], vector<16xi32>,
      %add3A_537 = arith.addi %add3A_533, %gather3A_536 : vector<16xi32>
      %broadcast_in_dim3A_538 = arith.constant 8 : i32
      %broadcast_in_dim3A_539 = vector.broadcast %broadcast_in_dim3A_538 : i32 to vector<16xi32>
      %gather3A_540 = tpu.vector_load_idx %arg6[%iota3A, %broadcast_in_dim3A_539] : memref<16x16xi32, #tpu.memory_space<vmem>>[vector<16xi32>, vector<16xi32>], vector<16xi32>,
      %add3A_541 = arith.addi %add3A_537, %gather3A_540 : vector<16xi32>
      %broadcast_in_dim3A_542 = arith.constant 9 : i32
      %broadcast_in_dim3A_543 = vector.broadcast %broadcast_in_dim3A_542 : i32 to vector<16xi32>
      %gather3A_544 = tpu.vector_load_idx %arg6[%iota3A, %broadcast_in_dim3A_543] : memref<16x16xi32, #tpu.memory_space<vmem>>[vector<16xi32>, vector<16xi32>], vector<16xi32>,
      %add3A_545 = arith.addi %add3A_541, %gather3A_544 : vector<16xi32>
      %broadcast_in_dim3A_546 = arith.constant 10 : i32
      %broadcast_in_dim3A_547 = vector.broadcast %broadcast_in_dim3A_546 : i32 to vector<16xi32>
      %gather3A_548 = tpu.vector_load_idx %arg6[%iota3A, %broadcast_in_dim3A_547] : memref<16x16xi32, #tpu.memory_space<vmem>>[vector<16xi32>, vector<16xi32>], vector<16xi32>,
      %add3A_549 = arith.addi %add3A_545, %gather3A_548 : vector<16xi32>
      %broadcast_in_dim3A_550 = arith.constant 11 : i32
      %broadcast_in_dim3A_551 = vector.broadcast %broadcast_in_dim3A_550 : i32 to vector<16xi32>
      %gather3A_552 = tpu.vector_load_idx %arg6[%iota3A, %broadcast_in_dim3A_551] : memref<16x16xi32, #tpu.memory_space<vmem>>[vector<16xi32>, vector<16xi32>], vector<16xi32>,
      %add3A_553 = arith.addi %add3A_549, %gather3A_552 : vector<16xi32>
      %broadcast_in_dim3A_554 = arith.constant 12 : i32
      %broadcast_in_dim3A_555 = vector.broadcast %broadcast_in_dim3A_554 : i32 to vector<16xi32>
      %gather3A_556 = tpu.vector_load_idx %arg6[%iota3A, %broadcast_in_dim3A_555] : memref<16x16xi32, #tpu.memory_space<vmem>>[vector<16xi32>, vector<16xi32>], vector<16xi32>,
      %add3A_557 = arith.addi %add3A_553, %gather3A_556 : vector<16xi32>
      %broadcast_in_dim3A_558 = arith.constant 13 : i32
      %broadcast_in_dim3A_559 = vector.broadcast %broadcast_in_dim3A_558 : i32 to vector<16xi32>
      %gather3A_560 = tpu.vector_load_idx %arg6[%iota3A, %broadcast_in_dim3A_559] : memref<16x16xi32, #tpu.memory_space<vmem>>[vector<16xi32>, vector<16xi32>], vector<16xi32>,
      %add3A_561 = arith.addi %add3A_557, %gather3A_560 : vector<16xi32>
      %broadcast_in_dim3A_562 = arith.constant 14 : i32
      %broadcast_in_dim3A_563 = vector.broadcast %broadcast_in_dim3A_562 : i32 to vector<16xi32>
      %gather3A_564 = tpu.vector_load_idx %arg6[%iota3A, %broadcast_in_dim3A_563] : memref<16x16xi32, #tpu.memory_space<vmem>>[vector<16xi32>, vector<16xi32>], vector<16xi32>,
      %add3A_565 = arith.addi %add3A_561, %gather3A_564 : vector<16xi32>
      %broadcast_in_dim3A_566 = arith.constant 15 : i32
      %broadcast_in_dim3A_567 = vector.broadcast %broadcast_in_dim3A_566 : i32 to vector<16xi32>
      %gather3A_568 = tpu.vector_load_idx %arg6[%iota3A, %broadcast_in_dim3A_567] : memref<16x16xi32, #tpu.memory_space<vmem>>[vector<16xi32>, vector<16xi32>], vector<16xi32>,
      %add3A_569 = arith.addi %add3A_565, %gather3A_568 : vector<16xi32>
      %convert_element_type3A_570 = arith.sitofp %add3A_569 : vector<16xi32> to vector<16xf32>
      %mul3A_571 = arith.constant 2.000000e+00 : f32
      %mul3A_572 = vector.broadcast %mul3A_571 : f32 to vector<16xf32>
      %mul3A_573 = arith.mulf %mul3A_572, %convert_element_type3A_570 : vector<16xf32>
      %sub3A_574 = arith.constant 2.048000e+03 : f32
      %sub3A_575 = vector.broadcast %sub3A_574 : f32 to vector<16xf32>
      %sub3A_576 = arith.subf %sub3A_575, %mul3A_573 : vector<16xf32>
      %mul3A_577 = arith.constant 4.8828125E-4 : f32
      %mul3A_578 = vector.broadcast %mul3A_577 : f32 to vector<16xf32>
      %mul3A_579 = arith.mulf %sub3A_576, %mul3A_578 : vector<16xf32>
      %mul3A_580 = arith.constant -8.74227765E-8 : f32
      %mul3A_581 = vector.broadcast %mul3A_580 : f32 to vector<16xf32>
      %mul3A_582 = arith.mulf %convert_element_type3A_570, %mul3A_581 : vector<16xf32>
      %mul3A_583 = arith.constant 4.8828125E-4 : f32
      %mul3A_584 = vector.broadcast %mul3A_583 : f32 to vector<16xf32>
      %mul3A_585 = arith.mulf %mul3A_582, %mul3A_584 : vector<16xf32>
      %div3A_586 = arith.divf %mul3A_585, %mul3A_579 : vector<16xf32>
      %gt3A_587 = arith.constant 0.000000e+00 : f32
      %gt3A_588 = vector.broadcast %gt3A_587 : f32 to vector<16xf32>
      %gt3A_589 = arith.cmpf ogt, %sub3A_576, %gt3A_588 : vector<16xf32>
      %lt3A_590 = arith.constant 0.000000e+00 : f32
      %lt3A_591 = vector.broadcast %lt3A_590 : f32 to vector<16xf32>
      %lt3A_592 = arith.cmpf olt, %sub3A_576, %lt3A_591 : vector<16xf32>
      %sub3A_593 = arith.constant 3.14159274 : f32
      %sub3A_594 = vector.broadcast %sub3A_593 : f32 to vector<16xf32>
      %sub3A_595 = arith.subf %div3A_586, %sub3A_594 : vector<16xf32>
      %jit3A_596 = arith.constant -1.57079637 : f32
      %broadcast_in_dim3A_597 = vector.broadcast %jit3A_596 : f32 to vector<16xf32>
      %select_n3A_598 = arith.select %lt3A_592, %sub3A_595, %broadcast_in_dim3A_597 : vector<16xi1>, vector<16xf32>
      %select_n3A_599 = arith.select %gt3A_589, %div3A_586, %select_n3A_598 : vector<16xi1>, vector<16xf32>
      %add3A_600 = arith.constant 3.14159274 : f32
      %add3A_601 = vector.broadcast %add3A_600 : f32 to vector<16xf32>
      %add3A_602 = arith.addf %select_n3A_599, %add3A_601 : vector<16xf32>
      %div3A_603 = arith.constant 6.28318548 : f32
      %div3A_604 = vector.broadcast %div3A_603 : f32 to vector<16xf32>
      %div3A_605 = arith.divf %add3A_602, %div3A_604 : vector<16xf32>
      %mul3A_606 = arith.constant 1.600000e+01 : f32
      %mul3A_607 = vector.broadcast %mul3A_606 : f32 to vector<16xf32>
      %mul3A_608 = arith.mulf %div3A_605, %mul3A_607 : vector<16xf32>
      %convert_element_type3A_609 = arith.fptosi %mul3A_608 : vector<16xf32> to vector<16xi32>
      %jit3A_610 = arith.constant 0 : i32
      %jit3A_611 = arith.constant 15 : i32
      %max3A_612 = vector.broadcast %jit3A_610 : i32 to vector<16xi32>
      %max3A_613 = arith.maxsi %max3A_612, %convert_element_type3A_609 : vector<16xi32>
      %min3A_614 = vector.broadcast %jit3A_611 : i32 to vector<16xi32>
      %min3A_615 = arith.minsi %min3A_614, %max3A_613 : vector<16xi32>
      %mul3A_616 = arith.constant 8 : i32
      %mul3A_617 = arith.muli %add3A_359, %mul3A_616 : i32
      %lt3A_618 = arith.constant 8 : i32
      %lt3A_619 = vector.broadcast %lt3A_618 : i32 to vector<16xi32>
      %lt3A_620 = arith.cmpi slt, %iota3A, %lt3A_619 : vector<16xi32>
      %add3A_621 = vector.broadcast %mul3A_617 : i32 to vector<16xi32>
      %add3A_622 = arith.addi %add3A_621, %iota3A : vector<16xi32>
      tpu.vector_store_idx %arg8[%add3A_622], %min3A_615 masked %lt3A_620 : memref<512xi32, #tpu.memory_space<vmem>>[vector<16xi32>], vector<16xi32>, vector<16xi1>
      %broadcast_in_dim3A_623 = arith.constant 0.000000e+00 : f32
      %broadcast_in_dim3A_624 = vector.broadcast %broadcast_in_dim3A_623 : f32 to vector<16xf32>
      %add3A_625 = arith.constant 0 : i32
      %add3A_626 = arith.addi %mul3A_617, %add3A_625 : i32
      %swap3A_627 = arith.index_cast %add3A_626 : i32 to index
      %swap3A_628 = arith.constant 0 : index
      %swap3A_629 = tpu.vector_load %arg7[%swap3A_627, %swap3A_628] {strides = array<i32>} : memref<512x16xf32, #tpu.memory_space<vmem>>, vector<16xf32>,
      tpu.vector_store %arg7[%swap3A_627, %swap3A_628], %broadcast_in_dim3A_624 {strides = array<i32>} : memref<512x16xf32, #tpu.memory_space<vmem>>, vector<16xf32>,
      %broadcast_in_dim3A_630 = arith.constant 0.000000e+00 : f32
      %broadcast_in_dim3A_631 = vector.broadcast %broadcast_in_dim3A_630 : f32 to vector<16xf32>
      %add3A_632 = arith.constant 1 : i32
      %add3A_633 = arith.addi %mul3A_617, %add3A_632 : i32
      %swap3A_634 = arith.index_cast %add3A_633 : i32 to index
      %swap3A_635 = arith.constant 0 : index
      %swap3A_636 = tpu.vector_load %arg7[%swap3A_634, %swap3A_635] {strides = array<i32>} : memref<512x16xf32, #tpu.memory_space<vmem>>, vector<16xf32>,
      tpu.vector_store %arg7[%swap3A_634, %swap3A_635], %broadcast_in_dim3A_631 {strides = array<i32>} : memref<512x16xf32, #tpu.memory_space<vmem>>, vector<16xf32>,
      %broadcast_in_dim3A_637 = arith.constant 0.000000e+00 : f32
      %broadcast_in_dim3A_638 = vector.broadcast %broadcast_in_dim3A_637 : f32 to vector<16xf32>
      %add3A_639 = arith.constant 2 : i32
      %add3A_640 = arith.addi %mul3A_617, %add3A_639 : i32
      %swap3A_641 = arith.index_cast %add3A_640 : i32 to index
      %swap3A_642 = arith.constant 0 : index
      %swap3A_643 = tpu.vector_load %arg7[%swap3A_641, %swap3A_642] {strides = array<i32>} : memref<512x16xf32, #tpu.memory_space<vmem>>, vector<16xf32>,
      tpu.vector_store %arg7[%swap3A_641, %swap3A_642], %broadcast_in_dim3A_638 {strides = array<i32>} : memref<512x16xf32, #tpu.memory_space<vmem>>, vector<16xf32>,
      %broadcast_in_dim3A_644 = arith.constant 0.000000e+00 : f32
      %broadcast_in_dim3A_645 = vector.broadcast %broadcast_in_dim3A_644 : f32 to vector<16xf32>
      %add3A_646 = arith.constant 3 : i32
      %add3A_647 = arith.addi %mul3A_617, %add3A_646 : i32
      %swap3A_648 = arith.index_cast %add3A_647 : i32 to index
      %swap3A_649 = arith.constant 0 : index
      %swap3A_650 = tpu.vector_load %arg7[%swap3A_648, %swap3A_649] {strides = array<i32>} : memref<512x16xf32, #tpu.memory_space<vmem>>, vector<16xf32>,
      tpu.vector_store %arg7[%swap3A_648, %swap3A_649], %broadcast_in_dim3A_645 {strides = array<i32>} : memref<512x16xf32, #tpu.memory_space<vmem>>, vector<16xf32>,
      %broadcast_in_dim3A_651 = arith.constant 0.000000e+00 : f32
      %broadcast_in_dim3A_652 = vector.broadcast %broadcast_in_dim3A_651 : f32 to vector<16xf32>
      %add3A_653 = arith.constant 4 : i32
      %add3A_654 = arith.addi %mul3A_617, %add3A_653 : i32
      %swap3A_655 = arith.index_cast %add3A_654 : i32 to index
      %swap3A_656 = arith.constant 0 : index
      %swap3A_657 = tpu.vector_load %arg7[%swap3A_655, %swap3A_656] {strides = array<i32>} : memref<512x16xf32, #tpu.memory_space<vmem>>, vector<16xf32>,
      tpu.vector_store %arg7[%swap3A_655, %swap3A_656], %broadcast_in_dim3A_652 {strides = array<i32>} : memref<512x16xf32, #tpu.memory_space<vmem>>, vector<16xf32>,
      %broadcast_in_dim3A_658 = arith.constant 0.000000e+00 : f32
      %broadcast_in_dim3A_659 = vector.broadcast %broadcast_in_dim3A_658 : f32 to vector<16xf32>
      %add3A_660 = arith.constant 5 : i32
      %add3A_661 = arith.addi %mul3A_617, %add3A_660 : i32
      %swap3A_662 = arith.index_cast %add3A_661 : i32 to index
      %swap3A_663 = arith.constant 0 : index
      %swap3A_664 = tpu.vector_load %arg7[%swap3A_662, %swap3A_663] {strides = array<i32>} : memref<512x16xf32, #tpu.memory_space<vmem>>, vector<16xf32>,
      tpu.vector_store %arg7[%swap3A_662, %swap3A_663], %broadcast_in_dim3A_659 {strides = array<i32>} : memref<512x16xf32, #tpu.memory_space<vmem>>, vector<16xf32>,
      %broadcast_in_dim3A_665 = arith.constant 0.000000e+00 : f32
      %broadcast_in_dim3A_666 = vector.broadcast %broadcast_in_dim3A_665 : f32 to vector<16xf32>
      %add3A_667 = arith.constant 6 : i32
      %add3A_668 = arith.addi %mul3A_617, %add3A_667 : i32
      %swap3A_669 = arith.index_cast %add3A_668 : i32 to index
      %swap3A_670 = arith.constant 0 : index
      %swap3A_671 = tpu.vector_load %arg7[%swap3A_669, %swap3A_670] {strides = array<i32>} : memref<512x16xf32, #tpu.memory_space<vmem>>, vector<16xf32>,
      tpu.vector_store %arg7[%swap3A_669, %swap3A_670], %broadcast_in_dim3A_666 {strides = array<i32>} : memref<512x16xf32, #tpu.memory_space<vmem>>, vector<16xf32>,
      %broadcast_in_dim3A_672 = arith.constant 0.000000e+00 : f32
      %broadcast_in_dim3A_673 = vector.broadcast %broadcast_in_dim3A_672 : f32 to vector<16xf32>
      %add3A_674 = arith.constant 7 : i32
      %add3A_675 = arith.addi %mul3A_617, %add3A_674 : i32
      %swap3A_676 = arith.index_cast %add3A_675 : i32 to index
      %swap3A_677 = arith.constant 0 : index
      %swap3A_678 = tpu.vector_load %arg7[%swap3A_676, %swap3A_677] {strides = array<i32>} : memref<512x16xf32, #tpu.memory_space<vmem>>, vector<16xf32>,
      tpu.vector_store %arg7[%swap3A_676, %swap3A_677], %broadcast_in_dim3A_673 {strides = array<i32>} : memref<512x16xf32, #tpu.memory_space<vmem>>, vector<16xf32>,
      %add3A_679 = vector.broadcast %mul3A_617 : i32 to vector<16xi32>
      %add3A_680 = arith.addi %add3A_679, %iota3A : vector<16xi32>
      tpu.vector_store_idx %arg7[%add3A_680, %min3A_615], %broadcast_in_dim3A_3 masked %lt3A_620 : memref<512x16xf32, #tpu.memory_space<vmem>>[vector<16xi32>, vector<16xi32>], vector<16xf32>, vector<16xi1>
      %add3A_681 = arith.constant 3 : i32
      %add3A_682 = arith.addi %mul3A_42, %add3A_681 : i32
      %lt3A_683 = arith.constant 64 : i32
      %lt3A_684 = arith.cmpi slt, %add3A_682, %lt3A_683 : i32
      %convert_element_type3A_685 = arith.extui %lt3A_684 : i1 to i32
      %cond3A_686 = arith.constant 0 : i32
      %cond3A_687 = arith.cmpi ne, %convert_element_type3A_685, %cond3A_686 : i32
      scf.if %cond3A_687 {
        %add3A_689 = arith.constant 3 : i32
        %add3A_690 = arith.addi %mul3A_42, %add3A_689 : i32
        %mul3A_691 = arith.constant 8 : i32
        %mul3A_692 = arith.muli %add3A_690, %mul3A_691 : i32
        %add3A_693 = arith.addi %mul3A_2, %mul3A_692 : i32
        %dma_start3A_694 = arith.constant 1 : i32
        %dma_start3A_695 = arith.constant 0 : i32
        %dma_start3A_696 = arith.constant 0 : i32
        %dma_start3A_697 = tpu.memref_slice %arg5[%dma_start3A_694, %dma_start3A_695, %dma_start3A_696] : memref<2x8x2048xf32, #tpu.memory_space<vmem>> -> memref<1x8x2048xf32, #tpu.memory_space<vmem>>
        %dma_start3A_698 = tpu.memref_squeeze %dma_start3A_697 : memref<1x8x2048xf32, #tpu.memory_space<vmem>> -> memref<8x2048xf32, #tpu.memory_space<vmem>>
        %dma_start3A_699 = arith.constant 0 : i32
        %dma_start3A_700 = tpu.memref_slice %arg2[%add3A_693, %dma_start3A_699] : memref<16384x2048xf32, #tpu.memory_space<hbm>> -> memref<8x2048xf32, #tpu.memory_space<hbm>>
        %dma_start3A_701 = arith.constant 0 : i32
        %dma_start3A_702 = arith.constant 0 : i32
        %dma_start3A_703 = tpu.memref_slice %arg5[%dma_start3A_694, %dma_start3A_701, %dma_start3A_702] : memref<2x8x2048xf32, #tpu.memory_space<vmem>> -> memref<1x8x2048xf32, #tpu.memory_space<vmem>>
        %dma_start3A_704 = tpu.memref_squeeze %dma_start3A_703 : memref<1x8x2048xf32, #tpu.memory_space<vmem>> -> memref<8x2048xf32, #tpu.memory_space<vmem>>
        %dma_start3A_705 = arith.constant 0 : i32
        %dma_start3A_706 = tpu.memref_slice %arg2[%add3A_693, %dma_start3A_705] : memref<16384x2048xf32, #tpu.memory_space<hbm>> -> memref<8x2048xf32, #tpu.memory_space<hbm>>
        tpu.enqueue_dma source(%dma_start3A_706 : memref<8x2048xf32, #tpu.memory_space<hbm>>) target(%dma_start3A_704 : memref<8x2048xf32, #tpu.memory_space<vmem>>) target_semaphore(%arg10 : memref<!tpu.dma_semaphore, #tpu.memory_space<semaphore_mem>>)
      } else {
      }
      %scan3A_688 = arith.constant 0 : i32
      scf.yield %scan3A_688 : i32
    }
    %scan3A_38 = arith.constant 32 : i32
    "tpu.region"() ({
      %run_scoped3A = tpu.sem_alloc : memref<!tpu.dma_semaphore, #tpu.memory_space<semaphore_mem>>
      %dma_start3A_39 = arith.constant 0 : i32
      %dma_start3A_40 = tpu.memref_slice %arg3[%mul3A_2, %dma_start3A_39] : memref<16384x16xf32, #tpu.memory_space<hbm>> -> memref<512x16xf32, #tpu.memory_space<hbm>>
      %dma_start3A_41 = arith.constant 0 : i32
      %dma_start3A_42 = tpu.memref_slice %arg3[%mul3A_2, %dma_start3A_41] : memref<16384x16xf32, #tpu.memory_space<hbm>> -> memref<512x16xf32, #tpu.memory_space<hbm>>
      tpu.enqueue_dma source(%arg7 : memref<512x16xf32, #tpu.memory_space<vmem>>) target(%dma_start3A_42 : memref<512x16xf32, #tpu.memory_space<hbm>>) target_semaphore(%run_scoped3A : memref<!tpu.dma_semaphore, #tpu.memory_space<semaphore_mem>>)
      %dma_wait3A = arith.constant 0 : i32
      %dma_wait3A_43 = tpu.memref_slice %arg3[%mul3A_2, %dma_wait3A] : memref<16384x16xf32, #tpu.memory_space<hbm>> -> memref<512x16xf32, #tpu.memory_space<hbm>>
      %dma_wait3A_44 = arith.constant 0 : i32
      %dma_wait3A_45 = tpu.memref_slice %arg3[%mul3A_2, %dma_wait3A_44] : memref<16384x16xf32, #tpu.memory_space<hbm>> -> memref<512x16xf32, #tpu.memory_space<hbm>>
      tpu.wait_dma2 semaphore(%run_scoped3A : memref<!tpu.dma_semaphore, #tpu.memory_space<semaphore_mem>>) src(%arg7 : memref<512x16xf32, #tpu.memory_space<vmem>>) dst(%dma_wait3A_45 : memref<512x16xf32, #tpu.memory_space<hbm>>)
      tpu.yield
    }) : () -> ()
    "tpu.region"() ({
      %run_scoped3A = tpu.sem_alloc : memref<!tpu.dma_semaphore, #tpu.memory_space<semaphore_mem>>
      %dma_start3A_39 = tpu.memref_slice %arg4[%mul3A_2] : memref<16384xi32, #tpu.memory_space<hbm>> -> memref<512xi32, #tpu.memory_space<hbm>>
      %dma_start3A_40 = tpu.memref_slice %arg4[%mul3A_2] : memref<16384xi32, #tpu.memory_space<hbm>> -> memref<512xi32, #tpu.memory_space<hbm>>
      tpu.enqueue_dma source(%arg8 : memref<512xi32, #tpu.memory_space<vmem>>) target(%dma_start3A_40 : memref<512xi32, #tpu.memory_space<hbm>>) target_semaphore(%run_scoped3A : memref<!tpu.dma_semaphore, #tpu.memory_space<semaphore_mem>>)
      %dma_wait3A = tpu.memref_slice %arg4[%mul3A_2] : memref<16384xi32, #tpu.memory_space<hbm>> -> memref<512xi32, #tpu.memory_space<hbm>>
      %dma_wait3A_41 = tpu.memref_slice %arg4[%mul3A_2] : memref<16384xi32, #tpu.memory_space<hbm>> -> memref<512xi32, #tpu.memory_space<hbm>>
      tpu.wait_dma2 semaphore(%run_scoped3A : memref<!tpu.dma_semaphore, #tpu.memory_space<semaphore_mem>>) src(%arg8 : memref<512xi32, #tpu.memory_space<vmem>>) dst(%dma_wait3A_41 : memref<512xi32, #tpu.memory_space<hbm>>)
      tpu.yield
    }) : () -> ()
    return
  }
}

</mosaic_0001>

<sc_bundles>
// kernel: kernel.3.cloned.1.call-start
scs
__scs_entry_jumppad:
0x0: {  	(pc) =	sbr.rel $0x88, $3  }
0x1: {  	(tag) =	ssettag $0x0;
	lr =	simm.s32 $0x1  }
0x2: {  	[smem:$0x3FA0] =	sst lr;
	_ =	strace $0xD0000000  }
0x3: {  	_ = 	snop  }
0x4: {  	_ = 	snop  }
0x5: {  	_ = 	snop  }
0x6: {  	_ = 	snop  }
0x7: {  	_ = 	snop  }
__scs_overlays_trampoline_lowered:
0x8: {  	[smem:$0x3FAF] =	sst s0  }
0x9: {  	[smem:$0x3FB0] =	sst s1  }
0xa: {  	[smem:$0x3FB1] =	sst s2  }
0xb: {  	[smem:$0x3FB2] =	sst s3  }
0xc: {  	[smem:$0x3FB3] =	sst s4  }
0xd: {  	[smem:$0x3FB4] =	sst s5  }
0xe: {  	[smem:$0x3FB5] =	sst s6  }
0xf: {  	[smem:$0x3FB6] =	sst s7  }
0x10: {  	[smem:$0x3FB7] =	sst s8  }
0x11: {  	[smem:$0x3FB8] =	sst s9;
	s0 =	simm.s32 @!p0 $0x0  }
0x12: {  	s1 =	sld [smem:$0x3F9E];
	s0 =	simm.s32 @p0 $0x1  }
0x13: {  	[smem:$0x3FB9] =	sst s0;
	s0 =	simm.s32 @!p1 $0x0  }
0x14: {  	s2 =	sld [smem:$0x3F9D];
	s0 =	simm.s32 @p1 $0x1  }
0x15: {  	[smem:$0x3FBA] =	sst s0;
	s0 =	simm.s32 @!p2 $0x0  }
0x16: {  	s3 =	sld [smem:$0x3FDB];
	s0 =	simm.s32 @p2 $0x1  }
0x17: {  	s4 =	simm.s32 $0x1BF5;
	[smem:$0x3FBC] =	sst s0  }
0x18: {  	s0 =	sld [smem:$0x3F9F];
	_ =	swait.ge [sflag:s4], $0x0  }
0x19: {  	s7 =	sld [smem:$0x3FA0]  }
0x1a: {  	s8 =	sadd.s32 $0xFFFFE003, lr  }
0x1b: {  	s9 =	sadd.s32 $0xFFFFFEF7, lr;
	s5 =	simm.s32 $0xFFFFFFFF;
	p2 =	slt.u32 s8, $0xFFFFF086  }
0x1c: {  	p1 =	slt.u32 s9, $0xF7A;
	s5 =	simm.s32 @!p2 $0x0  }
0x1d: {  	s5 =	simm.s32 @p1 $0x1;
	p0 =	seq.s32 s7, s2  }
0x1e: {  	s7 =	smul.u32 @!p0 $0xF7A, s2;
	p2 =	seq.s32 @!p0 s5, $0x0  }
0x1f: {  	s9 =	smul.u32 $0xF7A, s1;
	s8 =	simm.s32 @!p0 $0x1BF5;
	p2 =	por !p2, p0  }
0x20: {  	[sflag:s8] =	ssyncset.s32 @!p0 $0xFFFFF086;
	s6 =	sadd.s32 @!p0 s3, s7;
	s7 =	simm.s32 @!p0 $0x108  }
0x21: {  	s3 =	sadd.s32 s3, s9;
	s6 =	sadd.s32 @!p0 $0x88, s6;
	s7 =	simm.s32 @p2 $0x1082  }
0x22: {  	[simem:s7], [sflag:s8] =	dma.local @!p0 [hbm:s6], $0xF7A  }
0x23: {  	s9 =	sor.u32 $0xD0000000, s2;
	s6 =	simm.s32 $0x108;
	_ =	swait.ge @!p0 [sflag:s8], $0x0  }
0x24: {  	s3 =	sadd.s32 $0x88, s3;
	s6 =	simm.s32 @!p1 $0x1082;
	[sflag:s4] =	ssyncset.s32 $0xFFFFF086  }
0x25: {  	[simem:s6], [sflag:s4] =	dma.local [hbm:s3], $0xF7A  }
0x26: {  	[smem:$0x3FA0] =	sst s1;
	(tag) =	ssettag s2;
	_ =	strace s9  }
0x27: {  	s1 =	sld [smem:$0x3FB0]  }
0x28: {  	s2 =	sld [smem:$0x3FB1]  }
0x29: {  	s4 =	sld [smem:$0x3FB3]  }
0x2a: {  	p0 =	seq.s32 s5, $0x0;
	s5 =	sld [smem:$0x3FB4]  }
0x2b: {  	s6 =	sld [smem:$0x3FB5]  }
0x2c: {  	s7 =	sld [smem:$0x3FB6]  }
0x2d: {  	s3 =	simm.s32 $0x108;
	s8 =	sld [smem:$0x3FB7]  }
0x2e: {  	s3 =	simm.s32 @!p0 $0x1082;
	s9 =	sld [smem:$0x3FB8]  }
0x2f: {  	lr =	sadd.s32 s0, s3;
	s0 =	sld [smem:$0x3FAF]  }
0x30: {  	s3 =	sld [smem:$0x3FB2]  }
0x31: {  	[smem:$0x3FBB] =	sst s10  }
0x32: {  	s10 =	sld [smem:$0x3FB9];
	_ =	sdelay $0x3  }
0x33: {  	p0 =	seq.s32 s10, $0x1;
	s10 =	sld [smem:$0x3FBB];
	_ =	sdelay $0x3  }
0x34: {  	[smem:$0x3FBB] =	sst s10  }
0x35: {  	s10 =	sld [smem:$0x3FBA];
	_ =	sdelay $0x3  }
0x36: {  	p1 =	seq.s32 s10, $0x1;
	s10 =	sld [smem:$0x3FBB];
	_ =	sdelay $0x3  }
0x37: {  	[smem:$0x3FBB] =	sst s10  }
0x38: {  	s10 =	sld [smem:$0x3FBC]  }
0x39: {  	_ = 	snop;
	(pc) =	sbr.ind lr, $3  }
0x3a: {  	_ = 	snop  }
0x3b: {  	_ = 	snop  }
0x3c: {  	p2 =	seq.s32 s10, $0x1;
	s10 =	sld [smem:$0x3FBB]  }
0x3d: {  	_ =	shalt  }
0x3e: {  	_ =	shalt  }
0x3f: {  	_ =	shalt  }
0x40: {  	_ =	shalt  }
0x41: {  	_ =	shalt  }
0x42: {  	_ =	shalt  }
0x43: {  	_ =	shalt  }
0x44: {  	_ =	shalt  }
0x45: {  	_ =	shalt  }
0x46: {  	_ =	shalt  }
0x47: {  	_ =	shalt  }
0x48: {  	_ =	shalt  }
0x49: {  	_ =	shalt  }
0x4a: {  	_ =	shalt  }
0x4b: {  	_ =	shalt  }
0x4c: {  	_ =	shalt  }
0x4d: {  	_ =	shalt  }
0x4e: {  	_ =	shalt  }
0x4f: {  	_ =	shalt  }
0x50: {  	_ =	shalt  }
0x51: {  	_ =	shalt  }
0x52: {  	_ =	shalt  }
0x53: {  	_ =	shalt  }
0x54: {  	_ =	shalt  }
0x55: {  	_ =	shalt  }
0x56: {  	_ =	shalt  }
0x57: {  	_ =	shalt  }
0x58: {  	_ =	shalt  }
0x59: {  	_ =	shalt  }
0x5a: {  	_ =	shalt  }
0x5b: {  	_ =	shalt  }
0x5c: {  	_ =	shalt  }
0x5d: {  	_ =	shalt  }
0x5e: {  	_ =	shalt  }
0x5f: {  	_ =	shalt  }
0x60: {  	_ =	shalt  }
0x61: {  	_ =	shalt  }
0x62: {  	_ =	shalt  }
0x63: {  	_ =	shalt  }
0x64: {  	_ =	shalt  }
0x65: {  	_ =	shalt  }
0x66: {  	_ =	shalt  }
0x67: {  	_ =	shalt  }
0x68: {  	_ =	shalt  }
0x69: {  	_ =	shalt  }
0x6a: {  	_ =	shalt  }
0x6b: {  	_ =	shalt  }
0x6c: {  	_ =	shalt  }
0x6d: {  	_ =	shalt  }
0x6e: {  	_ =	shalt  }
0x6f: {  	_ =	shalt  }
0x70: {  	_ =	shalt  }
0x71: {  	_ =	shalt  }
0x72: {  	_ =	shalt  }
0x73: {  	_ =	shalt  }
0x74: {  	_ =	shalt  }
0x75: {  	_ =	shalt  }
0x76: {  	_ =	shalt  }
0x77: {  	_ =	shalt  }
0x78: {  	_ =	shalt  }
0x79: {  	_ =	shalt  }
0x7a: {  	_ =	shalt  }
0x7b: {  	_ =	shalt  }
0x7c: {  	_ =	shalt  }
0x7d: {  	_ =	shalt  }
0x7e: {  	_ =	shalt  }
0x7f: {  	_ =	shalt  }
0x80: {  	_ =	shalt  }
0x81: {  	_ =	shalt  }
0x82: {  	_ =	shalt  }
0x83: {  	_ =	shalt  }
0x84: {  	_ =	shalt  }
0x85: {  	_ =	shalt  }
0x86: {  	_ =	shalt  }
0x87: {  	_ =	shalt  }
.Lfunc_end0:
.L_simem_size_0:
called_computation_lowered:
.L_overlay_start_0:
0x88: {  	s2 =	sld [smem:$0x3FD9]  }
0x89: {  	s3 =	sld [smem:$0x3FFE];
	_ =	sdelay $0x1  }
0x8a: {  	s1 =	srdreg.scid  }
0x8b: {  	s0 =	sand.u32 $0x1, s1  }
0x8c: {  	s14 =	sshll.u32 s0, $0xA;
	s2 =	sadd.s32 s3, s2  }
0x8d: {  	s2 =	sadd.s32 s2, s14  }
0x8e: {  	[smem:$0x3FC7] =	sst s2  }
0x8f: {  	_ = 	snop  }
0x90: {  	s2 =	sld [smem:$0x3FD0];
	_ =	sdelay $0x2  }
0x91: {  	s4 =	simm.s32 $0xA;
	s5 =	simm.s32 $0x10;
	s15 =	sld [smem:$0x3FC9]  }
0x92: {  	[smem:s5], [sflag:s4] =	dma.local [hbm:s2], $0x1  }
0x93: {  	_ =	swait.eq [sflag:s4], $0x1  }
0x94: {  	[sflag:s4] =	ssyncset.done $0x0  }
0x95: {  	[sflag:s4] =	ssyncadd.s32 $0xFFFFFFFF  }
0x96: {  	s16 =	sld [smem:$0x11];
	(tm) =	ssettm $0x1  }
0x97: {  	s17 =	sld [smem:$0x3FFB];
	_ =	sdelay $0x3  }
0x98: {  	_ =	strace s17  }
0x99: {  	s4 =	sld [smem:$0x3FFC];
	_ =	sdelay $0x3  }
0x9a: {  	_ =	strace s4  }
0x9b: {  	s4 =	sld [smem:$0x3FFD];
	_ =	sdelay $0x3  }
0x9c: {  	_ =	strace s4  }
0x9d: {  	_ =	strace $0x8FFFFFFF  }
0x9e: {  	s18 =	sld [smem:$0x3FDB];
	_ =	sdelay $0x1  }
0x9f: {  	s19 =	simm.s32 $_scs_section_size  }
0xa0: {  	s6 =	simm.s32 $_size__tile_overlayer_lowered;
	s7 =	simm.s32 $_tile_overlayer_lowered  }
0xa1: {  	s22 =	simm.s32 $0x1BFF;
	s21 =	sshll.u32 s7, $0x1;
	s4 =	sadd.s32 s19, s18  }
0xa2: {  	s8 =	simm.s32 $0x0;
	s20 =	sshll.u32 s6, $0x1;
	s6 =	sadd.s32 s21, s4  }
0xa3: {  	[timem:s8], [sflag:s22] =	dma.local [hbm:s6], s20  }
0xa4: {  	_ =	swait.ge [sflag:s22], s20  }
0xa5: {  	s5 =	ssub.s32 $0x0, s20;
	[sflag:s22] =	ssyncset.done $0x0  }
0xa6: {  	[sflag:s22] =	ssyncadd.s32 s5;
	_ =	sdelay $0x1  }
0xa7: {  	s23 =	simm.s32 $0x1B8B  }
0xa8: {  	_ =	swait.ge [sflag:s23], $0x1  }
0xa9: {  	[sflag:s23] =	ssyncset.done $0x0  }
0xaa: {  	s25 =	simm.s32 $0x1B8E;
	s24 =	sld [smem:$0x3FFE];
	[sflag:s23] =	ssyncadd.s32 $0xFFFFFFFF  }
0xab: {  	s26 =	simm.s32 $execute0_lowered;
	[smem:$0x3FD2] =	sst s25  }
0xac: {  	s6 =	sshll.u32 s26, $0x1;
	_ =	strace $0x80000046;
	[dreg:$0x1] =	wrdreg $0xFFFFFFFF  }
0xad: {  	s28 =	simm.s32 $_size_execute0_lowered;
	s4 =	sadd.s32 s4, s6;
	[dreg:$0x0] =	wrdreg $0x0  }
0xae: {  	s6 =	sshll.u32 s28, $0x1;
	[dreg:$0x2] =	wrdreg s4  }
0xaf: {  	[dreg:$0x3] =	wrdreg s6  }
0xb0: {  	[dreg:$0x4] =	wrdreg $0xC0  }
0xb1: {  	_ =	task [dreg:s8], $0x5FFFF  }
0xb2: {  	[dreg:$0x1] =	wrdreg $0xFFFFFFFF  }
0xb3: {  	[dreg:$0x0] =	wrdreg $0x60  }
0xb4: {  	[dreg:$0x2] =	wrdreg s15  }
0xb5: {  	[dreg:$0x3] =	wrdreg s24  }
0xb6: {  	[dreg:$0x4] =	wrdreg s16  }
0xb7: {  	[dreg:$0x5] =	wrdreg $0x9  }
0xb8: {  	_ =	task.clear_ibuf [dreg:s8], $0x6FFFF;
	_ =	strace $0x90000046  }
0xb9: {  	s29 =	simm.s32 $0x9;
	_ =	strace $0x80000048  }
0xba: {  	_ =	swait.ge [sflag:s29], $0x1  }
0xbb: {  	[sflag:s29] =	ssyncadd.s32 $0xFFFFFFFF  }
0xbc: {  	_ =	strace $0x90000048  }
0xbd: {  	_ =	sfence  }
0xbe: {  	s30 =	sld [smem:$0x0];
	_ =	sdelay $0x2  }
0xbf: {  	s31 =	sshll.u32 s1, $0xD;
	s1 =	sshrl.u32 s1, $0x2  }
0xc0: {  	s3 =	sand.u32 $0x4000, s31;
	s1 =	sadd.s32 s1, s30  }
0xc1: {  	s0 =	sor.u32 s3, s0;
	s1 =	sshll.u32 s1, $0x11  }
0xc2: {  	s0 =	sor.u32 s1, s0  }
0xc3: {  	s0 =	sadd.s32 $0x8F2B, s0  }
0xc4: {  	[sflag:s0] =	ssyncadd.remote.s32 $0x1  }
0xc5: {  	_ =	sfence.sel $0xFFFF  }
0xc6: {  	[dreg:$0x0] =	wrdreg $0xFFFFFFFF;
	(pc) =	sbr.abs _section_cstart, $3  }
0xc7: {  	[dreg:$0x1] =	wrdreg $0xFFFFFFFF  }
0xc8: {  	_ =	task.clear_ibuf [dreg:s8], $0x2FFFF;
	_ =	strace $0x9FFFFFFF  }
0xc9: {  	(tm) =	ssettm $0x7FFFFFFF  }
tec
execute0_lowered:
.L_overlay_start_1:
0x0: {  	(tag) =	ssettag $0x1  }
0x1: {  	s3 =	rddreg [dreg:$0x0]  }
0x2: {  	s4 =	rddreg [dreg:$0x1]  }
0x3: {  	s6 =	rddreg [dreg:$0x2];
	s1 =	simm.s32 $0x0  }
0x4: {  	[smem:$0x7FF] =	sst s1  }
0x5: {  	s0 =	rddreg [dreg:$0x3];
	v0 =	vimm.f32 $6.283185480e+00;
	v49 =	vlaneseq.u32;
	_ =	strace $0x80000047  }
0x6: {  	(erf) = vrcp.f32 v0;
	v0 =	vmul.u32 $0x80, v49;
	_ =	sdelay $0x1  }
0x7: {  	v1 =	vor.u32 $0x1, v0;
	[tilespmem:$0x1FFE0] =	vst v0  }
0x8: {  	v50 =	vor.u32 $0x2, v0;
	[tilespmem:$0x1FEF0] =	vst v1  }
0x9: {  	v51 =	vor.u32 $0x3, v0;
	[tilespmem:$0x1FF00] =	vst v50  }
0xa: {  	v52 =	vor.u32 $0x4, v0;
	[tilespmem:$0x1FF10] =	vst v51  }
0xb: {  	v53 =	vor.u32 $0x5, v0;
	[tilespmem:$0x1FF20] =	vst v52  }
0xc: {  	v54 =	vor.u32 $0x6, v0;
	[tilespmem:$0x1FF30] =	vst v53  }
0xd: {  	v55 =	vor.u32 $0x7, v0;
	[tilespmem:$0x1FF40] =	vst v54  }
0xe: {  	s5 =	srdreg.scid;
	s2 =	stileid.u32;
	v56 =	vor.u32 $0x8, v0;
	[tilespmem:$0x1FF50] =	vst v55  }
0xf: {  	s11 =	simm.s32 $0x1;
	s12 =	simm.s32 $0x8000;
	s13 =	simm.s32 $0x18800;
	v57 =	vor.u32 $0x9, v0;
	[tilespmem:$0x1FF60] =	vst v56  }
0x10: {  	s14 =	simm.s32 $0x8800;
	s15 =	simm.s32 $0x2;
	s5 =	sand.u32 $0x1, s5;
	v58 =	vor.u32 $0xA, v0;
	[tilespmem:$0x1FF70] =	vst v57  }
0x11: {  	s16 =	simm.s32 $0x3;
	s7 =	sshll.u32 s2, $0xA;
	s8 =	sshll.u32 s5, $0x9;
	v59 =	vor.u32 $0xB, v0;
	[tilespmem:$0x1FF80] =	vst v58  }
0x12: {  	s17 =	simm.s32 $0x0;
	s5 =	ssub.s32 $0x2, s5;
	s7 =	sor.u32 s8, s7;
	v60 =	vor.u32 $0xC, v0;
	[tilespmem:$0x1FF90] =	vst v59  }
.Ltmp0:
0x13: {  	s9 =	sshrl.u32 s5, $0x1;
	s8 =	sshll.u32 s7, $0x4;
	v61 =	vor.u32 $0xD, v0;
	[tilespmem:$0x1FFA0] =	vst v60;
	(pc) =	sbr.rel .LBB2_1-.Ltmp0, $4  }
0x14: {  	s10 =	sshll.u32 s7, $0x8;
	s9 =	ssub.s32 s5, s9;
	s7 =	sshrl.u32 s7, $0x3;
	v62 =	vor.u32 $0xE, v0;
	[tilespmem:$0x1FFB0] =	vst v61  }
0x15: {  	s8 =	sadd.s32 s8, s4;
	s3 =	sadd.s32 s10, s3;
	s6 =	sadd.s32 s6, s7;
	v0 =	vor.u32 $0xF, v0;
	[tilespmem:$0x1FFC0] =	vst v62  }
0x16: {  	s7 =	smax.u32 s9, $0x1;
	s10 =	simm.s32 $0x4000;
	s4 =	sadd.s32 $0x800, s3;
	[tilespmem:$0x1FFF0] =	vst v0;
	v63 =	vpop (erf)  }
0x17: {  	s5 =	sadd.s32 $0x800, s8;
	s8 =	sadd.s32 $0x1000, s3;
	s9 =	sadd.s32 $0x1800, s3;
	[tilespmem:$0x1FFD0] =	vst v63  }
.LBB2_4:
0x18: {  	[hbm4b:s5+s1] =	stream.linear.scatter [tilespmem:s14], [sflag:$0x3], $0x10000, $0x38;
	[tilespmem:$0x18A00] =	vst v63  }
0x19: {  	s17 =	sadd.s32 $0x1, s17;
	_ =	swait.ge [sflag:s16], $0x10000  }
0x1a: {  	p0 =	sne.s32 s17, s7;
	[sflag:s16] =	ssyncset.done $0x0  }
.Ltmp1:
0x1b: {  	[sflag:s16] =	ssyncadd.s32 $0xFFFF0000;
	(pc) =	sbr.rel @!p0 .LBB2_5-.Ltmp1, $4  }
0x1c: {  	[hbm4b:s6+s1] =	stream.linear.scatter [tilespmem:s13], [sflag:$0x3], $0x200, $0x38;
	[tilespmem:$0x18A00] =	vst v63  }
0x1d: {  	_ =	swait.ge [sflag:s16], $0x200  }
0x1e: {  	[sflag:s16] =	ssyncset.done $0x0  }
0x1f: {  	[sflag:s16] =	ssyncadd.s32 $0xFFFFFE00  }
.LBB2_1:
0x20: {  	[tilespmem:s1], [sflag:$0x1] =	stream.linear.gather [hbm4b:s3+s1], $0x4000, $0x38;
	[tilespmem:$0x18A00] =	vst v63  }
0x21: {  	s18 =	simm.s32 $0x8  }
0x22: {  	s19 =	simm.s32 $0x8C00;
	s20 =	smov.u32 s9;
	s21 =	smov.u32 s8  }
0x23: {  	[tilespmem:s10], [sflag:$0x2] =	stream.linear.gather [hbm4b:s4+s1], $0x4000, $0x38;
	[tilespmem:$0x18A00] =	vst v63  }
.LBB2_2:
0x24: {  	_ =	swait.ge [sflag:s11], $0x4000  }
0x25: {  	[sflag:s11] =	ssyncset.done $0x0  }
0x26: {  	[sflag:s11] =	ssyncadd.s32 $0xFFFFC000  }
0x27: {  	v0 =	vld [tilespmem:$0x0]  }
0x28: {  	v1 =	vld [tilespmem:$0x10]  }
0x29: {  	v2 =	vld [tilespmem:$0x20]  }
0x2a: {  	v3 =	vld [tilespmem:$0x30]  }
0x2b: {  	v4 =	vld [tilespmem:$0x40]  }
0x2c: {  	v5 =	vld [tilespmem:$0x50]  }
0x2d: {  	v6 =	vld [tilespmem:$0x60]  }
0x2e: {  	v7 =	vld [tilespmem:$0x70]  }
0x2f: {  	v8 =	vld [tilespmem:$0x400]  }
0x30: {  	v9 =	vld [tilespmem:$0x410]  }
0x31: {  	v10 =	vld [tilespmem:$0x420]  }
0x32: {  	v11 =	vld [tilespmem:$0x430]  }
0x33: {  	v12 =	vld [tilespmem:$0x440]  }
0x34: {  	v13 =	vld [tilespmem:$0x450]  }
0x35: {  	v14 =	vld [tilespmem:$0x460]  }
0x36: {  	v15 =	vld [tilespmem:$0x470]  }
0x37: {  	v16 =	vld [tilespmem:$0x800]  }
0x38: {  	v17 =	vld [tilespmem:$0x810]  }
0x39: {  	v18 =	vld [tilespmem:$0x820]  }
0x3a: {  	v19 =	vld [tilespmem:$0x830]  }
0x3b: {  	v20 =	vld [tilespmem:$0x840]  }
0x3c: {  	v21 =	vld [tilespmem:$0x850]  }
0x3d: {  	v22 =	vld [tilespmem:$0x860]  }
0x3e: {  	v23 =	vld [tilespmem:$0x870]  }
0x3f: {  	v24 =	vld [tilespmem:$0xC00]  }
0x40: {  	v25 =	vld [tilespmem:$0xC10]  }
0x41: {  	v26 =	vld [tilespmem:$0xC20]  }
0x42: {  	v27 =	vld [tilespmem:$0xC30]  }
0x43: {  	v28 =	vld [tilespmem:$0xC40]  }
0x44: {  	v29 =	vld [tilespmem:$0xC50]  }
0x45: {  	v30 =	vld [tilespmem:$0xC60]  }
0x46: {  	v31 =	vld [tilespmem:$0xC70]  }
0x47: {  	v32 =	vld [tilespmem:$0x80]  }
0x48: {  	v33 =	vld [tilespmem:$0x90]  }
0x49: {  	v34 =	vld [tilespmem:$0xA0]  }
0x4a: {  	v35 =	vld [tilespmem:$0xB0]  }
0x4b: {  	v36 =	vld [tilespmem:$0xC0]  }
0x4c: {  	v37 =	vld [tilespmem:$0xD0]  }
0x4d: {  	v38 =	vld [tilespmem:$0xE0]  }
0x4e: {  	v39 =	vld [tilespmem:$0xF0]  }
0x4f: {  	v40 =	vld [tilespmem:$0x480]  }
0x50: {  	v41 =	vld [tilespmem:$0x490]  }
0x51: {  	v42 =	vld [tilespmem:$0x4A0]  }
0x52: {  	v43 =	vshrl.u32 v7, $0x1F;
	v7 =	vld [tilespmem:$0x4C0]  }
0x53: {  	v63 =	vshrl.u32 v6, $0x1F;
	v6 =	vld [tilespmem:$0x4D0]  }
0x54: {  	v45 =	vshrl.u32 v9, $0x1F;
	v9 =	vld [tilespmem:$0x4E0]  }
0x55: {  	v44 =	vshrl.u32 v8, $0x1F;
	v8 =	vld [tilespmem:$0x4F0]  }
0x56: {  	v48 =	vshrl.u32 v12, $0x1F;
	v12 =	vld [tilespmem:$0x880]  }
0x57: {  	v46 =	vshrl.u32 v10, $0x1F;
	v10 =	vld [tilespmem:$0x890]  }
0x58: {  	v49 =	vshrl.u32 v13, $0x1F;
	v13 =	vld [tilespmem:$0x8A0]  }
0x59: {  	v50 =	vshrl.u32 v14, $0x1F;
	v14 =	vld [tilespmem:$0x8B0]  }
0x5a: {  	v51 =	vshrl.u32 v15, $0x1F;
	v15 =	vld [tilespmem:$0x8C0]  }
0x5b: {  	v52 =	vshrl.u32 v16, $0x1F;
	v16 =	vld [tilespmem:$0x8D0]  }
0x5c: {  	v53 =	vshrl.u32 v17, $0x1F;
	v17 =	vld [tilespmem:$0x8E0]  }
0x5d: {  	v54 =	vshrl.u32 v18, $0x1F;
	v18 =	vld [tilespmem:$0x8F0]  }
0x5e: {  	v56 =	vshrl.u32 v20, $0x1F;
	v20 =	vld [tilespmem:$0xC90]  }
0x5f: {  	v57 =	vshrl.u32 v21, $0x1F;
	v21 =	vld [tilespmem:$0xCA0]  }
0x60: {  	v58 =	vshrl.u32 v22, $0x1F;
	v22 =	vld [tilespmem:$0xCB0]  }
0x61: {  	v1 =	vshrl.u32 v1, $0x1F;
	v5 =	vshrl.u32 v5, $0x1F;
	v55 =	vshrl.u32 v19, $0x1F;
	v19 =	vld [tilespmem:$0x540]  }
0x62: {  	v2 =	vshrl.u32 v2, $0x1F;
	v1 =	vadd.s32 v5, v1;
	v5 =	vld [tilespmem:$0x4B0]  }
0x63: {  	v0 =	vshrl.u32 v0, $0x1F;
	v4 =	vshrl.u32 v4, $0x1F;
	v2 =	vadd.s32 v63, v2;
	v63 =	vld [tilespmem:$0xC80]  }
0x64: {  	v3 =	vshrl.u32 v3, $0x1F;
	v0 =	vadd.s32 v4, v0;
	v4 =	vld [tilespmem:$0xCD0]  }
0x65: {  	v3 =	vadd.s32 v43, v3;
	v43 =	vshrl.u32 v32, $0x1F;
	v32 =	vld [tilespmem:$0x100]  }
0x66: {  	v2 =	vadd.s32 v46, v2;
	v46 =	vld [tilespmem:$0xCE0]  }
0x67: {  	v0 =	vadd.s32 v44, v0;
	v44 =	vshrl.u32 v33, $0x1F;
	v33 =	vld [tilespmem:$0x570]  }
0x68: {  	v47 =	vshrl.u32 v11, $0x1F;
	v1 =	vadd.s32 v45, v1;
	v45 =	vshrl.u32 v34, $0x1F;
	v34 =	vld [tilespmem:$0x9E0]  }
0x69: {  	v3 =	vadd.s32 v47, v3;
	v47 =	vshrl.u32 v35, $0x1F;
	v35 =	vld [tilespmem:$0x9F0]  }
0x6a: {  	v2 =	vadd.s32 v50, v2;
	v50 =	vld [tilespmem:$0xCF0]  }
0x6b: {  	v0 =	vadd.s32 v48, v0;
	v48 =	vshrl.u32 v36, $0x1F;
	v36 =	vld [tilespmem:$0x900]  }
0x6c: {  	v1 =	vadd.s32 v49, v1;
	v49 =	vshrl.u32 v37, $0x1F;
	v37 =	vld [tilespmem:$0x910]  }
0x6d: {  	v3 =	vadd.s32 v51, v3;
	v51 =	vshrl.u32 v38, $0x1F;
	v38 =	vld [tilespmem:$0x920]  }
0x6e: {  	v2 =	vadd.s32 v2, v54;
	v54 =	vshrl.u32 v41, $0x1F;
	v41 =	vld [tilespmem:$0x930]  }
0x6f: {  	v3 =	vadd.s32 v3, v55;
	v55 =	vshrl.u32 v42, $0x1F;
	v42 =	vld [tilespmem:$0x940]  }
0x70: {  	v62 =	vshrl.u32 v26, $0x1F;
	v26 =	vadd.s32 v48, v43;
	v43 =	vld [tilespmem:$0x950]  }
0x71: {  	v0 =	vadd.s32 v0, v52;
	v52 =	vshrl.u32 v39, $0x1F;
	v39 =	vld [tilespmem:$0x1F0]  }
0x72: {  	v11 =	vadd.s32 v49, v44;
	v44 =	vld [tilespmem:$0x590]  }
0x73: {  	v48 =	vld [tilespmem:$0x5A0]  }
0x74: {  	v59 =	vshrl.u32 v23, $0x1F;
	v60 =	vshrl.u32 v24, $0x1F;
	v61 =	vshrl.u32 v25, $0x1F;
	v49 =	vld [tilespmem:$0x5C0]  }
0x75: {  	v1 =	vadd.s32 v1, v53;
	v23 =	vadd.s32 v51, v45;
	v53 =	vshrl.u32 v40, $0x1F;
	v51 =	vld [tilespmem:$0x990]  }
0x76: {  	v45 =	vld [tilespmem:$0x9B0];
	v0 =	vadd.s32 v56, v0;
	v1 =	vadd.s32 v57, v1;
	v2 =	vadd.s32 v58, v2  }
0x77: {  	v40 =	vld [tilespmem:$0x9D0];
	v3 =	vadd.s32 v59, v3;
	v25 =	vadd.s32 v52, v47;
	v26 =	vadd.s32 v53, v26  }
0x78: {  	v23 =	vadd.s32 v55, v23;
	v9 =	vshrl.u32 v9, $0x1F;
	v56 =	vshrl.u32 v12, $0x1F;
	v12 =	vld [tilespmem:$0x170]  }
0x79: {  	v8 =	vshrl.u32 v8, $0x1F;
	v57 =	vshrl.u32 v13, $0x1F;
	v13 =	vld [tilespmem:$0x500];
	v58 =	vshrl.u32 v14, $0x1F  }
0x7a: {  	v59 =	vshrl.u32 v15, $0x1F;
	v14 =	vld [tilespmem:$0x510];
	v0 =	vadd.s32 v60, v0;
	v5 =	vshrl.u32 v5, $0x1F  }
0x7b: {  	v15 =	vld [tilespmem:$0x520];
	v1 =	vadd.s32 v61, v1;
	v9 =	vadd.s32 v9, v23;
	v5 =	vadd.s32 v5, v25  }
0x7c: {  	v55 =	vld [tilespmem:$0x5B0];
	v61 =	vshrl.u32 v17, $0x1F;
	v5 =	vadd.s32 v8, v5;
	v8 =	vadd.s32 v9, v57  }
0x7d: {  	v53 =	vld [tilespmem:$0x5D0];
	v60 =	vshrl.u32 v16, $0x1F;
	v16 =	vshrl.u32 v21, $0x1F;
	v8 =	vadd.s32 v61, v8  }
0x7e: {  	v8 =	vadd.s32 v16, v8;
	v16 =	vld [tilespmem:$0xDF0]  }
0x7f: {  	v52 =	vld [tilespmem:$0x5F0]  }
0x80: {  	v27 =	vshrl.u32 v27, $0x1F;
	v47 =	vld [tilespmem:$0x9A0]  }
0x81: {  	v7 =	vshrl.u32 v7, $0x1F;
	v3 =	vadd.s32 v27, v3;
	v27 =	vadd.s32 v54, v11;
	v11 =	vld [tilespmem:$0x130]  }
0x82: {  	v7 =	vadd.s32 v7, v26;
	v26 =	vld [tilespmem:$0x150]  }
0x83: {  	[tilespmem:$0x1FBA0] =	vst v16;
	v16 =	vld [tilespmem:$0x200]  }
0x84: {  	v17 =	vld [tilespmem:$0x530]  }
0x85: {  	v21 =	vld [tilespmem:$0x550]  }
0x86: {  	v2 =	vadd.s32 v62, v2;
	v62 =	vshrl.u32 v18, $0x1F;
	v18 =	vshrl.u32 v22, $0x1F;
	v22 =	vld [tilespmem:$0x560]  }
0x87: {  	v54 =	vld [tilespmem:$0x5E0]  }
0x88: {  	v30 =	vshrl.u32 v30, $0x1F;
	[tilespmem:$0x1FBB0] =	vst v16;
	v16 =	vld [tilespmem:$0x210]  }
0x89: {  	v31 =	vshrl.u32 v31, $0x1F;
	v2 =	vadd.s32 v30, v2;
	v30 =	vld [tilespmem:$0x110]  }
0x8a: {  	v3 =	vadd.s32 v31, v3;
	v31 =	vld [tilespmem:$0x120]  }
0x8b: {  	v6 =	vshrl.u32 v6, $0x1F;
	v25 =	vld [tilespmem:$0x140]  }
0x8c: {  	v6 =	vadd.s32 v6, v27;
	v27 =	vld [tilespmem:$0x160]  }
0x8d: {  	[tilespmem:$0x1FBC0] =	vst v16;
	v16 =	vld [tilespmem:$0x220]  }
0x8e: {  	v28 =	vshrl.u32 v28, $0x1F;
	v29 =	vshrl.u32 v29, $0x1F;
	v7 =	vadd.s32 v7, v56;
	v56 =	vld [tilespmem:$0x580]  }
0x8f: {  	v0 =	vadd.s32 v28, v0;
	v1 =	vadd.s32 v29, v1;
	v23 =	vshrl.u32 v46, $0x1F;
	v46 =	vld [tilespmem:$0x9C0]  }
0x90: {  	v0 =	vadd.s32 v0, v1;
	v1 =	vld [tilespmem:$0xCC0]  }
0x91: {  	v57 =	vld [tilespmem:$0x960]  }
0x92: {  	[tilespmem:$0x1FBD0] =	vst v16;
	v16 =	vld [tilespmem:$0x230]  }
0x93: {  	v7 =	vadd.s32 v59, v7;
	v59 =	vld [tilespmem:$0xD00]  }
0x94: {  	v9 =	vld [tilespmem:$0x1B0]  }
0x95: {  	v10 =	vshrl.u32 v10, $0x1F;
	v24 =	vshrl.u32 v50, $0x1F;
	v50 =	vld [tilespmem:$0x980]  }
0x96: {  	v6 =	vadd.s32 v6, v10;
	v10 =	vld [tilespmem:$0xD80]  }
0x97: {  	[tilespmem:$0x1FBE0] =	vst v16;
	v16 =	vld [tilespmem:$0x240]  }
0x98: {  	v5 =	vadd.s32 v5, v58;
	v58 =	vld [tilespmem:$0x970]  }
0x99: {  	v6 =	vadd.s32 v60, v6;
	v60 =	vld [tilespmem:$0xD10]  }
0x9a: {  	v63 =	vshrl.u32 v63, $0x1F;
	v61 =	vld [tilespmem:$0xD20]  }
0x9b: {  	v7 =	vadd.s32 v63, v7;
	v63 =	vld [tilespmem:$0xD40]  }
0x9c: {  	[tilespmem:$0x1FBF0] =	vst v16;
	v16 =	vld [tilespmem:$0x250]  }
0x9d: {  	v0 =	vadd.s32 v2, v0;
	v2 =	vshrl.u32 v20, $0x1F;
	v20 =	vld [tilespmem:$0xDC0]  }
0x9e: {  	v5 =	vadd.s32 v62, v5;
	v62 =	vld [tilespmem:$0xD30]  }
0x9f: {  	v6 =	vadd.s32 v2, v6;
	v2 =	vld [tilespmem:$0xD70]  }
0xa0: {  	v0 =	vadd.s32 v3, v0;
	v3 =	vld [tilespmem:$0x1C0]  }
0xa1: {  	[tilespmem:$0x1FC00] =	vst v16;
	v16 =	vld [tilespmem:$0x260]  }
0xa2: {  	v4 =	vshrl.u32 v4, $0x1F;
	[tilespmem:$0x8000] =	vst v0;
	v0 =	vld [tilespmem:$0xD50]  }
0xa3: {  	v4 =	vadd.s32 v4, v6;
	v6 =	vadd.s32 v23, v8;
	v8 =	vld [tilespmem:$0x1E0]  }
0xa4: {  	v23 =	vld [tilespmem:$0xDD0]  }
0xa5: {  	v5 =	vadd.s32 v18, v5;
	v18 =	vld [tilespmem:$0xDE0]  }
0xa6: {  	[tilespmem:$0x1FC10] =	vst v16;
	v16 =	vld [tilespmem:$0x270]  }
0xa7: {  	v28 =	vadd.s32 v24, v5;
	v5 =	vld [tilespmem:$0x180]  }
0xa8: {  	v32 =	vshrl.u32 v32, $0x1F;
	v24 =	vld [tilespmem:$0xDB0];
	v25 =	vshrl.u32 v25, $0x1F  }
0xa9: {  	v31 =	vshrl.u32 v31, $0x1F;
	v27 =	vshrl.u32 v27, $0x1F;
	v25 =	vadd.s32 v25, v32;
	v32 =	vld [tilespmem:$0x620]  }
0xaa: {  	v27 =	vadd.s32 v27, v31;
	v31 =	vshrl.u32 v15, $0x1F;
	v15 =	vld [tilespmem:$0x670]  }
0xab: {  	v1 =	vshrl.u32 v1, $0x1F;
	[tilespmem:$0x1FC20] =	vst v16;
	v16 =	vld [tilespmem:$0x600]  }
0xac: {  	v13 =	vshrl.u32 v13, $0x1F;
	v1 =	vadd.s32 v1, v7;
	v7 =	vld [tilespmem:$0x1A0]  }
0xad: {  	v25 =	vadd.s32 v13, v25;
	v13 =	vld [tilespmem:$0x650]  }
0xae: {  	v1 =	vadd.s32 v1, v4;
	v4 =	vld [tilespmem:$0x190]  }
0xaf: {  	v1 =	vadd.s32 v6, v1;
	v6 =	vld [tilespmem:$0x1D0]  }
0xb0: {  	[tilespmem:$0x1FC30] =	vst v16;
	v16 =	vld [tilespmem:$0x610]  }
0xb1: {  	v29 =	vadd.s32 v28, v1;
	v1 =	vld [tilespmem:$0xD60]  }
0xb2: {  	v33 =	vshrl.u32 v33, $0x1F;
	v28 =	vld [tilespmem:$0xD90]  }
0xb3: {  	v36 =	vshrl.u32 v36, $0x1F;
	v37 =	vshrl.u32 v37, $0x1F;
	v12 =	vshrl.u32 v12, $0x1F;
	[tilespmem:$0x8080] =	vst v29;
	v29 =	vld [tilespmem:$0xDA0]  }
0xb4: {  	[tilespmem:$0x1FC50] =	vst v32;
	v32 =	vshrl.u32 v17, $0x1F;
	v17 =	vadd.s32 v31, v27;
	v31 =	vshrl.u32 v21, $0x1F;
	v21 =	vld [tilespmem:$0xA20]  }
0xb5: {  	v26 =	vshrl.u32 v26, $0x1F;
	v30 =	vshrl.u32 v30, $0x1F;
	[tilespmem:$0x1FC40] =	vst v16;
	v16 =	vshrl.u32 v11, $0x1F;
	v11 =	vld [tilespmem:$0x630]  }
0xb6: {  	v26 =	vadd.s32 v26, v30;
	v30 =	vadd.s32 v12, v16;
	v16 =	vshrl.u32 v14, $0x1F;
	v12 =	vld [tilespmem:$0x640]  }
0xb7: {  	v38 =	vshrl.u32 v38, $0x1F;
	v41 =	vshrl.u32 v41, $0x1F;
	v14 =	vld [tilespmem:$0x660];
	v26 =	vadd.s32 v16, v26  }
0xb8: {  	v27 =	vadd.s32 v32, v30;
	v30 =	vshrl.u32 v19, $0x1F;
	v32 =	vshrl.u32 v22, $0x1F;
	v19 =	vld [tilespmem:$0xA10]  }
0xb9: {  	v42 =	vshrl.u32 v42, $0x1F;
	v22 =	vadd.s32 v31, v26;
	v26 =	vadd.s32 v32, v17;
	v17 =	vld [tilespmem:$0xA00]  }
0xba: {  	v25 =	vadd.s32 v30, v25;
	v27 =	vadd.s32 v33, v27;
	v30 =	vadd.s32 v22, v37;
	v22 =	vld [tilespmem:$0xA30]  }
0xbb: {  	v25 =	vadd.s32 v25, v36;
	v31 =	vadd.s32 v26, v38;
	v27 =	vadd.s32 v27, v41;
	v26 =	vld [tilespmem:$0xA50]  }
0xbc: {  	v41 =	vshrl.u32 v58, $0x1F;
	v58 =	vshrl.u32 v62, $0x1F;
	v62 =	vshrl.u32 v7, $0x1F;
	v7 =	vld [tilespmem:$0x6F0]  }
0xbd: {  	v32 =	vadd.s32 v42, v25;
	v25 =	vld [tilespmem:$0xA40]  }
0xbe: {  	v43 =	vshrl.u32 v43, $0x1F;
	v36 =	vadd.s32 v41, v27;
	v27 =	vld [tilespmem:$0xA60]  }
0xbf: {  	v33 =	vadd.s32 v43, v30;
	v30 =	vld [tilespmem:$0xA70]  }
0xc0: {  	v16 =	vshrl.u32 v57, $0x1F;
	v41 =	vld [tilespmem:$0xE50]  }
0xc1: {  	v57 =	vshrl.u32 v61, $0x1F;
	v31 =	vadd.s32 v16, v31;
	v16 =	vshrl.u32 v8, $0x1F;
	v8 =	vld [tilespmem:$0x6E0]  }
0xc2: {  	v43 =	vshrl.u32 v60, $0x1F;
	v38 =	vadd.s32 v57, v31;
	v31 =	vld [tilespmem:$0xE00]  }
0xc3: {  	v37 =	vadd.s32 v43, v33;
	v33 =	vld [tilespmem:$0xE10]  }
0xc4: {  	v42 =	vshrl.u32 v59, $0x1F;
	v59 =	vadd.s32 v58, v36;
	v36 =	vld [tilespmem:$0xE20]  }
0xc5: {  	v32 =	vadd.s32 v42, v32;
	v42 =	vld [tilespmem:$0xE60]  }
0xc6: {  	v43 =	vld [tilespmem:$0xE70]  }
0xc7: {  	v57 =	vshrl.u32 v44, $0x1F;
	v44 =	vld [tilespmem:$0x290]  }
0xc8: {  	v2 =	vshrl.u32 v2, $0x1F;
	v0 =	vshrl.u32 v0, $0x1F;
	v58 =	vshrl.u32 v48, $0x1F;
	v48 =	vld [tilespmem:$0x2A0]  }
0xc9: {  	v3 =	vshrl.u32 v3, $0x1F;
	v1 =	vshrl.u32 v1, $0x1F;
	v0 =	vadd.s32 v0, v37;
	v37 =	vld [tilespmem:$0xE30]  }
0xca: {  	v4 =	vshrl.u32 v4, $0x1F;
	v60 =	vshrl.u32 v63, $0x1F;
	v1 =	vadd.s32 v1, v38;
	v38 =	vld [tilespmem:$0xE40]  }
0xcb: {  	v61 =	vshrl.u32 v5, $0x1F;
	v32 =	vadd.s32 v60, v32;
	v60 =	vshrl.u32 v49, $0x1F;
	v49 =	vld [tilespmem:$0x2B0]  }
0xcc: {  	v2 =	vadd.s32 v2, v59;
	v59 =	vshrl.u32 v55, $0x1F;
	v55 =	vshrl.u32 v40, $0x1F;
	v40 =	vld [tilespmem:$0x690]  }
0xcd: {  	v63 =	vshrl.u32 v6, $0x1F;
	v0 =	vadd.s32 v32, v0;
	v32 =	vshrl.u32 v39, $0x1F;
	v39 =	vld [tilespmem:$0x280]  }
0xce: {  	v0 =	vadd.s32 v1, v0;
	v1 =	vadd.s32 v3, v61;
	v61 =	vshrl.u32 v53, $0x1F;
	v53 =	vld [tilespmem:$0x2C0]  }
0xcf: {  	v9 =	vshrl.u32 v9, $0x1F;
	v3 =	vadd.s32 v63, v4;
	v63 =	vshrl.u32 v52, $0x1F;
	v52 =	vld [tilespmem:$0x2D0]  }
0xd0: {  	v5 =	vadd.s32 v32, v9;
	v9 =	vshrl.u32 v50, $0x1F;
	v50 =	vld [tilespmem:$0x2E0]  }
0xd1: {  	v32 =	vshrl.u32 v47, $0x1F;
	v47 =	vld [tilespmem:$0x2F0]  }
0xd2: {  	v4 =	vadd.s32 v16, v62;
	v16 =	vshrl.u32 v51, $0x1F;
	v51 =	vshrl.u32 v45, $0x1F;
	v45 =	vld [tilespmem:$0x680]  }
0xd3: {  	v56 =	vshrl.u32 v56, $0x1F;
	v62 =	vshrl.u32 v54, $0x1F;
	v54 =	vshrl.u32 v46, $0x1F;
	v46 =	vld [tilespmem:$0x1FC00]  }
0xd4: {  	v1 =	vadd.s32 v56, v1;
	v56 =	vshrl.u32 v34, $0x1F;
	v34 =	vld [tilespmem:$0x6A0]  }
0xd5: {  	v5 =	vadd.s32 v59, v5;
	v59 =	vshrl.u32 v28, $0x1F;
	v28 =	vld [tilespmem:$0x6C0]  }
0xd6: {  	v4 =	vadd.s32 v58, v4;
	v58 =	vshrl.u32 v10, $0x1F;
	v10 =	vld [tilespmem:$0x1FBA0]  }
0xd7: {  	v3 =	vadd.s32 v57, v3;
	v57 =	vshrl.u32 v35, $0x1F;
	v35 =	vld [tilespmem:$0x1FBF0]  }
0xd8: {  	v3 =	vadd.s32 v61, v3;
	v61 =	vshrl.u32 v24, $0x1F;
	v24 =	vld [tilespmem:$0x6D0]  }
0xd9: {  	v4 =	vadd.s32 v62, v4;
	v62 =	vshrl.u32 v20, $0x1F;
	v20 =	vadd.s32 v2, v0;
	v2 =	vld [tilespmem:$0xA90]  }
0xda: {  	v5 =	vadd.s32 v63, v5;
	v63 =	vshrl.u32 v23, $0x1F;
	v23 =	vld [tilespmem:$0x1FBD0]  }
0xdb: {  	v1 =	vadd.s32 v60, v1;
	v60 =	vshrl.u32 v29, $0x1F;
	v29 =	vld [tilespmem:$0x1FBE0]  }
0xdc: {  	v4 =	vadd.s32 v4, v32;
	v32 =	vld [tilespmem:$0x6B0]  }
0xdd: {  	v3 =	vadd.s32 v3, v16;
	v16 =	vld [tilespmem:$0x1FBB0]  }
0xde: {  	v1 =	vadd.s32 v1, v9;
	v9 =	vshrl.u32 v18, $0x1F;
	v18 =	vld [tilespmem:$0x1FBC0]  }
0xdf: {  	v5 =	vadd.s32 v5, v51;
	v51 =	vld [tilespmem:$0x1FC10]  }
0xe0: {  	v1 =	vadd.s32 v54, v1;
	v54 =	vld [tilespmem:$0x1FC20]  }
0xe1: {  	v3 =	vadd.s32 v55, v3;
	v55 =	vld [tilespmem:$0x1FC30]  }
0xe2: {  	v4 =	vadd.s32 v56, v4;
	v56 =	vld [tilespmem:$0x1FC40]  }
0xe3: {  	v21 =	vshrl.u32 v21, $0x1F;
	v5 =	vadd.s32 v57, v5;
	v57 =	vld [tilespmem:$0x1FC50]  }
0xe4: {  	v11 =	vshrl.u32 v11, $0x1F;
	v1 =	vadd.s32 v58, v1;
	v58 =	vshrl.u32 v12, $0x1F;
	v12 =	vld [tilespmem:$0xE80]  }
0xe5: {  	v22 =	vshrl.u32 v22, $0x1F;
	v4 =	vadd.s32 v60, v4;
	v60 =	vshrl.u32 v14, $0x1F;
	v14 =	vld [tilespmem:$0xE90]  }
0xe6: {  	v26 =	vshrl.u32 v26, $0x1F;
	v3 =	vadd.s32 v59, v3;
	v59 =	vshrl.u32 v13, $0x1F;
	v13 =	vld [tilespmem:$0xEA0]  }
0xe7: {  	v25 =	vshrl.u32 v25, $0x1F;
	v5 =	vadd.s32 v61, v5;
	v61 =	vshrl.u32 v15, $0x1F;
	v15 =	vld [tilespmem:$0xEC0]  }
0xe8: {  	v27 =	vshrl.u32 v27, $0x1F;
	v30 =	vshrl.u32 v30, $0x1F;
	v4 =	vadd.s32 v9, v4;
	v9 =	vld [tilespmem:$0xAA0]  }
0xe9: {  	v1 =	vadd.s32 v62, v1;
	v3 =	vadd.s32 v63, v3;
	v63 =	vshrl.u32 v19, $0x1F;
	v19 =	vld [tilespmem:$0xED0]  }
0xea: {  	v6 =	vshrl.u32 v10, $0x1F;
	v62 =	vshrl.u32 v17, $0x1F;
	v17 =	vld [tilespmem:$0xEE0];
	v1 =	vadd.s32 v1, v3  }
0xeb: {  	v3 =	vld [tilespmem:$0xA80];
	v0 =	vadd.s32 v6, v5;
	v6 =	vshrl.u32 v23, $0x1F;
	v10 =	vshrl.u32 v29, $0x1F  }
0xec: {  	v23 =	vld [tilespmem:$0xAB0];
	v1 =	vadd.s32 v4, v1;
	v4 =	vshrl.u32 v16, $0x1F;
	v16 =	vshrl.u32 v35, $0x1F  }
0xed: {  	v5 =	vshrl.u32 v18, $0x1F;
	v18 =	vshrl.u32 v46, $0x1F;
	v35 =	vld [tilespmem:$0xAD0];
	v4 =	vadd.s32 v16, v4  }
0xee: {  	v46 =	vld [tilespmem:$0xAF0];
	v5 =	vadd.s32 v18, v5;
	v16 =	vshrl.u32 v51, $0x1F;
	v29 =	vshrl.u32 v55, $0x1F  }
0xef: {  	v18 =	vld [tilespmem:$0xAC0];
	v51 =	vshrl.u32 v39, $0x1F;
	v6 =	vadd.s32 v16, v6;
	v16 =	vshrl.u32 v54, $0x1F  }
0xf0: {  	v39 =	vld [tilespmem:$0x700];
	v4 =	vadd.s32 v29, v4;
	v10 =	vadd.s32 v16, v10;
	v16 =	vshrl.u32 v56, $0x1F  }
0xf1: {  	v29 =	vld [tilespmem:$0xAE0];
	v4 =	vadd.s32 v58, v4;
	v5 =	vadd.s32 v16, v5;
	v16 =	vshrl.u32 v57, $0x1F  }
0xf2: {  	v10 =	vadd.s32 v11, v10;
	v4 =	vadd.s32 v4, v62;
	v6 =	vadd.s32 v16, v6;
	v16 =	vld [tilespmem:$0xEB0]  }
0xf3: {  	v41 =	vshrl.u32 v41, $0x1F;
	v10 =	vadd.s32 v61, v10;
	v4 =	vadd.s32 v25, v4;
	v25 =	vld [tilespmem:$0x300]  }
0xf4: {  	v31 =	vshrl.u32 v31, $0x1F;
	v5 =	vadd.s32 v59, v5;
	v10 =	vadd.s32 v10, v22;
	v22 =	vld [tilespmem:$0xEF0]  }
0xf5: {  	v33 =	vshrl.u32 v33, $0x1F;
	v5 =	vadd.s32 v5, v63;
	v4 =	vadd.s32 v31, v4;
	v31 =	vld [tilespmem:$0x340]  }
0xf6: {  	v36 =	vshrl.u32 v36, $0x1F;
	v6 =	vadd.s32 v60, v6;
	v5 =	vadd.s32 v26, v5;
	v26 =	vld [tilespmem:$0x310]  }
0xf7: {  	v42 =	vshrl.u32 v42, $0x1F;
	v6 =	vadd.s32 v6, v21;
	v10 =	vadd.s32 v30, v10;
	v30 =	vld [tilespmem:$0x330]  }
0xf8: {  	v38 =	vshrl.u32 v38, $0x1F;
	v6 =	vadd.s32 v27, v6;
	v5 =	vadd.s32 v33, v5;
	v27 =	vld [tilespmem:$0x320]  }
0xf9: {  	v4 =	vadd.s32 v38, v4;
	v33 =	vld [tilespmem:$0x370];
	v6 =	vadd.s32 v36, v6;
	v5 =	vadd.s32 v41, v5  }
0xfa: {  	v6 =	vadd.s32 v42, v6;
	v4 =	vadd.s32 v4, v5;
	v5 =	vld [tilespmem:$0x350]  }
0xfb: {  	v8 =	vshrl.u32 v8, $0x1F;
	v21 =	vadd.s32 v0, v1;
	v1 =	vadd.s32 v6, v4;
	v4 =	vld [tilespmem:$0x360]  }
0xfc: {  	v43 =	vshrl.u32 v43, $0x1F;
	v37 =	vshrl.u32 v37, $0x1F;
	v34 =	vshrl.u32 v34, $0x1F;
	v38 =	vld [tilespmem:$0x710]  }
0xfd: {  	v24 =	vshrl.u32 v24, $0x1F;
	v55 =	vshrl.u32 v48, $0x1F;
	v54 =	vshrl.u32 v44, $0x1F;
	v42 =	vld [tilespmem:$0x720]  }
0xfe: {  	v56 =	vshrl.u32 v49, $0x1F;
	v62 =	vshrl.u32 v40, $0x1F;
	v59 =	vshrl.u32 v50, $0x1F;
	v40 =	vld [tilespmem:$0x730]  }
0xff: {  	v58 =	vshrl.u32 v52, $0x1F;
	v11 =	vadd.s32 v59, v55;
	v10 =	vadd.s32 v37, v10;
	v37 =	vld [tilespmem:$0x740]  }
0x100: {  	v11 =	vadd.s32 v34, v11;
	v0 =	vadd.s32 v43, v10;
	v10 =	vadd.s32 v58, v54;
	v34 =	vld [tilespmem:$0x750]  }
0x101: {  	v60 =	vshrl.u32 v47, $0x1F;
	v8 =	vadd.s32 v8, v11;
	v10 =	vadd.s32 v62, v10;
	v11 =	vld [tilespmem:$0x770]  }
0x102: {  	v32 =	vshrl.u32 v32, $0x1F;
	v36 =	vadd.s32 v60, v56;
	v10 =	vadd.s32 v24, v10;
	v24 =	vld [tilespmem:$0xB00]  }
0x103: {  	v7 =	vshrl.u32 v7, $0x1F;
	v63 =	vshrl.u32 v9, $0x1F;
	v32 =	vadd.s32 v32, v36;
	v9 =	vld [tilespmem:$0xB10]  }
0x104: {  	v7 =	vadd.s32 v7, v32;
	v32 =	vshrl.u32 v18, $0x1F;
	v18 =	vld [tilespmem:$0xB20]  }
0x105: {  	v44 =	vld [tilespmem:$0xB40]  }
0x106: {  	v43 =	vshrl.u32 v46, $0x1F;
	v46 =	vld [tilespmem:$0xB50]  }
0x107: {  	v47 =	vshrl.u32 v14, $0x1F;
	v14 =	vld [tilespmem:$0xB60]  }
0x108: {  	v48 =	vshrl.u32 v16, $0x1F;
	v16 =	vld [tilespmem:$0xF00]  }
0x109: {  	v49 =	vshrl.u32 v15, $0x1F;
	v15 =	vld [tilespmem:$0xF10]  }
0x10a: {  	v50 =	vshrl.u32 v19, $0x1F;
	v19 =	vld [tilespmem:$0xF40]  }
0x10b: {  	v28 =	vshrl.u32 v28, $0x1F;
	v58 =	vld [tilespmem:$0xF50]  }
0x10c: {  	v2 =	vshrl.u32 v2, $0x1F;
	v57 =	vshrl.u32 v53, $0x1F;
	v36 =	vshrl.u32 v35, $0x1F;
	v35 =	vld [tilespmem:$0x3A0]  }
0x10d: {  	v13 =	vshrl.u32 v13, $0x1F;
	v6 =	vadd.s32 v57, v51;
	v57 =	vshrl.u32 v31, $0x1F;
	v31 =	vld [tilespmem:$0x1FF30]  }
0x10e: {  	v3 =	vshrl.u32 v3, $0x1F;
	v23 =	vshrl.u32 v23, $0x1F;
	v2 =	vadd.s32 v10, v2;
	v10 =	vld [tilespmem:$0xB30]  }
0x10f: {  	v61 =	vshrl.u32 v45, $0x1F;
	v45 =	vshrl.u32 v12, $0x1F;
	v54 =	vshrl.u32 v26, $0x1F;
	v26 =	vld [tilespmem:$0xF70]  }
0x110: {  	v41 =	vshrl.u32 v29, $0x1F;
	v60 =	vshrl.u32 v39, $0x1F;
	v7 =	vadd.s32 v7, v23;
	v23 =	vld [tilespmem:$0x380]  }
0x111: {  	v53 =	vshrl.u32 v25, $0x1F;
	v6 =	vadd.s32 v61, v6;
	v56 =	vshrl.u32 v30, $0x1F;
	v30 =	vld [tilespmem:$0x390]  }
0x112: {  	v51 =	vshrl.u32 v17, $0x1F;
	v52 =	vshrl.u32 v22, $0x1F;
	v6 =	vadd.s32 v28, v6;
	v28 =	vld [tilespmem:$0x760]  }
0x113: {  	v0 =	vadd.s32 v0, v1;
	v2 =	vadd.s32 v36, v2;
	v55 =	vshrl.u32 v27, $0x1F;
	v27 =	vld [tilespmem:$0x1FEF0]  }
0x114: {  	v7 =	vadd.s32 v43, v7;
	v3 =	vadd.s32 v6, v3;
	v6 =	vadd.s32 v8, v63;
	v8 =	vld [tilespmem:$0xF60]  }
0x115: {  	v59 =	vshrl.u32 v33, $0x1F;
	v2 =	vadd.s32 v47, v2;
	v7 =	vadd.s32 v48, v7;
	v47 =	vld [tilespmem:$0x780]  }
0x116: {  	v17 =	vadd.s32 v59, v56;
	v56 =	vld [tilespmem:$0x7C0];
	v3 =	vadd.s32 v32, v3;
	v6 =	vadd.s32 v41, v6  }
0x117: {  	v59 =	vld [tilespmem:$0x7D0];
	v2 =	vadd.s32 v50, v2;
	v1 =	vadd.s32 v52, v7;
	v5 =	vshrl.u32 v5, $0x1F  }
0x118: {  	v7 =	vadd.s32 v57, v53;
	v50 =	vld [tilespmem:$0x790];
	v3 =	vadd.s32 v45, v3;
	v6 =	vadd.s32 v13, v6  }
0x119: {  	v52 =	vld [tilespmem:$0x7A0];
	v5 =	vadd.s32 v5, v54;
	v4 =	vshrl.u32 v4, $0x1F;
	v7 =	vadd.s32 v60, v7  }
0x11a: {  	v32 =	vld [tilespmem:$0xB90];
	v61 =	vshrl.u32 v38, $0x1F;
	v62 =	vshrl.u32 v42, $0x1F;
	v63 =	vshrl.u32 v40, $0x1F  }
0x11b: {  	v13 =	vld [tilespmem:$0xB70];
	v33 =	vshrl.u32 v37, $0x1F;
	v36 =	vshrl.u32 v34, $0x1F;
	v11 =	vshrl.u32 v11, $0x1F  }
0x11c: {  	v37 =	vld [tilespmem:$0x3B0];
	v39 =	vshrl.u32 v24, $0x1F;
	v9 =	vshrl.u32 v9, $0x1F;
	v41 =	vshrl.u32 v18, $0x1F  }
0x11d: {  	v38 =	vld [tilespmem:$0x3C0];
	v44 =	vshrl.u32 v44, $0x1F;
	v46 =	vshrl.u32 v46, $0x1F;
	v48 =	vshrl.u32 v14, $0x1F  }
0x11e: {  	v40 =	vld [tilespmem:$0x3D0];
	v53 =	vshrl.u32 v15, $0x1F;
	v57 =	vshrl.u32 v19, $0x1F;
	v58 =	vshrl.u32 v58, $0x1F  }
0x11f: {  	v42 =	vld [tilespmem:$0x3E0];
	v3 =	vadd.s32 v49, v3;
	v6 =	vadd.s32 v51, v6;
	v4 =	vadd.s32 v4, v55  }
0x120: {  	v45 =	vld [tilespmem:$0x3F0];
	v5 =	vadd.s32 v61, v5;
	v17 =	vadd.s32 v63, v17;
	v7 =	vadd.s32 v33, v7  }
0x121: {  	v54 =	vld [tilespmem:$0x7B0];
	v43 =	vshrl.u32 v10, $0x1F;
	v51 =	vshrl.u32 v16, $0x1F;
	v61 =	vshrl.u32 v26, $0x1F  }
0x122: {  	v60 =	vld [tilespmem:$0x7E0];
	v29 =	vshrl.u32 v30, $0x1F;
	v30 =	vshrl.u32 v35, $0x1F;
	v2 =	vadd.s32 v3, v2  }
0x123: {  	v63 =	vld [tilespmem:$0xB80];
	v4 =	vadd.s32 v62, v4;
	v28 =	vshrl.u32 v28, $0x1F;
	v5 =	vadd.s32 v36, v5  }
0x124: {  	v35 =	vld [tilespmem:$0xBA0];
	v11 =	vadd.s32 v11, v17;
	v7 =	vadd.s32 v7, v39;
	v2 =	vadd.s32 v6, v2  }
0x125: {  	v26 =	vld [tilespmem:$0x1FFE0];
	v4 =	vadd.s32 v28, v4;
	v5 =	vadd.s32 v5, v9;
	v9 =	vadd.s32 v11, v43  }
0x126: {  	v3 =	vld [tilespmem:$0xF20];
	v7 =	vadd.s32 v44, v7;
	v8 =	vshrl.u32 v8, $0x1F;
	v28 =	vshrl.u32 v23, $0x1F  }
0x127: {  	v62 =	vld [tilespmem:$0x7F0];
	v11 =	vshrl.u32 v47, $0x1F;
	v4 =	vadd.s32 v4, v41;
	v5 =	vadd.s32 v46, v5  }
0x128: {  	v36 =	vld [tilespmem:$0xBB0];
	v7 =	vadd.s32 v51, v7;
	v1 =	vadd.s32 v1, v2;
	v39 =	vshrl.u32 v50, $0x1F  }
0x129: {  	v6 =	vld [tilespmem:$0xF30];
	v41 =	vshrl.u32 v52, $0x1F;
	v46 =	vshrl.u32 v59, $0x1F;
	v51 =	vshrl.u32 v32, $0x1F  }
0x12a: {  	v43 =	vld [tilespmem:$0xBE0];
	v49 =	vshrl.u32 v13, $0x1F;
	v4 =	vadd.s32 v48, v4;
	v5 =	vadd.s32 v53, v5  }
0x12b: {  	v47 =	vld [tilespmem:$0xF80];
	v7 =	vadd.s32 v57, v7;
	v33 =	vshrl.u32 v37, $0x1F;
	v22 =	vshrl.u32 v38, $0x1F  }
0x12c: {  	v50 =	vld [tilespmem:$0xFA0];
	v34 =	vshrl.u32 v40, $0x1F;
	v17 =	vshrl.u32 v42, $0x1F;
	v37 =	vshrl.u32 v45, $0x1F  }
0x12d: {  	v52 =	vld [tilespmem:$0xFB0];
	v42 =	vshrl.u32 v54, $0x1F;
	v9 =	vadd.s32 v49, v9;
	v5 =	vadd.s32 v58, v5  }
0x12e: {  	v32 =	vld [tilespmem:$0x1FF40];
	v10 =	vadd.s32 v17, v30;
	v17 =	vadd.s32 v37, v33;
	v54 =	vshrl.u32 v35, $0x1F  }
0x12f: {  	v38 =	vld [tilespmem:$0xBC0];
	v3 =	vshrl.u32 v3, $0x1F;
	v5 =	vadd.s32 v7, v5;
	v10 =	vadd.s32 v41, v10  }
0x130: {  	v40 =	vld [tilespmem:$0xBD0];
	v44 =	vadd.s32 v42, v17;
	v7 =	vshrl.u32 v62, $0x1F;
	v3 =	vadd.s32 v3, v4  }
0x131: {  	v45 =	vld [tilespmem:$0xBF0];
	v55 =	vshrl.u32 v6, $0x1F;
	v6 =	vshrl.u32 v56, $0x1F;
	v7 =	vadd.s32 v7, v44  }
0x132: {  	v49 =	vld [tilespmem:$0xF90];
	v56 =	vshrl.u32 v36, $0x1F;
	v4 =	vadd.s32 v55, v9;
	v3 =	vadd.s32 v8, v3  }
0x133: {  	v58 =	vld [tilespmem:$0xFD0];
	v8 =	vadd.s32 v34, v29;
	v9 =	vshrl.u32 v60, $0x1F;
	v7 =	vadd.s32 v7, v56  }
0x134: {  	v30 =	vld [tilespmem:$0x1FF20];
	v15 =	vshrl.u32 v50, $0x1F;
	v17 =	vshrl.u32 v52, $0x1F;
	v2 =	vadd.s32 v61, v4  }
0x135: {  	v33 =	vld [tilespmem:$0x1FF50];
	v3 =	vadd.s32 v3, v5;
	v5 =	vadd.s32 v22, v28;
	v8 =	vadd.s32 v39, v8  }
0x136: {  	v35 =	vld [tilespmem:$0x1FF70];
	v48 =	vadd.s32 v9, v10;
	v4 =	vshrl.u32 v63, $0x1F;
	v57 =	vshrl.u32 v38, $0x1F  }
0x137: {  	v55 =	vld [tilespmem:$0xFC0];
	v59 =	vshrl.u32 v40, $0x1F;
	v61 =	vshrl.u32 v43, $0x1F;
	v12 =	vshrl.u32 v45, $0x1F  }
0x138: {  	v60 =	vld [tilespmem:$0xFE0];
	v63 =	vshrl.u32 v47, $0x1F;
	v5 =	vadd.s32 v11, v5;
	v7 =	vadd.s32 v12, v7  }
0x139: {  	[tilespmem:$0x8100] =	vst v20;
	v37 =	vld [tilespmem:$0x1FF90];
	v12 =	vshrl.u32 v49, $0x1F;
	v20 =	vshrl.u32 v58, $0x1F;
	v5 =	vadd.s32 v6, v5  }
0x13a: {  	v62 =	vld [tilespmem:$0xFF0];
	v6 =	vadd.s32 v46, v8;
	v7 =	vadd.s32 v17, v7;
	v4 =	vadd.s32 v5, v4  }
0x13b: {  	v41 =	vld [tilespmem:$0x1FFF0];
	v53 =	vadd.s32 v6, v51;
	v6 =	vadd.s32 v48, v54;
	v4 =	vadd.s32 v57, v4  }
0x13c: {  	v36 =	vld [tilespmem:$0x1FF80];
	v5 =	vadd.s32 v59, v53;
	v6 =	vadd.s32 v61, v6;
	v19 =	vshrl.u32 v55, $0x1F  }
0x13d: {  	[tilespmem:$0x8180] =	vst v21;
	v28 =	vld [tilespmem:$0x1FF00];
	v21 =	vshrl.u32 v60, $0x1F;
	v4 =	vadd.s32 v63, v4;
	v5 =	vadd.s32 v12, v5  }
0x13e: {  	v29 =	vld [tilespmem:$0x1FF10];
	v6 =	vadd.s32 v15, v6;
	v4 =	vadd.s32 v19, v4;
	v5 =	vadd.s32 v20, v5  }
0x13f: {  	[tilespmem:$0x8200] =	vst v0;
	v34 =	vld [tilespmem:$0x1FF60];
	v23 =	vshrl.u32 v62, $0x1F;
	v22 =	vadd.s32 v21, v6;
	v4 =	vadd.s32 v4, v5  }
0x140: {  	[tilespmem:$0x8280] =	vst v1;
	v38 =	vld [tilespmem:$0x1FFA0];
	v24 =	vadd.s32 v2, v3;
	v25 =	vadd.s32 v23, v7;
	v0 =	vadd.s32 v22, v4  }
0x141: {  	v39 =	vld [tilespmem:$0x1FFB0];
	[tilespmem:$0x8300] =	vst v24;
	v0 =	vadd.s32 v25, v0  }
0x142: {  	v40 =	vld [tilespmem:$0x1FFC0];
	[tilespmem:$0x8380] =	vst v0  }
0x143: {  	v0 =	vld.idx.msk [tilespmem:v26+s12+$0x0], $0xffff  }
0x144: {  	v1 =	vld.idx.msk [tilespmem:v27+s12+$0x0], $0xffff  }
0x145: {  	v2 =	vld.idx.msk [tilespmem:v28+s12+$0x0], $0xffff  }
0x146: {  	v3 =	vld.idx.msk [tilespmem:v29+s12+$0x0], $0xffff  }
0x147: {  	v4 =	vld.idx.msk [tilespmem:v30+s12+$0x0], $0xffff  }
0x148: {  	v5 =	vld.idx.msk [tilespmem:v31+s12+$0x0], $0xffff  }
0x149: {  	v0 =	vadd.s32 v0, v1;
	v1 =	vld.idx.msk [tilespmem:v32+s12+$0x0], $0xffff  }
0x14a: {  	v0 =	vadd.s32 v2, v0;
	v2 =	vld.idx.msk [tilespmem:v33+s12+$0x0], $0xffff  }
0x14b: {  	v0 =	vadd.s32 v3, v0;
	v3 =	vld.idx.msk [tilespmem:v34+s12+$0x0], $0xffff  }
0x14c: {  	v0 =	vadd.s32 v4, v0;
	v4 =	vld.idx.msk [tilespmem:v35+s12+$0x0], $0xffff  }
0x14d: {  	v0 =	vadd.s32 v5, v0;
	v5 =	vld.idx.msk [tilespmem:v36+s12+$0x0], $0xffff  }
0x14e: {  	v0 =	vadd.s32 v1, v0;
	v1 =	vld.idx.msk [tilespmem:v37+s12+$0x0], $0xffff  }
0x14f: {  	v0 =	vadd.s32 v2, v0;
	v2 =	vld.idx.msk [tilespmem:v38+s12+$0x0], $0xffff  }
0x150: {  	v0 =	vadd.s32 v3, v0;
	v3 =	vld.idx.msk [tilespmem:v39+s12+$0x0], $0xffff  }
0x151: {  	v0 =	vadd.s32 v4, v0;
	v4 =	vld.idx.msk [tilespmem:v40+s12+$0x0], $0xffff  }
0x152: {  	v0 =	vadd.s32 v5, v0;
	v5 =	vld.idx.msk [tilespmem:v41+s12+$0x0], $0xffff  }
0x153: {  	v0 =	vadd.s32 v1, v0  }
0x154: {  	v0 =	vadd.s32 v2, v0  }
0x155: {  	v0 =	vadd.s32 v3, v0  }
0x156: {  	v0 =	vadd.s32 v4, v0  }
0x157: {  	v0 =	vadd.s32 v5, v0  }
0x158: {  	v0 =	vcvt.s32.f32 v0;
	_ =	sdelay $0x1  }
0x159: {  	v42 =	vadd.f32 v0, v0;
	_ =	sdelay $0x1  }
0x15a: {  	v1 =	vsub.f32 $2.048000000e+03, v42;
	_ =	sdelay $0x1  }
0x15b: {  	v43 =	vmul.f32 $4.882812500e-04, v1;
	_ =	sdelay $0x1  }
0x15c: {  	(erf) = vrcp.f32 v43;
	_ =	sdelay $0x5  }
0x15d: {  	v0 =	vmul.f32 $-8.742277650e-08, v0;
	_ =	sdelay $0x1  }
0x15e: {  	v0 =	vmul.f32 $4.882812500e-04, v0  }
0x15f: {  	v2 =	vpop (erf)  }
0x160: {  	v0 =	vmul.f32 v2, v0;
	_ =	sdelay $0x1  }
0x161: {  	v2 =	vadd.f32 $-3.141592740e+00, v0  }
0x162: {  	v45 =	vld [tilespmem:$0x1FFD0];
	vm0 =	vlt.f32 v1, $0.0e+00  }
0x163: {  	vm1 =	vgt.f32 v1, $0.0e+00;
	v44 =	vnsel vm0, $0xBFC90FDB, v2  }
0x164: {  	v0 =	vsel vm1, v0, v44  }
0x165: {  	v0 =	vadd.f32 $3.141592740e+00, v0;
	_ =	sdelay $0x1  }
0x166: {  	v0 =	vmul.f32 v0, v45;
	_ =	sdelay $0x1  }
0x167: {  	v0 =	vmul.f32 $1.600000000e+01, v0;
	_ =	sdelay $0x1  }
0x168: {  	s22 =	sadd.s32 $0xFFFFFFF8, s18;
	v46 =	vlaneseq.u32;
	v0 =	vtrunc.f32 v0  }
0x169: {  	v1 =	vor.u32 s22, v46;
	v0 =	vcvt.f32.s32 v0;
	_ =	sdelay $0x1  }
0x16a: {  	vm12 =	vgt.s32 v0, $0x0  }
0x16b: {  	v0 =	vnsel vm12, $0x0, v0  }
0x16c: {  	v0 =	vmin.u32 v0, $0xF  }
0x16d: {  	v47 =	vimm.f32 $0.0e+00;
	[tilespmem:v1+s13+$0x0] =	vst.idx.msk $0xff, v0  }
0x16e: {  	[tilespmem:s19+$0xFFFFFC00] =	vst v47  }
0x16f: {  	[tilespmem:s19+$0xFFFFFC80] =	vst v47  }
0x170: {  	v1 =	vshll.u32 v1, $0x7;
	[tilespmem:s19+$0xFFFFFD00] =	vst v47  }
0x171: {  	[tilespmem:s19+$0xFFFFFD80] =	vst v47;
	v0 =	vor.u32 v1, v0  }
0x172: {  	[tilespmem:s19+$0xFFFFFE00] =	vst v47  }
0x173: {  	[tilespmem:s19+$0xFFFFFE80] =	vst v47  }
0x174: {  	[tilespmem:s19+$0xFFFFFF00] =	vst v47  }
0x175: {  	p0 =	seq.s32 s18, $0x1F8;
	v48 =	vimm.f32 $1.000000000e+00;
	[tilespmem:s19+$0xFFFFFF80] =	vst v47  }
0x176: {  	s22 =	simm.s32 @!p0 $0x0;
	[tilespmem:v0+s14+$0x0] =	vst.idx.msk $0xff, v48  }
0x177: {  	[tilespmem:s22], [sflag:$0x1] =	stream.linear.gather @!p0 [hbm4b:s21+s22], $0x4000, $0x38;
	[tilespmem:$0x18A00] =	vst v63  }
0x178: {  	_ =	swait.ge [sflag:s15], $0x4000  }
0x179: {  	[sflag:s15] =	ssyncset.done $0x0  }
0x17a: {  	[sflag:s15] =	ssyncadd.s32 $0xFFFFC000  }
0x17b: {  	v41 =	vld [tilespmem:$0x4000]  }
0x17c: {  	v42 =	vld [tilespmem:$0x4010]  }
0x17d: {  	v43 =	vld [tilespmem:$0x4020]  }
0x17e: {  	v45 =	vld [tilespmem:$0x4030]  }
0x17f: {  	v48 =	vld [tilespmem:$0x4040]  }
0x180: {  	v49 =	vld [tilespmem:$0x4050]  }
0x181: {  	v0 =	vld [tilespmem:$0x4060]  }
0x182: {  	v1 =	vld [tilespmem:$0x4070]  }
0x183: {  	v2 =	vld [tilespmem:$0x4400]  }
0x184: {  	v3 =	vld [tilespmem:$0x4410]  }
0x185: {  	v4 =	vld [tilespmem:$0x4420]  }
0x186: {  	v5 =	vld [tilespmem:$0x4430]  }
0x187: {  	v6 =	vld [tilespmem:$0x4440]  }
0x188: {  	v7 =	vld [tilespmem:$0x4450]  }
0x189: {  	v8 =	vld [tilespmem:$0x4460]  }
0x18a: {  	v9 =	vld [tilespmem:$0x4470]  }
0x18b: {  	v10 =	vld [tilespmem:$0x4800]  }
0x18c: {  	v11 =	vld [tilespmem:$0x4810]  }
0x18d: {  	v12 =	vld [tilespmem:$0x4820]  }
0x18e: {  	v13 =	vld [tilespmem:$0x4830]  }
0x18f: {  	v14 =	vld [tilespmem:$0x4840]  }
0x190: {  	v62 =	vld [tilespmem:$0x4CF0]  }
0x191: {  	v15 =	vld [tilespmem:$0x4850]  }
0x192: {  	v16 =	vld [tilespmem:$0x4860]  }
0x193: {  	v17 =	vld [tilespmem:$0x4870]  }
0x194: {  	v18 =	vld [tilespmem:$0x4C00]  }
0x195: {  	[tilespmem:$0x1FC60] =	vst v62;
	v62 =	vld [tilespmem:$0x4100]  }
0x196: {  	v50 =	vld [tilespmem:$0x4C10]  }
0x197: {  	v19 =	vld [tilespmem:$0x4C20]  }
0x198: {  	v52 =	vld [tilespmem:$0x4C30]  }
0x199: {  	v53 =	vld [tilespmem:$0x4C40]  }
0x19a: {  	[tilespmem:$0x1FC70] =	vst v62;
	v62 =	vld [tilespmem:$0x4110]  }
0x19b: {  	v59 =	vld [tilespmem:$0x4C50]  }
0x19c: {  	v56 =	vld [tilespmem:$0x4C60]  }
0x19d: {  	v58 =	vld [tilespmem:$0x4C70]  }
0x19e: {  	v37 =	vld [tilespmem:$0x4080]  }
0x19f: {  	[tilespmem:$0x1FC80] =	vst v62;
	v62 =	vld [tilespmem:$0x4120]  }
0x1a0: {  	v60 =	vld [tilespmem:$0x4090]  }
0x1a1: {  	v63 =	vld [tilespmem:$0x40A0]  }
0x1a2: {  	v29 =	vld [tilespmem:$0x40B0]  }
0x1a3: {  	v21 =	vld [tilespmem:$0x40C0]  }
0x1a4: {  	[tilespmem:$0x1FC90] =	vst v62;
	v62 =	vld [tilespmem:$0x4130]  }
0x1a5: {  	v22 =	vld [tilespmem:$0x40D0]  }
0x1a6: {  	v20 =	vld [tilespmem:$0x40E0]  }
0x1a7: {  	v35 =	vld [tilespmem:$0x40F0]  }
0x1a8: {  	v23 =	vld [tilespmem:$0x4480]  }
0x1a9: {  	[tilespmem:$0x1FCD0] =	vst v62;
	v62 =	vld [tilespmem:$0x4140]  }
0x1aa: {  	v24 =	vld [tilespmem:$0x4490]  }
0x1ab: {  	v26 =	vld [tilespmem:$0x44A0]  }
0x1ac: {  	v25 =	vld [tilespmem:$0x44B0]  }
0x1ad: {  	v27 =	vld [tilespmem:$0x44C0]  }
0x1ae: {  	[tilespmem:$0x1FCA0] =	vst v62;
	v62 =	vld [tilespmem:$0x4150]  }
0x1af: {  	v30 =	vld [tilespmem:$0x44D0]  }
0x1b0: {  	v28 =	vld [tilespmem:$0x44E0]  }
0x1b1: {  	v31 =	vld [tilespmem:$0x44F0]  }
0x1b2: {  	v33 =	vld [tilespmem:$0x4880]  }
0x1b3: {  	[tilespmem:$0x1FCB0] =	vst v62;
	v62 =	vld [tilespmem:$0x4160]  }
0x1b4: {  	v32 =	vld [tilespmem:$0x4890]  }
0x1b5: {  	v34 =	vld [tilespmem:$0x48A0]  }
0x1b6: {  	v36 =	vld [tilespmem:$0x48B0]  }
0x1b7: {  	v38 =	vld [tilespmem:$0x48C0]  }
0x1b8: {  	[tilespmem:$0x1FCC0] =	vst v62;
	v62 =	vld [tilespmem:$0x4170]  }
0x1b9: {  	v39 =	vld [tilespmem:$0x48D0]  }
0x1ba: {  	v40 =	vld [tilespmem:$0x48E0]  }
0x1bb: {  	v44 =	vld [tilespmem:$0x48F0]  }
0x1bc: {  	v46 =	vld [tilespmem:$0x4C80]  }
0x1bd: {  	[tilespmem:$0x1FCE0] =	vst v62;
	v62 =	vld [tilespmem:$0x4500]  }
0x1be: {  	v47 =	vld [tilespmem:$0x4C90]  }
0x1bf: {  	v51 =	vld [tilespmem:$0x4CA0]  }
0x1c0: {  	v54 =	vld [tilespmem:$0x4CB0]  }
0x1c1: {  	v57 =	vld [tilespmem:$0x4CC0]  }
0x1c2: {  	[tilespmem:$0x1FCF0] =	vst v62;
	v62 =	vld [tilespmem:$0x4510]  }
0x1c3: {  	v55 =	vld [tilespmem:$0x4CD0]  }
0x1c4: {  	v61 =	vld [tilespmem:$0x4CE0];
	v42 =	vshrl.u32 v42, $0x1F;
	v49 =	vshrl.u32 v49, $0x1F  }
0x1c5: {  	v43 =	vshrl.u32 v43, $0x1F;
	v0 =	vshrl.u32 v0, $0x1F;
	v42 =	vadd.s32 v49, v42;
	v49 =	vld [tilespmem:$0x4180]  }
0x1c6: {  	v0 =	vadd.s32 v0, v43;
	v43 =	vld [tilespmem:$0x41C0]  }
0x1c7: {  	v41 =	vshrl.u32 v41, $0x1F;
	v48 =	vshrl.u32 v48, $0x1F;
	v1 =	vshrl.u32 v1, $0x1F;
	[tilespmem:$0x1FD00] =	vst v62;
	v62 =	vld [tilespmem:$0x4520]  }
0x1c8: {  	v41 =	vadd.s32 v48, v41;
	v48 =	vshrl.u32 v45, $0x1F;
	v45 =	vshrl.u32 v7, $0x1F;
	v7 =	vld [tilespmem:$0x4220]  }
0x1c9: {  	v2 =	vshrl.u32 v2, $0x1F;
	v3 =	vshrl.u32 v3, $0x1F;
	v1 =	vadd.s32 v1, v48;
	v48 =	vld [tilespmem:$0x41A0]  }
0x1ca: {  	v2 =	vadd.s32 v2, v41;
	v3 =	vadd.s32 v3, v42;
	v42 =	vshrl.u32 v6, $0x1F;
	v41 =	vld [tilespmem:$0x41E0]  }
0x1cb: {  	v2 =	vadd.s32 v42, v2;
	v42 =	vld [tilespmem:$0x4580]  }
0x1cc: {  	v5 =	vshrl.u32 v5, $0x1F;
	[tilespmem:$0x1FD10] =	vst v62;
	v62 =	vld [tilespmem:$0x4530]  }
0x1cd: {  	v1 =	vadd.s32 v5, v1;
	v5 =	vld [tilespmem:$0x4230];
	[tilespmem:$0x1FE60] =	vst v49  }
0x1ce: {  	v4 =	vshrl.u32 v4, $0x1F;
	v49 =	vld [tilespmem:$0x4190];
	[tilespmem:$0x1FE90] =	vst v43  }
0x1cf: {  	v43 =	vshrl.u32 v13, $0x1F;
	v13 =	vshrl.u32 v52, $0x1F;
	v52 =	vld [tilespmem:$0x45E0];
	[tilespmem:$0x1FE80] =	vst v48;
	v48 =	vshrl.u32 v8, $0x1F  }
0x1d0: {  	v8 =	vshrl.u32 v9, $0x1F;
	v9 =	vshrl.u32 v10, $0x1F;
	v10 =	vshrl.u32 v11, $0x1F;
	v11 =	vld [tilespmem:$0x41F0]  }
0x1d1: {  	v0 =	vadd.s32 v4, v0;
	[tilespmem:$0x1FD20] =	vst v62;
	v62 =	vld [tilespmem:$0x4540]  }
0x1d2: {  	v3 =	vadd.s32 v45, v3;
	v0 =	vadd.s32 v48, v0;
	v1 =	vadd.s32 v8, v1;
	v48 =	vld [tilespmem:$0x4590]  }
0x1d3: {  	v2 =	vadd.s32 v2, v9;
	v8 =	vshrl.u32 v16, $0x1F;
	v16 =	vshrl.u32 v56, $0x1F;
	v56 =	vld [tilespmem:$0x4980]  }
0x1d4: {  	v3 =	vadd.s32 v3, v10;
	v9 =	vshrl.u32 v17, $0x1F;
	v17 =	vshrl.u32 v58, $0x1F;
	v58 =	vld [tilespmem:$0x49A0]  }
0x1d5: {  	v10 =	vshrl.u32 v18, $0x1F;
	v18 =	vshrl.u32 v37, $0x1F;
	v37 =	vshrl.u32 v63, $0x1F;
	v63 =	vld [tilespmem:$0x49C0]  }
0x1d6: {  	[tilespmem:$0x1FD30] =	vst v62;
	v62 =	vld [tilespmem:$0x4550]  }
0x1d7: {  	v45 =	vshrl.u32 v14, $0x1F;
	v1 =	vadd.s32 v1, v43;
	v43 =	vld [tilespmem:$0x45A0]  }
0x1d8: {  	v12 =	vshrl.u32 v12, $0x1F;
	v2 =	vadd.s32 v45, v2;
	v45 =	vld [tilespmem:$0x45C0]  }
0x1d9: {  	v0 =	vadd.s32 v0, v12;
	v12 =	vshrl.u32 v19, $0x1F;
	v19 =	vshrl.u32 v60, $0x1F;
	v60 =	vld [tilespmem:$0x49B0]  }
0x1da: {  	v2 =	vadd.s32 v10, v2;
	v10 =	vshrl.u32 v20, $0x1F;
	v20 =	vld [tilespmem:$0x4200]  }
0x1db: {  	v0 =	vadd.s32 v8, v0;
	[tilespmem:$0x1FD40] =	vst v62;
	v62 =	vld [tilespmem:$0x4560]  }
0x1dc: {  	v14 =	vshrl.u32 v53, $0x1F;
	v1 =	vadd.s32 v9, v1;
	[tilespmem:$0x1FE70] =	vst v49;
	v49 =	vld [tilespmem:$0x41B0];
	v0 =	vadd.s32 v12, v0  }
0x1dd: {  	v1 =	vadd.s32 v13, v1;
	v2 =	vadd.s32 v14, v2;
	v13 =	vshrl.u32 v23, $0x1F;
	v23 =	vld [tilespmem:$0x4DA0]  }
0x1de: {  	v12 =	vshrl.u32 v35, $0x1F;
	v14 =	vshrl.u32 v24, $0x1F;
	v35 =	vld [tilespmem:$0x4DB0];
	v24 =	vshrl.u32 v33, $0x1F  }
0x1df: {  	v33 =	vshrl.u32 v40, $0x1F;
	v40 =	vshrl.u32 v47, $0x1F;
	v47 =	vshrl.u32 v57, $0x1F;
	v57 =	vld [tilespmem:$0x1FC60]  }
0x1e0: {  	[tilespmem:$0x1FD50] =	vst v62;
	v62 =	vld [tilespmem:$0x4570]  }
0x1e1: {  	[tilespmem:$0x1FEB0] =	vst v49;
	v49 =	vld [tilespmem:$0x41D0]  }
0x1e2: {  	[tilespmem:$0x1FEC0] =	vst v11;
	v11 =	vshrl.u32 v50, $0x1F;
	v50 =	vld [tilespmem:$0x45D0]  }
0x1e3: {  	v0 =	vadd.s32 v16, v0;
	v16 =	vshrl.u32 v25, $0x1F;
	v25 =	vld [tilespmem:$0x4D90]  }
0x1e4: {  	[tilespmem:$0x1FED0] =	vst v48;
	v48 =	vld [tilespmem:$0x45B0]  }
0x1e5: {  	[tilespmem:$0x1FD60] =	vst v62;
	v62 =	vld [tilespmem:$0x4900]  }
0x1e6: {  	[tilespmem:$0x1FEA0] =	vst v49;
	v49 =	vshrl.u32 v15, $0x1F;
	v15 =	vshrl.u32 v59, $0x1F;
	v59 =	vld [tilespmem:$0x4990]  }
0x1e7: {  	v3 =	vadd.s32 v49, v3;
	v49 =	vld [tilespmem:$0x45F0]  }
0x1e8: {  	v3 =	vadd.s32 v11, v3;
	v11 =	vshrl.u32 v29, $0x1F;
	v29 =	vld [tilespmem:$0x49F0]  }
0x1e9: {  	v3 =	vadd.s32 v15, v3;
	v15 =	vshrl.u32 v26, $0x1F;
	v26 =	vld [tilespmem:$0x4D80]  }
0x1ea: {  	[tilespmem:$0x1FD70] =	vst v62;
	v62 =	vld [tilespmem:$0x4910]  }
0x1eb: {  	v9 =	vshrl.u32 v22, $0x1F;
	v4 =	vadd.s32 v12, v11;
	v12 =	vld [tilespmem:$0x4610]  }
0x1ec: {  	v2 =	vadd.s32 v2, v3;
	v3 =	vadd.s32 v17, v1;
	v1 =	vadd.s32 v9, v19;
	v9 =	vld [tilespmem:$0x4DF0]  }
0x1ed: {  	v53 =	vshrl.u32 v21, $0x1F;
	v6 =	vadd.s32 v0, v2;
	v2 =	vadd.s32 v10, v37;
	v37 =	vld [tilespmem:$0x49D0]  }
0x1ee: {  	v0 =	vadd.s32 v53, v18;
	v53 =	vld [tilespmem:$0x49E0]  }
0x1ef: {  	v22 =	vshrl.u32 v31, $0x1F;
	v4 =	vadd.s32 v16, v4;
	[tilespmem:$0x1FD80] =	vst v62;
	v62 =	vld [tilespmem:$0x4920]  }
0x1f0: {  	v4 =	vadd.s32 v22, v4;
	v22 =	vld [tilespmem:$0x4DC0]  }
0x1f1: {  	v10 =	vld [tilespmem:$0x4210]  }
0x1f2: {  	v1 =	vadd.s32 v14, v1;
	v18 =	vshrl.u32 v30, $0x1F;
	v14 =	vld [tilespmem:$0x4640]  }
0x1f3: {  	v1 =	vadd.s32 v18, v1;
	v18 =	vld [tilespmem:$0x4DD0]  }
0x1f4: {  	[tilespmem:$0x1FD90] =	vst v62;
	v62 =	vld [tilespmem:$0x4930]  }
0x1f5: {  	v17 =	vshrl.u32 v27, $0x1F;
	v19 =	vshrl.u32 v28, $0x1F;
	v16 =	vadd.s32 v3, v6;
	v3 =	vld [tilespmem:$0x4270]  }
0x1f6: {  	v28 =	vshrl.u32 v34, $0x1F;
	v30 =	vshrl.u32 v36, $0x1F;
	v0 =	vadd.s32 v13, v0;
	v6 =	vld [tilespmem:$0x4600]  }
0x1f7: {  	v34 =	vshrl.u32 v44, $0x1F;
	v4 =	vadd.s32 v4, v30;
	v0 =	vadd.s32 v17, v0;
	v17 =	vld [tilespmem:$0x4DE0]  }
0x1f8: {  	v36 =	vadd.s32 v34, v4;
	v4 =	vld [tilespmem:$0x4240]  }
0x1f9: {  	v2 =	vadd.s32 v15, v2;
	[tilespmem:$0x1FDA0] =	vst v62;
	v62 =	vld [tilespmem:$0x4940]  }
0x1fa: {  	v2 =	vadd.s32 v19, v2;
	v19 =	vld [tilespmem:$0x1FC70]  }
0x1fb: {  	v0 =	vadd.s32 v0, v24;
	v24 =	vld [tilespmem:$0x1FC80]  }
0x1fc: {  	v31 =	vshrl.u32 v38, $0x1F;
	v27 =	vshrl.u32 v32, $0x1F;
	v2 =	vadd.s32 v2, v28;
	v28 =	vld [tilespmem:$0x1FC90]  }
0x1fd: {  	v32 =	vshrl.u32 v39, $0x1F;
	v1 =	vadd.s32 v1, v27;
	v0 =	vadd.s32 v31, v0;
	v31 =	vld [tilespmem:$0x1FCA0]  }
0x1fe: {  	v38 =	vshrl.u32 v46, $0x1F;
	v1 =	vadd.s32 v32, v1;
	[tilespmem:$0x1FDB0] =	vst v62;
	v62 =	vld [tilespmem:$0x4950]  }
0x1ff: {  	v44 =	vshrl.u32 v51, $0x1F;
	v51 =	vshrl.u32 v55, $0x1F;
	v1 =	vadd.s32 v40, v1;
	v40 =	vld [tilespmem:$0x1FCD0]  }
0x200: {  	v46 =	vshrl.u32 v54, $0x1F;
	v55 =	vshrl.u32 v61, $0x1F;
	v54 =	vadd.s32 v51, v1;
	v1 =	vld [tilespmem:$0x4250]  }
0x201: {  	v61 =	vshrl.u32 v57, $0x1F;
	v8 =	vadd.s32 v46, v36;
	v2 =	vadd.s32 v33, v2;
	v33 =	vld [tilespmem:$0x1FCB0]  }
0x202: {  	v39 =	vadd.s32 v38, v0;
	v38 =	vadd.s32 v61, v8;
	v8 =	vld [tilespmem:$0x4630]  }
0x203: {  	v2 =	vadd.s32 v44, v2;
	v11 =	vadd.s32 v47, v39;
	[tilespmem:$0x1FDC0] =	vst v62;
	v62 =	vld [tilespmem:$0x4960]  }
0x204: {  	v13 =	vadd.s32 v55, v2;
	v2 =	vld [tilespmem:$0x4260];
	v11 =	vadd.s32 v11, v54  }
0x205: {  	v11 =	vadd.s32 v13, v11;
	v13 =	vld [tilespmem:$0x4620]  }
0x206: {  	v27 =	vshrl.u32 v24, $0x1F;
	v34 =	vshrl.u32 v33, $0x1F;
	v36 =	vld [tilespmem:$0x1FCC0]  }
0x207: {  	v5 =	vshrl.u32 v5, $0x1F;
	[tilespmem:$0x1FEE0] =	vst v16;
	v16 =	vadd.s32 v34, v27;
	v27 =	vld [tilespmem:$0x4A10]  }
0x208: {  	v10 =	vshrl.u32 v10, $0x1F;
	v3 =	vshrl.u32 v3, $0x1F;
	v1 =	vshrl.u32 v1, $0x1F;
	[tilespmem:$0x1FDD0] =	vst v62;
	v62 =	vld [tilespmem:$0x4970]  }
0x209: {  	v3 =	vadd.s32 v3, v5;
	v8 =	vshrl.u32 v8, $0x1F;
	v1 =	vadd.s32 v1, v10;
	v10 =	vld [tilespmem:$0x4AC0]  }
0x20a: {  	v7 =	vshrl.u32 v7, $0x1F;
	v2 =	vshrl.u32 v2, $0x1F;
	v3 =	vadd.s32 v8, v3;
	v8 =	vld [tilespmem:$0x4E80]  }
0x20b: {  	v2 =	vadd.s32 v2, v7;
	v7 =	vld [tilespmem:$0x4AD0]  }
0x20c: {  	v51 =	vld [tilespmem:$0x1FCF0]  }
0x20d: {  	[tilespmem:$0x1FDE0] =	vst v62;
	v62 =	vld [tilespmem:$0x4D00]  }
0x20e: {  	v12 =	vshrl.u32 v12, $0x1F;
	v55 =	vld [tilespmem:$0x1FD00]  }
0x20f: {  	v1 =	vadd.s32 v12, v1;
	v12 =	vld [tilespmem:$0x4AF0]  }
0x210: {  	v46 =	vld [tilespmem:$0x1FCE0]  }
0x211: {  	v21 =	vshrl.u32 v19, $0x1F;
	v32 =	vshrl.u32 v31, $0x1F;
	v31 =	vld [tilespmem:$0x1FD10]  }
0x212: {  	v15 =	vadd.s32 v32, v21;
	v54 =	vshrl.u32 v51, $0x1F;
	[tilespmem:$0x1FDF0] =	vst v62;
	v62 =	vld [tilespmem:$0x4D10]  }
0x213: {  	v24 =	vadd.s32 v54, v15;
	v15 =	vld [tilespmem:$0x4650];
	v57 =	vshrl.u32 v55, $0x1F  }
0x214: {  	v61 =	vadd.s32 v57, v16;
	v16 =	vld [tilespmem:$0x4660]  }
0x215: {  	v33 =	vld [tilespmem:$0x1FD20]  }
0x216: {  	v32 =	vshrl.u32 v31, $0x1F;
	v31 =	vld [tilespmem:$0x4A40]  }
0x217: {  	v30 =	vshrl.u32 v28, $0x1F;
	v39 =	vshrl.u32 v36, $0x1F;
	[tilespmem:$0x1FE00] =	vst v62;
	v62 =	vld [tilespmem:$0x4D20]  }
0x218: {  	v44 =	vshrl.u32 v40, $0x1F;
	v19 =	vadd.s32 v39, v30;
	v47 =	vshrl.u32 v46, $0x1F;
	v39 =	vld [tilespmem:$0x1FD30]  }
0x219: {  	v21 =	vadd.s32 v47, v44;
	v44 =	vld [tilespmem:$0x1FD40]  }
0x21a: {  	v47 =	vld [tilespmem:$0x1FD50]  }
0x21b: {  	v55 =	vld [tilespmem:$0x1FD60]  }
0x21c: {  	v34 =	vshrl.u32 v33, $0x1F;
	[tilespmem:$0x1FE10] =	vst v62;
	v62 =	vld [tilespmem:$0x4D30]  }
0x21d: {  	v21 =	vadd.s32 v34, v21;
	v34 =	vld [tilespmem:$0x1FD70]  }
0x21e: {  	v40 =	vshrl.u32 v39, $0x1F;
	v46 =	vshrl.u32 v44, $0x1F;
	v39 =	vld [tilespmem:$0x1FD80]  }
0x21f: {  	v36 =	vadd.s32 v32, v19;
	v54 =	vadd.s32 v46, v61;
	v51 =	vshrl.u32 v47, $0x1F;
	v46 =	vld [tilespmem:$0x1FD90]  }
0x220: {  	v30 =	vadd.s32 v51, v36;
	v51 =	vld [tilespmem:$0x1FDA0]  }
0x221: {  	[tilespmem:$0x1FE20] =	vst v62;
	v62 =	vld [tilespmem:$0x4D40]  }
0x222: {  	v57 =	vshrl.u32 v55, $0x1F;
	v55 =	vld [tilespmem:$0x1FDB0]  }
0x223: {  	v19 =	vld [tilespmem:$0x4670]  }
0x224: {  	v33 =	vld [tilespmem:$0x4A50];
	v28 =	vadd.s32 v40, v24;
	v47 =	vshrl.u32 v46, $0x1F  }
0x225: {  	v61 =	vadd.s32 v57, v21;
	v40 =	vshrl.u32 v39, $0x1F;
	v30 =	vadd.s32 v30, v47;
	v47 =	vld [tilespmem:$0x1FDE0]  }
0x226: {  	v36 =	vshrl.u32 v34, $0x1F;
	v32 =	vadd.s32 v54, v40;
	v54 =	vshrl.u32 v51, $0x1F;
	[tilespmem:$0x1FE30] =	vst v62;
	v62 =	vld [tilespmem:$0x4D50]  }
0x227: {  	v44 =	vadd.s32 v28, v36;
	v61 =	vadd.s32 v61, v54;
	v57 =	vshrl.u32 v55, $0x1F;
	v54 =	vld [tilespmem:$0x1FDF0]  }
0x228: {  	v36 =	vadd.s32 v57, v44;
	v57 =	vld [tilespmem:$0x1FE00]  }
0x229: {  	v34 =	vld [tilespmem:$0x1FDC0]  }
0x22a: {  	v44 =	vld [tilespmem:$0x1FDD0]  }
0x22b: {  	[tilespmem:$0x1FE40] =	vst v62;
	v62 =	vld [tilespmem:$0x4D60]  }
0x22c: {  	v51 =	vshrl.u32 v47, $0x1F;
	v55 =	vshrl.u32 v54, $0x1F;
	v54 =	vld [tilespmem:$0x1FE20]  }
0x22d: {  	v39 =	vadd.s32 v51, v61;
	v61 =	vshrl.u32 v57, $0x1F;
	v57 =	vld [tilespmem:$0x1FE30]  }
0x22e: {  	v47 =	vld [tilespmem:$0x1FE10]  }
0x22f: {  	v24 =	vld [tilespmem:$0x4A00];
	v40 =	vshrl.u32 v34, $0x1F  }
0x230: {  	v40 =	vadd.s32 v40, v32;
	[tilespmem:$0x1FE50] =	vst v62;
	v62 =	vld [tilespmem:$0x4D70]  }
0x231: {  	v46 =	vshrl.u32 v44, $0x1F;
	v44 =	vadd.s32 v55, v36;
	v55 =	vshrl.u32 v54, $0x1F;
	v54 =	vld [tilespmem:$0x1FE40]  }
0x232: {  	v40 =	vadd.s32 v61, v40;
	v61 =	vshrl.u32 v57, $0x1F;
	v57 =	vld [tilespmem:$0x1FE50]  }
0x233: {  	v21 =	vld [tilespmem:$0x4A30];
	v30 =	vadd.s32 v46, v30;
	v51 =	vshrl.u32 v47, $0x1F  }
0x234: {  	v46 =	vadd.s32 v51, v30;
	v51 =	vld [tilespmem:$0x1FE70]  }
0x235: {  	v47 =	vadd.s32 v55, v39;
	v0 =	vshrl.u32 v62, $0x1F;
	v62 =	vld [tilespmem:$0x1FEA0]  }
0x236: {  	v55 =	vshrl.u32 v54, $0x1F;
	v54 =	vadd.s32 v0, v47;
	v47 =	vld [tilespmem:$0x1FE60]  }
0x237: {  	v44 =	vadd.s32 v61, v44;
	v61 =	vshrl.u32 v57, $0x1F;
	v57 =	vld [tilespmem:$0x1FE80]  }
0x238: {  	v46 =	vadd.s32 v61, v46;
	v61 =	vld [tilespmem:$0x1FE90]  }
0x239: {  	v28 =	vld [tilespmem:$0x4A20]  }
0x23a: {  	v34 =	vld [tilespmem:$0x4A60]  }
0x23b: {  	v32 =	vld [tilespmem:$0x4A70]  }
0x23c: {  	v11 =	vadd.s32 v38, v11;
	v36 =	vld [tilespmem:$0x4E00];
	v38 =	vshrl.u32 v47, $0x1F;
	v47 =	vshrl.u32 v51, $0x1F  }
0x23d: {  	v51 =	vshrl.u32 v57, $0x1F;
	v57 =	vshrl.u32 v61, $0x1F;
	v61 =	vshrl.u32 v62, $0x1F;
	v62 =	vld [tilespmem:$0x1FEB0]  }
0x23e: {  	v57 =	vadd.s32 v57, v38;
	v38 =	vld [tilespmem:$0x1FEC0]  }
0x23f: {  	v30 =	vld [tilespmem:$0x4E20]  }
0x240: {  	v39 =	vld [tilespmem:$0x4E10];
	v40 =	vadd.s32 v55, v40  }
0x241: {  	v44 =	vadd.s32 v44, v40;
	v40 =	vld [tilespmem:$0x4E30]  }
0x242: {  	v0 =	vshrl.u32 v41, $0x1F;
	v41 =	vld [tilespmem:$0x4E60];
	v55 =	vadd.s32 v46, v44  }
0x243: {  	v44 =	vld [tilespmem:$0x4E40];
	v51 =	vadd.s32 v0, v51;
	v62 =	vshrl.u32 v62, $0x1F;
	v0 =	vshrl.u32 v38, $0x1F  }
0x244: {  	v0 =	vadd.s32 v0, v62;
	v62 =	vld [tilespmem:$0x1FED0]  }
0x245: {  	v46 =	vld [tilespmem:$0x4E50]  }
0x246: {  	v42 =	vshrl.u32 v42, $0x1F;
	v61 =	vadd.s32 v61, v47;
	v47 =	vld [tilespmem:$0x4E70]  }
0x247: {  	v57 =	vadd.s32 v42, v57;
	v42 =	vld [tilespmem:$0x4290]  }
0x248: {  	v48 =	vshrl.u32 v48, $0x1F;
	v38 =	vld [tilespmem:$0x4280]  }
0x249: {  	v0 =	vadd.s32 v48, v0;
	v48 =	vld [tilespmem:$0x42C0];
	v62 =	vshrl.u32 v62, $0x1F  }
0x24a: {  	v52 =	vshrl.u32 v52, $0x1F;
	v61 =	vadd.s32 v62, v61;
	v62 =	vshrl.u32 v43, $0x1F;
	v43 =	vld [tilespmem:$0x42A0]  }
0x24b: {  	v50 =	vshrl.u32 v50, $0x1F;
	v51 =	vadd.s32 v62, v51;
	v62 =	vshrl.u32 v45, $0x1F;
	v45 =	vld [tilespmem:$0x42B0]  }
0x24c: {  	v58 =	vshrl.u32 v58, $0x1F;
	v61 =	vadd.s32 v50, v61;
	v50 =	vld [tilespmem:$0x42E0];
	v57 =	vadd.s32 v62, v57  }
0x24d: {  	v52 =	vadd.s32 v52, v51;
	v62 =	vshrl.u32 v49, $0x1F;
	v49 =	vld [tilespmem:$0x42D0];
	v51 =	vshrl.u32 v56, $0x1F  }
0x24e: {  	v23 =	vshrl.u32 v23, $0x1F;
	v53 =	vshrl.u32 v53, $0x1F;
	v57 =	vadd.s32 v57, v51;
	v51 =	vld [tilespmem:$0x42F0]  }
0x24f: {  	v0 =	vadd.s32 v62, v0;
	v62 =	vshrl.u32 v59, $0x1F;
	v58 =	vadd.s32 v52, v58;
	v52 =	vld [tilespmem:$0x4680]  }
0x250: {  	v59 =	vshrl.u32 v60, $0x1F;
	v60 =	vshrl.u32 v63, $0x1F;
	v63 =	vshrl.u32 v29, $0x1F;
	v29 =	vld [tilespmem:$0x46A0]  }
0x251: {  	v22 =	vshrl.u32 v22, $0x1F;
	v56 =	vadd.s32 v61, v62;
	v62 =	vshrl.u32 v37, $0x1F;
	v37 =	vld [tilespmem:$0x4690]  }
0x252: {  	v18 =	vshrl.u32 v18, $0x1F;
	v57 =	vadd.s32 v60, v57;
	v60 =	vshrl.u32 v26, $0x1F;
	v26 =	vld [tilespmem:$0x46B0]  }
0x253: {  	v17 =	vshrl.u32 v17, $0x1F;
	v4 =	vshrl.u32 v4, $0x1F;
	v61 =	vshrl.u32 v25, $0x1F;
	v25 =	vld [tilespmem:$0x46C0]  }
0x254: {  	v0 =	vadd.s32 v0, v59;
	v53 =	vadd.s32 v53, v58;
	v58 =	vshrl.u32 v16, $0x1F;
	v16 =	vld [tilespmem:$0x4EB0]  }
0x255: {  	v59 =	vshrl.u32 v19, $0x1F;
	v19 =	vld [tilespmem:$0x4EE0];
	v56 =	vadd.s32 v62, v56;
	v0 =	vadd.s32 v63, v0  }
0x256: {  	v57 =	vadd.s32 v60, v57;
	v23 =	vadd.s32 v23, v53;
	v62 =	vshrl.u32 v35, $0x1F;
	v35 =	vld [tilespmem:$0x46D0]  }
0x257: {  	v53 =	vld [tilespmem:$0x46E0];
	v63 =	vshrl.u32 v20, $0x1F;
	v60 =	vshrl.u32 v24, $0x1F;
	v24 =	vshrl.u32 v31, $0x1F  }
0x258: {  	v20 =	vld [tilespmem:$0x4AA0];
	v31 =	vshrl.u32 v32, $0x1F;
	v32 =	vshrl.u32 v36, $0x1F;
	v36 =	vshrl.u32 v40, $0x1F  }
0x259: {  	v40 =	vshrl.u32 v46, $0x1F;
	v46 =	vshrl.u32 v47, $0x1F;
	v47 =	vshrl.u32 v38, $0x1F;
	v38 =	vld [tilespmem:$0x4730]  }
0x25a: {  	v56 =	vadd.s32 v61, v56;
	v0 =	vadd.s32 v62, v0;
	v22 =	vadd.s32 v22, v57;
	v57 =	vld [tilespmem:$0x4A80]  }
0x25b: {  	v17 =	vadd.s32 v17, v23;
	v4 =	vadd.s32 v4, v63;
	v23 =	vshrl.u32 v13, $0x1F;
	v13 =	vld [tilespmem:$0x4EA0]  }
0x25c: {  	v61 =	vshrl.u32 v27, $0x1F;
	v62 =	vshrl.u32 v28, $0x1F;
	v63 =	vshrl.u32 v21, $0x1F;
	v21 =	vld [tilespmem:$0x4ED0]  }
0x25d: {  	v27 =	vshrl.u32 v33, $0x1F;
	v28 =	vshrl.u32 v34, $0x1F;
	v34 =	vshrl.u32 v30, $0x1F;
	v30 =	vld [tilespmem:$0x4320]  }
0x25e: {  	v33 =	vshrl.u32 v39, $0x1F;
	v39 =	vshrl.u32 v44, $0x1F;
	v44 =	vshrl.u32 v41, $0x1F;
	v41 =	vld [tilespmem:$0x4720]  }
0x25f: {  	v6 =	vshrl.u32 v6, $0x1F;
	v18 =	vadd.s32 v18, v56;
	v56 =	vld [tilespmem:$0x46F0]  }
0x260: {  	v3 =	vadd.s32 v59, v3;
	v4 =	vadd.s32 v6, v4;
	v6 =	vld [tilespmem:$0x4AE0]  }
0x261: {  	v18 =	vadd.s32 v22, v18;
	v22 =	vadd.s32 v54, v55;
	v54 =	vshrl.u32 v14, $0x1F;
	v14 =	vld [tilespmem:$0x4E90]  }
0x262: {  	v3 =	vadd.s32 v3, v63;
	v55 =	vshrl.u32 v15, $0x1F;
	v15 =	vld [tilespmem:$0x4EC0]  }
0x263: {  	v9 =	vshrl.u32 v9, $0x1F;
	v3 =	vadd.s32 v31, v3;
	v31 =	vld [tilespmem:$0x4330]  }
0x264: {  	v0 =	vadd.s32 v9, v0;
	v9 =	vadd.s32 v17, v18;
	v17 =	vld [tilespmem:$0x4A90]  }
0x265: {  	v18 =	vld [tilespmem:$0x4AB0]  }
0x266: {  	v2 =	vadd.s32 v23, v2;
	v3 =	vadd.s32 v36, v3;
	v36 =	vld [tilespmem:$0x4700]  }
0x267: {  	v2 =	vadd.s32 v58, v2;
	v1 =	vadd.s32 v55, v1;
	v55 =	vshrl.u32 v48, $0x1F;
	v48 =	vld [tilespmem:$0x4770]  }
0x268: {  	v4 =	vadd.s32 v54, v4;
	v2 =	vadd.s32 v2, v62;
	v54 =	vshrl.u32 v42, $0x1F;
	v42 =	vld [tilespmem:$0x4390]  }
0x269: {  	v2 =	vadd.s32 v28, v2;
	v28 =	vld [tilespmem:$0x4310]  }
0x26a: {  	v59 =	vshrl.u32 v49, $0x1F;
	v23 =	vadd.s32 v0, v9;
	v0 =	vadd.s32 v46, v3;
	v46 =	vld [tilespmem:$0x4760]  }
0x26b: {  	v1 =	vadd.s32 v1, v61;
	v61 =	vshrl.u32 v50, $0x1F;
	v50 =	vshrl.u32 v20, $0x1F;
	v20 =	vld [tilespmem:$0x4B10]  }
0x26c: {  	v4 =	vadd.s32 v4, v60;
	v60 =	vshrl.u32 v45, $0x1F;
	v45 =	vshrl.u32 v53, $0x1F;
	v53 =	vld [tilespmem:$0x4B40]  }
0x26d: {  	v5 =	vadd.s32 v59, v54;
	v59 =	vshrl.u32 v19, $0x1F;
	v19 =	vld [tilespmem:$0x4F40]  }
0x26e: {  	v4 =	vadd.s32 v24, v4;
	v24 =	vld [tilespmem:$0x4EF0]  }
0x26f: {  	v37 =	vshrl.u32 v37, $0x1F;
	v1 =	vadd.s32 v27, v1;
	v27 =	vld [tilespmem:$0x4300]  }
0x270: {  	v58 =	vshrl.u32 v43, $0x1F;
	v5 =	vadd.s32 v37, v5;
	v37 =	vld [tilespmem:$0x4740]  }
0x271: {  	v9 =	vadd.s32 v61, v58;
	v58 =	vld [tilespmem:$0x4F00]  }
0x272: {  	v61 =	vld [tilespmem:$0x4F20]  }
0x273: {  	v29 =	vshrl.u32 v29, $0x1F;
	v4 =	vadd.s32 v32, v4;
	v32 =	vld [tilespmem:$0x4340]  }
0x274: {  	v62 =	vshrl.u32 v51, $0x1F;
	v26 =	vshrl.u32 v26, $0x1F;
	v1 =	vadd.s32 v33, v1;
	v33 =	vld [tilespmem:$0x4370]  }
0x275: {  	v2 =	vadd.s32 v34, v2;
	v34 =	vadd.s32 v62, v60;
	v9 =	vadd.s32 v29, v9;
	v29 =	vld [tilespmem:$0x4750]  }
0x276: {  	v26 =	vadd.s32 v26, v34;
	v34 =	vld [tilespmem:$0x47D0]  }
0x277: {  	v2 =	vadd.s32 v44, v2;
	v44 =	vshrl.u32 v35, $0x1F;
	v35 =	vld [tilespmem:$0x47E0]  }
0x278: {  	v10 =	vshrl.u32 v10, $0x1F;
	v4 =	vadd.s32 v39, v4;
	v39 =	vld [tilespmem:$0x4710]  }
0x279: {  	v8 =	vshrl.u32 v8, $0x1F;
	v63 =	vshrl.u32 v52, $0x1F;
	v1 =	vadd.s32 v40, v1;
	v40 =	vld [tilespmem:$0x4B00]  }
0x27a: {  	v25 =	vshrl.u32 v25, $0x1F;
	v3 =	vadd.s32 v55, v47;
	v54 =	vshrl.u32 v14, $0x1F;
	v14 =	vld [tilespmem:$0x4B60]  }
0x27b: {  	v3 =	vadd.s32 v63, v3;
	v47 =	vshrl.u32 v56, $0x1F;
	v56 =	vshrl.u32 v15, $0x1F;
	v15 =	vld [tilespmem:$0x4F10]  }
0x27c: {  	v7 =	vshrl.u32 v7, $0x1F;
	v3 =	vadd.s32 v25, v3;
	v25 =	vadd.s32 v47, v26;
	v26 =	vld [tilespmem:$0x4F70]  }
0x27d: {  	v52 =	vshrl.u32 v12, $0x1F;
	v55 =	vshrl.u32 v16, $0x1F;
	v5 =	vadd.s32 v44, v5;
	v44 =	vld [tilespmem:$0x43A0]  }
0x27e: {  	v49 =	vshrl.u32 v57, $0x1F;
	v13 =	vshrl.u32 v13, $0x1F;
	v57 =	vshrl.u32 v21, $0x1F;
	v47 =	vld [tilespmem:$0x43B0]  }
0x27f: {  	v30 =	vshrl.u32 v30, $0x1F;
	v6 =	vshrl.u32 v6, $0x1F;
	v3 =	vadd.s32 v3, v49;
	v49 =	vld [tilespmem:$0x43C0]  }
0x280: {  	v9 =	vadd.s32 v45, v9;
	v31 =	vshrl.u32 v31, $0x1F;
	v1 =	vadd.s32 v4, v1;
	v4 =	vld [tilespmem:$0x4350]  }
0x281: {  	v17 =	vshrl.u32 v17, $0x1F;
	v9 =	vadd.s32 v9, v50;
	v51 =	vshrl.u32 v18, $0x1F;
	v18 =	vld [tilespmem:$0x4B20]  }
0x282: {  	v3 =	vadd.s32 v10, v3;
	v10 =	vld [tilespmem:$0x4B30];
	v48 =	vshrl.u32 v48, $0x1F;
	v1 =	vadd.s32 v2, v1  }
0x283: {  	v2 =	vld [tilespmem:$0x4360];
	v5 =	vadd.s32 v5, v17;
	v17 =	vadd.s32 v25, v51;
	v6 =	vadd.s32 v6, v9  }
0x284: {  	v9 =	vld [tilespmem:$0x4B50];
	v3 =	vadd.s32 v8, v3;
	v63 =	vshrl.u32 v28, $0x1F;
	v46 =	vshrl.u32 v46, $0x1F  }
0x285: {  	v8 =	vld [tilespmem:$0x4F60];
	v20 =	vshrl.u32 v20, $0x1F;
	v12 =	vshrl.u32 v53, $0x1F;
	v5 =	vadd.s32 v7, v5  }
0x286: {  	v25 =	vld [tilespmem:$0x4380];
	v7 =	vadd.s32 v52, v17;
	v6 =	vadd.s32 v13, v6;
	v3 =	vadd.s32 v56, v3  }
0x287: {  	v51 =	vld [tilespmem:$0x43D0];
	v60 =	vshrl.u32 v24, $0x1F;
	v0 =	vadd.s32 v0, v1;
	v62 =	vshrl.u32 v27, $0x1F  }
0x288: {  	v53 =	vld [tilespmem:$0x43F0];
	v43 =	vshrl.u32 v37, $0x1F;
	v58 =	vshrl.u32 v58, $0x1F;
	v5 =	vadd.s32 v54, v5  }
0x289: {  	v13 =	vld [tilespmem:$0x4B70];
	v7 =	vadd.s32 v55, v7;
	v6 =	vadd.s32 v59, v6;
	v28 =	vshrl.u32 v32, $0x1F  }
0x28a: {  	v17 =	vld [tilespmem:$0x4F50];
	v32 =	vshrl.u32 v33, $0x1F;
	v33 =	vshrl.u32 v36, $0x1F;
	v45 =	vshrl.u32 v29, $0x1F  }
0x28b: {  	v52 =	vld [tilespmem:$0x43E0];
	v5 =	vadd.s32 v57, v5;
	v1 =	vadd.s32 v60, v7;
	v7 =	vadd.s32 v28, v62  }
0x28c: {  	v56 =	vld [tilespmem:$0x4790];
	v21 =	vadd.s32 v32, v31;
	v36 =	vshrl.u32 v39, $0x1F;
	v39 =	vshrl.u32 v41, $0x1F  }
0x28d: {  	v37 =	vld [tilespmem:$0x47F0];
	v41 =	vshrl.u32 v38, $0x1F;
	v50 =	vshrl.u32 v40, $0x1F;
	v55 =	vshrl.u32 v14, $0x1F  }
0x28e: {  	v24 =	vld [tilespmem:$0x4FB0];
	v60 =	vshrl.u32 v15, $0x1F;
	v32 =	vshrl.u32 v19, $0x1F;
	v40 =	vshrl.u32 v42, $0x1F  }
0x28f: {  	v54 =	vld [tilespmem:$0x4780];
	v3 =	vadd.s32 v3, v5;
	v4 =	vshrl.u32 v4, $0x1F;
	v7 =	vadd.s32 v33, v7  }
0x290: {  	v59 =	vld [tilespmem:$0x47A0];
	v21 =	vadd.s32 v41, v21;
	v18 =	vshrl.u32 v18, $0x1F;
	v10 =	vshrl.u32 v10, $0x1F  }
0x291: {  	v29 =	vld [tilespmem:$0x4FD0];
	v5 =	vshrl.u32 v61, $0x1F;
	v41 =	vshrl.u32 v49, $0x1F;
	v3 =	vadd.s32 v6, v3  }
0x292: {  	v38 =	vld [tilespmem:$0x4B80];
	v4 =	vadd.s32 v4, v63;
	v2 =	vshrl.u32 v2, $0x1F;
	v7 =	vadd.s32 v43, v7  }
0x293: {  	v42 =	vld [tilespmem:$0x4B90];
	v21 =	vadd.s32 v48, v21;
	v9 =	vshrl.u32 v9, $0x1F;
	v8 =	vshrl.u32 v8, $0x1F  }
0x294: {  	v31 =	vld [tilespmem:$0x4FF0];
	v43 =	vshrl.u32 v44, $0x1F;
	v44 =	vshrl.u32 v51, $0x1F;
	v2 =	vadd.s32 v2, v30  }
0x295: {  	v61 =	vld [tilespmem:$0x47B0];
	v4 =	vadd.s32 v36, v4;
	v7 =	vadd.s32 v7, v50;
	v10 =	vadd.s32 v21, v10  }
0x296: {  	v49 =	vld [tilespmem:$0x4BC0];
	v13 =	vshrl.u32 v13, $0x1F;
	v33 =	vshrl.u32 v17, $0x1F;
	v36 =	vshrl.u32 v26, $0x1F  }
0x297: {  	v6 =	vld [tilespmem:$0x4F30];
	v1 =	vadd.s32 v1, v3;
	v50 =	vshrl.u32 v56, $0x1F;
	v2 =	vadd.s32 v39, v2  }
0x298: {  	v63 =	vld [tilespmem:$0x47C0];
	v4 =	vadd.s32 v45, v4;
	v7 =	vadd.s32 v12, v7;
	v57 =	vadd.s32 v13, v10  }
0x299: {  	v48 =	vld [tilespmem:$0x4BB0];
	v39 =	vshrl.u32 v25, $0x1F;
	v12 =	vshrl.u32 v54, $0x1F;
	v2 =	vadd.s32 v46, v2  }
0x29a: {  	v51 =	vld [tilespmem:$0x4BD0];
	v4 =	vadd.s32 v4, v20;
	v7 =	vadd.s32 v58, v7;
	v46 =	vshrl.u32 v47, $0x1F  }
0x29b: {  	v56 =	vld [tilespmem:$0x4BF0];
	v47 =	vshrl.u32 v52, $0x1F;
	v52 =	vshrl.u32 v59, $0x1F;
	v2 =	vadd.s32 v2, v18  }
0x29c: {  	v26 =	vld [tilespmem:$0x4FC0];
	v4 =	vadd.s32 v9, v4;
	v7 =	vadd.s32 v32, v7;
	v10 =	vadd.s32 v47, v43  }
0x29d: {  	v30 =	vld [tilespmem:$0x4FE0];
	v18 =	vshrl.u32 v53, $0x1F;
	v53 =	vshrl.u32 v61, $0x1F;
	v9 =	vshrl.u32 v35, $0x1F  }
0x29e: {  	v45 =	vld [tilespmem:$0x4BA0];
	v28 =	vshrl.u32 v49, $0x1F;
	v35 =	vshrl.u32 v29, $0x1F;
	v2 =	vadd.s32 v55, v2  }
0x29f: {  	v54 =	vld [tilespmem:$0x4BE0];
	v4 =	vadd.s32 v60, v4;
	v62 =	vshrl.u32 v6, $0x1F;
	v18 =	vadd.s32 v18, v46  }
0x2a0: {  	v58 =	vld [tilespmem:$0x4F80];
	v10 =	vadd.s32 v52, v10;
	v6 =	vshrl.u32 v63, $0x1F;
	v27 =	vshrl.u32 v48, $0x1F  }
0x2a1: {  	v61 =	vld [tilespmem:$0x4FA0];
	v14 =	vshrl.u32 v51, $0x1F;
	v2 =	vadd.s32 v5, v2;
	v5 =	vadd.s32 v62, v57  }
0x2a2: {  	v43 =	vld [tilespmem:$0x1FF00];
	v4 =	vadd.s32 v33, v4;
	v55 =	vadd.s32 v53, v18;
	v57 =	vshrl.u32 v34, $0x1F  }
0x2a3: {  	v47 =	vld [tilespmem:$0x1FF40];
	v59 =	vadd.s32 v9, v10;
	v62 =	vshrl.u32 v42, $0x1F;
	v13 =	vshrl.u32 v56, $0x1F  }
0x2a4: {  	v49 =	vld [tilespmem:$0x1FF60];
	v34 =	vshrl.u32 v26, $0x1F;
	v2 =	vadd.s32 v8, v2;
	v4 =	vadd.s32 v7, v4  }
0x2a5: {  	v60 =	vld [tilespmem:$0x4F90];
	v3 =	vadd.s32 v36, v5;
	v5 =	vadd.s32 v41, v39;
	v8 =	vadd.s32 v44, v40  }
0x2a6: {  	v46 =	vld [tilespmem:$0x1FF30];
	v7 =	vshrl.u32 v37, $0x1F;
	v25 =	vshrl.u32 v45, $0x1F;
	v15 =	vshrl.u32 v54, $0x1F  }
0x2a7: {  	v48 =	vld [tilespmem:$0x1FF50];
	v36 =	vshrl.u32 v30, $0x1F;
	v2 =	vadd.s32 v2, v4;
	v5 =	vadd.s32 v12, v5  }
0x2a8: {  	v51 =	vld [tilespmem:$0x1FF80];
	v8 =	vadd.s32 v50, v8;
	v7 =	vadd.s32 v7, v55;
	v4 =	vshrl.u32 v38, $0x1F  }
0x2a9: {  	v52 =	vld [tilespmem:$0x1FF90];
	v32 =	vshrl.u32 v58, $0x1F;
	v38 =	vshrl.u32 v31, $0x1F;
	v5 =	vadd.s32 v6, v5  }
0x2aa: {  	v33 =	vld [tilespmem:$0x1FEE0];
	v6 =	vadd.s32 v57, v8;
	v8 =	vadd.s32 v59, v25;
	v7 =	vadd.s32 v7, v27  }
0x2ab: {  	v42 =	vld [tilespmem:$0x1FEF0];
	v10 =	vshrl.u32 v61, $0x1F;
	v39 =	vadd.s32 v3, v2;
	v4 =	vadd.s32 v5, v4  }
0x2ac: {  	[tilespmem:$0x8080] =	vst v11;
	v41 =	vld [tilespmem:$0x1FFE0];
	v63 =	vadd.s32 v6, v62;
	v8 =	vadd.s32 v15, v8;
	v7 =	vadd.s32 v13, v7  }
0x2ad: {  	[tilespmem:$0x8100] =	vst v22;
	v53 =	vld [tilespmem:$0x1FFA0];
	v9 =	vshrl.u32 v60, $0x1F;
	v4 =	vadd.s32 v28, v4;
	v5 =	vadd.s32 v14, v63  }
0x2ae: {  	[tilespmem:$0x8180] =	vst v23;
	v56 =	vld [tilespmem:$0x1FFF0];
	v6 =	vshrl.u32 v24, $0x1F;
	v4 =	vadd.s32 v32, v4;
	v5 =	vadd.s32 v9, v5  }
0x2af: {  	[tilespmem:$0x8200] =	vst v0;
	v44 =	vld [tilespmem:$0x1FF10];
	v8 =	vadd.s32 v10, v8;
	v4 =	vadd.s32 v34, v4;
	v5 =	vadd.s32 v35, v5  }
0x2b0: {  	[tilespmem:$0x8280] =	vst v1;
	v45 =	vld [tilespmem:$0x1FF20];
	v6 =	vadd.s32 v6, v7;
	v37 =	vadd.s32 v36, v8;
	v4 =	vadd.s32 v4, v5  }
0x2b1: {  	v54 =	vld [tilespmem:$0x1FFB0];
	[tilespmem:$0x8300] =	vst v39;
	v40 =	vadd.s32 v38, v6;
	v0 =	vadd.s32 v37, v4  }
0x2b2: {  	v50 =	vld [tilespmem:$0x1FF70];
	[tilespmem:$0x8000] =	vst v33;
	v0 =	vadd.s32 v40, v0  }
0x2b3: {  	v55 =	vld [tilespmem:$0x1FFC0];
	[tilespmem:$0x8380] =	vst v0  }
0x2b4: {  	v0 =	vld.idx.msk [tilespmem:v41+s12+$0x0], $0xffff  }
0x2b5: {  	v1 =	vld.idx.msk [tilespmem:v42+s12+$0x0], $0xffff  }
0x2b6: {  	v2 =	vld.idx.msk [tilespmem:v43+s12+$0x0], $0xffff  }
0x2b7: {  	v3 =	vld.idx.msk [tilespmem:v44+s12+$0x0], $0xffff  }
0x2b8: {  	v4 =	vld.idx.msk [tilespmem:v45+s12+$0x0], $0xffff  }
0x2b9: {  	v5 =	vld.idx.msk [tilespmem:v46+s12+$0x0], $0xffff  }
0x2ba: {  	v0 =	vadd.s32 v0, v1;
	v1 =	vld.idx.msk [tilespmem:v47+s12+$0x0], $0xffff  }
0x2bb: {  	v0 =	vadd.s32 v2, v0;
	v2 =	vld.idx.msk [tilespmem:v48+s12+$0x0], $0xffff  }
0x2bc: {  	v0 =	vadd.s32 v3, v0;
	v3 =	vld.idx.msk [tilespmem:v49+s12+$0x0], $0xffff  }
0x2bd: {  	v0 =	vadd.s32 v4, v0;
	v4 =	vld.idx.msk [tilespmem:v50+s12+$0x0], $0xffff  }
0x2be: {  	v0 =	vadd.s32 v5, v0;
	v5 =	vld.idx.msk [tilespmem:v51+s12+$0x0], $0xffff  }
0x2bf: {  	v0 =	vadd.s32 v1, v0;
	v1 =	vld.idx.msk [tilespmem:v52+s12+$0x0], $0xffff  }
0x2c0: {  	v0 =	vadd.s32 v2, v0;
	v2 =	vld.idx.msk [tilespmem:v53+s12+$0x0], $0xffff  }
0x2c1: {  	v0 =	vadd.s32 v3, v0;
	v3 =	vld.idx.msk [tilespmem:v54+s12+$0x0], $0xffff  }
0x2c2: {  	v0 =	vadd.s32 v4, v0;
	v4 =	vld.idx.msk [tilespmem:v55+s12+$0x0], $0xffff  }
0x2c3: {  	v0 =	vadd.s32 v5, v0;
	v5 =	vld.idx.msk [tilespmem:v56+s12+$0x0], $0xffff  }
0x2c4: {  	v0 =	vadd.s32 v1, v0  }
0x2c5: {  	v0 =	vadd.s32 v2, v0  }
0x2c6: {  	v0 =	vadd.s32 v3, v0  }
0x2c7: {  	v0 =	vadd.s32 v4, v0  }
0x2c8: {  	v0 =	vadd.s32 v5, v0  }
0x2c9: {  	v0 =	vcvt.s32.f32 v0;
	_ =	sdelay $0x1  }
0x2ca: {  	v57 =	vadd.f32 v0, v0;
	_ =	sdelay $0x1  }
0x2cb: {  	v1 =	vsub.f32 $2.048000000e+03, v57;
	_ =	sdelay $0x1  }
0x2cc: {  	v58 =	vmul.f32 $4.882812500e-04, v1;
	_ =	sdelay $0x1  }
0x2cd: {  	(erf) = vrcp.f32 v58;
	_ =	sdelay $0x5  }
0x2ce: {  	v0 =	vmul.f32 $-8.742277650e-08, v0;
	_ =	sdelay $0x1  }
0x2cf: {  	v0 =	vmul.f32 $4.882812500e-04, v0  }
0x2d0: {  	v2 =	vpop (erf)  }
0x2d1: {  	v0 =	vmul.f32 v2, v0;
	_ =	sdelay $0x1  }
0x2d2: {  	v2 =	vadd.f32 $-3.141592740e+00, v0  }
0x2d3: {  	v60 =	vld [tilespmem:$0x1FFD0];
	vm13 =	vlt.f32 v1, $0.0e+00  }
0x2d4: {  	vm14 =	vgt.f32 v1, $0.0e+00;
	v59 =	vnsel vm13, $0xBFC90FDB, v2  }
0x2d5: {  	v0 =	vsel vm14, v0, v59  }
0x2d6: {  	v0 =	vadd.f32 $3.141592740e+00, v0;
	_ =	sdelay $0x1  }
0x2d7: {  	v0 =	vmul.f32 v0, v60;
	_ =	sdelay $0x1  }
0x2d8: {  	v0 =	vmul.f32 $1.600000000e+01, v0;
	_ =	sdelay $0x1  }
0x2d9: {  	v61 =	vlaneseq.u32;
	v0 =	vtrunc.f32 v0  }
0x2da: {  	v1 =	vadd.s32 s18, v61;
	v0 =	vcvt.f32.s32 v0;
	_ =	sdelay $0x1  }
0x2db: {  	vm15 =	vgt.s32 v0, $0x0  }
0x2dc: {  	v0 =	vnsel vm15, $0x0, v0  }
0x2dd: {  	v0 =	vmin.u32 v0, $0xF  }
0x2de: {  	v62 =	vimm.f32 $0.0e+00;
	[tilespmem:v1+s13+$0x0] =	vst.idx.msk $0xff, v0  }
0x2df: {  	[tilespmem:s19+$0x0] =	vst v62  }
0x2e0: {  	[tilespmem:s19+$0x80] =	vst v62  }
0x2e1: {  	v1 =	vshll.u32 v1, $0x7;
	[tilespmem:s19+$0x100] =	vst v62  }
0x2e2: {  	[tilespmem:s19+$0x180] =	vst v62;
	v0 =	vor.u32 v1, v0  }
.Ltmp2:
0x2e3: {  	[tilespmem:s19+$0x200] =	vst v62;
	(pc) =	sbr.rel @p0 .LBB2_4-.Ltmp2, $4  }
0x2e4: {  	[tilespmem:s19+$0x280] =	vst v62  }
0x2e5: {  	[tilespmem:s19+$0x300] =	vst v62  }
0x2e6: {  	v63 =	vimm.f32 $1.000000000e+00;
	[tilespmem:s19+$0x380] =	vst v62  }
0x2e7: {  	[tilespmem:v0+s14+$0x0] =	vst.idx.msk $0xff, v63  }
.Ltmp3:
0x2e8: {  	(pc) =	sbr.rel .LBB2_2-.Ltmp3, $4  }
0x2e9: {  	_ = 	snop  }
0x2ea: {  	[tilespmem:s10], [sflag:$0x2] =	stream.linear.gather [hbm4b:s20+s1], $0x4000, $0x38;
	[tilespmem:$0x18A00] =	vst v63  }
0x2eb: {  	s18 =	sadd.s32 $0x10, s18  }
0x2ec: {  	s21 =	sadd.s32 $0x1000, s21;
	s20 =	sadd.s32 $0x1000, s20;
	s19 =	sadd.s32 $0x800, s19  }
.LBB2_5:
0x2ed: {  	_ =	sfence.sel $0x180000  }
0x2ee: {  	[bflag:$0x0] =	sbarrier.arrive $0xFFFF  }
0x2ef: {  	p0 =	sne.s32 s2, $0x0;
	_ =	strace $0x90000047  }
0x2f0: {  	s0 =	sadd.s32 @!p0 $0x100000, s0;
	[bflag:$0x2] =	sbarrier.arrive $0xFFFF  }
0x2f1: {  	[sflag:s0] =	ssyncadd.tile.s32 @!p0 $0x1;
	_ =	shalt  }
.Lfunc_end2:
_tile_overlayer_lowered:
.L_overlay_start_2:
0x2f2: {  	(tag) =	ssettag $0x2  }
0x2f3: {  	s0 =	rddreg [dreg:$0x0];
	s2 =	stileid.u32  }
0x2f4: {  	s1 =	rddreg [dreg:$0x1];
	p0 =	sne.s32 s2, $0x0  }
0x2f5: {  	s3 =	rddreg [dreg:$0x2];
	[bflag:$0x3] =	sbarrier.arrive $0xFFFF;
	s2 =	simm.s32 @!p0 $0x1C03  }
0x2f6: {  	[timem:s3], [sflag:s2] =	dma.local @!p0 [hbm:s0], s1  }
0x2f7: {  	s0 =	simm.s32 @!p0 $0x3  }
0x2f8: {  	_ =	swait.ge @!p0 [sflag:s0], s1  }
0x2f9: {  	s1 =	ssub.s32 @!p0 $0x0, s1;
	[sflag:s0] =	ssyncset.done @!p0 $0x0  }
0x2fa: {  	[sflag:s0] =	ssyncadd.s32 @!p0 s1  }
0x2fb: {  	[bflag:$0x3] =	sbarrier.arrive $0xFFFF  }
0x2fc: {  	_ =	shalt  }

</sc_bundles>
